<compile_context>
chip_gen: v7x
topology: tpu7x:2x2x1
jax: 0.10.2.dev20260603
libtpu: 0.0.44.dev20260713+nightly
codegen_flags: <defaults>
</compile_context>

<pallas_src>
import functools

import jax
import jax.numpy as jnp
from jax import lax
from jax.experimental import pallas as pl
from jax.experimental.pallas import tpu as pltpu
from jax.experimental.pallas import tpu_sc as plsc

_N = 10000
_E = 320000
_D_IN = 128
_HID = 8
_D_OUT = 128

_NC = 2
_NS = 16
_NW = _NC * _NS
_BATCH = 128
_G = 3
_NBAT = _E // _BATCH
_NGRP = 26
_GB = _G * _BATCH
_VROW = 16
_NROW = 10112
_SLAB = _NROW // _NS


def _segsum_body(vals_hbm, el_hbm, zeros_hbm, out_hbm,
                 idx_v, rows_v, acc_sh,
                 gs0, gs1, gs2, gs3, ss0, ss1, ss2, ss3):
    gs = (gs0, gs1, gs2, gs3)
    ss = (ss0, ss1, ss2, ss3)
    c = lax.axis_index("c")
    s = lax.axis_index("s")
    wid = c * _NS + s

    pltpu.sync_copy(zeros_hbm, acc_sh.at[pl.ds(s * _SLAB, _SLAB)])

    bstart = wid * 78 + jnp.minimum(wid, 4)
    has79 = wid < 4
    pltpu.sync_copy(el_hbm.at[pl.ds(bstart, 78)], idx_v.at[pl.ds(0, 78)])

    @pl.when(has79)
    def _():
        pltpu.sync_copy(el_hbm.at[pl.ds(bstart + 78, 1)],
                        idx_v.at[pl.ds(78, 1)])

    def fire_gathers(g, p, sem):
        for j in range(_G):
            pltpu.async_copy(vals_hbm.at[idx_v.at[g * _G + j, 0]],
                             rows_v.at[p, pl.ds(j * _BATCH, _BATCH)], sem)

    def fire_scatters(g, p, sem):
        for j in range(_G):
            pltpu.async_copy(rows_v.at[p, pl.ds(j * _BATCH, _BATCH)],
                             acc_sh.at[idx_v.at[g * _G + j, 1]], sem, add=True)

    def drain(p, sem):
        pltpu.make_async_copy(vals_hbm.at[pl.ds(0, _GB)],
                              rows_v.at[p], sem).wait()

    fire_gathers(0, 0, gs[0])
    fire_gathers(1, 1, gs[1])
    plsc.subcore_barrier()

    drain(0, gs[0])
    fire_scatters(0, 0, ss[0])
    fire_gathers(2, 2, gs[2])
    drain(1, gs[1])
    fire_scatters(1, 1, ss[1])
    fire_gathers(3, 3, gs[3])
    drain(2, gs[2])
    fire_scatters(2, 2, ss[2])
    drain(0, ss[0])
    fire_gathers(4, 0, gs[0])
    drain(3, gs[3])
    fire_scatters(3, 3, ss[3])
    drain(1, ss[1])
    fire_gathers(5, 1, gs[1])

    def _pipe(j, carry):
        g0 = 4 * j
        for k in range(4):
            b2 = (k + 2) % 4
            drain(k, gs[k])
            fire_scatters(g0 + k, k, ss[k])
            drain(b2, ss[b2])
            fire_gathers(g0 + k + 2, b2, gs[b2])
        return carry

    lax.fori_loop(1, _NGRP // 4, _pipe, 0)

    drain(0, gs[0])
    fire_scatters(_NGRP - 2, 0, ss[0])
    drain(1, gs[1])
    fire_scatters(_NGRP - 1, 1, ss[1])
    drain(2, ss[2])
    drain(3, ss[3])
    drain(0, ss[0])
    drain(1, ss[1])

    @pl.when(has79)
    def _():
        pltpu.async_copy(vals_hbm.at[idx_v.at[78, 0]],
                         rows_v.at[0, pl.ds(0, _BATCH)], gs[0])
        pltpu.make_async_copy(vals_hbm.at[pl.ds(0, _BATCH)],
                              rows_v.at[0, pl.ds(0, _BATCH)], gs[0]).wait()
        pltpu.sync_copy(rows_v.at[0, pl.ds(0, _BATCH)],
                        acc_sh.at[idx_v.at[78, 1]], add=True)

    plsc.subcore_barrier()

    pltpu.sync_copy(acc_sh.at[pl.ds(s * _SLAB, _SLAB)],
                    out_hbm.at[c, pl.ds(s * _SLAB, _SLAB)])


@functools.cache
def _make_segsum():
    return pl.kernel(
        _segsum_body,
        out_type=jax.ShapeDtypeStruct((_NC, _NROW, _VROW), jnp.float32),
        mesh=plsc.VectorSubcoreMesh(core_axis_name="c", subcore_axis_name="s",
                                    num_cores=_NC, num_subcores=_NS),
        scratch_types=[
            pltpu.VMEM((79, 2, _BATCH), jnp.int32),
            pltpu.VMEM((4, _GB, _VROW), jnp.float32),
            pltpu.VMEM_SHARED((_NROW, _VROW), jnp.float32),
            pltpu.SemaphoreType.DMA,
            pltpu.SemaphoreType.DMA,
            pltpu.SemaphoreType.DMA,
            pltpu.SemaphoreType.DMA,
            pltpu.SemaphoreType.DMA,
            pltpu.SemaphoreType.DMA,
            pltpu.SemaphoreType.DMA,
            pltpu.SemaphoreType.DMA,
        ],
        compiler_params=pltpu.CompilerParams(use_tc_tiling_on_sc=False),
    )



_PK = 8
_VPK = _N // _PK
_APK = _NROW // _PK
_LW = _PK * _VROW


def _lane_iota():
    return jax.lax.broadcasted_iota(jnp.int32, (1, _LW), 1)


def _cnt_lane_one():
    return (_lane_iota() % _VROW == _HID).astype(jnp.float32)


def _val_mask():
    return (_lane_iota() % _VROW < _HID).astype(jnp.float32)


def _cnt_select():
    r = jax.lax.broadcasted_iota(jnp.int32, (_LW, _LW), 0)
    c = jax.lax.broadcasted_iota(jnp.int32, (_LW, _LW), 1)
    return (r == (c // _VROW) * _VROW + _HID).astype(jnp.float32)


def _packed_mean(agg_ref):
    p = (agg_ref[0] + agg_ref[1])[:_VPK]
    d = jnp.dot(p, _cnt_select(), preferred_element_type=jnp.float32,
                precision=lax.Precision.DEFAULT)
    return p / jnp.maximum(d, 1.0) * _val_mask()


def _proj_body(x_ref, wl_ref, wr_ref, y1p_ref, xw1r_ref):
    x2 = x_ref[...].reshape(_VPK, _PK * _D_IN)
    yl = jnp.dot(x2, wl_ref[...], preferred_element_type=jnp.float32,
                 precision=lax.Precision.DEFAULT)
    y1p_ref[...] = yl + _cnt_lane_one()
    xw1r_ref[...] = jnp.dot(x2, wr_ref[...], preferred_element_type=jnp.float32,
                            precision=lax.Precision.DEFAULT)


def _proj(x, wl_bd, wr_bd):
    return pl.pallas_call(
        _proj_body,
        out_shape=[jax.ShapeDtypeStruct((_VPK, _LW), jnp.float32),
                   jax.ShapeDtypeStruct((_VPK, _LW), jnp.float32)],
    )(x, wl_bd, wr_bd)


def _hidden_body(agg_ref, xw1r_ref, b1_ref, h16_ref):
    mean = _packed_mean(agg_ref)
    h = jnp.maximum(mean + xw1r_ref[...] + b1_ref[...], 0.0)
    h16_ref[...] = h + _cnt_lane_one()


def _hidden(agg1, xw1r, b1p):
    return pl.pallas_call(
        _hidden_body,
        out_shape=jax.ShapeDtypeStruct((_VPK, _LW), jnp.float32),
    )(agg1, xw1r, b1p)


def _out_body(agg_ref, h16_ref, wl_ref, wr_ref, b2_ref, logp_ref, h2_ref):
    mean = _packed_mean(agg_ref)
    hv = h16_ref[...] * _val_mask()
    h2w = (jnp.dot(mean, wl_ref[...], preferred_element_type=jnp.float32,
                   precision=lax.Precision.DEFAULT)
           + jnp.dot(hv, wr_ref[...], preferred_element_type=jnp.float32,
                     precision=lax.Precision.DEFAULT))
    h2 = h2w.reshape(_N, _D_OUT) + b2_ref[...]
    h2_ref[...] = h2
    m = jnp.max(h2, axis=1, keepdims=True)
    lse = jnp.log(jnp.sum(jnp.exp(h2 - m), axis=1, keepdims=True)) + m
    logp_ref[...] = h2 - lse


def _out(agg2, h16, wl_bd, wr_bd, b2):
    return pl.pallas_call(
        _out_body,
        out_shape=[jax.ShapeDtypeStruct((_N, _D_OUT), jnp.float32),
                   jax.ShapeDtypeStruct((_N, _D_OUT), jnp.float32)],
    )(agg2, h16, wl_bd, wr_bd, b2)


def kernel(x, edge_index, W1l, W1r, b1, W2l, W2r, b2):
    el = jnp.transpose(edge_index.reshape(2, _NBAT, _BATCH), (1, 0, 2))

    segsum = _make_segsum()
    zeros = jnp.zeros((_SLAB, _VROW), jnp.float32)
    eye8 = jnp.eye(_PK, dtype=jnp.float32)
    pad1 = ((0, 0), (0, _VROW - _HID))
    wl1 = jnp.kron(eye8, jnp.pad(W1l, pad1))
    wr1 = jnp.kron(eye8, jnp.pad(W1r, pad1))
    pad2 = ((0, _VROW - _HID), (0, 0))
    wl2 = jnp.kron(eye8, jnp.pad(W2l, pad2))
    wr2 = jnp.kron(eye8, jnp.pad(W2r, pad2))
    b1p = jnp.tile(jnp.pad(b1, (0, _VROW - _HID)), _PK).reshape(1, _LW)

    y1p, xw1r = _proj(x, wl1, wr1)
    agg1 = segsum(y1p.reshape(_N, _VROW), el, zeros)
    h16 = _hidden(agg1.reshape(_NC, _APK, _LW), xw1r, b1p)
    agg2 = segsum(h16.reshape(_N, _VROW), el, zeros)
    logp, h2 = _out(agg2.reshape(_NC, _APK, _LW), h16, wl2, wr2,
                    b2.reshape(1, _D_OUT))
    return (logp, h2)

# --- scband reference (transcript-rebuilt; emitter-appended) ---
"""Pipeline reference for scband-graph-sage-7241314861602 (READ-ONLY COPY).

The authoritative reference and input builder live on the scoring server;
editing this copy changes nothing except your own understanding.
"""

import jax, jax.numpy as jnp
import numpy as np

N = 10000
E = 320000
D_IN = 128
HID = 8
D_OUT = 128


def setup_inputs(seed: int = 0):
    key = jax.random.key(seed)
    ks = jax.random.split(key, 9)
    x = jax.random.normal(ks[0], (N, D_IN), dtype=jnp.float32)
    edge_index = jax.random.randint(ks[1], (2, E), 0, N, dtype=jnp.int32)
    # SAGEConv params: lin_l (applied to aggregated neighbors, with bias), lin_r (applied to root, no bias)
    W1l = jax.random.normal(ks[2], (D_IN, HID), dtype=jnp.float32) * (1.0 / np.sqrt(D_IN))
    W1r = jax.random.normal(ks[3], (D_IN, HID), dtype=jnp.float32) * (1.0 / np.sqrt(D_IN))
    b1 = jnp.zeros((HID,), dtype=jnp.float32)
    W2l = jax.random.normal(ks[4], (HID, D_OUT), dtype=jnp.float32) * (1.0 / np.sqrt(HID))
    W2r = jax.random.normal(ks[5], (HID, D_OUT), dtype=jnp.float32) * (1.0 / np.sqrt(HID))
    b2 = jnp.zeros((D_OUT,), dtype=jnp.float32)
    return {"x": x, "edge_index": edge_index, "W1l": W1l, "W1r": W1r, "b1": b1, "W2l": W2l, "W2r": W2r, "b2": b2}


def _sage_conv(x, src, dst, Wl, Wr, b, n_nodes):
    # gather source-node features along each edge
    msg = jnp.take(x, src, axis=0)
    # mean aggregation at destination nodes
    agg = jax.ops.segment_sum(msg, dst, num_segments=n_nodes)
    cnt = jax.ops.segment_sum(jnp.ones((src.shape[0],), dtype=x.dtype), dst, num_segments=n_nodes)
    mean = agg / jnp.maximum(cnt, 1.0)[:, None]
    return mean @ Wl + x @ Wr + b


def reference(x, edge_index, W1l, W1r, b1, W2l, W2r, b2):
    # dropout is identity in eval mode (training=False)
    src = edge_index[0]
    dst = edge_index[1]
    h = _sage_conv(x, src, dst, W1l, W1r, b1, N)
    h = jax.nn.relu(h)
    h2 = _sage_conv(h, src, dst, W2l, W2r, b2, N)
    logp = jax.nn.log_softmax(h2, axis=1)
    return (logp, h2)

if __name__ == "__main__":
    import jax
    _d = setup_inputs()
    print(jax.jit(kernel)(*tuple(_d.values())))

</pallas_src>

<mosaic_0001>
#map = affine_map<(d0, d1) -> (0, 0)>
#map1 = affine_map<(d0, d1) -> (0, 0, 0)>
module attributes {stable_mosaic.version = 14 : i64} {
  func.func @_segsum_body(%arg0: i32, %arg1: i32, %arg2: memref<10000x16xf32, #tpu.memory_space<hbm>>, %arg3: memref<2500x2x128xi32, #tpu.memory_space<hbm>>, %arg4: memref<632x16xf32, #tpu.memory_space<hbm>>, %arg5: memref<2x10112x16xf32, #tpu.memory_space<hbm>>, %arg6: memref<79x2x128xi32, #tpu.memory_space<vmem>>, %arg7: memref<4x384x16xf32, #tpu.memory_space<vmem>>, %arg8: memref<10112x16xf32, #tpu.memory_space<vmem_shared>>, %arg9: memref<!tpu.dma_semaphore, #tpu.memory_space<semaphore_mem>>, %arg10: memref<!tpu.dma_semaphore, #tpu.memory_space<semaphore_mem>>, %arg11: memref<!tpu.dma_semaphore, #tpu.memory_space<semaphore_mem>>, %arg12: memref<!tpu.dma_semaphore, #tpu.memory_space<semaphore_mem>>, %arg13: memref<!tpu.dma_semaphore, #tpu.memory_space<semaphore_mem>>, %arg14: memref<!tpu.dma_semaphore, #tpu.memory_space<semaphore_mem>>, %arg15: memref<!tpu.dma_semaphore, #tpu.memory_space<semaphore_mem>>, %arg16: memref<!tpu.dma_semaphore, #tpu.memory_space<semaphore_mem>>) attributes {dimension_semantics = [#tpu.dimension_semantics<core_parallel>, #tpu.dimension_semantics<subcore_parallel>], iteration_bounds = array<i64: 2, 16>, scalar_prefetch = 0 : i64, scratch_operands = 11 : i64, tpu.core_type = #tpu.core_type<sc_vector_subcore>, window_params = [{transform_indices = #map}, {transform_indices = #map1}, {transform_indices = #map}, {transform_indices = #map1}]} {
    %mul3A = arith.constant 16 : i32
    %mul3A_0 = arith.muli %arg0, %mul3A : i32
    %add3A = arith.addi %mul3A_0, %arg1 : i32
    %mul3A_1 = arith.constant 632 : i32
    %mul3A_2 = arith.muli %arg1, %mul3A_1 : i32
    "tpu.region"() ({
      %run_scoped3A = tpu.sem_alloc : memref<!tpu.dma_semaphore, #tpu.memory_space<semaphore_mem>>
      %dma_start3A_668 = arith.constant 0 : i32
      %dma_start3A_669 = tpu.memref_slice %arg8[%mul3A_2, %dma_start3A_668] : memref<10112x16xf32, #tpu.memory_space<vmem_shared>> -> memref<632x16xf32, #tpu.memory_space<vmem_shared>>
      tpu.enqueue_dma source(%arg4 : memref<632x16xf32, #tpu.memory_space<hbm>>) target(%dma_start3A_669 : memref<632x16xf32, #tpu.memory_space<vmem_shared>>) target_semaphore(%run_scoped3A : memref<!tpu.dma_semaphore, #tpu.memory_space<semaphore_mem>>)
      %dma_wait3A_670 = arith.constant 0 : i32
      %dma_wait3A_671 = tpu.memref_slice %arg8[%mul3A_2, %dma_wait3A_670] : memref<10112x16xf32, #tpu.memory_space<vmem_shared>> -> memref<632x16xf32, #tpu.memory_space<vmem_shared>>
      tpu.wait_dma2 semaphore(%run_scoped3A : memref<!tpu.dma_semaphore, #tpu.memory_space<semaphore_mem>>) src(%arg4 : memref<632x16xf32, #tpu.memory_space<hbm>>) dst(%dma_wait3A_671 : memref<632x16xf32, #tpu.memory_space<vmem_shared>>)
      tpu.yield
    }) : () -> ()
    %mul3A_3 = arith.constant 78 : i32
    %mul3A_4 = arith.muli %add3A, %mul3A_3 : i32
    %min3A = arith.constant 4 : i32
    %min3A_5 = arith.minsi %add3A, %min3A : i32
    %add3A_6 = arith.addi %mul3A_4, %min3A_5 : i32
    %lt3A = arith.constant 4 : i32
    %lt3A_7 = arith.cmpi slt, %add3A, %lt3A : i32
    "tpu.region"() ({
      %run_scoped3A = tpu.sem_alloc : memref<!tpu.dma_semaphore, #tpu.memory_space<semaphore_mem>>
      %dma_start3A_668 = arith.constant 0 : i32
      %dma_start3A_669 = arith.constant 0 : i32
      %dma_start3A_670 = arith.constant 0 : i32
      %dma_start3A_671 = tpu.memref_slice %arg6[%dma_start3A_668, %dma_start3A_669, %dma_start3A_670] : memref<79x2x128xi32, #tpu.memory_space<vmem>> -> memref<78x2x128xi32, #tpu.memory_space<vmem>>
      %dma_start3A_672 = arith.constant 0 : i32
      %dma_start3A_673 = arith.constant 0 : i32
      %dma_start3A_674 = tpu.memref_slice %arg3[%add3A_6, %dma_start3A_672, %dma_start3A_673] : memref<2500x2x128xi32, #tpu.memory_space<hbm>> -> memref<78x2x128xi32, #tpu.memory_space<hbm>>
      %dma_start3A_675 = arith.constant 0 : i32
      %dma_start3A_676 = arith.constant 0 : i32
      %dma_start3A_677 = arith.constant 0 : i32
      %dma_start3A_678 = tpu.memref_slice %arg6[%dma_start3A_675, %dma_start3A_676, %dma_start3A_677] : memref<79x2x128xi32, #tpu.memory_space<vmem>> -> memref<78x2x128xi32, #tpu.memory_space<vmem>>
      %dma_start3A_679 = arith.constant 0 : i32
      %dma_start3A_680 = arith.constant 0 : i32
      %dma_start3A_681 = tpu.memref_slice %arg3[%add3A_6, %dma_start3A_679, %dma_start3A_680] : memref<2500x2x128xi32, #tpu.memory_space<hbm>> -> memref<78x2x128xi32, #tpu.memory_space<hbm>>
      tpu.enqueue_dma source(%dma_start3A_681 : memref<78x2x128xi32, #tpu.memory_space<hbm>>) target(%dma_start3A_678 : memref<78x2x128xi32, #tpu.memory_space<vmem>>) target_semaphore(%run_scoped3A : memref<!tpu.dma_semaphore, #tpu.memory_space<semaphore_mem>>)
      %dma_wait3A_682 = arith.constant 0 : i32
      %dma_wait3A_683 = arith.constant 0 : i32
      %dma_wait3A_684 = arith.constant 0 : i32
      %dma_wait3A_685 = tpu.memref_slice %arg6[%dma_wait3A_682, %dma_wait3A_683, %dma_wait3A_684] : memref<79x2x128xi32, #tpu.memory_space<vmem>> -> memref<78x2x128xi32, #tpu.memory_space<vmem>>
      %dma_wait3A_686 = arith.constant 0 : i32
      %dma_wait3A_687 = arith.constant 0 : i32
      %dma_wait3A_688 = tpu.memref_slice %arg3[%add3A_6, %dma_wait3A_686, %dma_wait3A_687] : memref<2500x2x128xi32, #tpu.memory_space<hbm>> -> memref<78x2x128xi32, #tpu.memory_space<hbm>>
      %dma_wait3A_689 = arith.constant 0 : i32
      %dma_wait3A_690 = arith.constant 0 : i32
      %dma_wait3A_691 = arith.constant 0 : i32
      %dma_wait3A_692 = tpu.memref_slice %arg6[%dma_wait3A_689, %dma_wait3A_690, %dma_wait3A_691] : memref<79x2x128xi32, #tpu.memory_space<vmem>> -> memref<78x2x128xi32, #tpu.memory_space<vmem>>
      %dma_wait3A_693 = arith.constant 0 : i32
      %dma_wait3A_694 = arith.constant 0 : i32
      %dma_wait3A_695 = tpu.memref_slice %arg3[%add3A_6, %dma_wait3A_693, %dma_wait3A_694] : memref<2500x2x128xi32, #tpu.memory_space<hbm>> -> memref<78x2x128xi32, #tpu.memory_space<hbm>>
      tpu.wait_dma2 semaphore(%run_scoped3A : memref<!tpu.dma_semaphore, #tpu.memory_space<semaphore_mem>>) src(%dma_wait3A_695 : memref<78x2x128xi32, #tpu.memory_space<hbm>>) dst(%dma_wait3A_692 : memref<78x2x128xi32, #tpu.memory_space<vmem>>)
      tpu.yield
    }) : () -> ()
    %convert_element_type3A = arith.extui %lt3A_7 : i1 to i32
    %cond3A = arith.constant 0 : i32
    %cond3A_8 = arith.cmpi ne, %convert_element_type3A, %cond3A : i32
    scf.if %cond3A_8 {
      %add3A_668 = arith.constant 78 : i32
      %add3A_669 = arith.addi %add3A_6, %add3A_668 : i32
      "tpu.region"() ({
        %run_scoped3A = tpu.sem_alloc : memref<!tpu.dma_semaphore, #tpu.memory_space<semaphore_mem>>
        %dma_start3A_670 = arith.constant 78 : i32
        %dma_start3A_671 = arith.constant 0 : i32
        %dma_start3A_672 = arith.constant 0 : i32
        %dma_start3A_673 = tpu.memref_slice %arg6[%dma_start3A_670, %dma_start3A_671, %dma_start3A_672] : memref<79x2x128xi32, #tpu.memory_space<vmem>> -> memref<1x2x128xi32, #tpu.memory_space<vmem>>
        %dma_start3A_674 = arith.constant 0 : i32
        %dma_start3A_675 = arith.constant 0 : i32
        %dma_start3A_676 = tpu.memref_slice %arg3[%add3A_669, %dma_start3A_674, %dma_start3A_675] : memref<2500x2x128xi32, #tpu.memory_space<hbm>> -> memref<1x2x128xi32, #tpu.memory_space<hbm>>
        %dma_start3A_677 = arith.constant 78 : i32
        %dma_start3A_678 = arith.constant 0 : i32
        %dma_start3A_679 = arith.constant 0 : i32
        %dma_start3A_680 = tpu.memref_slice %arg6[%dma_start3A_677, %dma_start3A_678, %dma_start3A_679] : memref<79x2x128xi32, #tpu.memory_space<vmem>> -> memref<1x2x128xi32, #tpu.memory_space<vmem>>
        %dma_start3A_681 = arith.constant 0 : i32
        %dma_start3A_682 = arith.constant 0 : i32
        %dma_start3A_683 = tpu.memref_slice %arg3[%add3A_669, %dma_start3A_681, %dma_start3A_682] : memref<2500x2x128xi32, #tpu.memory_space<hbm>> -> memref<1x2x128xi32, #tpu.memory_space<hbm>>
        tpu.enqueue_dma source(%dma_start3A_683 : memref<1x2x128xi32, #tpu.memory_space<hbm>>) target(%dma_start3A_680 : memref<1x2x128xi32, #tpu.memory_space<vmem>>) target_semaphore(%run_scoped3A : memref<!tpu.dma_semaphore, #tpu.memory_space<semaphore_mem>>)
        %dma_wait3A_684 = arith.constant 78 : i32
        %dma_wait3A_685 = arith.constant 0 : i32
        %dma_wait3A_686 = arith.constant 0 : i32
        %dma_wait3A_687 = tpu.memref_slice %arg6[%dma_wait3A_684, %dma_wait3A_685, %dma_wait3A_686] : memref<79x2x128xi32, #tpu.memory_space<vmem>> -> memref<1x2x128xi32, #tpu.memory_space<vmem>>
        %dma_wait3A_688 = arith.constant 0 : i32
        %dma_wait3A_689 = arith.constant 0 : i32
        %dma_wait3A_690 = tpu.memref_slice %arg3[%add3A_669, %dma_wait3A_688, %dma_wait3A_689] : memref<2500x2x128xi32, #tpu.memory_space<hbm>> -> memref<1x2x128xi32, #tpu.memory_space<hbm>>
        %dma_wait3A_691 = arith.constant 78 : i32
        %dma_wait3A_692 = arith.constant 0 : i32
        %dma_wait3A_693 = arith.constant 0 : i32
        %dma_wait3A_694 = tpu.memref_slice %arg6[%dma_wait3A_691, %dma_wait3A_692, %dma_wait3A_693] : memref<79x2x128xi32, #tpu.memory_space<vmem>> -> memref<1x2x128xi32, #tpu.memory_space<vmem>>
        %dma_wait3A_695 = arith.constant 0 : i32
        %dma_wait3A_696 = arith.constant 0 : i32
        %dma_wait3A_697 = tpu.memref_slice %arg3[%add3A_669, %dma_wait3A_695, %dma_wait3A_696] : memref<2500x2x128xi32, #tpu.memory_space<hbm>> -> memref<1x2x128xi32, #tpu.memory_space<hbm>>
        tpu.wait_dma2 semaphore(%run_scoped3A : memref<!tpu.dma_semaphore, #tpu.memory_space<semaphore_mem>>) src(%dma_wait3A_697 : memref<1x2x128xi32, #tpu.memory_space<hbm>>) dst(%dma_wait3A_694 : memref<1x2x128xi32, #tpu.memory_space<vmem>>)
        tpu.yield
      }) : () -> ()
    } else {
    }
    %dma_start3A = arith.constant 0 : i32
    %dma_start3A_9 = arith.constant 0 : i32
    %dma_start3A_10 = arith.constant 0 : i32
    %dma_start3A_11 = arith.constant 0 : i32
    %dma_start3A_12 = arith.constant 0 : i32
    %dma_start3A_13 = tpu.memref_slice %arg7[%dma_start3A_10, %dma_start3A_11, %dma_start3A_12] : memref<4x384x16xf32, #tpu.memory_space<vmem>> -> memref<1x128x16xf32, #tpu.memory_space<vmem>>
    %dma_start3A_14 = tpu.memref_squeeze %dma_start3A_13 : memref<1x128x16xf32, #tpu.memory_space<vmem>> -> memref<128x16xf32, #tpu.memory_space<vmem>>
    %dma_start3A_15 = arith.constant 0 : i32
    %dma_start3A_16 = tpu.memref_slice %arg6[%dma_start3A, %dma_start3A_9, %dma_start3A_15] : memref<79x2x128xi32, #tpu.memory_space<vmem>> -> memref<1x1x128xi32, #tpu.memory_space<vmem>>
    %dma_start3A_17 = tpu.memref_squeeze %dma_start3A_16 : memref<1x1x128xi32, #tpu.memory_space<vmem>> -> memref<128xi32, #tpu.memory_space<vmem>>
    %dma_start3A_18 = arith.constant 0 : i32
    %dma_start3A_19 = arith.constant 0 : i32
    %dma_start3A_20 = tpu.memref_slice %arg2[%dma_start3A_18, %dma_start3A_19] : memref<10000x16xf32, #tpu.memory_space<hbm>> -> memref<10000x16xf32, #tpu.memory_space<hbm>>
    tpu.enqueue_indirect_dma source(%dma_start3A_20 : memref<10000x16xf32, #tpu.memory_space<hbm>>) target(%dma_start3A_14 : memref<128x16xf32, #tpu.memory_space<vmem>>) offsets(%dma_start3A_17 : memref<128xi32, #tpu.memory_space<vmem>>) semaphore(%arg9 : memref<!tpu.dma_semaphore, #tpu.memory_space<semaphore_mem>>)
    %dma_start3A_21 = arith.constant 1 : i32
    %dma_start3A_22 = arith.constant 0 : i32
    %dma_start3A_23 = arith.constant 0 : i32
    %dma_start3A_24 = arith.constant 128 : i32
    %dma_start3A_25 = arith.constant 0 : i32
    %dma_start3A_26 = tpu.memref_slice %arg7[%dma_start3A_23, %dma_start3A_24, %dma_start3A_25] : memref<4x384x16xf32, #tpu.memory_space<vmem>> -> memref<1x128x16xf32, #tpu.memory_space<vmem>>
    %dma_start3A_27 = tpu.memref_squeeze %dma_start3A_26 : memref<1x128x16xf32, #tpu.memory_space<vmem>> -> memref<128x16xf32, #tpu.memory_space<vmem>>
    %dma_start3A_28 = arith.constant 0 : i32
    %dma_start3A_29 = tpu.memref_slice %arg6[%dma_start3A_21, %dma_start3A_22, %dma_start3A_28] : memref<79x2x128xi32, #tpu.memory_space<vmem>> -> memref<1x1x128xi32, #tpu.memory_space<vmem>>
    %dma_start3A_30 = tpu.memref_squeeze %dma_start3A_29 : memref<1x1x128xi32, #tpu.memory_space<vmem>> -> memref<128xi32, #tpu.memory_space<vmem>>
    %dma_start3A_31 = arith.constant 0 : i32
    %dma_start3A_32 = arith.constant 0 : i32
    %dma_start3A_33 = tpu.memref_slice %arg2[%dma_start3A_31, %dma_start3A_32] : memref<10000x16xf32, #tpu.memory_space<hbm>> -> memref<10000x16xf32, #tpu.memory_space<hbm>>
    tpu.enqueue_indirect_dma source(%dma_start3A_33 : memref<10000x16xf32, #tpu.memory_space<hbm>>) target(%dma_start3A_27 : memref<128x16xf32, #tpu.memory_space<vmem>>) offsets(%dma_start3A_30 : memref<128xi32, #tpu.memory_space<vmem>>) semaphore(%arg9 : memref<!tpu.dma_semaphore, #tpu.memory_space<semaphore_mem>>)
    %dma_start3A_34 = arith.constant 2 : i32
    %dma_start3A_35 = arith.constant 0 : i32
    %dma_start3A_36 = arith.constant 0 : i32
    %dma_start3A_37 = arith.constant 256 : i32
    %dma_start3A_38 = arith.constant 0 : i32
    %dma_start3A_39 = tpu.memref_slice %arg7[%dma_start3A_36, %dma_start3A_37, %dma_start3A_38] : memref<4x384x16xf32, #tpu.memory_space<vmem>> -> memref<1x128x16xf32, #tpu.memory_space<vmem>>
    %dma_start3A_40 = tpu.memref_squeeze %dma_start3A_39 : memref<1x128x16xf32, #tpu.memory_space<vmem>> -> memref<128x16xf32, #tpu.memory_space<vmem>>
    %dma_start3A_41 = arith.constant 0 : i32
    %dma_start3A_42 = tpu.memref_slice %arg6[%dma_start3A_34, %dma_start3A_35, %dma_start3A_41] : memref<79x2x128xi32, #tpu.memory_space<vmem>> -> memref<1x1x128xi32, #tpu.memory_space<vmem>>
    %dma_start3A_43 = tpu.memref_squeeze %dma_start3A_42 : memref<1x1x128xi32, #tpu.memory_space<vmem>> -> memref<128xi32, #tpu.memory_space<vmem>>
    %dma_start3A_44 = arith.constant 0 : i32
    %dma_start3A_45 = arith.constant 0 : i32
    %dma_start3A_46 = tpu.memref_slice %arg2[%dma_start3A_44, %dma_start3A_45] : memref<10000x16xf32, #tpu.memory_space<hbm>> -> memref<10000x16xf32, #tpu.memory_space<hbm>>
    tpu.enqueue_indirect_dma source(%dma_start3A_46 : memref<10000x16xf32, #tpu.memory_space<hbm>>) target(%dma_start3A_40 : memref<128x16xf32, #tpu.memory_space<vmem>>) offsets(%dma_start3A_43 : memref<128xi32, #tpu.memory_space<vmem>>) semaphore(%arg9 : memref<!tpu.dma_semaphore, #tpu.memory_space<semaphore_mem>>)
    %dma_start3A_47 = arith.constant 3 : i32
    %dma_start3A_48 = arith.constant 0 : i32
    %dma_start3A_49 = arith.constant 1 : i32
    %dma_start3A_50 = arith.constant 0 : i32
    %dma_start3A_51 = arith.constant 0 : i32
    %dma_start3A_52 = tpu.memref_slice %arg7[%dma_start3A_49, %dma_start3A_50, %dma_start3A_51] : memref<4x384x16xf32, #tpu.memory_space<vmem>> -> memref<1x128x16xf32, #tpu.memory_space<vmem>>
    %dma_start3A_53 = tpu.memref_squeeze %dma_start3A_52 : memref<1x128x16xf32, #tpu.memory_space<vmem>> -> memref<128x16xf32, #tpu.memory_space<vmem>>
    %dma_start3A_54 = arith.constant 0 : i32
    %dma_start3A_55 = tpu.memref_slice %arg6[%dma_start3A_47, %dma_start3A_48, %dma_start3A_54] : memref<79x2x128xi32, #tpu.memory_space<vmem>> -> memref<1x1x128xi32, #tpu.memory_space<vmem>>
    %dma_start3A_56 = tpu.memref_squeeze %dma_start3A_55 : memref<1x1x128xi32, #tpu.memory_space<vmem>> -> memref<128xi32, #tpu.memory_space<vmem>>
    %dma_start3A_57 = arith.constant 0 : i32
    %dma_start3A_58 = arith.constant 0 : i32
    %dma_start3A_59 = tpu.memref_slice %arg2[%dma_start3A_57, %dma_start3A_58] : memref<10000x16xf32, #tpu.memory_space<hbm>> -> memref<10000x16xf32, #tpu.memory_space<hbm>>
    tpu.enqueue_indirect_dma source(%dma_start3A_59 : memref<10000x16xf32, #tpu.memory_space<hbm>>) target(%dma_start3A_53 : memref<128x16xf32, #tpu.memory_space<vmem>>) offsets(%dma_start3A_56 : memref<128xi32, #tpu.memory_space<vmem>>) semaphore(%arg10 : memref<!tpu.dma_semaphore, #tpu.memory_space<semaphore_mem>>)
    %dma_start3A_60 = arith.constant 4 : i32
    %dma_start3A_61 = arith.constant 0 : i32
    %dma_start3A_62 = arith.constant 1 : i32
    %dma_start3A_63 = arith.constant 128 : i32
    %dma_start3A_64 = arith.constant 0 : i32
    %dma_start3A_65 = tpu.memref_slice %arg7[%dma_start3A_62, %dma_start3A_63, %dma_start3A_64] : memref<4x384x16xf32, #tpu.memory_space<vmem>> -> memref<1x128x16xf32, #tpu.memory_space<vmem>>
    %dma_start3A_66 = tpu.memref_squeeze %dma_start3A_65 : memref<1x128x16xf32, #tpu.memory_space<vmem>> -> memref<128x16xf32, #tpu.memory_space<vmem>>
    %dma_start3A_67 = arith.constant 0 : i32
    %dma_start3A_68 = tpu.memref_slice %arg6[%dma_start3A_60, %dma_start3A_61, %dma_start3A_67] : memref<79x2x128xi32, #tpu.memory_space<vmem>> -> memref<1x1x128xi32, #tpu.memory_space<vmem>>
    %dma_start3A_69 = tpu.memref_squeeze %dma_start3A_68 : memref<1x1x128xi32, #tpu.memory_space<vmem>> -> memref<128xi32, #tpu.memory_space<vmem>>
    %dma_start3A_70 = arith.constant 0 : i32
    %dma_start3A_71 = arith.constant 0 : i32
    %dma_start3A_72 = tpu.memref_slice %arg2[%dma_start3A_70, %dma_start3A_71] : memref<10000x16xf32, #tpu.memory_space<hbm>> -> memref<10000x16xf32, #tpu.memory_space<hbm>>
    tpu.enqueue_indirect_dma source(%dma_start3A_72 : memref<10000x16xf32, #tpu.memory_space<hbm>>) target(%dma_start3A_66 : memref<128x16xf32, #tpu.memory_space<vmem>>) offsets(%dma_start3A_69 : memref<128xi32, #tpu.memory_space<vmem>>) semaphore(%arg10 : memref<!tpu.dma_semaphore, #tpu.memory_space<semaphore_mem>>)
    %dma_start3A_73 = arith.constant 5 : i32
    %dma_start3A_74 = arith.constant 0 : i32
    %dma_start3A_75 = arith.constant 1 : i32
    %dma_start3A_76 = arith.constant 256 : i32
    %dma_start3A_77 = arith.constant 0 : i32
    %dma_start3A_78 = tpu.memref_slice %arg7[%dma_start3A_75, %dma_start3A_76, %dma_start3A_77] : memref<4x384x16xf32, #tpu.memory_space<vmem>> -> memref<1x128x16xf32, #tpu.memory_space<vmem>>
    %dma_start3A_79 = tpu.memref_squeeze %dma_start3A_78 : memref<1x128x16xf32, #tpu.memory_space<vmem>> -> memref<128x16xf32, #tpu.memory_space<vmem>>
    %dma_start3A_80 = arith.constant 0 : i32
    %dma_start3A_81 = tpu.memref_slice %arg6[%dma_start3A_73, %dma_start3A_74, %dma_start3A_80] : memref<79x2x128xi32, #tpu.memory_space<vmem>> -> memref<1x1x128xi32, #tpu.memory_space<vmem>>
    %dma_start3A_82 = tpu.memref_squeeze %dma_start3A_81 : memref<1x1x128xi32, #tpu.memory_space<vmem>> -> memref<128xi32, #tpu.memory_space<vmem>>
    %dma_start3A_83 = arith.constant 0 : i32
    %dma_start3A_84 = arith.constant 0 : i32
    %dma_start3A_85 = tpu.memref_slice %arg2[%dma_start3A_83, %dma_start3A_84] : memref<10000x16xf32, #tpu.memory_space<hbm>> -> memref<10000x16xf32, #tpu.memory_space<hbm>>
    tpu.enqueue_indirect_dma source(%dma_start3A_85 : memref<10000x16xf32, #tpu.memory_space<hbm>>) target(%dma_start3A_79 : memref<128x16xf32, #tpu.memory_space<vmem>>) offsets(%dma_start3A_82 : memref<128xi32, #tpu.memory_space<vmem>>) semaphore(%arg10 : memref<!tpu.dma_semaphore, #tpu.memory_space<semaphore_mem>>)
    %barrier3A = arith.constant 0 : index
    tpu.barrier barrier_id(%barrier3A)
    %dma_wait3A = arith.constant 0 : i32
    %dma_wait3A_86 = arith.constant 0 : i32
    %dma_wait3A_87 = arith.constant 0 : i32
    %dma_wait3A_88 = tpu.memref_slice %arg7[%dma_wait3A, %dma_wait3A_86, %dma_wait3A_87] : memref<4x384x16xf32, #tpu.memory_space<vmem>> -> memref<1x384x16xf32, #tpu.memory_space<vmem>>
    %dma_wait3A_89 = tpu.memref_squeeze %dma_wait3A_88 : memref<1x384x16xf32, #tpu.memory_space<vmem>> -> memref<384x16xf32, #tpu.memory_space<vmem>>
    %dma_wait3A_90 = arith.constant 0 : i32
    %dma_wait3A_91 = arith.constant 0 : i32
    %dma_wait3A_92 = tpu.memref_slice %arg2[%dma_wait3A_90, %dma_wait3A_91] : memref<10000x16xf32, #tpu.memory_space<hbm>> -> memref<384x16xf32, #tpu.memory_space<hbm>>
    %dma_wait3A_93 = arith.constant 0 : i32
    %dma_wait3A_94 = arith.constant 0 : i32
    %dma_wait3A_95 = tpu.memref_slice %arg7[%dma_wait3A, %dma_wait3A_93, %dma_wait3A_94] : memref<4x384x16xf32, #tpu.memory_space<vmem>> -> memref<1x384x16xf32, #tpu.memory_space<vmem>>
    %dma_wait3A_96 = tpu.memref_squeeze %dma_wait3A_95 : memref<1x384x16xf32, #tpu.memory_space<vmem>> -> memref<384x16xf32, #tpu.memory_space<vmem>>
    %dma_wait3A_97 = arith.constant 0 : i32
    %dma_wait3A_98 = arith.constant 0 : i32
    %dma_wait3A_99 = tpu.memref_slice %arg2[%dma_wait3A_97, %dma_wait3A_98] : memref<10000x16xf32, #tpu.memory_space<hbm>> -> memref<384x16xf32, #tpu.memory_space<hbm>>
    tpu.wait_dma2 semaphore(%arg9 : memref<!tpu.dma_semaphore, #tpu.memory_space<semaphore_mem>>) src(%dma_wait3A_99 : memref<384x16xf32, #tpu.memory_space<hbm>>) dst(%dma_wait3A_96 : memref<384x16xf32, #tpu.memory_space<vmem>>)
    %dma_start3A_100 = arith.constant 0 : i32
    %dma_start3A_101 = arith.constant 0 : i32
    %dma_start3A_102 = arith.constant 1 : i32
    %dma_start3A_103 = arith.constant 0 : i32
    %dma_start3A_104 = arith.constant 0 : i32
    %dma_start3A_105 = tpu.memref_slice %arg7[%dma_start3A_100, %dma_start3A_103, %dma_start3A_104] : memref<4x384x16xf32, #tpu.memory_space<vmem>> -> memref<1x128x16xf32, #tpu.memory_space<vmem>>
    %dma_start3A_106 = tpu.memref_squeeze %dma_start3A_105 : memref<1x128x16xf32, #tpu.memory_space<vmem>> -> memref<128x16xf32, #tpu.memory_space<vmem>>
    %dma_start3A_107 = arith.constant 0 : i32
    %dma_start3A_108 = tpu.memref_slice %arg6[%dma_start3A_101, %dma_start3A_102, %dma_start3A_107] : memref<79x2x128xi32, #tpu.memory_space<vmem>> -> memref<1x1x128xi32, #tpu.memory_space<vmem>>
    %dma_start3A_109 = tpu.memref_squeeze %dma_start3A_108 : memref<1x1x128xi32, #tpu.memory_space<vmem>> -> memref<128xi32, #tpu.memory_space<vmem>>
    %dma_start3A_110 = arith.constant 0 : i32
    %dma_start3A_111 = arith.constant 0 : i32
    %dma_start3A_112 = tpu.memref_slice %arg8[%dma_start3A_110, %dma_start3A_111] : memref<10112x16xf32, #tpu.memory_space<vmem_shared>> -> memref<10112x16xf32, #tpu.memory_space<vmem_shared>>
    tpu.enqueue_indirect_dma source(%dma_start3A_106 : memref<128x16xf32, #tpu.memory_space<vmem>>) target(%dma_start3A_112 : memref<10112x16xf32, #tpu.memory_space<vmem_shared>>) offsets(%dma_start3A_109 : memref<128xi32, #tpu.memory_space<vmem>>) semaphore(%arg13 : memref<!tpu.dma_semaphore, #tpu.memory_space<semaphore_mem>>) {add = true}
    %dma_start3A_113 = arith.constant 0 : i32
    %dma_start3A_114 = arith.constant 1 : i32
    %dma_start3A_115 = arith.constant 1 : i32
    %dma_start3A_116 = arith.constant 128 : i32
    %dma_start3A_117 = arith.constant 0 : i32
    %dma_start3A_118 = tpu.memref_slice %arg7[%dma_start3A_113, %dma_start3A_116, %dma_start3A_117] : memref<4x384x16xf32, #tpu.memory_space<vmem>> -> memref<1x128x16xf32, #tpu.memory_space<vmem>>
    %dma_start3A_119 = tpu.memref_squeeze %dma_start3A_118 : memref<1x128x16xf32, #tpu.memory_space<vmem>> -> memref<128x16xf32, #tpu.memory_space<vmem>>
    %dma_start3A_120 = arith.constant 0 : i32
    %dma_start3A_121 = tpu.memref_slice %arg6[%dma_start3A_114, %dma_start3A_115, %dma_start3A_120] : memref<79x2x128xi32, #tpu.memory_space<vmem>> -> memref<1x1x128xi32, #tpu.memory_space<vmem>>
    %dma_start3A_122 = tpu.memref_squeeze %dma_start3A_121 : memref<1x1x128xi32, #tpu.memory_space<vmem>> -> memref<128xi32, #tpu.memory_space<vmem>>
    %dma_start3A_123 = arith.constant 0 : i32
    %dma_start3A_124 = arith.constant 0 : i32
    %dma_start3A_125 = tpu.memref_slice %arg8[%dma_start3A_123, %dma_start3A_124] : memref<10112x16xf32, #tpu.memory_space<vmem_shared>> -> memref<10112x16xf32, #tpu.memory_space<vmem_shared>>
    tpu.enqueue_indirect_dma source(%dma_start3A_119 : memref<128x16xf32, #tpu.memory_space<vmem>>) target(%dma_start3A_125 : memref<10112x16xf32, #tpu.memory_space<vmem_shared>>) offsets(%dma_start3A_122 : memref<128xi32, #tpu.memory_space<vmem>>) semaphore(%arg13 : memref<!tpu.dma_semaphore, #tpu.memory_space<semaphore_mem>>) {add = true}
    %dma_start3A_126 = arith.constant 0 : i32
    %dma_start3A_127 = arith.constant 2 : i32
    %dma_start3A_128 = arith.constant 1 : i32
    %dma_start3A_129 = arith.constant 256 : i32
    %dma_start3A_130 = arith.constant 0 : i32
    %dma_start3A_131 = tpu.memref_slice %arg7[%dma_start3A_126, %dma_start3A_129, %dma_start3A_130] : memref<4x384x16xf32, #tpu.memory_space<vmem>> -> memref<1x128x16xf32, #tpu.memory_space<vmem>>
    %dma_start3A_132 = tpu.memref_squeeze %dma_start3A_131 : memref<1x128x16xf32, #tpu.memory_space<vmem>> -> memref<128x16xf32, #tpu.memory_space<vmem>>
    %dma_start3A_133 = arith.constant 0 : i32
    %dma_start3A_134 = tpu.memref_slice %arg6[%dma_start3A_127, %dma_start3A_128, %dma_start3A_133] : memref<79x2x128xi32, #tpu.memory_space<vmem>> -> memref<1x1x128xi32, #tpu.memory_space<vmem>>
    %dma_start3A_135 = tpu.memref_squeeze %dma_start3A_134 : memref<1x1x128xi32, #tpu.memory_space<vmem>> -> memref<128xi32, #tpu.memory_space<vmem>>
    %dma_start3A_136 = arith.constant 0 : i32
    %dma_start3A_137 = arith.constant 0 : i32
    %dma_start3A_138 = tpu.memref_slice %arg8[%dma_start3A_136, %dma_start3A_137] : memref<10112x16xf32, #tpu.memory_space<vmem_shared>> -> memref<10112x16xf32, #tpu.memory_space<vmem_shared>>
    tpu.enqueue_indirect_dma source(%dma_start3A_132 : memref<128x16xf32, #tpu.memory_space<vmem>>) target(%dma_start3A_138 : memref<10112x16xf32, #tpu.memory_space<vmem_shared>>) offsets(%dma_start3A_135 : memref<128xi32, #tpu.memory_space<vmem>>) semaphore(%arg13 : memref<!tpu.dma_semaphore, #tpu.memory_space<semaphore_mem>>) {add = true}
    %dma_start3A_139 = arith.constant 6 : i32
    %dma_start3A_140 = arith.constant 0 : i32
    %dma_start3A_141 = arith.constant 2 : i32
    %dma_start3A_142 = arith.constant 0 : i32
    %dma_start3A_143 = arith.constant 0 : i32
    %dma_start3A_144 = tpu.memref_slice %arg7[%dma_start3A_141, %dma_start3A_142, %dma_start3A_143] : memref<4x384x16xf32, #tpu.memory_space<vmem>> -> memref<1x128x16xf32, #tpu.memory_space<vmem>>
    %dma_start3A_145 = tpu.memref_squeeze %dma_start3A_144 : memref<1x128x16xf32, #tpu.memory_space<vmem>> -> memref<128x16xf32, #tpu.memory_space<vmem>>
    %dma_start3A_146 = arith.constant 0 : i32
    %dma_start3A_147 = tpu.memref_slice %arg6[%dma_start3A_139, %dma_start3A_140, %dma_start3A_146] : memref<79x2x128xi32, #tpu.memory_space<vmem>> -> memref<1x1x128xi32, #tpu.memory_space<vmem>>
    %dma_start3A_148 = tpu.memref_squeeze %dma_start3A_147 : memref<1x1x128xi32, #tpu.memory_space<vmem>> -> memref<128xi32, #tpu.memory_space<vmem>>
    %dma_start3A_149 = arith.constant 0 : i32
    %dma_start3A_150 = arith.constant 0 : i32
    %dma_start3A_151 = tpu.memref_slice %arg2[%dma_start3A_149, %dma_start3A_150] : memref<10000x16xf32, #tpu.memory_space<hbm>> -> memref<10000x16xf32, #tpu.memory_space<hbm>>
    tpu.enqueue_indirect_dma source(%dma_start3A_151 : memref<10000x16xf32, #tpu.memory_space<hbm>>) target(%dma_start3A_145 : memref<128x16xf32, #tpu.memory_space<vmem>>) offsets(%dma_start3A_148 : memref<128xi32, #tpu.memory_space<vmem>>) semaphore(%arg11 : memref<!tpu.dma_semaphore, #tpu.memory_space<semaphore_mem>>)
    %dma_start3A_152 = arith.constant 7 : i32
    %dma_start3A_153 = arith.constant 0 : i32
    %dma_start3A_154 = arith.constant 2 : i32
    %dma_start3A_155 = arith.constant 128 : i32
    %dma_start3A_156 = arith.constant 0 : i32
    %dma_start3A_157 = tpu.memref_slice %arg7[%dma_start3A_154, %dma_start3A_155, %dma_start3A_156] : memref<4x384x16xf32, #tpu.memory_space<vmem>> -> memref<1x128x16xf32, #tpu.memory_space<vmem>>
    %dma_start3A_158 = tpu.memref_squeeze %dma_start3A_157 : memref<1x128x16xf32, #tpu.memory_space<vmem>> -> memref<128x16xf32, #tpu.memory_space<vmem>>
    %dma_start3A_159 = arith.constant 0 : i32
    %dma_start3A_160 = tpu.memref_slice %arg6[%dma_start3A_152, %dma_start3A_153, %dma_start3A_159] : memref<79x2x128xi32, #tpu.memory_space<vmem>> -> memref<1x1x128xi32, #tpu.memory_space<vmem>>
    %dma_start3A_161 = tpu.memref_squeeze %dma_start3A_160 : memref<1x1x128xi32, #tpu.memory_space<vmem>> -> memref<128xi32, #tpu.memory_space<vmem>>
    %dma_start3A_162 = arith.constant 0 : i32
    %dma_start3A_163 = arith.constant 0 : i32
    %dma_start3A_164 = tpu.memref_slice %arg2[%dma_start3A_162, %dma_start3A_163] : memref<10000x16xf32, #tpu.memory_space<hbm>> -> memref<10000x16xf32, #tpu.memory_space<hbm>>
    tpu.enqueue_indirect_dma source(%dma_start3A_164 : memref<10000x16xf32, #tpu.memory_space<hbm>>) target(%dma_start3A_158 : memref<128x16xf32, #tpu.memory_space<vmem>>) offsets(%dma_start3A_161 : memref<128xi32, #tpu.memory_space<vmem>>) semaphore(%arg11 : memref<!tpu.dma_semaphore, #tpu.memory_space<semaphore_mem>>)
    %dma_start3A_165 = arith.constant 8 : i32
    %dma_start3A_166 = arith.constant 0 : i32
    %dma_start3A_167 = arith.constant 2 : i32
    %dma_start3A_168 = arith.constant 256 : i32
    %dma_start3A_169 = arith.constant 0 : i32
    %dma_start3A_170 = tpu.memref_slice %arg7[%dma_start3A_167, %dma_start3A_168, %dma_start3A_169] : memref<4x384x16xf32, #tpu.memory_space<vmem>> -> memref<1x128x16xf32, #tpu.memory_space<vmem>>
    %dma_start3A_171 = tpu.memref_squeeze %dma_start3A_170 : memref<1x128x16xf32, #tpu.memory_space<vmem>> -> memref<128x16xf32, #tpu.memory_space<vmem>>
    %dma_start3A_172 = arith.constant 0 : i32
    %dma_start3A_173 = tpu.memref_slice %arg6[%dma_start3A_165, %dma_start3A_166, %dma_start3A_172] : memref<79x2x128xi32, #tpu.memory_space<vmem>> -> memref<1x1x128xi32, #tpu.memory_space<vmem>>
    %dma_start3A_174 = tpu.memref_squeeze %dma_start3A_173 : memref<1x1x128xi32, #tpu.memory_space<vmem>> -> memref<128xi32, #tpu.memory_space<vmem>>
    %dma_start3A_175 = arith.constant 0 : i32
    %dma_start3A_176 = arith.constant 0 : i32
    %dma_start3A_177 = tpu.memref_slice %arg2[%dma_start3A_175, %dma_start3A_176] : memref<10000x16xf32, #tpu.memory_space<hbm>> -> memref<10000x16xf32, #tpu.memory_space<hbm>>
    tpu.enqueue_indirect_dma source(%dma_start3A_177 : memref<10000x16xf32, #tpu.memory_space<hbm>>) target(%dma_start3A_171 : memref<128x16xf32, #tpu.memory_space<vmem>>) offsets(%dma_start3A_174 : memref<128xi32, #tpu.memory_space<vmem>>) semaphore(%arg11 : memref<!tpu.dma_semaphore, #tpu.memory_space<semaphore_mem>>)
    %dma_wait3A_178 = arith.constant 1 : i32
    %dma_wait3A_179 = arith.constant 0 : i32
    %dma_wait3A_180 = arith.constant 0 : i32
    %dma_wait3A_181 = tpu.memref_slice %arg7[%dma_wait3A_178, %dma_wait3A_179, %dma_wait3A_180] : memref<4x384x16xf32, #tpu.memory_space<vmem>> -> memref<1x384x16xf32, #tpu.memory_space<vmem>>
    %dma_wait3A_182 = tpu.memref_squeeze %dma_wait3A_181 : memref<1x384x16xf32, #tpu.memory_space<vmem>> -> memref<384x16xf32, #tpu.memory_space<vmem>>
    %dma_wait3A_183 = arith.constant 0 : i32
    %dma_wait3A_184 = arith.constant 0 : i32
    %dma_wait3A_185 = tpu.memref_slice %arg2[%dma_wait3A_183, %dma_wait3A_184] : memref<10000x16xf32, #tpu.memory_space<hbm>> -> memref<384x16xf32, #tpu.memory_space<hbm>>
    %dma_wait3A_186 = arith.constant 0 : i32
    %dma_wait3A_187 = arith.constant 0 : i32
    %dma_wait3A_188 = tpu.memref_slice %arg7[%dma_wait3A_178, %dma_wait3A_186, %dma_wait3A_187] : memref<4x384x16xf32, #tpu.memory_space<vmem>> -> memref<1x384x16xf32, #tpu.memory_space<vmem>>
    %dma_wait3A_189 = tpu.memref_squeeze %dma_wait3A_188 : memref<1x384x16xf32, #tpu.memory_space<vmem>> -> memref<384x16xf32, #tpu.memory_space<vmem>>
    %dma_wait3A_190 = arith.constant 0 : i32
    %dma_wait3A_191 = arith.constant 0 : i32
    %dma_wait3A_192 = tpu.memref_slice %arg2[%dma_wait3A_190, %dma_wait3A_191] : memref<10000x16xf32, #tpu.memory_space<hbm>> -> memref<384x16xf32, #tpu.memory_space<hbm>>
    tpu.wait_dma2 semaphore(%arg10 : memref<!tpu.dma_semaphore, #tpu.memory_space<semaphore_mem>>) src(%dma_wait3A_192 : memref<384x16xf32, #tpu.memory_space<hbm>>) dst(%dma_wait3A_189 : memref<384x16xf32, #tpu.memory_space<vmem>>)
    %dma_start3A_193 = arith.constant 1 : i32
    %dma_start3A_194 = arith.constant 3 : i32
    %dma_start3A_195 = arith.constant 1 : i32
    %dma_start3A_196 = arith.constant 0 : i32
    %dma_start3A_197 = arith.constant 0 : i32
    %dma_start3A_198 = tpu.memref_slice %arg7[%dma_start3A_193, %dma_start3A_196, %dma_start3A_197] : memref<4x384x16xf32, #tpu.memory_space<vmem>> -> memref<1x128x16xf32, #tpu.memory_space<vmem>>
    %dma_start3A_199 = tpu.memref_squeeze %dma_start3A_198 : memref<1x128x16xf32, #tpu.memory_space<vmem>> -> memref<128x16xf32, #tpu.memory_space<vmem>>
    %dma_start3A_200 = arith.constant 0 : i32
    %dma_start3A_201 = tpu.memref_slice %arg6[%dma_start3A_194, %dma_start3A_195, %dma_start3A_200] : memref<79x2x128xi32, #tpu.memory_space<vmem>> -> memref<1x1x128xi32, #tpu.memory_space<vmem>>
    %dma_start3A_202 = tpu.memref_squeeze %dma_start3A_201 : memref<1x1x128xi32, #tpu.memory_space<vmem>> -> memref<128xi32, #tpu.memory_space<vmem>>
    %dma_start3A_203 = arith.constant 0 : i32
    %dma_start3A_204 = arith.constant 0 : i32
    %dma_start3A_205 = tpu.memref_slice %arg8[%dma_start3A_203, %dma_start3A_204] : memref<10112x16xf32, #tpu.memory_space<vmem_shared>> -> memref<10112x16xf32, #tpu.memory_space<vmem_shared>>
    tpu.enqueue_indirect_dma source(%dma_start3A_199 : memref<128x16xf32, #tpu.memory_space<vmem>>) target(%dma_start3A_205 : memref<10112x16xf32, #tpu.memory_space<vmem_shared>>) offsets(%dma_start3A_202 : memref<128xi32, #tpu.memory_space<vmem>>) semaphore(%arg14 : memref<!tpu.dma_semaphore, #tpu.memory_space<semaphore_mem>>) {add = true}
    %dma_start3A_206 = arith.constant 1 : i32
    %dma_start3A_207 = arith.constant 4 : i32
    %dma_start3A_208 = arith.constant 1 : i32
    %dma_start3A_209 = arith.constant 128 : i32
    %dma_start3A_210 = arith.constant 0 : i32
    %dma_start3A_211 = tpu.memref_slice %arg7[%dma_start3A_206, %dma_start3A_209, %dma_start3A_210] : memref<4x384x16xf32, #tpu.memory_space<vmem>> -> memref<1x128x16xf32, #tpu.memory_space<vmem>>
    %dma_start3A_212 = tpu.memref_squeeze %dma_start3A_211 : memref<1x128x16xf32, #tpu.memory_space<vmem>> -> memref<128x16xf32, #tpu.memory_space<vmem>>
    %dma_start3A_213 = arith.constant 0 : i32
    %dma_start3A_214 = tpu.memref_slice %arg6[%dma_start3A_207, %dma_start3A_208, %dma_start3A_213] : memref<79x2x128xi32, #tpu.memory_space<vmem>> -> memref<1x1x128xi32, #tpu.memory_space<vmem>>
    %dma_start3A_215 = tpu.memref_squeeze %dma_start3A_214 : memref<1x1x128xi32, #tpu.memory_space<vmem>> -> memref<128xi32, #tpu.memory_space<vmem>>
    %dma_start3A_216 = arith.constant 0 : i32
    %dma_start3A_217 = arith.constant 0 : i32
    %dma_start3A_218 = tpu.memref_slice %arg8[%dma_start3A_216, %dma_start3A_217] : memref<10112x16xf32, #tpu.memory_space<vmem_shared>> -> memref<10112x16xf32, #tpu.memory_space<vmem_shared>>
    tpu.enqueue_indirect_dma source(%dma_start3A_212 : memref<128x16xf32, #tpu.memory_space<vmem>>) target(%dma_start3A_218 : memref<10112x16xf32, #tpu.memory_space<vmem_shared>>) offsets(%dma_start3A_215 : memref<128xi32, #tpu.memory_space<vmem>>) semaphore(%arg14 : memref<!tpu.dma_semaphore, #tpu.memory_space<semaphore_mem>>) {add = true}
    %dma_start3A_219 = arith.constant 1 : i32
    %dma_start3A_220 = arith.constant 5 : i32
    %dma_start3A_221 = arith.constant 1 : i32
    %dma_start3A_222 = arith.constant 256 : i32
    %dma_start3A_223 = arith.constant 0 : i32
    %dma_start3A_224 = tpu.memref_slice %arg7[%dma_start3A_219, %dma_start3A_222, %dma_start3A_223] : memref<4x384x16xf32, #tpu.memory_space<vmem>> -> memref<1x128x16xf32, #tpu.memory_space<vmem>>
    %dma_start3A_225 = tpu.memref_squeeze %dma_start3A_224 : memref<1x128x16xf32, #tpu.memory_space<vmem>> -> memref<128x16xf32, #tpu.memory_space<vmem>>
    %dma_start3A_226 = arith.constant 0 : i32
    %dma_start3A_227 = tpu.memref_slice %arg6[%dma_start3A_220, %dma_start3A_221, %dma_start3A_226] : memref<79x2x128xi32, #tpu.memory_space<vmem>> -> memref<1x1x128xi32, #tpu.memory_space<vmem>>
    %dma_start3A_228 = tpu.memref_squeeze %dma_start3A_227 : memref<1x1x128xi32, #tpu.memory_space<vmem>> -> memref<128xi32, #tpu.memory_space<vmem>>
    %dma_start3A_229 = arith.constant 0 : i32
    %dma_start3A_230 = arith.constant 0 : i32
    %dma_start3A_231 = tpu.memref_slice %arg8[%dma_start3A_229, %dma_start3A_230] : memref<10112x16xf32, #tpu.memory_space<vmem_shared>> -> memref<10112x16xf32, #tpu.memory_space<vmem_shared>>
    tpu.enqueue_indirect_dma source(%dma_start3A_225 : memref<128x16xf32, #tpu.memory_space<vmem>>) target(%dma_start3A_231 : memref<10112x16xf32, #tpu.memory_space<vmem_shared>>) offsets(%dma_start3A_228 : memref<128xi32, #tpu.memory_space<vmem>>) semaphore(%arg14 : memref<!tpu.dma_semaphore, #tpu.memory_space<semaphore_mem>>) {add = true}
    %dma_start3A_232 = arith.constant 9 : i32
    %dma_start3A_233 = arith.constant 0 : i32
    %dma_start3A_234 = arith.constant 3 : i32
    %dma_start3A_235 = arith.constant 0 : i32
    %dma_start3A_236 = arith.constant 0 : i32
    %dma_start3A_237 = tpu.memref_slice %arg7[%dma_start3A_234, %dma_start3A_235, %dma_start3A_236] : memref<4x384x16xf32, #tpu.memory_space<vmem>> -> memref<1x128x16xf32, #tpu.memory_space<vmem>>
    %dma_start3A_238 = tpu.memref_squeeze %dma_start3A_237 : memref<1x128x16xf32, #tpu.memory_space<vmem>> -> memref<128x16xf32, #tpu.memory_space<vmem>>
    %dma_start3A_239 = arith.constant 0 : i32
    %dma_start3A_240 = tpu.memref_slice %arg6[%dma_start3A_232, %dma_start3A_233, %dma_start3A_239] : memref<79x2x128xi32, #tpu.memory_space<vmem>> -> memref<1x1x128xi32, #tpu.memory_space<vmem>>
    %dma_start3A_241 = tpu.memref_squeeze %dma_start3A_240 : memref<1x1x128xi32, #tpu.memory_space<vmem>> -> memref<128xi32, #tpu.memory_space<vmem>>
    %dma_start3A_242 = arith.constant 0 : i32
    %dma_start3A_243 = arith.constant 0 : i32
    %dma_start3A_244 = tpu.memref_slice %arg2[%dma_start3A_242, %dma_start3A_243] : memref<10000x16xf32, #tpu.memory_space<hbm>> -> memref<10000x16xf32, #tpu.memory_space<hbm>>
    tpu.enqueue_indirect_dma source(%dma_start3A_244 : memref<10000x16xf32, #tpu.memory_space<hbm>>) target(%dma_start3A_238 : memref<128x16xf32, #tpu.memory_space<vmem>>) offsets(%dma_start3A_241 : memref<128xi32, #tpu.memory_space<vmem>>) semaphore(%arg12 : memref<!tpu.dma_semaphore, #tpu.memory_space<semaphore_mem>>)
    %dma_start3A_245 = arith.constant 10 : i32
    %dma_start3A_246 = arith.constant 0 : i32
    %dma_start3A_247 = arith.constant 3 : i32
    %dma_start3A_248 = arith.constant 128 : i32
    %dma_start3A_249 = arith.constant 0 : i32
    %dma_start3A_250 = tpu.memref_slice %arg7[%dma_start3A_247, %dma_start3A_248, %dma_start3A_249] : memref<4x384x16xf32, #tpu.memory_space<vmem>> -> memref<1x128x16xf32, #tpu.memory_space<vmem>>
    %dma_start3A_251 = tpu.memref_squeeze %dma_start3A_250 : memref<1x128x16xf32, #tpu.memory_space<vmem>> -> memref<128x16xf32, #tpu.memory_space<vmem>>
    %dma_start3A_252 = arith.constant 0 : i32
    %dma_start3A_253 = tpu.memref_slice %arg6[%dma_start3A_245, %dma_start3A_246, %dma_start3A_252] : memref<79x2x128xi32, #tpu.memory_space<vmem>> -> memref<1x1x128xi32, #tpu.memory_space<vmem>>
    %dma_start3A_254 = tpu.memref_squeeze %dma_start3A_253 : memref<1x1x128xi32, #tpu.memory_space<vmem>> -> memref<128xi32, #tpu.memory_space<vmem>>
    %dma_start3A_255 = arith.constant 0 : i32
    %dma_start3A_256 = arith.constant 0 : i32
    %dma_start3A_257 = tpu.memref_slice %arg2[%dma_start3A_255, %dma_start3A_256] : memref<10000x16xf32, #tpu.memory_space<hbm>> -> memref<10000x16xf32, #tpu.memory_space<hbm>>
    tpu.enqueue_indirect_dma source(%dma_start3A_257 : memref<10000x16xf32, #tpu.memory_space<hbm>>) target(%dma_start3A_251 : memref<128x16xf32, #tpu.memory_space<vmem>>) offsets(%dma_start3A_254 : memref<128xi32, #tpu.memory_space<vmem>>) semaphore(%arg12 : memref<!tpu.dma_semaphore, #tpu.memory_space<semaphore_mem>>)
    %dma_start3A_258 = arith.constant 11 : i32
    %dma_start3A_259 = arith.constant 0 : i32
    %dma_start3A_260 = arith.constant 3 : i32
    %dma_start3A_261 = arith.constant 256 : i32
    %dma_start3A_262 = arith.constant 0 : i32
    %dma_start3A_263 = tpu.memref_slice %arg7[%dma_start3A_260, %dma_start3A_261, %dma_start3A_262] : memref<4x384x16xf32, #tpu.memory_space<vmem>> -> memref<1x128x16xf32, #tpu.memory_space<vmem>>
    %dma_start3A_264 = tpu.memref_squeeze %dma_start3A_263 : memref<1x128x16xf32, #tpu.memory_space<vmem>> -> memref<128x16xf32, #tpu.memory_space<vmem>>
    %dma_start3A_265 = arith.constant 0 : i32
    %dma_start3A_266 = tpu.memref_slice %arg6[%dma_start3A_258, %dma_start3A_259, %dma_start3A_265] : memref<79x2x128xi32, #tpu.memory_space<vmem>> -> memref<1x1x128xi32, #tpu.memory_space<vmem>>
    %dma_start3A_267 = tpu.memref_squeeze %dma_start3A_266 : memref<1x1x128xi32, #tpu.memory_space<vmem>> -> memref<128xi32, #tpu.memory_space<vmem>>
    %dma_start3A_268 = arith.constant 0 : i32
    %dma_start3A_269 = arith.constant 0 : i32
    %dma_start3A_270 = tpu.memref_slice %arg2[%dma_start3A_268, %dma_start3A_269] : memref<10000x16xf32, #tpu.memory_space<hbm>> -> memref<10000x16xf32, #tpu.memory_space<hbm>>
    tpu.enqueue_indirect_dma source(%dma_start3A_270 : memref<10000x16xf32, #tpu.memory_space<hbm>>) target(%dma_start3A_264 : memref<128x16xf32, #tpu.memory_space<vmem>>) offsets(%dma_start3A_267 : memref<128xi32, #tpu.memory_space<vmem>>) semaphore(%arg12 : memref<!tpu.dma_semaphore, #tpu.memory_space<semaphore_mem>>)
    %dma_wait3A_271 = arith.constant 2 : i32
    %dma_wait3A_272 = arith.constant 0 : i32
    %dma_wait3A_273 = arith.constant 0 : i32
    %dma_wait3A_274 = tpu.memref_slice %arg7[%dma_wait3A_271, %dma_wait3A_272, %dma_wait3A_273] : memref<4x384x16xf32, #tpu.memory_space<vmem>> -> memref<1x384x16xf32, #tpu.memory_space<vmem>>
    %dma_wait3A_275 = tpu.memref_squeeze %dma_wait3A_274 : memref<1x384x16xf32, #tpu.memory_space<vmem>> -> memref<384x16xf32, #tpu.memory_space<vmem>>
    %dma_wait3A_276 = arith.constant 0 : i32
    %dma_wait3A_277 = arith.constant 0 : i32
    %dma_wait3A_278 = tpu.memref_slice %arg2[%dma_wait3A_276, %dma_wait3A_277] : memref<10000x16xf32, #tpu.memory_space<hbm>> -> memref<384x16xf32, #tpu.memory_space<hbm>>
    %dma_wait3A_279 = arith.constant 0 : i32
    %dma_wait3A_280 = arith.constant 0 : i32
    %dma_wait3A_281 = tpu.memref_slice %arg7[%dma_wait3A_271, %dma_wait3A_279, %dma_wait3A_280] : memref<4x384x16xf32, #tpu.memory_space<vmem>> -> memref<1x384x16xf32, #tpu.memory_space<vmem>>
    %dma_wait3A_282 = tpu.memref_squeeze %dma_wait3A_281 : memref<1x384x16xf32, #tpu.memory_space<vmem>> -> memref<384x16xf32, #tpu.memory_space<vmem>>
    %dma_wait3A_283 = arith.constant 0 : i32
    %dma_wait3A_284 = arith.constant 0 : i32
    %dma_wait3A_285 = tpu.memref_slice %arg2[%dma_wait3A_283, %dma_wait3A_284] : memref<10000x16xf32, #tpu.memory_space<hbm>> -> memref<384x16xf32, #tpu.memory_space<hbm>>
    tpu.wait_dma2 semaphore(%arg11 : memref<!tpu.dma_semaphore, #tpu.memory_space<semaphore_mem>>) src(%dma_wait3A_285 : memref<384x16xf32, #tpu.memory_space<hbm>>) dst(%dma_wait3A_282 : memref<384x16xf32, #tpu.memory_space<vmem>>)
    %dma_start3A_286 = arith.constant 2 : i32
    %dma_start3A_287 = arith.constant 6 : i32
    %dma_start3A_288 = arith.constant 1 : i32
    %dma_start3A_289 = arith.constant 0 : i32
    %dma_start3A_290 = arith.constant 0 : i32
    %dma_start3A_291 = tpu.memref_slice %arg7[%dma_start3A_286, %dma_start3A_289, %dma_start3A_290] : memref<4x384x16xf32, #tpu.memory_space<vmem>> -> memref<1x128x16xf32, #tpu.memory_space<vmem>>
    %dma_start3A_292 = tpu.memref_squeeze %dma_start3A_291 : memref<1x128x16xf32, #tpu.memory_space<vmem>> -> memref<128x16xf32, #tpu.memory_space<vmem>>
    %dma_start3A_293 = arith.constant 0 : i32
    %dma_start3A_294 = tpu.memref_slice %arg6[%dma_start3A_287, %dma_start3A_288, %dma_start3A_293] : memref<79x2x128xi32, #tpu.memory_space<vmem>> -> memref<1x1x128xi32, #tpu.memory_space<vmem>>
    %dma_start3A_295 = tpu.memref_squeeze %dma_start3A_294 : memref<1x1x128xi32, #tpu.memory_space<vmem>> -> memref<128xi32, #tpu.memory_space<vmem>>
    %dma_start3A_296 = arith.constant 0 : i32
    %dma_start3A_297 = arith.constant 0 : i32
    %dma_start3A_298 = tpu.memref_slice %arg8[%dma_start3A_296, %dma_start3A_297] : memref<10112x16xf32, #tpu.memory_space<vmem_shared>> -> memref<10112x16xf32, #tpu.memory_space<vmem_shared>>
    tpu.enqueue_indirect_dma source(%dma_start3A_292 : memref<128x16xf32, #tpu.memory_space<vmem>>) target(%dma_start3A_298 : memref<10112x16xf32, #tpu.memory_space<vmem_shared>>) offsets(%dma_start3A_295 : memref<128xi32, #tpu.memory_space<vmem>>) semaphore(%arg15 : memref<!tpu.dma_semaphore, #tpu.memory_space<semaphore_mem>>) {add = true}
    %dma_start3A_299 = arith.constant 2 : i32
    %dma_start3A_300 = arith.constant 7 : i32
    %dma_start3A_301 = arith.constant 1 : i32
    %dma_start3A_302 = arith.constant 128 : i32
    %dma_start3A_303 = arith.constant 0 : i32
    %dma_start3A_304 = tpu.memref_slice %arg7[%dma_start3A_299, %dma_start3A_302, %dma_start3A_303] : memref<4x384x16xf32, #tpu.memory_space<vmem>> -> memref<1x128x16xf32, #tpu.memory_space<vmem>>
    %dma_start3A_305 = tpu.memref_squeeze %dma_start3A_304 : memref<1x128x16xf32, #tpu.memory_space<vmem>> -> memref<128x16xf32, #tpu.memory_space<vmem>>
    %dma_start3A_306 = arith.constant 0 : i32
    %dma_start3A_307 = tpu.memref_slice %arg6[%dma_start3A_300, %dma_start3A_301, %dma_start3A_306] : memref<79x2x128xi32, #tpu.memory_space<vmem>> -> memref<1x1x128xi32, #tpu.memory_space<vmem>>
    %dma_start3A_308 = tpu.memref_squeeze %dma_start3A_307 : memref<1x1x128xi32, #tpu.memory_space<vmem>> -> memref<128xi32, #tpu.memory_space<vmem>>
    %dma_start3A_309 = arith.constant 0 : i32
    %dma_start3A_310 = arith.constant 0 : i32
    %dma_start3A_311 = tpu.memref_slice %arg8[%dma_start3A_309, %dma_start3A_310] : memref<10112x16xf32, #tpu.memory_space<vmem_shared>> -> memref<10112x16xf32, #tpu.memory_space<vmem_shared>>
    tpu.enqueue_indirect_dma source(%dma_start3A_305 : memref<128x16xf32, #tpu.memory_space<vmem>>) target(%dma_start3A_311 : memref<10112x16xf32, #tpu.memory_space<vmem_shared>>) offsets(%dma_start3A_308 : memref<128xi32, #tpu.memory_space<vmem>>) semaphore(%arg15 : memref<!tpu.dma_semaphore, #tpu.memory_space<semaphore_mem>>) {add = true}
    %dma_start3A_312 = arith.constant 2 : i32
    %dma_start3A_313 = arith.constant 8 : i32
    %dma_start3A_314 = arith.constant 1 : i32
    %dma_start3A_315 = arith.constant 256 : i32
    %dma_start3A_316 = arith.constant 0 : i32
    %dma_start3A_317 = tpu.memref_slice %arg7[%dma_start3A_312, %dma_start3A_315, %dma_start3A_316] : memref<4x384x16xf32, #tpu.memory_space<vmem>> -> memref<1x128x16xf32, #tpu.memory_space<vmem>>
    %dma_start3A_318 = tpu.memref_squeeze %dma_start3A_317 : memref<1x128x16xf32, #tpu.memory_space<vmem>> -> memref<128x16xf32, #tpu.memory_space<vmem>>
    %dma_start3A_319 = arith.constant 0 : i32
    %dma_start3A_320 = tpu.memref_slice %arg6[%dma_start3A_313, %dma_start3A_314, %dma_start3A_319] : memref<79x2x128xi32, #tpu.memory_space<vmem>> -> memref<1x1x128xi32, #tpu.memory_space<vmem>>
    %dma_start3A_321 = tpu.memref_squeeze %dma_start3A_320 : memref<1x1x128xi32, #tpu.memory_space<vmem>> -> memref<128xi32, #tpu.memory_space<vmem>>
    %dma_start3A_322 = arith.constant 0 : i32
    %dma_start3A_323 = arith.constant 0 : i32
    %dma_start3A_324 = tpu.memref_slice %arg8[%dma_start3A_322, %dma_start3A_323] : memref<10112x16xf32, #tpu.memory_space<vmem_shared>> -> memref<10112x16xf32, #tpu.memory_space<vmem_shared>>
    tpu.enqueue_indirect_dma source(%dma_start3A_318 : memref<128x16xf32, #tpu.memory_space<vmem>>) target(%dma_start3A_324 : memref<10112x16xf32, #tpu.memory_space<vmem_shared>>) offsets(%dma_start3A_321 : memref<128xi32, #tpu.memory_space<vmem>>) semaphore(%arg15 : memref<!tpu.dma_semaphore, #tpu.memory_space<semaphore_mem>>) {add = true}
    %dma_wait3A_325 = arith.constant 0 : i32
    %dma_wait3A_326 = arith.constant 0 : i32
    %dma_wait3A_327 = arith.constant 0 : i32
    %dma_wait3A_328 = tpu.memref_slice %arg7[%dma_wait3A_325, %dma_wait3A_326, %dma_wait3A_327] : memref<4x384x16xf32, #tpu.memory_space<vmem>> -> memref<1x384x16xf32, #tpu.memory_space<vmem>>
    %dma_wait3A_329 = tpu.memref_squeeze %dma_wait3A_328 : memref<1x384x16xf32, #tpu.memory_space<vmem>> -> memref<384x16xf32, #tpu.memory_space<vmem>>
    %dma_wait3A_330 = arith.constant 0 : i32
    %dma_wait3A_331 = arith.constant 0 : i32
    %dma_wait3A_332 = tpu.memref_slice %arg2[%dma_wait3A_330, %dma_wait3A_331] : memref<10000x16xf32, #tpu.memory_space<hbm>> -> memref<384x16xf32, #tpu.memory_space<hbm>>
    %dma_wait3A_333 = arith.constant 0 : i32
    %dma_wait3A_334 = arith.constant 0 : i32
    %dma_wait3A_335 = tpu.memref_slice %arg7[%dma_wait3A_325, %dma_wait3A_333, %dma_wait3A_334] : memref<4x384x16xf32, #tpu.memory_space<vmem>> -> memref<1x384x16xf32, #tpu.memory_space<vmem>>
    %dma_wait3A_336 = tpu.memref_squeeze %dma_wait3A_335 : memref<1x384x16xf32, #tpu.memory_space<vmem>> -> memref<384x16xf32, #tpu.memory_space<vmem>>
    %dma_wait3A_337 = arith.constant 0 : i32
    %dma_wait3A_338 = arith.constant 0 : i32
    %dma_wait3A_339 = tpu.memref_slice %arg2[%dma_wait3A_337, %dma_wait3A_338] : memref<10000x16xf32, #tpu.memory_space<hbm>> -> memref<384x16xf32, #tpu.memory_space<hbm>>
    tpu.wait_dma2 semaphore(%arg13 : memref<!tpu.dma_semaphore, #tpu.memory_space<semaphore_mem>>) src(%dma_wait3A_339 : memref<384x16xf32, #tpu.memory_space<hbm>>) dst(%dma_wait3A_336 : memref<384x16xf32, #tpu.memory_space<vmem>>)
    %dma_start3A_340 = arith.constant 12 : i32
    %dma_start3A_341 = arith.constant 0 : i32
    %dma_start3A_342 = arith.constant 0 : i32
    %dma_start3A_343 = arith.constant 0 : i32
    %dma_start3A_344 = arith.constant 0 : i32
    %dma_start3A_345 = tpu.memref_slice %arg7[%dma_start3A_342, %dma_start3A_343, %dma_start3A_344] : memref<4x384x16xf32, #tpu.memory_space<vmem>> -> memref<1x128x16xf32, #tpu.memory_space<vmem>>
    %dma_start3A_346 = tpu.memref_squeeze %dma_start3A_345 : memref<1x128x16xf32, #tpu.memory_space<vmem>> -> memref<128x16xf32, #tpu.memory_space<vmem>>
    %dma_start3A_347 = arith.constant 0 : i32
    %dma_start3A_348 = tpu.memref_slice %arg6[%dma_start3A_340, %dma_start3A_341, %dma_start3A_347] : memref<79x2x128xi32, #tpu.memory_space<vmem>> -> memref<1x1x128xi32, #tpu.memory_space<vmem>>
    %dma_start3A_349 = tpu.memref_squeeze %dma_start3A_348 : memref<1x1x128xi32, #tpu.memory_space<vmem>> -> memref<128xi32, #tpu.memory_space<vmem>>
    %dma_start3A_350 = arith.constant 0 : i32
    %dma_start3A_351 = arith.constant 0 : i32
    %dma_start3A_352 = tpu.memref_slice %arg2[%dma_start3A_350, %dma_start3A_351] : memref<10000x16xf32, #tpu.memory_space<hbm>> -> memref<10000x16xf32, #tpu.memory_space<hbm>>
    tpu.enqueue_indirect_dma source(%dma_start3A_352 : memref<10000x16xf32, #tpu.memory_space<hbm>>) target(%dma_start3A_346 : memref<128x16xf32, #tpu.memory_space<vmem>>) offsets(%dma_start3A_349 : memref<128xi32, #tpu.memory_space<vmem>>) semaphore(%arg9 : memref<!tpu.dma_semaphore, #tpu.memory_space<semaphore_mem>>)
    %dma_start3A_353 = arith.constant 13 : i32
    %dma_start3A_354 = arith.constant 0 : i32
    %dma_start3A_355 = arith.constant 0 : i32
    %dma_start3A_356 = arith.constant 128 : i32
    %dma_start3A_357 = arith.constant 0 : i32
    %dma_start3A_358 = tpu.memref_slice %arg7[%dma_start3A_355, %dma_start3A_356, %dma_start3A_357] : memref<4x384x16xf32, #tpu.memory_space<vmem>> -> memref<1x128x16xf32, #tpu.memory_space<vmem>>
    %dma_start3A_359 = tpu.memref_squeeze %dma_start3A_358 : memref<1x128x16xf32, #tpu.memory_space<vmem>> -> memref<128x16xf32, #tpu.memory_space<vmem>>
    %dma_start3A_360 = arith.constant 0 : i32
    %dma_start3A_361 = tpu.memref_slice %arg6[%dma_start3A_353, %dma_start3A_354, %dma_start3A_360] : memref<79x2x128xi32, #tpu.memory_space<vmem>> -> memref<1x1x128xi32, #tpu.memory_space<vmem>>
    %dma_start3A_362 = tpu.memref_squeeze %dma_start3A_361 : memref<1x1x128xi32, #tpu.memory_space<vmem>> -> memref<128xi32, #tpu.memory_space<vmem>>
    %dma_start3A_363 = arith.constant 0 : i32
    %dma_start3A_364 = arith.constant 0 : i32
    %dma_start3A_365 = tpu.memref_slice %arg2[%dma_start3A_363, %dma_start3A_364] : memref<10000x16xf32, #tpu.memory_space<hbm>> -> memref<10000x16xf32, #tpu.memory_space<hbm>>
    tpu.enqueue_indirect_dma source(%dma_start3A_365 : memref<10000x16xf32, #tpu.memory_space<hbm>>) target(%dma_start3A_359 : memref<128x16xf32, #tpu.memory_space<vmem>>) offsets(%dma_start3A_362 : memref<128xi32, #tpu.memory_space<vmem>>) semaphore(%arg9 : memref<!tpu.dma_semaphore, #tpu.memory_space<semaphore_mem>>)
    %dma_start3A_366 = arith.constant 14 : i32
    %dma_start3A_367 = arith.constant 0 : i32
    %dma_start3A_368 = arith.constant 0 : i32
    %dma_start3A_369 = arith.constant 256 : i32
    %dma_start3A_370 = arith.constant 0 : i32
    %dma_start3A_371 = tpu.memref_slice %arg7[%dma_start3A_368, %dma_start3A_369, %dma_start3A_370] : memref<4x384x16xf32, #tpu.memory_space<vmem>> -> memref<1x128x16xf32, #tpu.memory_space<vmem>>
    %dma_start3A_372 = tpu.memref_squeeze %dma_start3A_371 : memref<1x128x16xf32, #tpu.memory_space<vmem>> -> memref<128x16xf32, #tpu.memory_space<vmem>>
    %dma_start3A_373 = arith.constant 0 : i32
    %dma_start3A_374 = tpu.memref_slice %arg6[%dma_start3A_366, %dma_start3A_367, %dma_start3A_373] : memref<79x2x128xi32, #tpu.memory_space<vmem>> -> memref<1x1x128xi32, #tpu.memory_space<vmem>>
    %dma_start3A_375 = tpu.memref_squeeze %dma_start3A_374 : memref<1x1x128xi32, #tpu.memory_space<vmem>> -> memref<128xi32, #tpu.memory_space<vmem>>
    %dma_start3A_376 = arith.constant 0 : i32
    %dma_start3A_377 = arith.constant 0 : i32
    %dma_start3A_378 = tpu.memref_slice %arg2[%dma_start3A_376, %dma_start3A_377] : memref<10000x16xf32, #tpu.memory_space<hbm>> -> memref<10000x16xf32, #tpu.memory_space<hbm>>
    tpu.enqueue_indirect_dma source(%dma_start3A_378 : memref<10000x16xf32, #tpu.memory_space<hbm>>) target(%dma_start3A_372 : memref<128x16xf32, #tpu.memory_space<vmem>>) offsets(%dma_start3A_375 : memref<128xi32, #tpu.memory_space<vmem>>) semaphore(%arg9 : memref<!tpu.dma_semaphore, #tpu.memory_space<semaphore_mem>>)
    %dma_wait3A_379 = arith.constant 3 : i32
    %dma_wait3A_380 = arith.constant 0 : i32
    %dma_wait3A_381 = arith.constant 0 : i32
    %dma_wait3A_382 = tpu.memref_slice %arg7[%dma_wait3A_379, %dma_wait3A_380, %dma_wait3A_381] : memref<4x384x16xf32, #tpu.memory_space<vmem>> -> memref<1x384x16xf32, #tpu.memory_space<vmem>>
    %dma_wait3A_383 = tpu.memref_squeeze %dma_wait3A_382 : memref<1x384x16xf32, #tpu.memory_space<vmem>> -> memref<384x16xf32, #tpu.memory_space<vmem>>
    %dma_wait3A_384 = arith.constant 0 : i32
    %dma_wait3A_385 = arith.constant 0 : i32
    %dma_wait3A_386 = tpu.memref_slice %arg2[%dma_wait3A_384, %dma_wait3A_385] : memref<10000x16xf32, #tpu.memory_space<hbm>> -> memref<384x16xf32, #tpu.memory_space<hbm>>
    %dma_wait3A_387 = arith.constant 0 : i32
    %dma_wait3A_388 = arith.constant 0 : i32
    %dma_wait3A_389 = tpu.memref_slice %arg7[%dma_wait3A_379, %dma_wait3A_387, %dma_wait3A_388] : memref<4x384x16xf32, #tpu.memory_space<vmem>> -> memref<1x384x16xf32, #tpu.memory_space<vmem>>
    %dma_wait3A_390 = tpu.memref_squeeze %dma_wait3A_389 : memref<1x384x16xf32, #tpu.memory_space<vmem>> -> memref<384x16xf32, #tpu.memory_space<vmem>>
    %dma_wait3A_391 = arith.constant 0 : i32
    %dma_wait3A_392 = arith.constant 0 : i32
    %dma_wait3A_393 = tpu.memref_slice %arg2[%dma_wait3A_391, %dma_wait3A_392] : memref<10000x16xf32, #tpu.memory_space<hbm>> -> memref<384x16xf32, #tpu.memory_space<hbm>>
    tpu.wait_dma2 semaphore(%arg12 : memref<!tpu.dma_semaphore, #tpu.memory_space<semaphore_mem>>) src(%dma_wait3A_393 : memref<384x16xf32, #tpu.memory_space<hbm>>) dst(%dma_wait3A_390 : memref<384x16xf32, #tpu.memory_space<vmem>>)
    %dma_start3A_394 = arith.constant 3 : i32
    %dma_start3A_395 = arith.constant 9 : i32
    %dma_start3A_396 = arith.constant 1 : i32
    %dma_start3A_397 = arith.constant 0 : i32
    %dma_start3A_398 = arith.constant 0 : i32
    %dma_start3A_399 = tpu.memref_slice %arg7[%dma_start3A_394, %dma_start3A_397, %dma_start3A_398] : memref<4x384x16xf32, #tpu.memory_space<vmem>> -> memref<1x128x16xf32, #tpu.memory_space<vmem>>
    %dma_start3A_400 = tpu.memref_squeeze %dma_start3A_399 : memref<1x128x16xf32, #tpu.memory_space<vmem>> -> memref<128x16xf32, #tpu.memory_space<vmem>>
    %dma_start3A_401 = arith.constant 0 : i32
    %dma_start3A_402 = tpu.memref_slice %arg6[%dma_start3A_395, %dma_start3A_396, %dma_start3A_401] : memref<79x2x128xi32, #tpu.memory_space<vmem>> -> memref<1x1x128xi32, #tpu.memory_space<vmem>>
    %dma_start3A_403 = tpu.memref_squeeze %dma_start3A_402 : memref<1x1x128xi32, #tpu.memory_space<vmem>> -> memref<128xi32, #tpu.memory_space<vmem>>
    %dma_start3A_404 = arith.constant 0 : i32
    %dma_start3A_405 = arith.constant 0 : i32
    %dma_start3A_406 = tpu.memref_slice %arg8[%dma_start3A_404, %dma_start3A_405] : memref<10112x16xf32, #tpu.memory_space<vmem_shared>> -> memref<10112x16xf32, #tpu.memory_space<vmem_shared>>
    tpu.enqueue_indirect_dma source(%dma_start3A_400 : memref<128x16xf32, #tpu.memory_space<vmem>>) target(%dma_start3A_406 : memref<10112x16xf32, #tpu.memory_space<vmem_shared>>) offsets(%dma_start3A_403 : memref<128xi32, #tpu.memory_space<vmem>>) semaphore(%arg16 : memref<!tpu.dma_semaphore, #tpu.memory_space<semaphore_mem>>) {add = true}
    %dma_start3A_407 = arith.constant 3 : i32
    %dma_start3A_408 = arith.constant 10 : i32
    %dma_start3A_409 = arith.constant 1 : i32
    %dma_start3A_410 = arith.constant 128 : i32
    %dma_start3A_411 = arith.constant 0 : i32
    %dma_start3A_412 = tpu.memref_slice %arg7[%dma_start3A_407, %dma_start3A_410, %dma_start3A_411] : memref<4x384x16xf32, #tpu.memory_space<vmem>> -> memref<1x128x16xf32, #tpu.memory_space<vmem>>
    %dma_start3A_413 = tpu.memref_squeeze %dma_start3A_412 : memref<1x128x16xf32, #tpu.memory_space<vmem>> -> memref<128x16xf32, #tpu.memory_space<vmem>>
    %dma_start3A_414 = arith.constant 0 : i32
    %dma_start3A_415 = tpu.memref_slice %arg6[%dma_start3A_408, %dma_start3A_409, %dma_start3A_414] : memref<79x2x128xi32, #tpu.memory_space<vmem>> -> memref<1x1x128xi32, #tpu.memory_space<vmem>>
    %dma_start3A_416 = tpu.memref_squeeze %dma_start3A_415 : memref<1x1x128xi32, #tpu.memory_space<vmem>> -> memref<128xi32, #tpu.memory_space<vmem>>
    %dma_start3A_417 = arith.constant 0 : i32
    %dma_start3A_418 = arith.constant 0 : i32
    %dma_start3A_419 = tpu.memref_slice %arg8[%dma_start3A_417, %dma_start3A_418] : memref<10112x16xf32, #tpu.memory_space<vmem_shared>> -> memref<10112x16xf32, #tpu.memory_space<vmem_shared>>
    tpu.enqueue_indirect_dma source(%dma_start3A_413 : memref<128x16xf32, #tpu.memory_space<vmem>>) target(%dma_start3A_419 : memref<10112x16xf32, #tpu.memory_space<vmem_shared>>) offsets(%dma_start3A_416 : memref<128xi32, #tpu.memory_space<vmem>>) semaphore(%arg16 : memref<!tpu.dma_semaphore, #tpu.memory_space<semaphore_mem>>) {add = true}
    %dma_start3A_420 = arith.constant 3 : i32
    %dma_start3A_421 = arith.constant 11 : i32
    %dma_start3A_422 = arith.constant 1 : i32
    %dma_start3A_423 = arith.constant 256 : i32
    %dma_start3A_424 = arith.constant 0 : i32
    %dma_start3A_425 = tpu.memref_slice %arg7[%dma_start3A_420, %dma_start3A_423, %dma_start3A_424] : memref<4x384x16xf32, #tpu.memory_space<vmem>> -> memref<1x128x16xf32, #tpu.memory_space<vmem>>
    %dma_start3A_426 = tpu.memref_squeeze %dma_start3A_425 : memref<1x128x16xf32, #tpu.memory_space<vmem>> -> memref<128x16xf32, #tpu.memory_space<vmem>>
    %dma_start3A_427 = arith.constant 0 : i32
    %dma_start3A_428 = tpu.memref_slice %arg6[%dma_start3A_421, %dma_start3A_422, %dma_start3A_427] : memref<79x2x128xi32, #tpu.memory_space<vmem>> -> memref<1x1x128xi32, #tpu.memory_space<vmem>>
    %dma_start3A_429 = tpu.memref_squeeze %dma_start3A_428 : memref<1x1x128xi32, #tpu.memory_space<vmem>> -> memref<128xi32, #tpu.memory_space<vmem>>
    %dma_start3A_430 = arith.constant 0 : i32
    %dma_start3A_431 = arith.constant 0 : i32
    %dma_start3A_432 = tpu.memref_slice %arg8[%dma_start3A_430, %dma_start3A_431] : memref<10112x16xf32, #tpu.memory_space<vmem_shared>> -> memref<10112x16xf32, #tpu.memory_space<vmem_shared>>
    tpu.enqueue_indirect_dma source(%dma_start3A_426 : memref<128x16xf32, #tpu.memory_space<vmem>>) target(%dma_start3A_432 : memref<10112x16xf32, #tpu.memory_space<vmem_shared>>) offsets(%dma_start3A_429 : memref<128xi32, #tpu.memory_space<vmem>>) semaphore(%arg16 : memref<!tpu.dma_semaphore, #tpu.memory_space<semaphore_mem>>) {add = true}
    %dma_wait3A_433 = arith.constant 1 : i32
    %dma_wait3A_434 = arith.constant 0 : i32
    %dma_wait3A_435 = arith.constant 0 : i32
    %dma_wait3A_436 = tpu.memref_slice %arg7[%dma_wait3A_433, %dma_wait3A_434, %dma_wait3A_435] : memref<4x384x16xf32, #tpu.memory_space<vmem>> -> memref<1x384x16xf32, #tpu.memory_space<vmem>>
    %dma_wait3A_437 = tpu.memref_squeeze %dma_wait3A_436 : memref<1x384x16xf32, #tpu.memory_space<vmem>> -> memref<384x16xf32, #tpu.memory_space<vmem>>
    %dma_wait3A_438 = arith.constant 0 : i32
    %dma_wait3A_439 = arith.constant 0 : i32
    %dma_wait3A_440 = tpu.memref_slice %arg2[%dma_wait3A_438, %dma_wait3A_439] : memref<10000x16xf32, #tpu.memory_space<hbm>> -> memref<384x16xf32, #tpu.memory_space<hbm>>
    %dma_wait3A_441 = arith.constant 0 : i32
    %dma_wait3A_442 = arith.constant 0 : i32
    %dma_wait3A_443 = tpu.memref_slice %arg7[%dma_wait3A_433, %dma_wait3A_441, %dma_wait3A_442] : memref<4x384x16xf32, #tpu.memory_space<vmem>> -> memref<1x384x16xf32, #tpu.memory_space<vmem>>
    %dma_wait3A_444 = tpu.memref_squeeze %dma_wait3A_443 : memref<1x384x16xf32, #tpu.memory_space<vmem>> -> memref<384x16xf32, #tpu.memory_space<vmem>>
    %dma_wait3A_445 = arith.constant 0 : i32
    %dma_wait3A_446 = arith.constant 0 : i32
    %dma_wait3A_447 = tpu.memref_slice %arg2[%dma_wait3A_445, %dma_wait3A_446] : memref<10000x16xf32, #tpu.memory_space<hbm>> -> memref<384x16xf32, #tpu.memory_space<hbm>>
    tpu.wait_dma2 semaphore(%arg14 : memref<!tpu.dma_semaphore, #tpu.memory_space<semaphore_mem>>) src(%dma_wait3A_447 : memref<384x16xf32, #tpu.memory_space<hbm>>) dst(%dma_wait3A_444 : memref<384x16xf32, #tpu.memory_space<vmem>>)
    %dma_start3A_448 = arith.constant 15 : i32
    %dma_start3A_449 = arith.constant 0 : i32
    %dma_start3A_450 = arith.constant 1 : i32
    %dma_start3A_451 = arith.constant 0 : i32
    %dma_start3A_452 = arith.constant 0 : i32
    %dma_start3A_453 = tpu.memref_slice %arg7[%dma_start3A_450, %dma_start3A_451, %dma_start3A_452] : memref<4x384x16xf32, #tpu.memory_space<vmem>> -> memref<1x128x16xf32, #tpu.memory_space<vmem>>
    %dma_start3A_454 = tpu.memref_squeeze %dma_start3A_453 : memref<1x128x16xf32, #tpu.memory_space<vmem>> -> memref<128x16xf32, #tpu.memory_space<vmem>>
    %dma_start3A_455 = arith.constant 0 : i32
    %dma_start3A_456 = tpu.memref_slice %arg6[%dma_start3A_448, %dma_start3A_449, %dma_start3A_455] : memref<79x2x128xi32, #tpu.memory_space<vmem>> -> memref<1x1x128xi32, #tpu.memory_space<vmem>>
    %dma_start3A_457 = tpu.memref_squeeze %dma_start3A_456 : memref<1x1x128xi32, #tpu.memory_space<vmem>> -> memref<128xi32, #tpu.memory_space<vmem>>
    %dma_start3A_458 = arith.constant 0 : i32
    %dma_start3A_459 = arith.constant 0 : i32
    %dma_start3A_460 = tpu.memref_slice %arg2[%dma_start3A_458, %dma_start3A_459] : memref<10000x16xf32, #tpu.memory_space<hbm>> -> memref<10000x16xf32, #tpu.memory_space<hbm>>
    tpu.enqueue_indirect_dma source(%dma_start3A_460 : memref<10000x16xf32, #tpu.memory_space<hbm>>) target(%dma_start3A_454 : memref<128x16xf32, #tpu.memory_space<vmem>>) offsets(%dma_start3A_457 : memref<128xi32, #tpu.memory_space<vmem>>) semaphore(%arg10 : memref<!tpu.dma_semaphore, #tpu.memory_space<semaphore_mem>>)
    %dma_start3A_461 = arith.constant 16 : i32
    %dma_start3A_462 = arith.constant 0 : i32
    %dma_start3A_463 = arith.constant 1 : i32
    %dma_start3A_464 = arith.constant 128 : i32
    %dma_start3A_465 = arith.constant 0 : i32
    %dma_start3A_466 = tpu.memref_slice %arg7[%dma_start3A_463, %dma_start3A_464, %dma_start3A_465] : memref<4x384x16xf32, #tpu.memory_space<vmem>> -> memref<1x128x16xf32, #tpu.memory_space<vmem>>
    %dma_start3A_467 = tpu.memref_squeeze %dma_start3A_466 : memref<1x128x16xf32, #tpu.memory_space<vmem>> -> memref<128x16xf32, #tpu.memory_space<vmem>>
    %dma_start3A_468 = arith.constant 0 : i32
    %dma_start3A_469 = tpu.memref_slice %arg6[%dma_start3A_461, %dma_start3A_462, %dma_start3A_468] : memref<79x2x128xi32, #tpu.memory_space<vmem>> -> memref<1x1x128xi32, #tpu.memory_space<vmem>>
    %dma_start3A_470 = tpu.memref_squeeze %dma_start3A_469 : memref<1x1x128xi32, #tpu.memory_space<vmem>> -> memref<128xi32, #tpu.memory_space<vmem>>
    %dma_start3A_471 = arith.constant 0 : i32
    %dma_start3A_472 = arith.constant 0 : i32
    %dma_start3A_473 = tpu.memref_slice %arg2[%dma_start3A_471, %dma_start3A_472] : memref<10000x16xf32, #tpu.memory_space<hbm>> -> memref<10000x16xf32, #tpu.memory_space<hbm>>
    tpu.enqueue_indirect_dma source(%dma_start3A_473 : memref<10000x16xf32, #tpu.memory_space<hbm>>) target(%dma_start3A_467 : memref<128x16xf32, #tpu.memory_space<vmem>>) offsets(%dma_start3A_470 : memref<128xi32, #tpu.memory_space<vmem>>) semaphore(%arg10 : memref<!tpu.dma_semaphore, #tpu.memory_space<semaphore_mem>>)
    %dma_start3A_474 = arith.constant 17 : i32
    %dma_start3A_475 = arith.constant 0 : i32
    %dma_start3A_476 = arith.constant 1 : i32
    %dma_start3A_477 = arith.constant 256 : i32
    %dma_start3A_478 = arith.constant 0 : i32
    %dma_start3A_479 = tpu.memref_slice %arg7[%dma_start3A_476, %dma_start3A_477, %dma_start3A_478] : memref<4x384x16xf32, #tpu.memory_space<vmem>> -> memref<1x128x16xf32, #tpu.memory_space<vmem>>
    %dma_start3A_480 = tpu.memref_squeeze %dma_start3A_479 : memref<1x128x16xf32, #tpu.memory_space<vmem>> -> memref<128x16xf32, #tpu.memory_space<vmem>>
    %dma_start3A_481 = arith.constant 0 : i32
    %dma_start3A_482 = tpu.memref_slice %arg6[%dma_start3A_474, %dma_start3A_475, %dma_start3A_481] : memref<79x2x128xi32, #tpu.memory_space<vmem>> -> memref<1x1x128xi32, #tpu.memory_space<vmem>>
    %dma_start3A_483 = tpu.memref_squeeze %dma_start3A_482 : memref<1x1x128xi32, #tpu.memory_space<vmem>> -> memref<128xi32, #tpu.memory_space<vmem>>
    %dma_start3A_484 = arith.constant 0 : i32
    %dma_start3A_485 = arith.constant 0 : i32
    %dma_start3A_486 = tpu.memref_slice %arg2[%dma_start3A_484, %dma_start3A_485] : memref<10000x16xf32, #tpu.memory_space<hbm>> -> memref<10000x16xf32, #tpu.memory_space<hbm>>
    tpu.enqueue_indirect_dma source(%dma_start3A_486 : memref<10000x16xf32, #tpu.memory_space<hbm>>) target(%dma_start3A_480 : memref<128x16xf32, #tpu.memory_space<vmem>>) offsets(%dma_start3A_483 : memref<128xi32, #tpu.memory_space<vmem>>) semaphore(%arg10 : memref<!tpu.dma_semaphore, #tpu.memory_space<semaphore_mem>>)
    %scan3A = arith.constant 0 : i32
    %scan3A_487 = arith.constant 1 : i32
    %scan3A_488 = arith.constant 5 : i32
    %scan3A_489 = arith.addi %scan3A_487, %scan3A_488 : i32
    %scan3A_490 = arith.constant 1 : i32
    scf.for %scan3A_668 = %scan3A_487 to %scan3A_489 step %scan3A_490  : i32 {
      %mul3A_669 = arith.constant 4 : i32
      %mul3A_670 = arith.muli %mul3A_669, %scan3A_668 : i32
      %dma_wait3A_671 = arith.constant 0 : i32
      %dma_wait3A_672 = arith.constant 0 : i32
      %dma_wait3A_673 = arith.constant 0 : i32
      %dma_wait3A_674 = tpu.memref_slice %arg7[%dma_wait3A_671, %dma_wait3A_672, %dma_wait3A_673] : memref<4x384x16xf32, #tpu.memory_space<vmem>> -> memref<1x384x16xf32, #tpu.memory_space<vmem>>
      %dma_wait3A_675 = tpu.memref_squeeze %dma_wait3A_674 : memref<1x384x16xf32, #tpu.memory_space<vmem>> -> memref<384x16xf32, #tpu.memory_space<vmem>>
      %dma_wait3A_676 = arith.constant 0 : i32
      %dma_wait3A_677 = arith.constant 0 : i32
      %dma_wait3A_678 = tpu.memref_slice %arg2[%dma_wait3A_676, %dma_wait3A_677] : memref<10000x16xf32, #tpu.memory_space<hbm>> -> memref<384x16xf32, #tpu.memory_space<hbm>>
      %dma_wait3A_679 = arith.constant 0 : i32
      %dma_wait3A_680 = arith.constant 0 : i32
      %dma_wait3A_681 = tpu.memref_slice %arg7[%dma_wait3A_671, %dma_wait3A_679, %dma_wait3A_680] : memref<4x384x16xf32, #tpu.memory_space<vmem>> -> memref<1x384x16xf32, #tpu.memory_space<vmem>>
      %dma_wait3A_682 = tpu.memref_squeeze %dma_wait3A_681 : memref<1x384x16xf32, #tpu.memory_space<vmem>> -> memref<384x16xf32, #tpu.memory_space<vmem>>
      %dma_wait3A_683 = arith.constant 0 : i32
      %dma_wait3A_684 = arith.constant 0 : i32
      %dma_wait3A_685 = tpu.memref_slice %arg2[%dma_wait3A_683, %dma_wait3A_684] : memref<10000x16xf32, #tpu.memory_space<hbm>> -> memref<384x16xf32, #tpu.memory_space<hbm>>
      tpu.wait_dma2 semaphore(%arg9 : memref<!tpu.dma_semaphore, #tpu.memory_space<semaphore_mem>>) src(%dma_wait3A_685 : memref<384x16xf32, #tpu.memory_space<hbm>>) dst(%dma_wait3A_682 : memref<384x16xf32, #tpu.memory_space<vmem>>)
      %add3A_686 = arith.constant 0 : i32
      %add3A_687 = arith.addi %mul3A_670, %add3A_686 : i32
      %mul3A_688 = arith.constant 3 : i32
      %mul3A_689 = arith.muli %add3A_687, %mul3A_688 : i32
      %add3A_690 = arith.constant 0 : i32
      %add3A_691 = arith.addi %mul3A_689, %add3A_690 : i32
      %dma_start3A_692 = arith.constant 0 : i32
      %dma_start3A_693 = arith.constant 1 : i32
      %dma_start3A_694 = arith.constant 0 : i32
      %dma_start3A_695 = arith.constant 0 : i32
      %dma_start3A_696 = tpu.memref_slice %arg7[%dma_start3A_692, %dma_start3A_694, %dma_start3A_695] : memref<4x384x16xf32, #tpu.memory_space<vmem>> -> memref<1x128x16xf32, #tpu.memory_space<vmem>>
      %dma_start3A_697 = tpu.memref_squeeze %dma_start3A_696 : memref<1x128x16xf32, #tpu.memory_space<vmem>> -> memref<128x16xf32, #tpu.memory_space<vmem>>
      %dma_start3A_698 = arith.constant 0 : i32
      %dma_start3A_699 = tpu.memref_slice %arg6[%add3A_691, %dma_start3A_693, %dma_start3A_698] : memref<79x2x128xi32, #tpu.memory_space<vmem>> -> memref<1x1x128xi32, #tpu.memory_space<vmem>>
      %dma_start3A_700 = tpu.memref_squeeze %dma_start3A_699 : memref<1x1x128xi32, #tpu.memory_space<vmem>> -> memref<128xi32, #tpu.memory_space<vmem>>
      %dma_start3A_701 = arith.constant 0 : i32
      %dma_start3A_702 = arith.constant 0 : i32
      %dma_start3A_703 = tpu.memref_slice %arg8[%dma_start3A_701, %dma_start3A_702] : memref<10112x16xf32, #tpu.memory_space<vmem_shared>> -> memref<10112x16xf32, #tpu.memory_space<vmem_shared>>
      tpu.enqueue_indirect_dma source(%dma_start3A_697 : memref<128x16xf32, #tpu.memory_space<vmem>>) target(%dma_start3A_703 : memref<10112x16xf32, #tpu.memory_space<vmem_shared>>) offsets(%dma_start3A_700 : memref<128xi32, #tpu.memory_space<vmem>>) semaphore(%arg13 : memref<!tpu.dma_semaphore, #tpu.memory_space<semaphore_mem>>) {add = true}
      %mul3A_704 = arith.constant 3 : i32
      %mul3A_705 = arith.muli %add3A_687, %mul3A_704 : i32
      %add3A_706 = arith.constant 1 : i32
      %add3A_707 = arith.addi %mul3A_705, %add3A_706 : i32
      %dma_start3A_708 = arith.constant 0 : i32
      %dma_start3A_709 = arith.constant 1 : i32
      %dma_start3A_710 = arith.constant 128 : i32
      %dma_start3A_711 = arith.constant 0 : i32
      %dma_start3A_712 = tpu.memref_slice %arg7[%dma_start3A_708, %dma_start3A_710, %dma_start3A_711] : memref<4x384x16xf32, #tpu.memory_space<vmem>> -> memref<1x128x16xf32, #tpu.memory_space<vmem>>
      %dma_start3A_713 = tpu.memref_squeeze %dma_start3A_712 : memref<1x128x16xf32, #tpu.memory_space<vmem>> -> memref<128x16xf32, #tpu.memory_space<vmem>>
      %dma_start3A_714 = arith.constant 0 : i32
      %dma_start3A_715 = tpu.memref_slice %arg6[%add3A_707, %dma_start3A_709, %dma_start3A_714] : memref<79x2x128xi32, #tpu.memory_space<vmem>> -> memref<1x1x128xi32, #tpu.memory_space<vmem>>
      %dma_start3A_716 = tpu.memref_squeeze %dma_start3A_715 : memref<1x1x128xi32, #tpu.memory_space<vmem>> -> memref<128xi32, #tpu.memory_space<vmem>>
      %dma_start3A_717 = arith.constant 0 : i32
      %dma_start3A_718 = arith.constant 0 : i32
      %dma_start3A_719 = tpu.memref_slice %arg8[%dma_start3A_717, %dma_start3A_718] : memref<10112x16xf32, #tpu.memory_space<vmem_shared>> -> memref<10112x16xf32, #tpu.memory_space<vmem_shared>>
      tpu.enqueue_indirect_dma source(%dma_start3A_713 : memref<128x16xf32, #tpu.memory_space<vmem>>) target(%dma_start3A_719 : memref<10112x16xf32, #tpu.memory_space<vmem_shared>>) offsets(%dma_start3A_716 : memref<128xi32, #tpu.memory_space<vmem>>) semaphore(%arg13 : memref<!tpu.dma_semaphore, #tpu.memory_space<semaphore_mem>>) {add = true}
      %mul3A_720 = arith.constant 3 : i32
      %mul3A_721 = arith.muli %add3A_687, %mul3A_720 : i32
      %add3A_722 = arith.constant 2 : i32
      %add3A_723 = arith.addi %mul3A_721, %add3A_722 : i32
      %dma_start3A_724 = arith.constant 0 : i32
      %dma_start3A_725 = arith.constant 1 : i32
      %dma_start3A_726 = arith.constant 256 : i32
      %dma_start3A_727 = arith.constant 0 : i32
      %dma_start3A_728 = tpu.memref_slice %arg7[%dma_start3A_724, %dma_start3A_726, %dma_start3A_727] : memref<4x384x16xf32, #tpu.memory_space<vmem>> -> memref<1x128x16xf32, #tpu.memory_space<vmem>>
      %dma_start3A_729 = tpu.memref_squeeze %dma_start3A_728 : memref<1x128x16xf32, #tpu.memory_space<vmem>> -> memref<128x16xf32, #tpu.memory_space<vmem>>
      %dma_start3A_730 = arith.constant 0 : i32
      %dma_start3A_731 = tpu.memref_slice %arg6[%add3A_723, %dma_start3A_725, %dma_start3A_730] : memref<79x2x128xi32, #tpu.memory_space<vmem>> -> memref<1x1x128xi32, #tpu.memory_space<vmem>>
      %dma_start3A_732 = tpu.memref_squeeze %dma_start3A_731 : memref<1x1x128xi32, #tpu.memory_space<vmem>> -> memref<128xi32, #tpu.memory_space<vmem>>
      %dma_start3A_733 = arith.constant 0 : i32
      %dma_start3A_734 = arith.constant 0 : i32
      %dma_start3A_735 = tpu.memref_slice %arg8[%dma_start3A_733, %dma_start3A_734] : memref<10112x16xf32, #tpu.memory_space<vmem_shared>> -> memref<10112x16xf32, #tpu.memory_space<vmem_shared>>
      tpu.enqueue_indirect_dma source(%dma_start3A_729 : memref<128x16xf32, #tpu.memory_space<vmem>>) target(%dma_start3A_735 : memref<10112x16xf32, #tpu.memory_space<vmem_shared>>) offsets(%dma_start3A_732 : memref<128xi32, #tpu.memory_space<vmem>>) semaphore(%arg13 : memref<!tpu.dma_semaphore, #tpu.memory_space<semaphore_mem>>) {add = true}
      %dma_wait3A_736 = arith.constant 2 : i32
      %dma_wait3A_737 = arith.constant 0 : i32
      %dma_wait3A_738 = arith.constant 0 : i32
      %dma_wait3A_739 = tpu.memref_slice %arg7[%dma_wait3A_736, %dma_wait3A_737, %dma_wait3A_738] : memref<4x384x16xf32, #tpu.memory_space<vmem>> -> memref<1x384x16xf32, #tpu.memory_space<vmem>>
      %dma_wait3A_740 = tpu.memref_squeeze %dma_wait3A_739 : memref<1x384x16xf32, #tpu.memory_space<vmem>> -> memref<384x16xf32, #tpu.memory_space<vmem>>
      %dma_wait3A_741 = arith.constant 0 : i32
      %dma_wait3A_742 = arith.constant 0 : i32
      %dma_wait3A_743 = tpu.memref_slice %arg2[%dma_wait3A_741, %dma_wait3A_742] : memref<10000x16xf32, #tpu.memory_space<hbm>> -> memref<384x16xf32, #tpu.memory_space<hbm>>
      %dma_wait3A_744 = arith.constant 0 : i32
      %dma_wait3A_745 = arith.constant 0 : i32
      %dma_wait3A_746 = tpu.memref_slice %arg7[%dma_wait3A_736, %dma_wait3A_744, %dma_wait3A_745] : memref<4x384x16xf32, #tpu.memory_space<vmem>> -> memref<1x384x16xf32, #tpu.memory_space<vmem>>
      %dma_wait3A_747 = tpu.memref_squeeze %dma_wait3A_746 : memref<1x384x16xf32, #tpu.memory_space<vmem>> -> memref<384x16xf32, #tpu.memory_space<vmem>>
      %dma_wait3A_748 = arith.constant 0 : i32
      %dma_wait3A_749 = arith.constant 0 : i32
      %dma_wait3A_750 = tpu.memref_slice %arg2[%dma_wait3A_748, %dma_wait3A_749] : memref<10000x16xf32, #tpu.memory_space<hbm>> -> memref<384x16xf32, #tpu.memory_space<hbm>>
      tpu.wait_dma2 semaphore(%arg15 : memref<!tpu.dma_semaphore, #tpu.memory_space<semaphore_mem>>) src(%dma_wait3A_750 : memref<384x16xf32, #tpu.memory_space<hbm>>) dst(%dma_wait3A_747 : memref<384x16xf32, #tpu.memory_space<vmem>>)
      %add3A_751 = arith.constant 0 : i32
      %add3A_752 = arith.addi %mul3A_670, %add3A_751 : i32
      %add3A_753 = arith.constant 2 : i32
      %add3A_754 = arith.addi %add3A_752, %add3A_753 : i32
      %mul3A_755 = arith.constant 3 : i32
      %mul3A_756 = arith.muli %add3A_754, %mul3A_755 : i32
      %add3A_757 = arith.constant 0 : i32
      %add3A_758 = arith.addi %mul3A_756, %add3A_757 : i32
      %dma_start3A_759 = arith.constant 0 : i32
      %dma_start3A_760 = arith.constant 2 : i32
      %dma_start3A_761 = arith.constant 0 : i32
      %dma_start3A_762 = arith.constant 0 : i32
      %dma_start3A_763 = tpu.memref_slice %arg7[%dma_start3A_760, %dma_start3A_761, %dma_start3A_762] : memref<4x384x16xf32, #tpu.memory_space<vmem>> -> memref<1x128x16xf32, #tpu.memory_space<vmem>>
      %dma_start3A_764 = tpu.memref_squeeze %dma_start3A_763 : memref<1x128x16xf32, #tpu.memory_space<vmem>> -> memref<128x16xf32, #tpu.memory_space<vmem>>
      %dma_start3A_765 = arith.constant 0 : i32
      %dma_start3A_766 = tpu.memref_slice %arg6[%add3A_758, %dma_start3A_759, %dma_start3A_765] : memref<79x2x128xi32, #tpu.memory_space<vmem>> -> memref<1x1x128xi32, #tpu.memory_space<vmem>>
      %dma_start3A_767 = tpu.memref_squeeze %dma_start3A_766 : memref<1x1x128xi32, #tpu.memory_space<vmem>> -> memref<128xi32, #tpu.memory_space<vmem>>
      %dma_start3A_768 = arith.constant 0 : i32
      %dma_start3A_769 = arith.constant 0 : i32
      %dma_start3A_770 = tpu.memref_slice %arg2[%dma_start3A_768, %dma_start3A_769] : memref<10000x16xf32, #tpu.memory_space<hbm>> -> memref<10000x16xf32, #tpu.memory_space<hbm>>
      tpu.enqueue_indirect_dma source(%dma_start3A_770 : memref<10000x16xf32, #tpu.memory_space<hbm>>) target(%dma_start3A_764 : memref<128x16xf32, #tpu.memory_space<vmem>>) offsets(%dma_start3A_767 : memref<128xi32, #tpu.memory_space<vmem>>) semaphore(%arg11 : memref<!tpu.dma_semaphore, #tpu.memory_space<semaphore_mem>>)
      %mul3A_771 = arith.constant 3 : i32
      %mul3A_772 = arith.muli %add3A_754, %mul3A_771 : i32
      %add3A_773 = arith.constant 1 : i32
      %add3A_774 = arith.addi %mul3A_772, %add3A_773 : i32
      %dma_start3A_775 = arith.constant 0 : i32
      %dma_start3A_776 = arith.constant 2 : i32
      %dma_start3A_777 = arith.constant 128 : i32
      %dma_start3A_778 = arith.constant 0 : i32
      %dma_start3A_779 = tpu.memref_slice %arg7[%dma_start3A_776, %dma_start3A_777, %dma_start3A_778] : memref<4x384x16xf32, #tpu.memory_space<vmem>> -> memref<1x128x16xf32, #tpu.memory_space<vmem>>
      %dma_start3A_780 = tpu.memref_squeeze %dma_start3A_779 : memref<1x128x16xf32, #tpu.memory_space<vmem>> -> memref<128x16xf32, #tpu.memory_space<vmem>>
      %dma_start3A_781 = arith.constant 0 : i32
      %dma_start3A_782 = tpu.memref_slice %arg6[%add3A_774, %dma_start3A_775, %dma_start3A_781] : memref<79x2x128xi32, #tpu.memory_space<vmem>> -> memref<1x1x128xi32, #tpu.memory_space<vmem>>
      %dma_start3A_783 = tpu.memref_squeeze %dma_start3A_782 : memref<1x1x128xi32, #tpu.memory_space<vmem>> -> memref<128xi32, #tpu.memory_space<vmem>>
      %dma_start3A_784 = arith.constant 0 : i32
      %dma_start3A_785 = arith.constant 0 : i32
      %dma_start3A_786 = tpu.memref_slice %arg2[%dma_start3A_784, %dma_start3A_785] : memref<10000x16xf32, #tpu.memory_space<hbm>> -> memref<10000x16xf32, #tpu.memory_space<hbm>>
      tpu.enqueue_indirect_dma source(%dma_start3A_786 : memref<10000x16xf32, #tpu.memory_space<hbm>>) target(%dma_start3A_780 : memref<128x16xf32, #tpu.memory_space<vmem>>) offsets(%dma_start3A_783 : memref<128xi32, #tpu.memory_space<vmem>>) semaphore(%arg11 : memref<!tpu.dma_semaphore, #tpu.memory_space<semaphore_mem>>)
      %mul3A_787 = arith.constant 3 : i32
      %mul3A_788 = arith.muli %add3A_754, %mul3A_787 : i32
      %add3A_789 = arith.constant 2 : i32
      %add3A_790 = arith.addi %mul3A_788, %add3A_789 : i32
      %dma_start3A_791 = arith.constant 0 : i32
      %dma_start3A_792 = arith.constant 2 : i32
      %dma_start3A_793 = arith.constant 256 : i32
      %dma_start3A_794 = arith.constant 0 : i32
      %dma_start3A_795 = tpu.memref_slice %arg7[%dma_start3A_792, %dma_start3A_793, %dma_start3A_794] : memref<4x384x16xf32, #tpu.memory_space<vmem>> -> memref<1x128x16xf32, #tpu.memory_space<vmem>>
      %dma_start3A_796 = tpu.memref_squeeze %dma_start3A_795 : memref<1x128x16xf32, #tpu.memory_space<vmem>> -> memref<128x16xf32, #tpu.memory_space<vmem>>
      %dma_start3A_797 = arith.constant 0 : i32
      %dma_start3A_798 = tpu.memref_slice %arg6[%add3A_790, %dma_start3A_791, %dma_start3A_797] : memref<79x2x128xi32, #tpu.memory_space<vmem>> -> memref<1x1x128xi32, #tpu.memory_space<vmem>>
      %dma_start3A_799 = tpu.memref_squeeze %dma_start3A_798 : memref<1x1x128xi32, #tpu.memory_space<vmem>> -> memref<128xi32, #tpu.memory_space<vmem>>
      %dma_start3A_800 = arith.constant 0 : i32
      %dma_start3A_801 = arith.constant 0 : i32
      %dma_start3A_802 = tpu.memref_slice %arg2[%dma_start3A_800, %dma_start3A_801] : memref<10000x16xf32, #tpu.memory_space<hbm>> -> memref<10000x16xf32, #tpu.memory_space<hbm>>
      tpu.enqueue_indirect_dma source(%dma_start3A_802 : memref<10000x16xf32, #tpu.memory_space<hbm>>) target(%dma_start3A_796 : memref<128x16xf32, #tpu.memory_space<vmem>>) offsets(%dma_start3A_799 : memref<128xi32, #tpu.memory_space<vmem>>) semaphore(%arg11 : memref<!tpu.dma_semaphore, #tpu.memory_space<semaphore_mem>>)
      %dma_wait3A_803 = arith.constant 1 : i32
      %dma_wait3A_804 = arith.constant 0 : i32
      %dma_wait3A_805 = arith.constant 0 : i32
      %dma_wait3A_806 = tpu.memref_slice %arg7[%dma_wait3A_803, %dma_wait3A_804, %dma_wait3A_805] : memref<4x384x16xf32, #tpu.memory_space<vmem>> -> memref<1x384x16xf32, #tpu.memory_space<vmem>>
      %dma_wait3A_807 = tpu.memref_squeeze %dma_wait3A_806 : memref<1x384x16xf32, #tpu.memory_space<vmem>> -> memref<384x16xf32, #tpu.memory_space<vmem>>
      %dma_wait3A_808 = arith.constant 0 : i32
      %dma_wait3A_809 = arith.constant 0 : i32
      %dma_wait3A_810 = tpu.memref_slice %arg2[%dma_wait3A_808, %dma_wait3A_809] : memref<10000x16xf32, #tpu.memory_space<hbm>> -> memref<384x16xf32, #tpu.memory_space<hbm>>
      %dma_wait3A_811 = arith.constant 0 : i32
      %dma_wait3A_812 = arith.constant 0 : i32
      %dma_wait3A_813 = tpu.memref_slice %arg7[%dma_wait3A_803, %dma_wait3A_811, %dma_wait3A_812] : memref<4x384x16xf32, #tpu.memory_space<vmem>> -> memref<1x384x16xf32, #tpu.memory_space<vmem>>
      %dma_wait3A_814 = tpu.memref_squeeze %dma_wait3A_813 : memref<1x384x16xf32, #tpu.memory_space<vmem>> -> memref<384x16xf32, #tpu.memory_space<vmem>>
      %dma_wait3A_815 = arith.constant 0 : i32
      %dma_wait3A_816 = arith.constant 0 : i32
      %dma_wait3A_817 = tpu.memref_slice %arg2[%dma_wait3A_815, %dma_wait3A_816] : memref<10000x16xf32, #tpu.memory_space<hbm>> -> memref<384x16xf32, #tpu.memory_space<hbm>>
      tpu.wait_dma2 semaphore(%arg10 : memref<!tpu.dma_semaphore, #tpu.memory_space<semaphore_mem>>) src(%dma_wait3A_817 : memref<384x16xf32, #tpu.memory_space<hbm>>) dst(%dma_wait3A_814 : memref<384x16xf32, #tpu.memory_space<vmem>>)
      %add3A_818 = arith.constant 1 : i32
      %add3A_819 = arith.addi %mul3A_670, %add3A_818 : i32
      %mul3A_820 = arith.constant 3 : i32
      %mul3A_821 = arith.muli %add3A_819, %mul3A_820 : i32
      %add3A_822 = arith.constant 0 : i32
      %add3A_823 = arith.addi %mul3A_821, %add3A_822 : i32
      %dma_start3A_824 = arith.constant 1 : i32
      %dma_start3A_825 = arith.constant 1 : i32
      %dma_start3A_826 = arith.constant 0 : i32
      %dma_start3A_827 = arith.constant 0 : i32
      %dma_start3A_828 = tpu.memref_slice %arg7[%dma_start3A_824, %dma_start3A_826, %dma_start3A_827] : memref<4x384x16xf32, #tpu.memory_space<vmem>> -> memref<1x128x16xf32, #tpu.memory_space<vmem>>
      %dma_start3A_829 = tpu.memref_squeeze %dma_start3A_828 : memref<1x128x16xf32, #tpu.memory_space<vmem>> -> memref<128x16xf32, #tpu.memory_space<vmem>>
      %dma_start3A_830 = arith.constant 0 : i32
      %dma_start3A_831 = tpu.memref_slice %arg6[%add3A_823, %dma_start3A_825, %dma_start3A_830] : memref<79x2x128xi32, #tpu.memory_space<vmem>> -> memref<1x1x128xi32, #tpu.memory_space<vmem>>
      %dma_start3A_832 = tpu.memref_squeeze %dma_start3A_831 : memref<1x1x128xi32, #tpu.memory_space<vmem>> -> memref<128xi32, #tpu.memory_space<vmem>>
      %dma_start3A_833 = arith.constant 0 : i32
      %dma_start3A_834 = arith.constant 0 : i32
      %dma_start3A_835 = tpu.memref_slice %arg8[%dma_start3A_833, %dma_start3A_834] : memref<10112x16xf32, #tpu.memory_space<vmem_shared>> -> memref<10112x16xf32, #tpu.memory_space<vmem_shared>>
      tpu.enqueue_indirect_dma source(%dma_start3A_829 : memref<128x16xf32, #tpu.memory_space<vmem>>) target(%dma_start3A_835 : memref<10112x16xf32, #tpu.memory_space<vmem_shared>>) offsets(%dma_start3A_832 : memref<128xi32, #tpu.memory_space<vmem>>) semaphore(%arg14 : memref<!tpu.dma_semaphore, #tpu.memory_space<semaphore_mem>>) {add = true}
      %mul3A_836 = arith.constant 3 : i32
      %mul3A_837 = arith.muli %add3A_819, %mul3A_836 : i32
      %add3A_838 = arith.constant 1 : i32
      %add3A_839 = arith.addi %mul3A_837, %add3A_838 : i32
      %dma_start3A_840 = arith.constant 1 : i32
      %dma_start3A_841 = arith.constant 1 : i32
      %dma_start3A_842 = arith.constant 128 : i32
      %dma_start3A_843 = arith.constant 0 : i32
      %dma_start3A_844 = tpu.memref_slice %arg7[%dma_start3A_840, %dma_start3A_842, %dma_start3A_843] : memref<4x384x16xf32, #tpu.memory_space<vmem>> -> memref<1x128x16xf32, #tpu.memory_space<vmem>>
      %dma_start3A_845 = tpu.memref_squeeze %dma_start3A_844 : memref<1x128x16xf32, #tpu.memory_space<vmem>> -> memref<128x16xf32, #tpu.memory_space<vmem>>
      %dma_start3A_846 = arith.constant 0 : i32
      %dma_start3A_847 = tpu.memref_slice %arg6[%add3A_839, %dma_start3A_841, %dma_start3A_846] : memref<79x2x128xi32, #tpu.memory_space<vmem>> -> memref<1x1x128xi32, #tpu.memory_space<vmem>>
      %dma_start3A_848 = tpu.memref_squeeze %dma_start3A_847 : memref<1x1x128xi32, #tpu.memory_space<vmem>> -> memref<128xi32, #tpu.memory_space<vmem>>
      %dma_start3A_849 = arith.constant 0 : i32
      %dma_start3A_850 = arith.constant 0 : i32
      %dma_start3A_851 = tpu.memref_slice %arg8[%dma_start3A_849, %dma_start3A_850] : memref<10112x16xf32, #tpu.memory_space<vmem_shared>> -> memref<10112x16xf32, #tpu.memory_space<vmem_shared>>
      tpu.enqueue_indirect_dma source(%dma_start3A_845 : memref<128x16xf32, #tpu.memory_space<vmem>>) target(%dma_start3A_851 : memref<10112x16xf32, #tpu.memory_space<vmem_shared>>) offsets(%dma_start3A_848 : memref<128xi32, #tpu.memory_space<vmem>>) semaphore(%arg14 : memref<!tpu.dma_semaphore, #tpu.memory_space<semaphore_mem>>) {add = true}
      %mul3A_852 = arith.constant 3 : i32
      %mul3A_853 = arith.muli %add3A_819, %mul3A_852 : i32
      %add3A_854 = arith.constant 2 : i32
      %add3A_855 = arith.addi %mul3A_853, %add3A_854 : i32
      %dma_start3A_856 = arith.constant 1 : i32
      %dma_start3A_857 = arith.constant 1 : i32
      %dma_start3A_858 = arith.constant 256 : i32
      %dma_start3A_859 = arith.constant 0 : i32
      %dma_start3A_860 = tpu.memref_slice %arg7[%dma_start3A_856, %dma_start3A_858, %dma_start3A_859] : memref<4x384x16xf32, #tpu.memory_space<vmem>> -> memref<1x128x16xf32, #tpu.memory_space<vmem>>
      %dma_start3A_861 = tpu.memref_squeeze %dma_start3A_860 : memref<1x128x16xf32, #tpu.memory_space<vmem>> -> memref<128x16xf32, #tpu.memory_space<vmem>>
      %dma_start3A_862 = arith.constant 0 : i32
      %dma_start3A_863 = tpu.memref_slice %arg6[%add3A_855, %dma_start3A_857, %dma_start3A_862] : memref<79x2x128xi32, #tpu.memory_space<vmem>> -> memref<1x1x128xi32, #tpu.memory_space<vmem>>
      %dma_start3A_864 = tpu.memref_squeeze %dma_start3A_863 : memref<1x1x128xi32, #tpu.memory_space<vmem>> -> memref<128xi32, #tpu.memory_space<vmem>>
      %dma_start3A_865 = arith.constant 0 : i32
      %dma_start3A_866 = arith.constant 0 : i32
      %dma_start3A_867 = tpu.memref_slice %arg8[%dma_start3A_865, %dma_start3A_866] : memref<10112x16xf32, #tpu.memory_space<vmem_shared>> -> memref<10112x16xf32, #tpu.memory_space<vmem_shared>>
      tpu.enqueue_indirect_dma source(%dma_start3A_861 : memref<128x16xf32, #tpu.memory_space<vmem>>) target(%dma_start3A_867 : memref<10112x16xf32, #tpu.memory_space<vmem_shared>>) offsets(%dma_start3A_864 : memref<128xi32, #tpu.memory_space<vmem>>) semaphore(%arg14 : memref<!tpu.dma_semaphore, #tpu.memory_space<semaphore_mem>>) {add = true}
      %dma_wait3A_868 = arith.constant 3 : i32
      %dma_wait3A_869 = arith.constant 0 : i32
      %dma_wait3A_870 = arith.constant 0 : i32
      %dma_wait3A_871 = tpu.memref_slice %arg7[%dma_wait3A_868, %dma_wait3A_869, %dma_wait3A_870] : memref<4x384x16xf32, #tpu.memory_space<vmem>> -> memref<1x384x16xf32, #tpu.memory_space<vmem>>
      %dma_wait3A_872 = tpu.memref_squeeze %dma_wait3A_871 : memref<1x384x16xf32, #tpu.memory_space<vmem>> -> memref<384x16xf32, #tpu.memory_space<vmem>>
      %dma_wait3A_873 = arith.constant 0 : i32
      %dma_wait3A_874 = arith.constant 0 : i32
      %dma_wait3A_875 = tpu.memref_slice %arg2[%dma_wait3A_873, %dma_wait3A_874] : memref<10000x16xf32, #tpu.memory_space<hbm>> -> memref<384x16xf32, #tpu.memory_space<hbm>>
      %dma_wait3A_876 = arith.constant 0 : i32
      %dma_wait3A_877 = arith.constant 0 : i32
      %dma_wait3A_878 = tpu.memref_slice %arg7[%dma_wait3A_868, %dma_wait3A_876, %dma_wait3A_877] : memref<4x384x16xf32, #tpu.memory_space<vmem>> -> memref<1x384x16xf32, #tpu.memory_space<vmem>>
      %dma_wait3A_879 = tpu.memref_squeeze %dma_wait3A_878 : memref<1x384x16xf32, #tpu.memory_space<vmem>> -> memref<384x16xf32, #tpu.memory_space<vmem>>
      %dma_wait3A_880 = arith.constant 0 : i32
      %dma_wait3A_881 = arith.constant 0 : i32
      %dma_wait3A_882 = tpu.memref_slice %arg2[%dma_wait3A_880, %dma_wait3A_881] : memref<10000x16xf32, #tpu.memory_space<hbm>> -> memref<384x16xf32, #tpu.memory_space<hbm>>
      tpu.wait_dma2 semaphore(%arg16 : memref<!tpu.dma_semaphore, #tpu.memory_space<semaphore_mem>>) src(%dma_wait3A_882 : memref<384x16xf32, #tpu.memory_space<hbm>>) dst(%dma_wait3A_879 : memref<384x16xf32, #tpu.memory_space<vmem>>)
      %add3A_883 = arith.constant 1 : i32
      %add3A_884 = arith.addi %mul3A_670, %add3A_883 : i32
      %add3A_885 = arith.constant 2 : i32
      %add3A_886 = arith.addi %add3A_884, %add3A_885 : i32
      %mul3A_887 = arith.constant 3 : i32
      %mul3A_888 = arith.muli %add3A_886, %mul3A_887 : i32
      %add3A_889 = arith.constant 0 : i32
      %add3A_890 = arith.addi %mul3A_888, %add3A_889 : i32
      %dma_start3A_891 = arith.constant 0 : i32
      %dma_start3A_892 = arith.constant 3 : i32
      %dma_start3A_893 = arith.constant 0 : i32
      %dma_start3A_894 = arith.constant 0 : i32
      %dma_start3A_895 = tpu.memref_slice %arg7[%dma_start3A_892, %dma_start3A_893, %dma_start3A_894] : memref<4x384x16xf32, #tpu.memory_space<vmem>> -> memref<1x128x16xf32, #tpu.memory_space<vmem>>
      %dma_start3A_896 = tpu.memref_squeeze %dma_start3A_895 : memref<1x128x16xf32, #tpu.memory_space<vmem>> -> memref<128x16xf32, #tpu.memory_space<vmem>>
      %dma_start3A_897 = arith.constant 0 : i32
      %dma_start3A_898 = tpu.memref_slice %arg6[%add3A_890, %dma_start3A_891, %dma_start3A_897] : memref<79x2x128xi32, #tpu.memory_space<vmem>> -> memref<1x1x128xi32, #tpu.memory_space<vmem>>
      %dma_start3A_899 = tpu.memref_squeeze %dma_start3A_898 : memref<1x1x128xi32, #tpu.memory_space<vmem>> -> memref<128xi32, #tpu.memory_space<vmem>>
      %dma_start3A_900 = arith.constant 0 : i32
      %dma_start3A_901 = arith.constant 0 : i32
      %dma_start3A_902 = tpu.memref_slice %arg2[%dma_start3A_900, %dma_start3A_901] : memref<10000x16xf32, #tpu.memory_space<hbm>> -> memref<10000x16xf32, #tpu.memory_space<hbm>>
      tpu.enqueue_indirect_dma source(%dma_start3A_902 : memref<10000x16xf32, #tpu.memory_space<hbm>>) target(%dma_start3A_896 : memref<128x16xf32, #tpu.memory_space<vmem>>) offsets(%dma_start3A_899 : memref<128xi32, #tpu.memory_space<vmem>>) semaphore(%arg12 : memref<!tpu.dma_semaphore, #tpu.memory_space<semaphore_mem>>)
      %mul3A_903 = arith.constant 3 : i32
      %mul3A_904 = arith.muli %add3A_886, %mul3A_903 : i32
      %add3A_905 = arith.constant 1 : i32
      %add3A_906 = arith.addi %mul3A_904, %add3A_905 : i32
      %dma_start3A_907 = arith.constant 0 : i32
      %dma_start3A_908 = arith.constant 3 : i32
      %dma_start3A_909 = arith.constant 128 : i32
      %dma_start3A_910 = arith.constant 0 : i32
      %dma_start3A_911 = tpu.memref_slice %arg7[%dma_start3A_908, %dma_start3A_909, %dma_start3A_910] : memref<4x384x16xf32, #tpu.memory_space<vmem>> -> memref<1x128x16xf32, #tpu.memory_space<vmem>>
      %dma_start3A_912 = tpu.memref_squeeze %dma_start3A_911 : memref<1x128x16xf32, #tpu.memory_space<vmem>> -> memref<128x16xf32, #tpu.memory_space<vmem>>
      %dma_start3A_913 = arith.constant 0 : i32
      %dma_start3A_914 = tpu.memref_slice %arg6[%add3A_906, %dma_start3A_907, %dma_start3A_913] : memref<79x2x128xi32, #tpu.memory_space<vmem>> -> memref<1x1x128xi32, #tpu.memory_space<vmem>>
      %dma_start3A_915 = tpu.memref_squeeze %dma_start3A_914 : memref<1x1x128xi32, #tpu.memory_space<vmem>> -> memref<128xi32, #tpu.memory_space<vmem>>
      %dma_start3A_916 = arith.constant 0 : i32
      %dma_start3A_917 = arith.constant 0 : i32
      %dma_start3A_918 = tpu.memref_slice %arg2[%dma_start3A_916, %dma_start3A_917] : memref<10000x16xf32, #tpu.memory_space<hbm>> -> memref<10000x16xf32, #tpu.memory_space<hbm>>
      tpu.enqueue_indirect_dma source(%dma_start3A_918 : memref<10000x16xf32, #tpu.memory_space<hbm>>) target(%dma_start3A_912 : memref<128x16xf32, #tpu.memory_space<vmem>>) offsets(%dma_start3A_915 : memref<128xi32, #tpu.memory_space<vmem>>) semaphore(%arg12 : memref<!tpu.dma_semaphore, #tpu.memory_space<semaphore_mem>>)
      %mul3A_919 = arith.constant 3 : i32
      %mul3A_920 = arith.muli %add3A_886, %mul3A_919 : i32
      %add3A_921 = arith.constant 2 : i32
      %add3A_922 = arith.addi %mul3A_920, %add3A_921 : i32
      %dma_start3A_923 = arith.constant 0 : i32
      %dma_start3A_924 = arith.constant 3 : i32
      %dma_start3A_925 = arith.constant 256 : i32
      %dma_start3A_926 = arith.constant 0 : i32
      %dma_start3A_927 = tpu.memref_slice %arg7[%dma_start3A_924, %dma_start3A_925, %dma_start3A_926] : memref<4x384x16xf32, #tpu.memory_space<vmem>> -> memref<1x128x16xf32, #tpu.memory_space<vmem>>
      %dma_start3A_928 = tpu.memref_squeeze %dma_start3A_927 : memref<1x128x16xf32, #tpu.memory_space<vmem>> -> memref<128x16xf32, #tpu.memory_space<vmem>>
      %dma_start3A_929 = arith.constant 0 : i32
      %dma_start3A_930 = tpu.memref_slice %arg6[%add3A_922, %dma_start3A_923, %dma_start3A_929] : memref<79x2x128xi32, #tpu.memory_space<vmem>> -> memref<1x1x128xi32, #tpu.memory_space<vmem>>
      %dma_start3A_931 = tpu.memref_squeeze %dma_start3A_930 : memref<1x1x128xi32, #tpu.memory_space<vmem>> -> memref<128xi32, #tpu.memory_space<vmem>>
      %dma_start3A_932 = arith.constant 0 : i32
      %dma_start3A_933 = arith.constant 0 : i32
      %dma_start3A_934 = tpu.memref_slice %arg2[%dma_start3A_932, %dma_start3A_933] : memref<10000x16xf32, #tpu.memory_space<hbm>> -> memref<10000x16xf32, #tpu.memory_space<hbm>>
      tpu.enqueue_indirect_dma source(%dma_start3A_934 : memref<10000x16xf32, #tpu.memory_space<hbm>>) target(%dma_start3A_928 : memref<128x16xf32, #tpu.memory_space<vmem>>) offsets(%dma_start3A_931 : memref<128xi32, #tpu.memory_space<vmem>>) semaphore(%arg12 : memref<!tpu.dma_semaphore, #tpu.memory_space<semaphore_mem>>)
      %dma_wait3A_935 = arith.constant 2 : i32
      %dma_wait3A_936 = arith.constant 0 : i32
      %dma_wait3A_937 = arith.constant 0 : i32
      %dma_wait3A_938 = tpu.memref_slice %arg7[%dma_wait3A_935, %dma_wait3A_936, %dma_wait3A_937] : memref<4x384x16xf32, #tpu.memory_space<vmem>> -> memref<1x384x16xf32, #tpu.memory_space<vmem>>
      %dma_wait3A_939 = tpu.memref_squeeze %dma_wait3A_938 : memref<1x384x16xf32, #tpu.memory_space<vmem>> -> memref<384x16xf32, #tpu.memory_space<vmem>>
      %dma_wait3A_940 = arith.constant 0 : i32
      %dma_wait3A_941 = arith.constant 0 : i32
      %dma_wait3A_942 = tpu.memref_slice %arg2[%dma_wait3A_940, %dma_wait3A_941] : memref<10000x16xf32, #tpu.memory_space<hbm>> -> memref<384x16xf32, #tpu.memory_space<hbm>>
      %dma_wait3A_943 = arith.constant 0 : i32
      %dma_wait3A_944 = arith.constant 0 : i32
      %dma_wait3A_945 = tpu.memref_slice %arg7[%dma_wait3A_935, %dma_wait3A_943, %dma_wait3A_944] : memref<4x384x16xf32, #tpu.memory_space<vmem>> -> memref<1x384x16xf32, #tpu.memory_space<vmem>>
      %dma_wait3A_946 = tpu.memref_squeeze %dma_wait3A_945 : memref<1x384x16xf32, #tpu.memory_space<vmem>> -> memref<384x16xf32, #tpu.memory_space<vmem>>
      %dma_wait3A_947 = arith.constant 0 : i32
      %dma_wait3A_948 = arith.constant 0 : i32
      %dma_wait3A_949 = tpu.memref_slice %arg2[%dma_wait3A_947, %dma_wait3A_948] : memref<10000x16xf32, #tpu.memory_space<hbm>> -> memref<384x16xf32, #tpu.memory_space<hbm>>
      tpu.wait_dma2 semaphore(%arg11 : memref<!tpu.dma_semaphore, #tpu.memory_space<semaphore_mem>>) src(%dma_wait3A_949 : memref<384x16xf32, #tpu.memory_space<hbm>>) dst(%dma_wait3A_946 : memref<384x16xf32, #tpu.memory_space<vmem>>)
      %add3A_950 = arith.constant 2 : i32
      %add3A_951 = arith.addi %mul3A_670, %add3A_950 : i32
      %mul3A_952 = arith.constant 3 : i32
      %mul3A_953 = arith.muli %add3A_951, %mul3A_952 : i32
      %add3A_954 = arith.constant 0 : i32
      %add3A_955 = arith.addi %mul3A_953, %add3A_954 : i32
      %dma_start3A_956 = arith.constant 2 : i32
      %dma_start3A_957 = arith.constant 1 : i32
      %dma_start3A_958 = arith.constant 0 : i32
      %dma_start3A_959 = arith.constant 0 : i32
      %dma_start3A_960 = tpu.memref_slice %arg7[%dma_start3A_956, %dma_start3A_958, %dma_start3A_959] : memref<4x384x16xf32, #tpu.memory_space<vmem>> -> memref<1x128x16xf32, #tpu.memory_space<vmem>>
      %dma_start3A_961 = tpu.memref_squeeze %dma_start3A_960 : memref<1x128x16xf32, #tpu.memory_space<vmem>> -> memref<128x16xf32, #tpu.memory_space<vmem>>
      %dma_start3A_962 = arith.constant 0 : i32
      %dma_start3A_963 = tpu.memref_slice %arg6[%add3A_955, %dma_start3A_957, %dma_start3A_962] : memref<79x2x128xi32, #tpu.memory_space<vmem>> -> memref<1x1x128xi32, #tpu.memory_space<vmem>>
      %dma_start3A_964 = tpu.memref_squeeze %dma_start3A_963 : memref<1x1x128xi32, #tpu.memory_space<vmem>> -> memref<128xi32, #tpu.memory_space<vmem>>
      %dma_start3A_965 = arith.constant 0 : i32
      %dma_start3A_966 = arith.constant 0 : i32
      %dma_start3A_967 = tpu.memref_slice %arg8[%dma_start3A_965, %dma_start3A_966] : memref<10112x16xf32, #tpu.memory_space<vmem_shared>> -> memref<10112x16xf32, #tpu.memory_space<vmem_shared>>
      tpu.enqueue_indirect_dma source(%dma_start3A_961 : memref<128x16xf32, #tpu.memory_space<vmem>>) target(%dma_start3A_967 : memref<10112x16xf32, #tpu.memory_space<vmem_shared>>) offsets(%dma_start3A_964 : memref<128xi32, #tpu.memory_space<vmem>>) semaphore(%arg15 : memref<!tpu.dma_semaphore, #tpu.memory_space<semaphore_mem>>) {add = true}
      %mul3A_968 = arith.constant 3 : i32
      %mul3A_969 = arith.muli %add3A_951, %mul3A_968 : i32
      %add3A_970 = arith.constant 1 : i32
      %add3A_971 = arith.addi %mul3A_969, %add3A_970 : i32
      %dma_start3A_972 = arith.constant 2 : i32
      %dma_start3A_973 = arith.constant 1 : i32
      %dma_start3A_974 = arith.constant 128 : i32
      %dma_start3A_975 = arith.constant 0 : i32
      %dma_start3A_976 = tpu.memref_slice %arg7[%dma_start3A_972, %dma_start3A_974, %dma_start3A_975] : memref<4x384x16xf32, #tpu.memory_space<vmem>> -> memref<1x128x16xf32, #tpu.memory_space<vmem>>
      %dma_start3A_977 = tpu.memref_squeeze %dma_start3A_976 : memref<1x128x16xf32, #tpu.memory_space<vmem>> -> memref<128x16xf32, #tpu.memory_space<vmem>>
      %dma_start3A_978 = arith.constant 0 : i32
      %dma_start3A_979 = tpu.memref_slice %arg6[%add3A_971, %dma_start3A_973, %dma_start3A_978] : memref<79x2x128xi32, #tpu.memory_space<vmem>> -> memref<1x1x128xi32, #tpu.memory_space<vmem>>
      %dma_start3A_980 = tpu.memref_squeeze %dma_start3A_979 : memref<1x1x128xi32, #tpu.memory_space<vmem>> -> memref<128xi32, #tpu.memory_space<vmem>>
      %dma_start3A_981 = arith.constant 0 : i32
      %dma_start3A_982 = arith.constant 0 : i32
      %dma_start3A_983 = tpu.memref_slice %arg8[%dma_start3A_981, %dma_start3A_982] : memref<10112x16xf32, #tpu.memory_space<vmem_shared>> -> memref<10112x16xf32, #tpu.memory_space<vmem_shared>>
      tpu.enqueue_indirect_dma source(%dma_start3A_977 : memref<128x16xf32, #tpu.memory_space<vmem>>) target(%dma_start3A_983 : memref<10112x16xf32, #tpu.memory_space<vmem_shared>>) offsets(%dma_start3A_980 : memref<128xi32, #tpu.memory_space<vmem>>) semaphore(%arg15 : memref<!tpu.dma_semaphore, #tpu.memory_space<semaphore_mem>>) {add = true}
      %mul3A_984 = arith.constant 3 : i32
      %mul3A_985 = arith.muli %add3A_951, %mul3A_984 : i32
      %add3A_986 = arith.constant 2 : i32
      %add3A_987 = arith.addi %mul3A_985, %add3A_986 : i32
      %dma_start3A_988 = arith.constant 2 : i32
      %dma_start3A_989 = arith.constant 1 : i32
      %dma_start3A_990 = arith.constant 256 : i32
      %dma_start3A_991 = arith.constant 0 : i32
      %dma_start3A_992 = tpu.memref_slice %arg7[%dma_start3A_988, %dma_start3A_990, %dma_start3A_991] : memref<4x384x16xf32, #tpu.memory_space<vmem>> -> memref<1x128x16xf32, #tpu.memory_space<vmem>>
      %dma_start3A_993 = tpu.memref_squeeze %dma_start3A_992 : memref<1x128x16xf32, #tpu.memory_space<vmem>> -> memref<128x16xf32, #tpu.memory_space<vmem>>
      %dma_start3A_994 = arith.constant 0 : i32
      %dma_start3A_995 = tpu.memref_slice %arg6[%add3A_987, %dma_start3A_989, %dma_start3A_994] : memref<79x2x128xi32, #tpu.memory_space<vmem>> -> memref<1x1x128xi32, #tpu.memory_space<vmem>>
      %dma_start3A_996 = tpu.memref_squeeze %dma_start3A_995 : memref<1x1x128xi32, #tpu.memory_space<vmem>> -> memref<128xi32, #tpu.memory_space<vmem>>
      %dma_start3A_997 = arith.constant 0 : i32
      %dma_start3A_998 = arith.constant 0 : i32
      %dma_start3A_999 = tpu.memref_slice %arg8[%dma_start3A_997, %dma_start3A_998] : memref<10112x16xf32, #tpu.memory_space<vmem_shared>> -> memref<10112x16xf32, #tpu.memory_space<vmem_shared>>
      tpu.enqueue_indirect_dma source(%dma_start3A_993 : memref<128x16xf32, #tpu.memory_space<vmem>>) target(%dma_start3A_999 : memref<10112x16xf32, #tpu.memory_space<vmem_shared>>) offsets(%dma_start3A_996 : memref<128xi32, #tpu.memory_space<vmem>>) semaphore(%arg15 : memref<!tpu.dma_semaphore, #tpu.memory_space<semaphore_mem>>) {add = true}
      %dma_wait3A_1000 = arith.constant 0 : i32
      %dma_wait3A_1001 = arith.constant 0 : i32
      %dma_wait3A_1002 = arith.constant 0 : i32
      %dma_wait3A_1003 = tpu.memref_slice %arg7[%dma_wait3A_1000, %dma_wait3A_1001, %dma_wait3A_1002] : memref<4x384x16xf32, #tpu.memory_space<vmem>> -> memref<1x384x16xf32, #tpu.memory_space<vmem>>
      %dma_wait3A_1004 = tpu.memref_squeeze %dma_wait3A_1003 : memref<1x384x16xf32, #tpu.memory_space<vmem>> -> memref<384x16xf32, #tpu.memory_space<vmem>>
      %dma_wait3A_1005 = arith.constant 0 : i32
      %dma_wait3A_1006 = arith.constant 0 : i32
      %dma_wait3A_1007 = tpu.memref_slice %arg2[%dma_wait3A_1005, %dma_wait3A_1006] : memref<10000x16xf32, #tpu.memory_space<hbm>> -> memref<384x16xf32, #tpu.memory_space<hbm>>
      %dma_wait3A_1008 = arith.constant 0 : i32
      %dma_wait3A_1009 = arith.constant 0 : i32
      %dma_wait3A_1010 = tpu.memref_slice %arg7[%dma_wait3A_1000, %dma_wait3A_1008, %dma_wait3A_1009] : memref<4x384x16xf32, #tpu.memory_space<vmem>> -> memref<1x384x16xf32, #tpu.memory_space<vmem>>
      %dma_wait3A_1011 = tpu.memref_squeeze %dma_wait3A_1010 : memref<1x384x16xf32, #tpu.memory_space<vmem>> -> memref<384x16xf32, #tpu.memory_space<vmem>>
      %dma_wait3A_1012 = arith.constant 0 : i32
      %dma_wait3A_1013 = arith.constant 0 : i32
      %dma_wait3A_1014 = tpu.memref_slice %arg2[%dma_wait3A_1012, %dma_wait3A_1013] : memref<10000x16xf32, #tpu.memory_space<hbm>> -> memref<384x16xf32, #tpu.memory_space<hbm>>
      tpu.wait_dma2 semaphore(%arg13 : memref<!tpu.dma_semaphore, #tpu.memory_space<semaphore_mem>>) src(%dma_wait3A_1014 : memref<384x16xf32, #tpu.memory_space<hbm>>) dst(%dma_wait3A_1011 : memref<384x16xf32, #tpu.memory_space<vmem>>)
      %add3A_1015 = arith.constant 2 : i32
      %add3A_1016 = arith.addi %mul3A_670, %add3A_1015 : i32
      %add3A_1017 = arith.constant 2 : i32
      %add3A_1018 = arith.addi %add3A_1016, %add3A_1017 : i32
      %mul3A_1019 = arith.constant 3 : i32
      %mul3A_1020 = arith.muli %add3A_1018, %mul3A_1019 : i32
      %add3A_1021 = arith.constant 0 : i32
      %add3A_1022 = arith.addi %mul3A_1020, %add3A_1021 : i32
      %dma_start3A_1023 = arith.constant 0 : i32
      %dma_start3A_1024 = arith.constant 0 : i32
      %dma_start3A_1025 = arith.constant 0 : i32
      %dma_start3A_1026 = arith.constant 0 : i32
      %dma_start3A_1027 = tpu.memref_slice %arg7[%dma_start3A_1024, %dma_start3A_1025, %dma_start3A_1026] : memref<4x384x16xf32, #tpu.memory_space<vmem>> -> memref<1x128x16xf32, #tpu.memory_space<vmem>>
      %dma_start3A_1028 = tpu.memref_squeeze %dma_start3A_1027 : memref<1x128x16xf32, #tpu.memory_space<vmem>> -> memref<128x16xf32, #tpu.memory_space<vmem>>
      %dma_start3A_1029 = arith.constant 0 : i32
      %dma_start3A_1030 = tpu.memref_slice %arg6[%add3A_1022, %dma_start3A_1023, %dma_start3A_1029] : memref<79x2x128xi32, #tpu.memory_space<vmem>> -> memref<1x1x128xi32, #tpu.memory_space<vmem>>
      %dma_start3A_1031 = tpu.memref_squeeze %dma_start3A_1030 : memref<1x1x128xi32, #tpu.memory_space<vmem>> -> memref<128xi32, #tpu.memory_space<vmem>>
      %dma_start3A_1032 = arith.constant 0 : i32
      %dma_start3A_1033 = arith.constant 0 : i32
      %dma_start3A_1034 = tpu.memref_slice %arg2[%dma_start3A_1032, %dma_start3A_1033] : memref<10000x16xf32, #tpu.memory_space<hbm>> -> memref<10000x16xf32, #tpu.memory_space<hbm>>
      tpu.enqueue_indirect_dma source(%dma_start3A_1034 : memref<10000x16xf32, #tpu.memory_space<hbm>>) target(%dma_start3A_1028 : memref<128x16xf32, #tpu.memory_space<vmem>>) offsets(%dma_start3A_1031 : memref<128xi32, #tpu.memory_space<vmem>>) semaphore(%arg9 : memref<!tpu.dma_semaphore, #tpu.memory_space<semaphore_mem>>)
      %mul3A_1035 = arith.constant 3 : i32
      %mul3A_1036 = arith.muli %add3A_1018, %mul3A_1035 : i32
      %add3A_1037 = arith.constant 1 : i32
      %add3A_1038 = arith.addi %mul3A_1036, %add3A_1037 : i32
      %dma_start3A_1039 = arith.constant 0 : i32
      %dma_start3A_1040 = arith.constant 0 : i32
      %dma_start3A_1041 = arith.constant 128 : i32
      %dma_start3A_1042 = arith.constant 0 : i32
      %dma_start3A_1043 = tpu.memref_slice %arg7[%dma_start3A_1040, %dma_start3A_1041, %dma_start3A_1042] : memref<4x384x16xf32, #tpu.memory_space<vmem>> -> memref<1x128x16xf32, #tpu.memory_space<vmem>>
      %dma_start3A_1044 = tpu.memref_squeeze %dma_start3A_1043 : memref<1x128x16xf32, #tpu.memory_space<vmem>> -> memref<128x16xf32, #tpu.memory_space<vmem>>
      %dma_start3A_1045 = arith.constant 0 : i32
      %dma_start3A_1046 = tpu.memref_slice %arg6[%add3A_1038, %dma_start3A_1039, %dma_start3A_1045] : memref<79x2x128xi32, #tpu.memory_space<vmem>> -> memref<1x1x128xi32, #tpu.memory_space<vmem>>
      %dma_start3A_1047 = tpu.memref_squeeze %dma_start3A_1046 : memref<1x1x128xi32, #tpu.memory_space<vmem>> -> memref<128xi32, #tpu.memory_space<vmem>>
      %dma_start3A_1048 = arith.constant 0 : i32
      %dma_start3A_1049 = arith.constant 0 : i32
      %dma_start3A_1050 = tpu.memref_slice %arg2[%dma_start3A_1048, %dma_start3A_1049] : memref<10000x16xf32, #tpu.memory_space<hbm>> -> memref<10000x16xf32, #tpu.memory_space<hbm>>
      tpu.enqueue_indirect_dma source(%dma_start3A_1050 : memref<10000x16xf32, #tpu.memory_space<hbm>>) target(%dma_start3A_1044 : memref<128x16xf32, #tpu.memory_space<vmem>>) offsets(%dma_start3A_1047 : memref<128xi32, #tpu.memory_space<vmem>>) semaphore(%arg9 : memref<!tpu.dma_semaphore, #tpu.memory_space<semaphore_mem>>)
      %mul3A_1051 = arith.constant 3 : i32
      %mul3A_1052 = arith.muli %add3A_1018, %mul3A_1051 : i32
      %add3A_1053 = arith.constant 2 : i32
      %add3A_1054 = arith.addi %mul3A_1052, %add3A_1053 : i32
      %dma_start3A_1055 = arith.constant 0 : i32
      %dma_start3A_1056 = arith.constant 0 : i32
      %dma_start3A_1057 = arith.constant 256 : i32
      %dma_start3A_1058 = arith.constant 0 : i32
      %dma_start3A_1059 = tpu.memref_slice %arg7[%dma_start3A_1056, %dma_start3A_1057, %dma_start3A_1058] : memref<4x384x16xf32, #tpu.memory_space<vmem>> -> memref<1x128x16xf32, #tpu.memory_space<vmem>>
      %dma_start3A_1060 = tpu.memref_squeeze %dma_start3A_1059 : memref<1x128x16xf32, #tpu.memory_space<vmem>> -> memref<128x16xf32, #tpu.memory_space<vmem>>
      %dma_start3A_1061 = arith.constant 0 : i32
      %dma_start3A_1062 = tpu.memref_slice %arg6[%add3A_1054, %dma_start3A_1055, %dma_start3A_1061] : memref<79x2x128xi32, #tpu.memory_space<vmem>> -> memref<1x1x128xi32, #tpu.memory_space<vmem>>
      %dma_start3A_1063 = tpu.memref_squeeze %dma_start3A_1062 : memref<1x1x128xi32, #tpu.memory_space<vmem>> -> memref<128xi32, #tpu.memory_space<vmem>>
      %dma_start3A_1064 = arith.constant 0 : i32
      %dma_start3A_1065 = arith.constant 0 : i32
      %dma_start3A_1066 = tpu.memref_slice %arg2[%dma_start3A_1064, %dma_start3A_1065] : memref<10000x16xf32, #tpu.memory_space<hbm>> -> memref<10000x16xf32, #tpu.memory_space<hbm>>
      tpu.enqueue_indirect_dma source(%dma_start3A_1066 : memref<10000x16xf32, #tpu.memory_space<hbm>>) target(%dma_start3A_1060 : memref<128x16xf32, #tpu.memory_space<vmem>>) offsets(%dma_start3A_1063 : memref<128xi32, #tpu.memory_space<vmem>>) semaphore(%arg9 : memref<!tpu.dma_semaphore, #tpu.memory_space<semaphore_mem>>)
      %dma_wait3A_1067 = arith.constant 3 : i32
      %dma_wait3A_1068 = arith.constant 0 : i32
      %dma_wait3A_1069 = arith.constant 0 : i32
      %dma_wait3A_1070 = tpu.memref_slice %arg7[%dma_wait3A_1067, %dma_wait3A_1068, %dma_wait3A_1069] : memref<4x384x16xf32, #tpu.memory_space<vmem>> -> memref<1x384x16xf32, #tpu.memory_space<vmem>>
      %dma_wait3A_1071 = tpu.memref_squeeze %dma_wait3A_1070 : memref<1x384x16xf32, #tpu.memory_space<vmem>> -> memref<384x16xf32, #tpu.memory_space<vmem>>
      %dma_wait3A_1072 = arith.constant 0 : i32
      %dma_wait3A_1073 = arith.constant 0 : i32
      %dma_wait3A_1074 = tpu.memref_slice %arg2[%dma_wait3A_1072, %dma_wait3A_1073] : memref<10000x16xf32, #tpu.memory_space<hbm>> -> memref<384x16xf32, #tpu.memory_space<hbm>>
      %dma_wait3A_1075 = arith.constant 0 : i32
      %dma_wait3A_1076 = arith.constant 0 : i32
      %dma_wait3A_1077 = tpu.memref_slice %arg7[%dma_wait3A_1067, %dma_wait3A_1075, %dma_wait3A_1076] : memref<4x384x16xf32, #tpu.memory_space<vmem>> -> memref<1x384x16xf32, #tpu.memory_space<vmem>>
      %dma_wait3A_1078 = tpu.memref_squeeze %dma_wait3A_1077 : memref<1x384x16xf32, #tpu.memory_space<vmem>> -> memref<384x16xf32, #tpu.memory_space<vmem>>
      %dma_wait3A_1079 = arith.constant 0 : i32
      %dma_wait3A_1080 = arith.constant 0 : i32
      %dma_wait3A_1081 = tpu.memref_slice %arg2[%dma_wait3A_1079, %dma_wait3A_1080] : memref<10000x16xf32, #tpu.memory_space<hbm>> -> memref<384x16xf32, #tpu.memory_space<hbm>>
      tpu.wait_dma2 semaphore(%arg12 : memref<!tpu.dma_semaphore, #tpu.memory_space<semaphore_mem>>) src(%dma_wait3A_1081 : memref<384x16xf32, #tpu.memory_space<hbm>>) dst(%dma_wait3A_1078 : memref<384x16xf32, #tpu.memory_space<vmem>>)
      %add3A_1082 = arith.constant 3 : i32
      %add3A_1083 = arith.addi %mul3A_670, %add3A_1082 : i32
      %mul3A_1084 = arith.constant 3 : i32
      %mul3A_1085 = arith.muli %add3A_1083, %mul3A_1084 : i32
      %add3A_1086 = arith.constant 0 : i32
      %add3A_1087 = arith.addi %mul3A_1085, %add3A_1086 : i32
      %dma_start3A_1088 = arith.constant 3 : i32
      %dma_start3A_1089 = arith.constant 1 : i32
      %dma_start3A_1090 = arith.constant 0 : i32
      %dma_start3A_1091 = arith.constant 0 : i32
      %dma_start3A_1092 = tpu.memref_slice %arg7[%dma_start3A_1088, %dma_start3A_1090, %dma_start3A_1091] : memref<4x384x16xf32, #tpu.memory_space<vmem>> -> memref<1x128x16xf32, #tpu.memory_space<vmem>>
      %dma_start3A_1093 = tpu.memref_squeeze %dma_start3A_1092 : memref<1x128x16xf32, #tpu.memory_space<vmem>> -> memref<128x16xf32, #tpu.memory_space<vmem>>
      %dma_start3A_1094 = arith.constant 0 : i32
      %dma_start3A_1095 = tpu.memref_slice %arg6[%add3A_1087, %dma_start3A_1089, %dma_start3A_1094] : memref<79x2x128xi32, #tpu.memory_space<vmem>> -> memref<1x1x128xi32, #tpu.memory_space<vmem>>
      %dma_start3A_1096 = tpu.memref_squeeze %dma_start3A_1095 : memref<1x1x128xi32, #tpu.memory_space<vmem>> -> memref<128xi32, #tpu.memory_space<vmem>>
      %dma_start3A_1097 = arith.constant 0 : i32
      %dma_start3A_1098 = arith.constant 0 : i32
      %dma_start3A_1099 = tpu.memref_slice %arg8[%dma_start3A_1097, %dma_start3A_1098] : memref<10112x16xf32, #tpu.memory_space<vmem_shared>> -> memref<10112x16xf32, #tpu.memory_space<vmem_shared>>
      tpu.enqueue_indirect_dma source(%dma_start3A_1093 : memref<128x16xf32, #tpu.memory_space<vmem>>) target(%dma_start3A_1099 : memref<10112x16xf32, #tpu.memory_space<vmem_shared>>) offsets(%dma_start3A_1096 : memref<128xi32, #tpu.memory_space<vmem>>) semaphore(%arg16 : memref<!tpu.dma_semaphore, #tpu.memory_space<semaphore_mem>>) {add = true}
      %mul3A_1100 = arith.constant 3 : i32
      %mul3A_1101 = arith.muli %add3A_1083, %mul3A_1100 : i32
      %add3A_1102 = arith.constant 1 : i32
      %add3A_1103 = arith.addi %mul3A_1101, %add3A_1102 : i32
      %dma_start3A_1104 = arith.constant 3 : i32
      %dma_start3A_1105 = arith.constant 1 : i32
      %dma_start3A_1106 = arith.constant 128 : i32
      %dma_start3A_1107 = arith.constant 0 : i32
      %dma_start3A_1108 = tpu.memref_slice %arg7[%dma_start3A_1104, %dma_start3A_1106, %dma_start3A_1107] : memref<4x384x16xf32, #tpu.memory_space<vmem>> -> memref<1x128x16xf32, #tpu.memory_space<vmem>>
      %dma_start3A_1109 = tpu.memref_squeeze %dma_start3A_1108 : memref<1x128x16xf32, #tpu.memory_space<vmem>> -> memref<128x16xf32, #tpu.memory_space<vmem>>
      %dma_start3A_1110 = arith.constant 0 : i32
      %dma_start3A_1111 = tpu.memref_slice %arg6[%add3A_1103, %dma_start3A_1105, %dma_start3A_1110] : memref<79x2x128xi32, #tpu.memory_space<vmem>> -> memref<1x1x128xi32, #tpu.memory_space<vmem>>
      %dma_start3A_1112 = tpu.memref_squeeze %dma_start3A_1111 : memref<1x1x128xi32, #tpu.memory_space<vmem>> -> memref<128xi32, #tpu.memory_space<vmem>>
      %dma_start3A_1113 = arith.constant 0 : i32
      %dma_start3A_1114 = arith.constant 0 : i32
      %dma_start3A_1115 = tpu.memref_slice %arg8[%dma_start3A_1113, %dma_start3A_1114] : memref<10112x16xf32, #tpu.memory_space<vmem_shared>> -> memref<10112x16xf32, #tpu.memory_space<vmem_shared>>
      tpu.enqueue_indirect_dma source(%dma_start3A_1109 : memref<128x16xf32, #tpu.memory_space<vmem>>) target(%dma_start3A_1115 : memref<10112x16xf32, #tpu.memory_space<vmem_shared>>) offsets(%dma_start3A_1112 : memref<128xi32, #tpu.memory_space<vmem>>) semaphore(%arg16 : memref<!tpu.dma_semaphore, #tpu.memory_space<semaphore_mem>>) {add = true}
      %mul3A_1116 = arith.constant 3 : i32
      %mul3A_1117 = arith.muli %add3A_1083, %mul3A_1116 : i32
      %add3A_1118 = arith.constant 2 : i32
      %add3A_1119 = arith.addi %mul3A_1117, %add3A_1118 : i32
      %dma_start3A_1120 = arith.constant 3 : i32
      %dma_start3A_1121 = arith.constant 1 : i32
      %dma_start3A_1122 = arith.constant 256 : i32
      %dma_start3A_1123 = arith.constant 0 : i32
      %dma_start3A_1124 = tpu.memref_slice %arg7[%dma_start3A_1120, %dma_start3A_1122, %dma_start3A_1123] : memref<4x384x16xf32, #tpu.memory_space<vmem>> -> memref<1x128x16xf32, #tpu.memory_space<vmem>>
      %dma_start3A_1125 = tpu.memref_squeeze %dma_start3A_1124 : memref<1x128x16xf32, #tpu.memory_space<vmem>> -> memref<128x16xf32, #tpu.memory_space<vmem>>
      %dma_start3A_1126 = arith.constant 0 : i32
      %dma_start3A_1127 = tpu.memref_slice %arg6[%add3A_1119, %dma_start3A_1121, %dma_start3A_1126] : memref<79x2x128xi32, #tpu.memory_space<vmem>> -> memref<1x1x128xi32, #tpu.memory_space<vmem>>
      %dma_start3A_1128 = tpu.memref_squeeze %dma_start3A_1127 : memref<1x1x128xi32, #tpu.memory_space<vmem>> -> memref<128xi32, #tpu.memory_space<vmem>>
      %dma_start3A_1129 = arith.constant 0 : i32
      %dma_start3A_1130 = arith.constant 0 : i32
      %dma_start3A_1131 = tpu.memref_slice %arg8[%dma_start3A_1129, %dma_start3A_1130] : memref<10112x16xf32, #tpu.memory_space<vmem_shared>> -> memref<10112x16xf32, #tpu.memory_space<vmem_shared>>
      tpu.enqueue_indirect_dma source(%dma_start3A_1125 : memref<128x16xf32, #tpu.memory_space<vmem>>) target(%dma_start3A_1131 : memref<10112x16xf32, #tpu.memory_space<vmem_shared>>) offsets(%dma_start3A_1128 : memref<128xi32, #tpu.memory_space<vmem>>) semaphore(%arg16 : memref<!tpu.dma_semaphore, #tpu.memory_space<semaphore_mem>>) {add = true}
      %dma_wait3A_1132 = arith.constant 1 : i32
      %dma_wait3A_1133 = arith.constant 0 : i32
      %dma_wait3A_1134 = arith.constant 0 : i32
      %dma_wait3A_1135 = tpu.memref_slice %arg7[%dma_wait3A_1132, %dma_wait3A_1133, %dma_wait3A_1134] : memref<4x384x16xf32, #tpu.memory_space<vmem>> -> memref<1x384x16xf32, #tpu.memory_space<vmem>>
      %dma_wait3A_1136 = tpu.memref_squeeze %dma_wait3A_1135 : memref<1x384x16xf32, #tpu.memory_space<vmem>> -> memref<384x16xf32, #tpu.memory_space<vmem>>
      %dma_wait3A_1137 = arith.constant 0 : i32
      %dma_wait3A_1138 = arith.constant 0 : i32
      %dma_wait3A_1139 = tpu.memref_slice %arg2[%dma_wait3A_1137, %dma_wait3A_1138] : memref<10000x16xf32, #tpu.memory_space<hbm>> -> memref<384x16xf32, #tpu.memory_space<hbm>>
      %dma_wait3A_1140 = arith.constant 0 : i32
      %dma_wait3A_1141 = arith.constant 0 : i32
      %dma_wait3A_1142 = tpu.memref_slice %arg7[%dma_wait3A_1132, %dma_wait3A_1140, %dma_wait3A_1141] : memref<4x384x16xf32, #tpu.memory_space<vmem>> -> memref<1x384x16xf32, #tpu.memory_space<vmem>>
      %dma_wait3A_1143 = tpu.memref_squeeze %dma_wait3A_1142 : memref<1x384x16xf32, #tpu.memory_space<vmem>> -> memref<384x16xf32, #tpu.memory_space<vmem>>
      %dma_wait3A_1144 = arith.constant 0 : i32
      %dma_wait3A_1145 = arith.constant 0 : i32
      %dma_wait3A_1146 = tpu.memref_slice %arg2[%dma_wait3A_1144, %dma_wait3A_1145] : memref<10000x16xf32, #tpu.memory_space<hbm>> -> memref<384x16xf32, #tpu.memory_space<hbm>>
      tpu.wait_dma2 semaphore(%arg14 : memref<!tpu.dma_semaphore, #tpu.memory_space<semaphore_mem>>) src(%dma_wait3A_1146 : memref<384x16xf32, #tpu.memory_space<hbm>>) dst(%dma_wait3A_1143 : memref<384x16xf32, #tpu.memory_space<vmem>>)
      %add3A_1147 = arith.constant 3 : i32
      %add3A_1148 = arith.addi %mul3A_670, %add3A_1147 : i32
      %add3A_1149 = arith.constant 2 : i32
      %add3A_1150 = arith.addi %add3A_1148, %add3A_1149 : i32
      %mul3A_1151 = arith.constant 3 : i32
      %mul3A_1152 = arith.muli %add3A_1150, %mul3A_1151 : i32
      %add3A_1153 = arith.constant 0 : i32
      %add3A_1154 = arith.addi %mul3A_1152, %add3A_1153 : i32
      %dma_start3A_1155 = arith.constant 0 : i32
      %dma_start3A_1156 = arith.constant 1 : i32
      %dma_start3A_1157 = arith.constant 0 : i32
      %dma_start3A_1158 = arith.constant 0 : i32
      %dma_start3A_1159 = tpu.memref_slice %arg7[%dma_start3A_1156, %dma_start3A_1157, %dma_start3A_1158] : memref<4x384x16xf32, #tpu.memory_space<vmem>> -> memref<1x128x16xf32, #tpu.memory_space<vmem>>
      %dma_start3A_1160 = tpu.memref_squeeze %dma_start3A_1159 : memref<1x128x16xf32, #tpu.memory_space<vmem>> -> memref<128x16xf32, #tpu.memory_space<vmem>>
      %dma_start3A_1161 = arith.constant 0 : i32
      %dma_start3A_1162 = tpu.memref_slice %arg6[%add3A_1154, %dma_start3A_1155, %dma_start3A_1161] : memref<79x2x128xi32, #tpu.memory_space<vmem>> -> memref<1x1x128xi32, #tpu.memory_space<vmem>>
      %dma_start3A_1163 = tpu.memref_squeeze %dma_start3A_1162 : memref<1x1x128xi32, #tpu.memory_space<vmem>> -> memref<128xi32, #tpu.memory_space<vmem>>
      %dma_start3A_1164 = arith.constant 0 : i32
      %dma_start3A_1165 = arith.constant 0 : i32
      %dma_start3A_1166 = tpu.memref_slice %arg2[%dma_start3A_1164, %dma_start3A_1165] : memref<10000x16xf32, #tpu.memory_space<hbm>> -> memref<10000x16xf32, #tpu.memory_space<hbm>>
      tpu.enqueue_indirect_dma source(%dma_start3A_1166 : memref<10000x16xf32, #tpu.memory_space<hbm>>) target(%dma_start3A_1160 : memref<128x16xf32, #tpu.memory_space<vmem>>) offsets(%dma_start3A_1163 : memref<128xi32, #tpu.memory_space<vmem>>) semaphore(%arg10 : memref<!tpu.dma_semaphore, #tpu.memory_space<semaphore_mem>>)
      %mul3A_1167 = arith.constant 3 : i32
      %mul3A_1168 = arith.muli %add3A_1150, %mul3A_1167 : i32
      %add3A_1169 = arith.constant 1 : i32
      %add3A_1170 = arith.addi %mul3A_1168, %add3A_1169 : i32
      %dma_start3A_1171 = arith.constant 0 : i32
      %dma_start3A_1172 = arith.constant 1 : i32
      %dma_start3A_1173 = arith.constant 128 : i32
      %dma_start3A_1174 = arith.constant 0 : i32
      %dma_start3A_1175 = tpu.memref_slice %arg7[%dma_start3A_1172, %dma_start3A_1173, %dma_start3A_1174] : memref<4x384x16xf32, #tpu.memory_space<vmem>> -> memref<1x128x16xf32, #tpu.memory_space<vmem>>
      %dma_start3A_1176 = tpu.memref_squeeze %dma_start3A_1175 : memref<1x128x16xf32, #tpu.memory_space<vmem>> -> memref<128x16xf32, #tpu.memory_space<vmem>>
      %dma_start3A_1177 = arith.constant 0 : i32
      %dma_start3A_1178 = tpu.memref_slice %arg6[%add3A_1170, %dma_start3A_1171, %dma_start3A_1177] : memref<79x2x128xi32, #tpu.memory_space<vmem>> -> memref<1x1x128xi32, #tpu.memory_space<vmem>>
      %dma_start3A_1179 = tpu.memref_squeeze %dma_start3A_1178 : memref<1x1x128xi32, #tpu.memory_space<vmem>> -> memref<128xi32, #tpu.memory_space<vmem>>
      %dma_start3A_1180 = arith.constant 0 : i32
      %dma_start3A_1181 = arith.constant 0 : i32
      %dma_start3A_1182 = tpu.memref_slice %arg2[%dma_start3A_1180, %dma_start3A_1181] : memref<10000x16xf32, #tpu.memory_space<hbm>> -> memref<10000x16xf32, #tpu.memory_space<hbm>>
      tpu.enqueue_indirect_dma source(%dma_start3A_1182 : memref<10000x16xf32, #tpu.memory_space<hbm>>) target(%dma_start3A_1176 : memref<128x16xf32, #tpu.memory_space<vmem>>) offsets(%dma_start3A_1179 : memref<128xi32, #tpu.memory_space<vmem>>) semaphore(%arg10 : memref<!tpu.dma_semaphore, #tpu.memory_space<semaphore_mem>>)
      %mul3A_1183 = arith.constant 3 : i32
      %mul3A_1184 = arith.muli %add3A_1150, %mul3A_1183 : i32
      %add3A_1185 = arith.constant 2 : i32
      %add3A_1186 = arith.addi %mul3A_1184, %add3A_1185 : i32
      %dma_start3A_1187 = arith.constant 0 : i32
      %dma_start3A_1188 = arith.constant 1 : i32
      %dma_start3A_1189 = arith.constant 256 : i32
      %dma_start3A_1190 = arith.constant 0 : i32
      %dma_start3A_1191 = tpu.memref_slice %arg7[%dma_start3A_1188, %dma_start3A_1189, %dma_start3A_1190] : memref<4x384x16xf32, #tpu.memory_space<vmem>> -> memref<1x128x16xf32, #tpu.memory_space<vmem>>
      %dma_start3A_1192 = tpu.memref_squeeze %dma_start3A_1191 : memref<1x128x16xf32, #tpu.memory_space<vmem>> -> memref<128x16xf32, #tpu.memory_space<vmem>>
      %dma_start3A_1193 = arith.constant 0 : i32
      %dma_start3A_1194 = tpu.memref_slice %arg6[%add3A_1186, %dma_start3A_1187, %dma_start3A_1193] : memref<79x2x128xi32, #tpu.memory_space<vmem>> -> memref<1x1x128xi32, #tpu.memory_space<vmem>>
      %dma_start3A_1195 = tpu.memref_squeeze %dma_start3A_1194 : memref<1x1x128xi32, #tpu.memory_space<vmem>> -> memref<128xi32, #tpu.memory_space<vmem>>
      %dma_start3A_1196 = arith.constant 0 : i32
      %dma_start3A_1197 = arith.constant 0 : i32
      %dma_start3A_1198 = tpu.memref_slice %arg2[%dma_start3A_1196, %dma_start3A_1197] : memref<10000x16xf32, #tpu.memory_space<hbm>> -> memref<10000x16xf32, #tpu.memory_space<hbm>>
      tpu.enqueue_indirect_dma source(%dma_start3A_1198 : memref<10000x16xf32, #tpu.memory_space<hbm>>) target(%dma_start3A_1192 : memref<128x16xf32, #tpu.memory_space<vmem>>) offsets(%dma_start3A_1195 : memref<128xi32, #tpu.memory_space<vmem>>) semaphore(%arg10 : memref<!tpu.dma_semaphore, #tpu.memory_space<semaphore_mem>>)
    }
    %scan3A_491 = arith.constant 5 : i32
    %dma_wait3A_492 = arith.constant 0 : i32
    %dma_wait3A_493 = arith.constant 0 : i32
    %dma_wait3A_494 = arith.constant 0 : i32
    %dma_wait3A_495 = tpu.memref_slice %arg7[%dma_wait3A_492, %dma_wait3A_493, %dma_wait3A_494] : memref<4x384x16xf32, #tpu.memory_space<vmem>> -> memref<1x384x16xf32, #tpu.memory_space<vmem>>
    %dma_wait3A_496 = tpu.memref_squeeze %dma_wait3A_495 : memref<1x384x16xf32, #tpu.memory_space<vmem>> -> memref<384x16xf32, #tpu.memory_space<vmem>>
    %dma_wait3A_497 = arith.constant 0 : i32
    %dma_wait3A_498 = arith.constant 0 : i32
    %dma_wait3A_499 = tpu.memref_slice %arg2[%dma_wait3A_497, %dma_wait3A_498] : memref<10000x16xf32, #tpu.memory_space<hbm>> -> memref<384x16xf32, #tpu.memory_space<hbm>>
    %dma_wait3A_500 = arith.constant 0 : i32
    %dma_wait3A_501 = arith.constant 0 : i32
    %dma_wait3A_502 = tpu.memref_slice %arg7[%dma_wait3A_492, %dma_wait3A_500, %dma_wait3A_501] : memref<4x384x16xf32, #tpu.memory_space<vmem>> -> memref<1x384x16xf32, #tpu.memory_space<vmem>>
    %dma_wait3A_503 = tpu.memref_squeeze %dma_wait3A_502 : memref<1x384x16xf32, #tpu.memory_space<vmem>> -> memref<384x16xf32, #tpu.memory_space<vmem>>
    %dma_wait3A_504 = arith.constant 0 : i32
    %dma_wait3A_505 = arith.constant 0 : i32
    %dma_wait3A_506 = tpu.memref_slice %arg2[%dma_wait3A_504, %dma_wait3A_505] : memref<10000x16xf32, #tpu.memory_space<hbm>> -> memref<384x16xf32, #tpu.memory_space<hbm>>
    tpu.wait_dma2 semaphore(%arg9 : memref<!tpu.dma_semaphore, #tpu.memory_space<semaphore_mem>>) src(%dma_wait3A_506 : memref<384x16xf32, #tpu.memory_space<hbm>>) dst(%dma_wait3A_503 : memref<384x16xf32, #tpu.memory_space<vmem>>)
    %dma_start3A_507 = arith.constant 0 : i32
    %dma_start3A_508 = arith.constant 72 : i32
    %dma_start3A_509 = arith.constant 1 : i32
    %dma_start3A_510 = arith.constant 0 : i32
    %dma_start3A_511 = arith.constant 0 : i32
    %dma_start3A_512 = tpu.memref_slice %arg7[%dma_start3A_507, %dma_start3A_510, %dma_start3A_511] : memref<4x384x16xf32, #tpu.memory_space<vmem>> -> memref<1x128x16xf32, #tpu.memory_space<vmem>>
    %dma_start3A_513 = tpu.memref_squeeze %dma_start3A_512 : memref<1x128x16xf32, #tpu.memory_space<vmem>> -> memref<128x16xf32, #tpu.memory_space<vmem>>
    %dma_start3A_514 = arith.constant 0 : i32
    %dma_start3A_515 = tpu.memref_slice %arg6[%dma_start3A_508, %dma_start3A_509, %dma_start3A_514] : memref<79x2x128xi32, #tpu.memory_space<vmem>> -> memref<1x1x128xi32, #tpu.memory_space<vmem>>
    %dma_start3A_516 = tpu.memref_squeeze %dma_start3A_515 : memref<1x1x128xi32, #tpu.memory_space<vmem>> -> memref<128xi32, #tpu.memory_space<vmem>>
    %dma_start3A_517 = arith.constant 0 : i32
    %dma_start3A_518 = arith.constant 0 : i32
    %dma_start3A_519 = tpu.memref_slice %arg8[%dma_start3A_517, %dma_start3A_518] : memref<10112x16xf32, #tpu.memory_space<vmem_shared>> -> memref<10112x16xf32, #tpu.memory_space<vmem_shared>>
    tpu.enqueue_indirect_dma source(%dma_start3A_513 : memref<128x16xf32, #tpu.memory_space<vmem>>) target(%dma_start3A_519 : memref<10112x16xf32, #tpu.memory_space<vmem_shared>>) offsets(%dma_start3A_516 : memref<128xi32, #tpu.memory_space<vmem>>) semaphore(%arg13 : memref<!tpu.dma_semaphore, #tpu.memory_space<semaphore_mem>>) {add = true}
    %dma_start3A_520 = arith.constant 0 : i32
    %dma_start3A_521 = arith.constant 73 : i32
    %dma_start3A_522 = arith.constant 1 : i32
    %dma_start3A_523 = arith.constant 128 : i32
    %dma_start3A_524 = arith.constant 0 : i32
    %dma_start3A_525 = tpu.memref_slice %arg7[%dma_start3A_520, %dma_start3A_523, %dma_start3A_524] : memref<4x384x16xf32, #tpu.memory_space<vmem>> -> memref<1x128x16xf32, #tpu.memory_space<vmem>>
    %dma_start3A_526 = tpu.memref_squeeze %dma_start3A_525 : memref<1x128x16xf32, #tpu.memory_space<vmem>> -> memref<128x16xf32, #tpu.memory_space<vmem>>
    %dma_start3A_527 = arith.constant 0 : i32
    %dma_start3A_528 = tpu.memref_slice %arg6[%dma_start3A_521, %dma_start3A_522, %dma_start3A_527] : memref<79x2x128xi32, #tpu.memory_space<vmem>> -> memref<1x1x128xi32, #tpu.memory_space<vmem>>
    %dma_start3A_529 = tpu.memref_squeeze %dma_start3A_528 : memref<1x1x128xi32, #tpu.memory_space<vmem>> -> memref<128xi32, #tpu.memory_space<vmem>>
    %dma_start3A_530 = arith.constant 0 : i32
    %dma_start3A_531 = arith.constant 0 : i32
    %dma_start3A_532 = tpu.memref_slice %arg8[%dma_start3A_530, %dma_start3A_531] : memref<10112x16xf32, #tpu.memory_space<vmem_shared>> -> memref<10112x16xf32, #tpu.memory_space<vmem_shared>>
    tpu.enqueue_indirect_dma source(%dma_start3A_526 : memref<128x16xf32, #tpu.memory_space<vmem>>) target(%dma_start3A_532 : memref<10112x16xf32, #tpu.memory_space<vmem_shared>>) offsets(%dma_start3A_529 : memref<128xi32, #tpu.memory_space<vmem>>) semaphore(%arg13 : memref<!tpu.dma_semaphore, #tpu.memory_space<semaphore_mem>>) {add = true}
    %dma_start3A_533 = arith.constant 0 : i32
    %dma_start3A_534 = arith.constant 74 : i32
    %dma_start3A_535 = arith.constant 1 : i32
    %dma_start3A_536 = arith.constant 256 : i32
    %dma_start3A_537 = arith.constant 0 : i32
    %dma_start3A_538 = tpu.memref_slice %arg7[%dma_start3A_533, %dma_start3A_536, %dma_start3A_537] : memref<4x384x16xf32, #tpu.memory_space<vmem>> -> memref<1x128x16xf32, #tpu.memory_space<vmem>>
    %dma_start3A_539 = tpu.memref_squeeze %dma_start3A_538 : memref<1x128x16xf32, #tpu.memory_space<vmem>> -> memref<128x16xf32, #tpu.memory_space<vmem>>
    %dma_start3A_540 = arith.constant 0 : i32
    %dma_start3A_541 = tpu.memref_slice %arg6[%dma_start3A_534, %dma_start3A_535, %dma_start3A_540] : memref<79x2x128xi32, #tpu.memory_space<vmem>> -> memref<1x1x128xi32, #tpu.memory_space<vmem>>
    %dma_start3A_542 = tpu.memref_squeeze %dma_start3A_541 : memref<1x1x128xi32, #tpu.memory_space<vmem>> -> memref<128xi32, #tpu.memory_space<vmem>>
    %dma_start3A_543 = arith.constant 0 : i32
    %dma_start3A_544 = arith.constant 0 : i32
    %dma_start3A_545 = tpu.memref_slice %arg8[%dma_start3A_543, %dma_start3A_544] : memref<10112x16xf32, #tpu.memory_space<vmem_shared>> -> memref<10112x16xf32, #tpu.memory_space<vmem_shared>>
    tpu.enqueue_indirect_dma source(%dma_start3A_539 : memref<128x16xf32, #tpu.memory_space<vmem>>) target(%dma_start3A_545 : memref<10112x16xf32, #tpu.memory_space<vmem_shared>>) offsets(%dma_start3A_542 : memref<128xi32, #tpu.memory_space<vmem>>) semaphore(%arg13 : memref<!tpu.dma_semaphore, #tpu.memory_space<semaphore_mem>>) {add = true}
    %dma_wait3A_546 = arith.constant 1 : i32
    %dma_wait3A_547 = arith.constant 0 : i32
    %dma_wait3A_548 = arith.constant 0 : i32
    %dma_wait3A_549 = tpu.memref_slice %arg7[%dma_wait3A_546, %dma_wait3A_547, %dma_wait3A_548] : memref<4x384x16xf32, #tpu.memory_space<vmem>> -> memref<1x384x16xf32, #tpu.memory_space<vmem>>
    %dma_wait3A_550 = tpu.memref_squeeze %dma_wait3A_549 : memref<1x384x16xf32, #tpu.memory_space<vmem>> -> memref<384x16xf32, #tpu.memory_space<vmem>>
    %dma_wait3A_551 = arith.constant 0 : i32
    %dma_wait3A_552 = arith.constant 0 : i32
    %dma_wait3A_553 = tpu.memref_slice %arg2[%dma_wait3A_551, %dma_wait3A_552] : memref<10000x16xf32, #tpu.memory_space<hbm>> -> memref<384x16xf32, #tpu.memory_space<hbm>>
    %dma_wait3A_554 = arith.constant 0 : i32
    %dma_wait3A_555 = arith.constant 0 : i32
    %dma_wait3A_556 = tpu.memref_slice %arg7[%dma_wait3A_546, %dma_wait3A_554, %dma_wait3A_555] : memref<4x384x16xf32, #tpu.memory_space<vmem>> -> memref<1x384x16xf32, #tpu.memory_space<vmem>>
    %dma_wait3A_557 = tpu.memref_squeeze %dma_wait3A_556 : memref<1x384x16xf32, #tpu.memory_space<vmem>> -> memref<384x16xf32, #tpu.memory_space<vmem>>
    %dma_wait3A_558 = arith.constant 0 : i32
    %dma_wait3A_559 = arith.constant 0 : i32
    %dma_wait3A_560 = tpu.memref_slice %arg2[%dma_wait3A_558, %dma_wait3A_559] : memref<10000x16xf32, #tpu.memory_space<hbm>> -> memref<384x16xf32, #tpu.memory_space<hbm>>
    tpu.wait_dma2 semaphore(%arg10 : memref<!tpu.dma_semaphore, #tpu.memory_space<semaphore_mem>>) src(%dma_wait3A_560 : memref<384x16xf32, #tpu.memory_space<hbm>>) dst(%dma_wait3A_557 : memref<384x16xf32, #tpu.memory_space<vmem>>)
    %dma_start3A_561 = arith.constant 1 : i32
    %dma_start3A_562 = arith.constant 75 : i32
    %dma_start3A_563 = arith.constant 1 : i32
    %dma_start3A_564 = arith.constant 0 : i32
    %dma_start3A_565 = arith.constant 0 : i32
    %dma_start3A_566 = tpu.memref_slice %arg7[%dma_start3A_561, %dma_start3A_564, %dma_start3A_565] : memref<4x384x16xf32, #tpu.memory_space<vmem>> -> memref<1x128x16xf32, #tpu.memory_space<vmem>>
    %dma_start3A_567 = tpu.memref_squeeze %dma_start3A_566 : memref<1x128x16xf32, #tpu.memory_space<vmem>> -> memref<128x16xf32, #tpu.memory_space<vmem>>
    %dma_start3A_568 = arith.constant 0 : i32
    %dma_start3A_569 = tpu.memref_slice %arg6[%dma_start3A_562, %dma_start3A_563, %dma_start3A_568] : memref<79x2x128xi32, #tpu.memory_space<vmem>> -> memref<1x1x128xi32, #tpu.memory_space<vmem>>
    %dma_start3A_570 = tpu.memref_squeeze %dma_start3A_569 : memref<1x1x128xi32, #tpu.memory_space<vmem>> -> memref<128xi32, #tpu.memory_space<vmem>>
    %dma_start3A_571 = arith.constant 0 : i32
    %dma_start3A_572 = arith.constant 0 : i32
    %dma_start3A_573 = tpu.memref_slice %arg8[%dma_start3A_571, %dma_start3A_572] : memref<10112x16xf32, #tpu.memory_space<vmem_shared>> -> memref<10112x16xf32, #tpu.memory_space<vmem_shared>>
    tpu.enqueue_indirect_dma source(%dma_start3A_567 : memref<128x16xf32, #tpu.memory_space<vmem>>) target(%dma_start3A_573 : memref<10112x16xf32, #tpu.memory_space<vmem_shared>>) offsets(%dma_start3A_570 : memref<128xi32, #tpu.memory_space<vmem>>) semaphore(%arg14 : memref<!tpu.dma_semaphore, #tpu.memory_space<semaphore_mem>>) {add = true}
    %dma_start3A_574 = arith.constant 1 : i32
    %dma_start3A_575 = arith.constant 76 : i32
    %dma_start3A_576 = arith.constant 1 : i32
    %dma_start3A_577 = arith.constant 128 : i32
    %dma_start3A_578 = arith.constant 0 : i32
    %dma_start3A_579 = tpu.memref_slice %arg7[%dma_start3A_574, %dma_start3A_577, %dma_start3A_578] : memref<4x384x16xf32, #tpu.memory_space<vmem>> -> memref<1x128x16xf32, #tpu.memory_space<vmem>>
    %dma_start3A_580 = tpu.memref_squeeze %dma_start3A_579 : memref<1x128x16xf32, #tpu.memory_space<vmem>> -> memref<128x16xf32, #tpu.memory_space<vmem>>
    %dma_start3A_581 = arith.constant 0 : i32
    %dma_start3A_582 = tpu.memref_slice %arg6[%dma_start3A_575, %dma_start3A_576, %dma_start3A_581] : memref<79x2x128xi32, #tpu.memory_space<vmem>> -> memref<1x1x128xi32, #tpu.memory_space<vmem>>
    %dma_start3A_583 = tpu.memref_squeeze %dma_start3A_582 : memref<1x1x128xi32, #tpu.memory_space<vmem>> -> memref<128xi32, #tpu.memory_space<vmem>>
    %dma_start3A_584 = arith.constant 0 : i32
    %dma_start3A_585 = arith.constant 0 : i32
    %dma_start3A_586 = tpu.memref_slice %arg8[%dma_start3A_584, %dma_start3A_585] : memref<10112x16xf32, #tpu.memory_space<vmem_shared>> -> memref<10112x16xf32, #tpu.memory_space<vmem_shared>>
    tpu.enqueue_indirect_dma source(%dma_start3A_580 : memref<128x16xf32, #tpu.memory_space<vmem>>) target(%dma_start3A_586 : memref<10112x16xf32, #tpu.memory_space<vmem_shared>>) offsets(%dma_start3A_583 : memref<128xi32, #tpu.memory_space<vmem>>) semaphore(%arg14 : memref<!tpu.dma_semaphore, #tpu.memory_space<semaphore_mem>>) {add = true}
    %dma_start3A_587 = arith.constant 1 : i32
    %dma_start3A_588 = arith.constant 77 : i32
    %dma_start3A_589 = arith.constant 1 : i32
    %dma_start3A_590 = arith.constant 256 : i32
    %dma_start3A_591 = arith.constant 0 : i32
    %dma_start3A_592 = tpu.memref_slice %arg7[%dma_start3A_587, %dma_start3A_590, %dma_start3A_591] : memref<4x384x16xf32, #tpu.memory_space<vmem>> -> memref<1x128x16xf32, #tpu.memory_space<vmem>>
    %dma_start3A_593 = tpu.memref_squeeze %dma_start3A_592 : memref<1x128x16xf32, #tpu.memory_space<vmem>> -> memref<128x16xf32, #tpu.memory_space<vmem>>
    %dma_start3A_594 = arith.constant 0 : i32
    %dma_start3A_595 = tpu.memref_slice %arg6[%dma_start3A_588, %dma_start3A_589, %dma_start3A_594] : memref<79x2x128xi32, #tpu.memory_space<vmem>> -> memref<1x1x128xi32, #tpu.memory_space<vmem>>
    %dma_start3A_596 = tpu.memref_squeeze %dma_start3A_595 : memref<1x1x128xi32, #tpu.memory_space<vmem>> -> memref<128xi32, #tpu.memory_space<vmem>>
    %dma_start3A_597 = arith.constant 0 : i32
    %dma_start3A_598 = arith.constant 0 : i32
    %dma_start3A_599 = tpu.memref_slice %arg8[%dma_start3A_597, %dma_start3A_598] : memref<10112x16xf32, #tpu.memory_space<vmem_shared>> -> memref<10112x16xf32, #tpu.memory_space<vmem_shared>>
    tpu.enqueue_indirect_dma source(%dma_start3A_593 : memref<128x16xf32, #tpu.memory_space<vmem>>) target(%dma_start3A_599 : memref<10112x16xf32, #tpu.memory_space<vmem_shared>>) offsets(%dma_start3A_596 : memref<128xi32, #tpu.memory_space<vmem>>) semaphore(%arg14 : memref<!tpu.dma_semaphore, #tpu.memory_space<semaphore_mem>>) {add = true}
    %dma_wait3A_600 = arith.constant 2 : i32
    %dma_wait3A_601 = arith.constant 0 : i32
    %dma_wait3A_602 = arith.constant 0 : i32
    %dma_wait3A_603 = tpu.memref_slice %arg7[%dma_wait3A_600, %dma_wait3A_601, %dma_wait3A_602] : memref<4x384x16xf32, #tpu.memory_space<vmem>> -> memref<1x384x16xf32, #tpu.memory_space<vmem>>
    %dma_wait3A_604 = tpu.memref_squeeze %dma_wait3A_603 : memref<1x384x16xf32, #tpu.memory_space<vmem>> -> memref<384x16xf32, #tpu.memory_space<vmem>>
    %dma_wait3A_605 = arith.constant 0 : i32
    %dma_wait3A_606 = arith.constant 0 : i32
    %dma_wait3A_607 = tpu.memref_slice %arg2[%dma_wait3A_605, %dma_wait3A_606] : memref<10000x16xf32, #tpu.memory_space<hbm>> -> memref<384x16xf32, #tpu.memory_space<hbm>>
    %dma_wait3A_608 = arith.constant 0 : i32
    %dma_wait3A_609 = arith.constant 0 : i32
    %dma_wait3A_610 = tpu.memref_slice %arg7[%dma_wait3A_600, %dma_wait3A_608, %dma_wait3A_609] : memref<4x384x16xf32, #tpu.memory_space<vmem>> -> memref<1x384x16xf32, #tpu.memory_space<vmem>>
    %dma_wait3A_611 = tpu.memref_squeeze %dma_wait3A_610 : memref<1x384x16xf32, #tpu.memory_space<vmem>> -> memref<384x16xf32, #tpu.memory_space<vmem>>
    %dma_wait3A_612 = arith.constant 0 : i32
    %dma_wait3A_613 = arith.constant 0 : i32
    %dma_wait3A_614 = tpu.memref_slice %arg2[%dma_wait3A_612, %dma_wait3A_613] : memref<10000x16xf32, #tpu.memory_space<hbm>> -> memref<384x16xf32, #tpu.memory_space<hbm>>
    tpu.wait_dma2 semaphore(%arg15 : memref<!tpu.dma_semaphore, #tpu.memory_space<semaphore_mem>>) src(%dma_wait3A_614 : memref<384x16xf32, #tpu.memory_space<hbm>>) dst(%dma_wait3A_611 : memref<384x16xf32, #tpu.memory_space<vmem>>)
    %dma_wait3A_615 = arith.constant 3 : i32
    %dma_wait3A_616 = arith.constant 0 : i32
    %dma_wait3A_617 = arith.constant 0 : i32
    %dma_wait3A_618 = tpu.memref_slice %arg7[%dma_wait3A_615, %dma_wait3A_616, %dma_wait3A_617] : memref<4x384x16xf32, #tpu.memory_space<vmem>> -> memref<1x384x16xf32, #tpu.memory_space<vmem>>
    %dma_wait3A_619 = tpu.memref_squeeze %dma_wait3A_618 : memref<1x384x16xf32, #tpu.memory_space<vmem>> -> memref<384x16xf32, #tpu.memory_space<vmem>>
    %dma_wait3A_620 = arith.constant 0 : i32
    %dma_wait3A_621 = arith.constant 0 : i32
    %dma_wait3A_622 = tpu.memref_slice %arg2[%dma_wait3A_620, %dma_wait3A_621] : memref<10000x16xf32, #tpu.memory_space<hbm>> -> memref<384x16xf32, #tpu.memory_space<hbm>>
    %dma_wait3A_623 = arith.constant 0 : i32
    %dma_wait3A_624 = arith.constant 0 : i32
    %dma_wait3A_625 = tpu.memref_slice %arg7[%dma_wait3A_615, %dma_wait3A_623, %dma_wait3A_624] : memref<4x384x16xf32, #tpu.memory_space<vmem>> -> memref<1x384x16xf32, #tpu.memory_space<vmem>>
    %dma_wait3A_626 = tpu.memref_squeeze %dma_wait3A_625 : memref<1x384x16xf32, #tpu.memory_space<vmem>> -> memref<384x16xf32, #tpu.memory_space<vmem>>
    %dma_wait3A_627 = arith.constant 0 : i32
    %dma_wait3A_628 = arith.constant 0 : i32
    %dma_wait3A_629 = tpu.memref_slice %arg2[%dma_wait3A_627, %dma_wait3A_628] : memref<10000x16xf32, #tpu.memory_space<hbm>> -> memref<384x16xf32, #tpu.memory_space<hbm>>
    tpu.wait_dma2 semaphore(%arg16 : memref<!tpu.dma_semaphore, #tpu.memory_space<semaphore_mem>>) src(%dma_wait3A_629 : memref<384x16xf32, #tpu.memory_space<hbm>>) dst(%dma_wait3A_626 : memref<384x16xf32, #tpu.memory_space<vmem>>)
    %dma_wait3A_630 = arith.constant 0 : i32
    %dma_wait3A_631 = arith.constant 0 : i32
    %dma_wait3A_632 = arith.constant 0 : i32
    %dma_wait3A_633 = tpu.memref_slice %arg7[%dma_wait3A_630, %dma_wait3A_631, %dma_wait3A_632] : memref<4x384x16xf32, #tpu.memory_space<vmem>> -> memref<1x384x16xf32, #tpu.memory_space<vmem>>
    %dma_wait3A_634 = tpu.memref_squeeze %dma_wait3A_633 : memref<1x384x16xf32, #tpu.memory_space<vmem>> -> memref<384x16xf32, #tpu.memory_space<vmem>>
    %dma_wait3A_635 = arith.constant 0 : i32
    %dma_wait3A_636 = arith.constant 0 : i32
    %dma_wait3A_637 = tpu.memref_slice %arg2[%dma_wait3A_635, %dma_wait3A_636] : memref<10000x16xf32, #tpu.memory_space<hbm>> -> memref<384x16xf32, #tpu.memory_space<hbm>>
    %dma_wait3A_638 = arith.constant 0 : i32
    %dma_wait3A_639 = arith.constant 0 : i32
    %dma_wait3A_640 = tpu.memref_slice %arg7[%dma_wait3A_630, %dma_wait3A_638, %dma_wait3A_639] : memref<4x384x16xf32, #tpu.memory_space<vmem>> -> memref<1x384x16xf32, #tpu.memory_space<vmem>>
    %dma_wait3A_641 = tpu.memref_squeeze %dma_wait3A_640 : memref<1x384x16xf32, #tpu.memory_space<vmem>> -> memref<384x16xf32, #tpu.memory_space<vmem>>
    %dma_wait3A_642 = arith.constant 0 : i32
    %dma_wait3A_643 = arith.constant 0 : i32
    %dma_wait3A_644 = tpu.memref_slice %arg2[%dma_wait3A_642, %dma_wait3A_643] : memref<10000x16xf32, #tpu.memory_space<hbm>> -> memref<384x16xf32, #tpu.memory_space<hbm>>
    tpu.wait_dma2 semaphore(%arg13 : memref<!tpu.dma_semaphore, #tpu.memory_space<semaphore_mem>>) src(%dma_wait3A_644 : memref<384x16xf32, #tpu.memory_space<hbm>>) dst(%dma_wait3A_641 : memref<384x16xf32, #tpu.memory_space<vmem>>)
    %dma_wait3A_645 = arith.constant 1 : i32
    %dma_wait3A_646 = arith.constant 0 : i32
    %dma_wait3A_647 = arith.constant 0 : i32
    %dma_wait3A_648 = tpu.memref_slice %arg7[%dma_wait3A_645, %dma_wait3A_646, %dma_wait3A_647] : memref<4x384x16xf32, #tpu.memory_space<vmem>> -> memref<1x384x16xf32, #tpu.memory_space<vmem>>
    %dma_wait3A_649 = tpu.memref_squeeze %dma_wait3A_648 : memref<1x384x16xf32, #tpu.memory_space<vmem>> -> memref<384x16xf32, #tpu.memory_space<vmem>>
    %dma_wait3A_650 = arith.constant 0 : i32
    %dma_wait3A_651 = arith.constant 0 : i32
    %dma_wait3A_652 = tpu.memref_slice %arg2[%dma_wait3A_650, %dma_wait3A_651] : memref<10000x16xf32, #tpu.memory_space<hbm>> -> memref<384x16xf32, #tpu.memory_space<hbm>>
    %dma_wait3A_653 = arith.constant 0 : i32
    %dma_wait3A_654 = arith.constant 0 : i32
    %dma_wait3A_655 = tpu.memref_slice %arg7[%dma_wait3A_645, %dma_wait3A_653, %dma_wait3A_654] : memref<4x384x16xf32, #tpu.memory_space<vmem>> -> memref<1x384x16xf32, #tpu.memory_space<vmem>>
    %dma_wait3A_656 = tpu.memref_squeeze %dma_wait3A_655 : memref<1x384x16xf32, #tpu.memory_space<vmem>> -> memref<384x16xf32, #tpu.memory_space<vmem>>
    %dma_wait3A_657 = arith.constant 0 : i32
    %dma_wait3A_658 = arith.constant 0 : i32
    %dma_wait3A_659 = tpu.memref_slice %arg2[%dma_wait3A_657, %dma_wait3A_658] : memref<10000x16xf32, #tpu.memory_space<hbm>> -> memref<384x16xf32, #tpu.memory_space<hbm>>
    tpu.wait_dma2 semaphore(%arg14 : memref<!tpu.dma_semaphore, #tpu.memory_space<semaphore_mem>>) src(%dma_wait3A_659 : memref<384x16xf32, #tpu.memory_space<hbm>>) dst(%dma_wait3A_656 : memref<384x16xf32, #tpu.memory_space<vmem>>)
    %convert_element_type3A_660 = arith.extui %lt3A_7 : i1 to i32
    %cond3A_661 = arith.constant 0 : i32
    %cond3A_662 = arith.cmpi ne, %convert_element_type3A_660, %cond3A_661 : i32
    scf.if %cond3A_662 {
      %dma_start3A_668 = arith.constant 78 : i32
      %dma_start3A_669 = arith.constant 0 : i32
      %dma_start3A_670 = arith.constant 0 : i32
      %dma_start3A_671 = arith.constant 0 : i32
      %dma_start3A_672 = arith.constant 0 : i32
      %dma_start3A_673 = tpu.memref_slice %arg7[%dma_start3A_670, %dma_start3A_671, %dma_start3A_672] : memref<4x384x16xf32, #tpu.memory_space<vmem>> -> memref<1x128x16xf32, #tpu.memory_space<vmem>>
      %dma_start3A_674 = tpu.memref_squeeze %dma_start3A_673 : memref<1x128x16xf32, #tpu.memory_space<vmem>> -> memref<128x16xf32, #tpu.memory_space<vmem>>
      %dma_start3A_675 = arith.constant 0 : i32
      %dma_start3A_676 = tpu.memref_slice %arg6[%dma_start3A_668, %dma_start3A_669, %dma_start3A_675] : memref<79x2x128xi32, #tpu.memory_space<vmem>> -> memref<1x1x128xi32, #tpu.memory_space<vmem>>
      %dma_start3A_677 = tpu.memref_squeeze %dma_start3A_676 : memref<1x1x128xi32, #tpu.memory_space<vmem>> -> memref<128xi32, #tpu.memory_space<vmem>>
      %dma_start3A_678 = arith.constant 0 : i32
      %dma_start3A_679 = arith.constant 0 : i32
      %dma_start3A_680 = tpu.memref_slice %arg2[%dma_start3A_678, %dma_start3A_679] : memref<10000x16xf32, #tpu.memory_space<hbm>> -> memref<10000x16xf32, #tpu.memory_space<hbm>>
      tpu.enqueue_indirect_dma source(%dma_start3A_680 : memref<10000x16xf32, #tpu.memory_space<hbm>>) target(%dma_start3A_674 : memref<128x16xf32, #tpu.memory_space<vmem>>) offsets(%dma_start3A_677 : memref<128xi32, #tpu.memory_space<vmem>>) semaphore(%arg9 : memref<!tpu.dma_semaphore, #tpu.memory_space<semaphore_mem>>)
      %dma_wait3A_681 = arith.constant 0 : i32
      %dma_wait3A_682 = arith.constant 0 : i32
      %dma_wait3A_683 = arith.constant 0 : i32
      %dma_wait3A_684 = tpu.memref_slice %arg7[%dma_wait3A_681, %dma_wait3A_682, %dma_wait3A_683] : memref<4x384x16xf32, #tpu.memory_space<vmem>> -> memref<1x128x16xf32, #tpu.memory_space<vmem>>
      %dma_wait3A_685 = tpu.memref_squeeze %dma_wait3A_684 : memref<1x128x16xf32, #tpu.memory_space<vmem>> -> memref<128x16xf32, #tpu.memory_space<vmem>>
      %dma_wait3A_686 = arith.constant 0 : i32
      %dma_wait3A_687 = arith.constant 0 : i32
      %dma_wait3A_688 = tpu.memref_slice %arg2[%dma_wait3A_686, %dma_wait3A_687] : memref<10000x16xf32, #tpu.memory_space<hbm>> -> memref<128x16xf32, #tpu.memory_space<hbm>>
      %dma_wait3A_689 = arith.constant 0 : i32
      %dma_wait3A_690 = arith.constant 0 : i32
      %dma_wait3A_691 = tpu.memref_slice %arg7[%dma_wait3A_681, %dma_wait3A_689, %dma_wait3A_690] : memref<4x384x16xf32, #tpu.memory_space<vmem>> -> memref<1x128x16xf32, #tpu.memory_space<vmem>>
      %dma_wait3A_692 = tpu.memref_squeeze %dma_wait3A_691 : memref<1x128x16xf32, #tpu.memory_space<vmem>> -> memref<128x16xf32, #tpu.memory_space<vmem>>
      %dma_wait3A_693 = arith.constant 0 : i32
      %dma_wait3A_694 = arith.constant 0 : i32
      %dma_wait3A_695 = tpu.memref_slice %arg2[%dma_wait3A_693, %dma_wait3A_694] : memref<10000x16xf32, #tpu.memory_space<hbm>> -> memref<128x16xf32, #tpu.memory_space<hbm>>
      tpu.wait_dma2 semaphore(%arg9 : memref<!tpu.dma_semaphore, #tpu.memory_space<semaphore_mem>>) src(%dma_wait3A_695 : memref<128x16xf32, #tpu.memory_space<hbm>>) dst(%dma_wait3A_692 : memref<128x16xf32, #tpu.memory_space<vmem>>)
      %run_scoped3A = arith.constant 0 : i32
      %run_scoped3A_696 = arith.constant 78 : i32
      %run_scoped3A_697 = arith.constant 1 : i32
      "tpu.region"() ({
        %run_scoped3A_698 = tpu.sem_alloc : memref<!tpu.dma_semaphore, #tpu.memory_space<semaphore_mem>>
        %dma_start3A_699 = arith.constant 0 : i32
        %dma_start3A_700 = arith.constant 0 : i32
        %dma_start3A_701 = tpu.memref_slice %arg7[%run_scoped3A, %dma_start3A_699, %dma_start3A_700] : memref<4x384x16xf32, #tpu.memory_space<vmem>> -> memref<1x128x16xf32, #tpu.memory_space<vmem>>
        %dma_start3A_702 = tpu.memref_squeeze %dma_start3A_701 : memref<1x128x16xf32, #tpu.memory_space<vmem>> -> memref<128x16xf32, #tpu.memory_space<vmem>>
        %dma_start3A_703 = arith.constant 0 : i32
        %dma_start3A_704 = tpu.memref_slice %arg6[%run_scoped3A_696, %run_scoped3A_697, %dma_start3A_703] : memref<79x2x128xi32, #tpu.memory_space<vmem>> -> memref<1x1x128xi32, #tpu.memory_space<vmem>>
        %dma_start3A_705 = tpu.memref_squeeze %dma_start3A_704 : memref<1x1x128xi32, #tpu.memory_space<vmem>> -> memref<128xi32, #tpu.memory_space<vmem>>
        %dma_start3A_706 = arith.constant 0 : i32
        %dma_start3A_707 = arith.constant 0 : i32
        %dma_start3A_708 = tpu.memref_slice %arg8[%dma_start3A_706, %dma_start3A_707] : memref<10112x16xf32, #tpu.memory_space<vmem_shared>> -> memref<10112x16xf32, #tpu.memory_space<vmem_shared>>
        tpu.enqueue_indirect_dma source(%dma_start3A_702 : memref<128x16xf32, #tpu.memory_space<vmem>>) target(%dma_start3A_708 : memref<10112x16xf32, #tpu.memory_space<vmem_shared>>) offsets(%dma_start3A_705 : memref<128xi32, #tpu.memory_space<vmem>>) semaphore(%run_scoped3A_698 : memref<!tpu.dma_semaphore, #tpu.memory_space<semaphore_mem>>) {add = true}
        %dma_wait3A_709 = arith.constant 0 : i32
        %dma_wait3A_710 = arith.constant 0 : i32
        %dma_wait3A_711 = tpu.memref_slice %arg7[%run_scoped3A, %dma_wait3A_709, %dma_wait3A_710] : memref<4x384x16xf32, #tpu.memory_space<vmem>> -> memref<1x128x16xf32, #tpu.memory_space<vmem>>
        %dma_wait3A_712 = tpu.memref_squeeze %dma_wait3A_711 : memref<1x128x16xf32, #tpu.memory_space<vmem>> -> memref<128x16xf32, #tpu.memory_space<vmem>>
        %dma_wait3A_713 = arith.constant 0 : i32
        %dma_wait3A_714 = tpu.memref_slice %arg6[%run_scoped3A_696, %run_scoped3A_697, %dma_wait3A_713] : memref<79x2x128xi32, #tpu.memory_space<vmem>> -> memref<1x1x128xi32, #tpu.memory_space<vmem>>
        %dma_wait3A_715 = tpu.memref_squeeze %dma_wait3A_714 : memref<1x1x128xi32, #tpu.memory_space<vmem>> -> memref<128xi32, #tpu.memory_space<vmem>>
        %dma_wait3A_716 = arith.constant 0 : i32
        %dma_wait3A_717 = arith.constant 0 : i32
        %dma_wait3A_718 = tpu.memref_slice %arg8[%dma_wait3A_716, %dma_wait3A_717] : memref<10112x16xf32, #tpu.memory_space<vmem_shared>> -> memref<10112x16xf32, #tpu.memory_space<vmem_shared>>
        tpu.wait_indirect_dma semaphore(%run_scoped3A_698 : memref<!tpu.dma_semaphore, #tpu.memory_space<semaphore_mem>>) src(%dma_wait3A_712 : memref<128x16xf32, #tpu.memory_space<vmem>>) dst(%dma_wait3A_718 : memref<10112x16xf32, #tpu.memory_space<vmem_shared>>)
        tpu.yield
      }) : () -> ()
    } else {
    }
    %barrier3A_663 = arith.constant 0 : index
    tpu.barrier barrier_id(%barrier3A_663)
    %mul3A_664 = arith.constant 632 : i32
    %mul3A_665 = arith.muli %arg1, %mul3A_664 : i32
    %mul3A_666 = arith.constant 632 : i32
    %mul3A_667 = arith.muli %arg1, %mul3A_666 : i32
    "tpu.region"() ({
      %run_scoped3A = tpu.sem_alloc : memref<!tpu.dma_semaphore, #tpu.memory_space<semaphore_mem>>
      %dma_start3A_668 = arith.constant 0 : i32
      %dma_start3A_669 = tpu.memref_slice %arg5[%arg0, %mul3A_667, %dma_start3A_668] : memref<2x10112x16xf32, #tpu.memory_space<hbm>> -> memref<1x632x16xf32, #tpu.memory_space<hbm>>
      %dma_start3A_670 = tpu.memref_squeeze %dma_start3A_669 : memref<1x632x16xf32, #tpu.memory_space<hbm>> -> memref<632x16xf32, #tpu.memory_space<hbm>>
      %dma_start3A_671 = arith.constant 0 : i32
      %dma_start3A_672 = tpu.memref_slice %arg8[%mul3A_665, %dma_start3A_671] : memref<10112x16xf32, #tpu.memory_space<vmem_shared>> -> memref<632x16xf32, #tpu.memory_space<vmem_shared>>
      tpu.enqueue_dma source(%dma_start3A_672 : memref<632x16xf32, #tpu.memory_space<vmem_shared>>) target(%dma_start3A_670 : memref<632x16xf32, #tpu.memory_space<hbm>>) target_semaphore(%run_scoped3A : memref<!tpu.dma_semaphore, #tpu.memory_space<semaphore_mem>>)
      %dma_wait3A_673 = arith.constant 0 : i32
      %dma_wait3A_674 = tpu.memref_slice %arg5[%arg0, %mul3A_667, %dma_wait3A_673] : memref<2x10112x16xf32, #tpu.memory_space<hbm>> -> memref<1x632x16xf32, #tpu.memory_space<hbm>>
      %dma_wait3A_675 = tpu.memref_squeeze %dma_wait3A_674 : memref<1x632x16xf32, #tpu.memory_space<hbm>> -> memref<632x16xf32, #tpu.memory_space<hbm>>
      %dma_wait3A_676 = arith.constant 0 : i32
      %dma_wait3A_677 = tpu.memref_slice %arg8[%mul3A_665, %dma_wait3A_676] : memref<10112x16xf32, #tpu.memory_space<vmem_shared>> -> memref<632x16xf32, #tpu.memory_space<vmem_shared>>
      tpu.wait_dma2 semaphore(%run_scoped3A : memref<!tpu.dma_semaphore, #tpu.memory_space<semaphore_mem>>) src(%dma_wait3A_677 : memref<632x16xf32, #tpu.memory_space<vmem_shared>>) dst(%dma_wait3A_675 : memref<632x16xf32, #tpu.memory_space<hbm>>)
      tpu.yield
    }) : () -> ()
    return
  }
}

#map = affine_map<(d0, d1) -> (0, 0)>
#map1 = affine_map<(d0, d1) -> (0, 0, 0)>
module attributes {stable_mosaic.version = 14 : i64} {
  func.func @_segsum_body(%arg0: i32, %arg1: i32, %arg2: memref<10000x16xf32, #tpu.memory_space<hbm>>, %arg3: memref<2500x2x128xi32, #tpu.memory_space<hbm>>, %arg4: memref<632x16xf32, #tpu.memory_space<hbm>>, %arg5: memref<2x10112x16xf32, #tpu.memory_space<hbm>>, %arg6: memref<79x2x128xi32, #tpu.memory_space<vmem>>, %arg7: memref<4x384x16xf32, #tpu.memory_space<vmem>>, %arg8: memref<10112x16xf32, #tpu.memory_space<vmem_shared>>, %arg9: memref<!tpu.dma_semaphore, #tpu.memory_space<semaphore_mem>>, %arg10: memref<!tpu.dma_semaphore, #tpu.memory_space<semaphore_mem>>, %arg11: memref<!tpu.dma_semaphore, #tpu.memory_space<semaphore_mem>>, %arg12: memref<!tpu.dma_semaphore, #tpu.memory_space<semaphore_mem>>, %arg13: memref<!tpu.dma_semaphore, #tpu.memory_space<semaphore_mem>>, %arg14: memref<!tpu.dma_semaphore, #tpu.memory_space<semaphore_mem>>, %arg15: memref<!tpu.dma_semaphore, #tpu.memory_space<semaphore_mem>>, %arg16: memref<!tpu.dma_semaphore, #tpu.memory_space<semaphore_mem>>) attributes {dimension_semantics = [#tpu.dimension_semantics<core_parallel>, #tpu.dimension_semantics<subcore_parallel>], iteration_bounds = array<i64: 2, 16>, scalar_prefetch = 0 : i64, scratch_operands = 11 : i64, tpu.core_type = #tpu.core_type<sc_vector_subcore>, window_params = [{transform_indices = #map}, {transform_indices = #map1}, {transform_indices = #map}, {transform_indices = #map1}]} {
    %mul3A = arith.constant 16 : i32
    %mul3A_0 = arith.muli %arg0, %mul3A : i32
    %add3A = arith.addi %mul3A_0, %arg1 : i32
    %mul3A_1 = arith.constant 632 : i32
    %mul3A_2 = arith.muli %arg1, %mul3A_1 : i32
    "tpu.region"() ({
      %run_scoped3A = tpu.sem_alloc : memref<!tpu.dma_semaphore, #tpu.memory_space<semaphore_mem>>
      %dma_start3A_668 = arith.constant 0 : i32
      %dma_start3A_669 = tpu.memref_slice %arg8[%mul3A_2, %dma_start3A_668] : memref<10112x16xf32, #tpu.memory_space<vmem_shared>> -> memref<632x16xf32, #tpu.memory_space<vmem_shared>>
      tpu.enqueue_dma source(%arg4 : memref<632x16xf32, #tpu.memory_space<hbm>>) target(%dma_start3A_669 : memref<632x16xf32, #tpu.memory_space<vmem_shared>>) target_semaphore(%run_scoped3A : memref<!tpu.dma_semaphore, #tpu.memory_space<semaphore_mem>>)
      %dma_wait3A_670 = arith.constant 0 : i32
      %dma_wait3A_671 = tpu.memref_slice %arg8[%mul3A_2, %dma_wait3A_670] : memref<10112x16xf32, #tpu.memory_space<vmem_shared>> -> memref<632x16xf32, #tpu.memory_space<vmem_shared>>
      tpu.wait_dma2 semaphore(%run_scoped3A : memref<!tpu.dma_semaphore, #tpu.memory_space<semaphore_mem>>) src(%arg4 : memref<632x16xf32, #tpu.memory_space<hbm>>) dst(%dma_wait3A_671 : memref<632x16xf32, #tpu.memory_space<vmem_shared>>)
      tpu.yield
    }) : () -> ()
    %mul3A_3 = arith.constant 78 : i32
    %mul3A_4 = arith.muli %add3A, %mul3A_3 : i32
    %min3A = arith.constant 4 : i32
    %min3A_5 = arith.minsi %add3A, %min3A : i32
    %add3A_6 = arith.addi %mul3A_4, %min3A_5 : i32
    %lt3A = arith.constant 4 : i32
    %lt3A_7 = arith.cmpi slt, %add3A, %lt3A : i32
    "tpu.region"() ({
      %run_scoped3A = tpu.sem_alloc : memref<!tpu.dma_semaphore, #tpu.memory_space<semaphore_mem>>
      %dma_start3A_668 = arith.constant 0 : i32
      %dma_start3A_669 = arith.constant 0 : i32
      %dma_start3A_670 = arith.constant 0 : i32
      %dma_start3A_671 = tpu.memref_slice %arg6[%dma_start3A_668, %dma_start3A_669, %dma_start3A_670] : memref<79x2x128xi32, #tpu.memory_space<vmem>> -> memref<78x2x128xi32, #tpu.memory_space<vmem>>
      %dma_start3A_672 = arith.constant 0 : i32
      %dma_start3A_673 = arith.constant 0 : i32
      %dma_start3A_674 = tpu.memref_slice %arg3[%add3A_6, %dma_start3A_672, %dma_start3A_673] : memref<2500x2x128xi32, #tpu.memory_space<hbm>> -> memref<78x2x128xi32, #tpu.memory_space<hbm>>
      %dma_start3A_675 = arith.constant 0 : i32
      %dma_start3A_676 = arith.constant 0 : i32
      %dma_start3A_677 = arith.constant 0 : i32
      %dma_start3A_678 = tpu.memref_slice %arg6[%dma_start3A_675, %dma_start3A_676, %dma_start3A_677] : memref<79x2x128xi32, #tpu.memory_space<vmem>> -> memref<78x2x128xi32, #tpu.memory_space<vmem>>
      %dma_start3A_679 = arith.constant 0 : i32
      %dma_start3A_680 = arith.constant 0 : i32
      %dma_start3A_681 = tpu.memref_slice %arg3[%add3A_6, %dma_start3A_679, %dma_start3A_680] : memref<2500x2x128xi32, #tpu.memory_space<hbm>> -> memref<78x2x128xi32, #tpu.memory_space<hbm>>
      tpu.enqueue_dma source(%dma_start3A_681 : memref<78x2x128xi32, #tpu.memory_space<hbm>>) target(%dma_start3A_678 : memref<78x2x128xi32, #tpu.memory_space<vmem>>) target_semaphore(%run_scoped3A : memref<!tpu.dma_semaphore, #tpu.memory_space<semaphore_mem>>)
      %dma_wait3A_682 = arith.constant 0 : i32
      %dma_wait3A_683 = arith.constant 0 : i32
      %dma_wait3A_684 = arith.constant 0 : i32
      %dma_wait3A_685 = tpu.memref_slice %arg6[%dma_wait3A_682, %dma_wait3A_683, %dma_wait3A_684] : memref<79x2x128xi32, #tpu.memory_space<vmem>> -> memref<78x2x128xi32, #tpu.memory_space<vmem>>
      %dma_wait3A_686 = arith.constant 0 : i32
      %dma_wait3A_687 = arith.constant 0 : i32
      %dma_wait3A_688 = tpu.memref_slice %arg3[%add3A_6, %dma_wait3A_686, %dma_wait3A_687] : memref<2500x2x128xi32, #tpu.memory_space<hbm>> -> memref<78x2x128xi32, #tpu.memory_space<hbm>>
      %dma_wait3A_689 = arith.constant 0 : i32
      %dma_wait3A_690 = arith.constant 0 : i32
      %dma_wait3A_691 = arith.constant 0 : i32
      %dma_wait3A_692 = tpu.memref_slice %arg6[%dma_wait3A_689, %dma_wait3A_690, %dma_wait3A_691] : memref<79x2x128xi32, #tpu.memory_space<vmem>> -> memref<78x2x128xi32, #tpu.memory_space<vmem>>
      %dma_wait3A_693 = arith.constant 0 : i32
      %dma_wait3A_694 = arith.constant 0 : i32
      %dma_wait3A_695 = tpu.memref_slice %arg3[%add3A_6, %dma_wait3A_693, %dma_wait3A_694] : memref<2500x2x128xi32, #tpu.memory_space<hbm>> -> memref<78x2x128xi32, #tpu.memory_space<hbm>>
      tpu.wait_dma2 semaphore(%run_scoped3A : memref<!tpu.dma_semaphore, #tpu.memory_space<semaphore_mem>>) src(%dma_wait3A_695 : memref<78x2x128xi32, #tpu.memory_space<hbm>>) dst(%dma_wait3A_692 : memref<78x2x128xi32, #tpu.memory_space<vmem>>)
      tpu.yield
    }) : () -> ()
    %convert_element_type3A = arith.extui %lt3A_7 : i1 to i32
    %cond3A = arith.constant 0 : i32
    %cond3A_8 = arith.cmpi ne, %convert_element_type3A, %cond3A : i32
    scf.if %cond3A_8 {
      %add3A_668 = arith.constant 78 : i32
      %add3A_669 = arith.addi %add3A_6, %add3A_668 : i32
      "tpu.region"() ({
        %run_scoped3A = tpu.sem_alloc : memref<!tpu.dma_semaphore, #tpu.memory_space<semaphore_mem>>
        %dma_start3A_670 = arith.constant 78 : i32
        %dma_start3A_671 = arith.constant 0 : i32
        %dma_start3A_672 = arith.constant 0 : i32
        %dma_start3A_673 = tpu.memref_slice %arg6[%dma_start3A_670, %dma_start3A_671, %dma_start3A_672] : memref<79x2x128xi32, #tpu.memory_space<vmem>> -> memref<1x2x128xi32, #tpu.memory_space<vmem>>
        %dma_start3A_674 = arith.constant 0 : i32
        %dma_start3A_675 = arith.constant 0 : i32
        %dma_start3A_676 = tpu.memref_slice %arg3[%add3A_669, %dma_start3A_674, %dma_start3A_675] : memref<2500x2x128xi32, #tpu.memory_space<hbm>> -> memref<1x2x128xi32, #tpu.memory_space<hbm>>
        %dma_start3A_677 = arith.constant 78 : i32
        %dma_start3A_678 = arith.constant 0 : i32
        %dma_start3A_679 = arith.constant 0 : i32
        %dma_start3A_680 = tpu.memref_slice %arg6[%dma_start3A_677, %dma_start3A_678, %dma_start3A_679] : memref<79x2x128xi32, #tpu.memory_space<vmem>> -> memref<1x2x128xi32, #tpu.memory_space<vmem>>
        %dma_start3A_681 = arith.constant 0 : i32
        %dma_start3A_682 = arith.constant 0 : i32
        %dma_start3A_683 = tpu.memref_slice %arg3[%add3A_669, %dma_start3A_681, %dma_start3A_682] : memref<2500x2x128xi32, #tpu.memory_space<hbm>> -> memref<1x2x128xi32, #tpu.memory_space<hbm>>
        tpu.enqueue_dma source(%dma_start3A_683 : memref<1x2x128xi32, #tpu.memory_space<hbm>>) target(%dma_start3A_680 : memref<1x2x128xi32, #tpu.memory_space<vmem>>) target_semaphore(%run_scoped3A : memref<!tpu.dma_semaphore, #tpu.memory_space<semaphore_mem>>)
        %dma_wait3A_684 = arith.constant 78 : i32
        %dma_wait3A_685 = arith.constant 0 : i32
        %dma_wait3A_686 = arith.constant 0 : i32
        %dma_wait3A_687 = tpu.memref_slice %arg6[%dma_wait3A_684, %dma_wait3A_685, %dma_wait3A_686] : memref<79x2x128xi32, #tpu.memory_space<vmem>> -> memref<1x2x128xi32, #tpu.memory_space<vmem>>
        %dma_wait3A_688 = arith.constant 0 : i32
        %dma_wait3A_689 = arith.constant 0 : i32
        %dma_wait3A_690 = tpu.memref_slice %arg3[%add3A_669, %dma_wait3A_688, %dma_wait3A_689] : memref<2500x2x128xi32, #tpu.memory_space<hbm>> -> memref<1x2x128xi32, #tpu.memory_space<hbm>>
        %dma_wait3A_691 = arith.constant 78 : i32
        %dma_wait3A_692 = arith.constant 0 : i32
        %dma_wait3A_693 = arith.constant 0 : i32
        %dma_wait3A_694 = tpu.memref_slice %arg6[%dma_wait3A_691, %dma_wait3A_692, %dma_wait3A_693] : memref<79x2x128xi32, #tpu.memory_space<vmem>> -> memref<1x2x128xi32, #tpu.memory_space<vmem>>
        %dma_wait3A_695 = arith.constant 0 : i32
        %dma_wait3A_696 = arith.constant 0 : i32
        %dma_wait3A_697 = tpu.memref_slice %arg3[%add3A_669, %dma_wait3A_695, %dma_wait3A_696] : memref<2500x2x128xi32, #tpu.memory_space<hbm>> -> memref<1x2x128xi32, #tpu.memory_space<hbm>>
        tpu.wait_dma2 semaphore(%run_scoped3A : memref<!tpu.dma_semaphore, #tpu.memory_space<semaphore_mem>>) src(%dma_wait3A_697 : memref<1x2x128xi32, #tpu.memory_space<hbm>>) dst(%dma_wait3A_694 : memref<1x2x128xi32, #tpu.memory_space<vmem>>)
        tpu.yield
      }) : () -> ()
    } else {
    }
    %dma_start3A = arith.constant 0 : i32
    %dma_start3A_9 = arith.constant 0 : i32
    %dma_start3A_10 = arith.constant 0 : i32
    %dma_start3A_11 = arith.constant 0 : i32
    %dma_start3A_12 = arith.constant 0 : i32
    %dma_start3A_13 = tpu.memref_slice %arg7[%dma_start3A_10, %dma_start3A_11, %dma_start3A_12] : memref<4x384x16xf32, #tpu.memory_space<vmem>> -> memref<1x128x16xf32, #tpu.memory_space<vmem>>
    %dma_start3A_14 = tpu.memref_squeeze %dma_start3A_13 : memref<1x128x16xf32, #tpu.memory_space<vmem>> -> memref<128x16xf32, #tpu.memory_space<vmem>>
    %dma_start3A_15 = arith.constant 0 : i32
    %dma_start3A_16 = tpu.memref_slice %arg6[%dma_start3A, %dma_start3A_9, %dma_start3A_15] : memref<79x2x128xi32, #tpu.memory_space<vmem>> -> memref<1x1x128xi32, #tpu.memory_space<vmem>>
    %dma_start3A_17 = tpu.memref_squeeze %dma_start3A_16 : memref<1x1x128xi32, #tpu.memory_space<vmem>> -> memref<128xi32, #tpu.memory_space<vmem>>
    %dma_start3A_18 = arith.constant 0 : i32
    %dma_start3A_19 = arith.constant 0 : i32
    %dma_start3A_20 = tpu.memref_slice %arg2[%dma_start3A_18, %dma_start3A_19] : memref<10000x16xf32, #tpu.memory_space<hbm>> -> memref<10000x16xf32, #tpu.memory_space<hbm>>
    tpu.enqueue_indirect_dma source(%dma_start3A_20 : memref<10000x16xf32, #tpu.memory_space<hbm>>) target(%dma_start3A_14 : memref<128x16xf32, #tpu.memory_space<vmem>>) offsets(%dma_start3A_17 : memref<128xi32, #tpu.memory_space<vmem>>) semaphore(%arg9 : memref<!tpu.dma_semaphore, #tpu.memory_space<semaphore_mem>>)
    %dma_start3A_21 = arith.constant 1 : i32
    %dma_start3A_22 = arith.constant 0 : i32
    %dma_start3A_23 = arith.constant 0 : i32
    %dma_start3A_24 = arith.constant 128 : i32
    %dma_start3A_25 = arith.constant 0 : i32
    %dma_start3A_26 = tpu.memref_slice %arg7[%dma_start3A_23, %dma_start3A_24, %dma_start3A_25] : memref<4x384x16xf32, #tpu.memory_space<vmem>> -> memref<1x128x16xf32, #tpu.memory_space<vmem>>
    %dma_start3A_27 = tpu.memref_squeeze %dma_start3A_26 : memref<1x128x16xf32, #tpu.memory_space<vmem>> -> memref<128x16xf32, #tpu.memory_space<vmem>>
    %dma_start3A_28 = arith.constant 0 : i32
    %dma_start3A_29 = tpu.memref_slice %arg6[%dma_start3A_21, %dma_start3A_22, %dma_start3A_28] : memref<79x2x128xi32, #tpu.memory_space<vmem>> -> memref<1x1x128xi32, #tpu.memory_space<vmem>>
    %dma_start3A_30 = tpu.memref_squeeze %dma_start3A_29 : memref<1x1x128xi32, #tpu.memory_space<vmem>> -> memref<128xi32, #tpu.memory_space<vmem>>
    %dma_start3A_31 = arith.constant 0 : i32
    %dma_start3A_32 = arith.constant 0 : i32
    %dma_start3A_33 = tpu.memref_slice %arg2[%dma_start3A_31, %dma_start3A_32] : memref<10000x16xf32, #tpu.memory_space<hbm>> -> memref<10000x16xf32, #tpu.memory_space<hbm>>
    tpu.enqueue_indirect_dma source(%dma_start3A_33 : memref<10000x16xf32, #tpu.memory_space<hbm>>) target(%dma_start3A_27 : memref<128x16xf32, #tpu.memory_space<vmem>>) offsets(%dma_start3A_30 : memref<128xi32, #tpu.memory_space<vmem>>) semaphore(%arg9 : memref<!tpu.dma_semaphore, #tpu.memory_space<semaphore_mem>>)
    %dma_start3A_34 = arith.constant 2 : i32
    %dma_start3A_35 = arith.constant 0 : i32
    %dma_start3A_36 = arith.constant 0 : i32
    %dma_start3A_37 = arith.constant 256 : i32
    %dma_start3A_38 = arith.constant 0 : i32
    %dma_start3A_39 = tpu.memref_slice %arg7[%dma_start3A_36, %dma_start3A_37, %dma_start3A_38] : memref<4x384x16xf32, #tpu.memory_space<vmem>> -> memref<1x128x16xf32, #tpu.memory_space<vmem>>
    %dma_start3A_40 = tpu.memref_squeeze %dma_start3A_39 : memref<1x128x16xf32, #tpu.memory_space<vmem>> -> memref<128x16xf32, #tpu.memory_space<vmem>>
    %dma_start3A_41 = arith.constant 0 : i32
    %dma_start3A_42 = tpu.memref_slice %arg6[%dma_start3A_34, %dma_start3A_35, %dma_start3A_41] : memref<79x2x128xi32, #tpu.memory_space<vmem>> -> memref<1x1x128xi32, #tpu.memory_space<vmem>>
    %dma_start3A_43 = tpu.memref_squeeze %dma_start3A_42 : memref<1x1x128xi32, #tpu.memory_space<vmem>> -> memref<128xi32, #tpu.memory_space<vmem>>
    %dma_start3A_44 = arith.constant 0 : i32
    %dma_start3A_45 = arith.constant 0 : i32
    %dma_start3A_46 = tpu.memref_slice %arg2[%dma_start3A_44, %dma_start3A_45] : memref<10000x16xf32, #tpu.memory_space<hbm>> -> memref<10000x16xf32, #tpu.memory_space<hbm>>
    tpu.enqueue_indirect_dma source(%dma_start3A_46 : memref<10000x16xf32, #tpu.memory_space<hbm>>) target(%dma_start3A_40 : memref<128x16xf32, #tpu.memory_space<vmem>>) offsets(%dma_start3A_43 : memref<128xi32, #tpu.memory_space<vmem>>) semaphore(%arg9 : memref<!tpu.dma_semaphore, #tpu.memory_space<semaphore_mem>>)
    %dma_start3A_47 = arith.constant 3 : i32
    %dma_start3A_48 = arith.constant 0 : i32
    %dma_start3A_49 = arith.constant 1 : i32
    %dma_start3A_50 = arith.constant 0 : i32
    %dma_start3A_51 = arith.constant 0 : i32
    %dma_start3A_52 = tpu.memref_slice %arg7[%dma_start3A_49, %dma_start3A_50, %dma_start3A_51] : memref<4x384x16xf32, #tpu.memory_space<vmem>> -> memref<1x128x16xf32, #tpu.memory_space<vmem>>
    %dma_start3A_53 = tpu.memref_squeeze %dma_start3A_52 : memref<1x128x16xf32, #tpu.memory_space<vmem>> -> memref<128x16xf32, #tpu.memory_space<vmem>>
    %dma_start3A_54 = arith.constant 0 : i32
    %dma_start3A_55 = tpu.memref_slice %arg6[%dma_start3A_47, %dma_start3A_48, %dma_start3A_54] : memref<79x2x128xi32, #tpu.memory_space<vmem>> -> memref<1x1x128xi32, #tpu.memory_space<vmem>>
    %dma_start3A_56 = tpu.memref_squeeze %dma_start3A_55 : memref<1x1x128xi32, #tpu.memory_space<vmem>> -> memref<128xi32, #tpu.memory_space<vmem>>
    %dma_start3A_57 = arith.constant 0 : i32
    %dma_start3A_58 = arith.constant 0 : i32
    %dma_start3A_59 = tpu.memref_slice %arg2[%dma_start3A_57, %dma_start3A_58] : memref<10000x16xf32, #tpu.memory_space<hbm>> -> memref<10000x16xf32, #tpu.memory_space<hbm>>
    tpu.enqueue_indirect_dma source(%dma_start3A_59 : memref<10000x16xf32, #tpu.memory_space<hbm>>) target(%dma_start3A_53 : memref<128x16xf32, #tpu.memory_space<vmem>>) offsets(%dma_start3A_56 : memref<128xi32, #tpu.memory_space<vmem>>) semaphore(%arg10 : memref<!tpu.dma_semaphore, #tpu.memory_space<semaphore_mem>>)
    %dma_start3A_60 = arith.constant 4 : i32
    %dma_start3A_61 = arith.constant 0 : i32
    %dma_start3A_62 = arith.constant 1 : i32
    %dma_start3A_63 = arith.constant 128 : i32
    %dma_start3A_64 = arith.constant 0 : i32
    %dma_start3A_65 = tpu.memref_slice %arg7[%dma_start3A_62, %dma_start3A_63, %dma_start3A_64] : memref<4x384x16xf32, #tpu.memory_space<vmem>> -> memref<1x128x16xf32, #tpu.memory_space<vmem>>
    %dma_start3A_66 = tpu.memref_squeeze %dma_start3A_65 : memref<1x128x16xf32, #tpu.memory_space<vmem>> -> memref<128x16xf32, #tpu.memory_space<vmem>>
    %dma_start3A_67 = arith.constant 0 : i32
    %dma_start3A_68 = tpu.memref_slice %arg6[%dma_start3A_60, %dma_start3A_61, %dma_start3A_67] : memref<79x2x128xi32, #tpu.memory_space<vmem>> -> memref<1x1x128xi32, #tpu.memory_space<vmem>>
    %dma_start3A_69 = tpu.memref_squeeze %dma_start3A_68 : memref<1x1x128xi32, #tpu.memory_space<vmem>> -> memref<128xi32, #tpu.memory_space<vmem>>
    %dma_start3A_70 = arith.constant 0 : i32
    %dma_start3A_71 = arith.constant 0 : i32
    %dma_start3A_72 = tpu.memref_slice %arg2[%dma_start3A_70, %dma_start3A_71] : memref<10000x16xf32, #tpu.memory_space<hbm>> -> memref<10000x16xf32, #tpu.memory_space<hbm>>
    tpu.enqueue_indirect_dma source(%dma_start3A_72 : memref<10000x16xf32, #tpu.memory_space<hbm>>) target(%dma_start3A_66 : memref<128x16xf32, #tpu.memory_space<vmem>>) offsets(%dma_start3A_69 : memref<128xi32, #tpu.memory_space<vmem>>) semaphore(%arg10 : memref<!tpu.dma_semaphore, #tpu.memory_space<semaphore_mem>>)
    %dma_start3A_73 = arith.constant 5 : i32
    %dma_start3A_74 = arith.constant 0 : i32
    %dma_start3A_75 = arith.constant 1 : i32
    %dma_start3A_76 = arith.constant 256 : i32
    %dma_start3A_77 = arith.constant 0 : i32
    %dma_start3A_78 = tpu.memref_slice %arg7[%dma_start3A_75, %dma_start3A_76, %dma_start3A_77] : memref<4x384x16xf32, #tpu.memory_space<vmem>> -> memref<1x128x16xf32, #tpu.memory_space<vmem>>
    %dma_start3A_79 = tpu.memref_squeeze %dma_start3A_78 : memref<1x128x16xf32, #tpu.memory_space<vmem>> -> memref<128x16xf32, #tpu.memory_space<vmem>>
    %dma_start3A_80 = arith.constant 0 : i32
    %dma_start3A_81 = tpu.memref_slice %arg6[%dma_start3A_73, %dma_start3A_74, %dma_start3A_80] : memref<79x2x128xi32, #tpu.memory_space<vmem>> -> memref<1x1x128xi32, #tpu.memory_space<vmem>>
    %dma_start3A_82 = tpu.memref_squeeze %dma_start3A_81 : memref<1x1x128xi32, #tpu.memory_space<vmem>> -> memref<128xi32, #tpu.memory_space<vmem>>
    %dma_start3A_83 = arith.constant 0 : i32
    %dma_start3A_84 = arith.constant 0 : i32
    %dma_start3A_85 = tpu.memref_slice %arg2[%dma_start3A_83, %dma_start3A_84] : memref<10000x16xf32, #tpu.memory_space<hbm>> -> memref<10000x16xf32, #tpu.memory_space<hbm>>
    tpu.enqueue_indirect_dma source(%dma_start3A_85 : memref<10000x16xf32, #tpu.memory_space<hbm>>) target(%dma_start3A_79 : memref<128x16xf32, #tpu.memory_space<vmem>>) offsets(%dma_start3A_82 : memref<128xi32, #tpu.memory_space<vmem>>) semaphore(%arg10 : memref<!tpu.dma_semaphore, #tpu.memory_space<semaphore_mem>>)
    %barrier3A = arith.constant 0 : index
    tpu.barrier barrier_id(%barrier3A)
    %dma_wait3A = arith.constant 0 : i32
    %dma_wait3A_86 = arith.constant 0 : i32
    %dma_wait3A_87 = arith.constant 0 : i32
    %dma_wait3A_88 = tpu.memref_slice %arg7[%dma_wait3A, %dma_wait3A_86, %dma_wait3A_87] : memref<4x384x16xf32, #tpu.memory_space<vmem>> -> memref<1x384x16xf32, #tpu.memory_space<vmem>>
    %dma_wait3A_89 = tpu.memref_squeeze %dma_wait3A_88 : memref<1x384x16xf32, #tpu.memory_space<vmem>> -> memref<384x16xf32, #tpu.memory_space<vmem>>
    %dma_wait3A_90 = arith.constant 0 : i32
    %dma_wait3A_91 = arith.constant 0 : i32
    %dma_wait3A_92 = tpu.memref_slice %arg2[%dma_wait3A_90, %dma_wait3A_91] : memref<10000x16xf32, #tpu.memory_space<hbm>> -> memref<384x16xf32, #tpu.memory_space<hbm>>
    %dma_wait3A_93 = arith.constant 0 : i32
    %dma_wait3A_94 = arith.constant 0 : i32
    %dma_wait3A_95 = tpu.memref_slice %arg7[%dma_wait3A, %dma_wait3A_93, %dma_wait3A_94] : memref<4x384x16xf32, #tpu.memory_space<vmem>> -> memref<1x384x16xf32, #tpu.memory_space<vmem>>
    %dma_wait3A_96 = tpu.memref_squeeze %dma_wait3A_95 : memref<1x384x16xf32, #tpu.memory_space<vmem>> -> memref<384x16xf32, #tpu.memory_space<vmem>>
    %dma_wait3A_97 = arith.constant 0 : i32
    %dma_wait3A_98 = arith.constant 0 : i32
    %dma_wait3A_99 = tpu.memref_slice %arg2[%dma_wait3A_97, %dma_wait3A_98] : memref<10000x16xf32, #tpu.memory_space<hbm>> -> memref<384x16xf32, #tpu.memory_space<hbm>>
    tpu.wait_dma2 semaphore(%arg9 : memref<!tpu.dma_semaphore, #tpu.memory_space<semaphore_mem>>) src(%dma_wait3A_99 : memref<384x16xf32, #tpu.memory_space<hbm>>) dst(%dma_wait3A_96 : memref<384x16xf32, #tpu.memory_space<vmem>>)
    %dma_start3A_100 = arith.constant 0 : i32
    %dma_start3A_101 = arith.constant 0 : i32
    %dma_start3A_102 = arith.constant 1 : i32
    %dma_start3A_103 = arith.constant 0 : i32
    %dma_start3A_104 = arith.constant 0 : i32
    %dma_start3A_105 = tpu.memref_slice %arg7[%dma_start3A_100, %dma_start3A_103, %dma_start3A_104] : memref<4x384x16xf32, #tpu.memory_space<vmem>> -> memref<1x128x16xf32, #tpu.memory_space<vmem>>
    %dma_start3A_106 = tpu.memref_squeeze %dma_start3A_105 : memref<1x128x16xf32, #tpu.memory_space<vmem>> -> memref<128x16xf32, #tpu.memory_space<vmem>>
    %dma_start3A_107 = arith.constant 0 : i32
    %dma_start3A_108 = tpu.memref_slice %arg6[%dma_start3A_101, %dma_start3A_102, %dma_start3A_107] : memref<79x2x128xi32, #tpu.memory_space<vmem>> -> memref<1x1x128xi32, #tpu.memory_space<vmem>>
    %dma_start3A_109 = tpu.memref_squeeze %dma_start3A_108 : memref<1x1x128xi32, #tpu.memory_space<vmem>> -> memref<128xi32, #tpu.memory_space<vmem>>
    %dma_start3A_110 = arith.constant 0 : i32
    %dma_start3A_111 = arith.constant 0 : i32
    %dma_start3A_112 = tpu.memref_slice %arg8[%dma_start3A_110, %dma_start3A_111] : memref<10112x16xf32, #tpu.memory_space<vmem_shared>> -> memref<10112x16xf32, #tpu.memory_space<vmem_shared>>
    tpu.enqueue_indirect_dma source(%dma_start3A_106 : memref<128x16xf32, #tpu.memory_space<vmem>>) target(%dma_start3A_112 : memref<10112x16xf32, #tpu.memory_space<vmem_shared>>) offsets(%dma_start3A_109 : memref<128xi32, #tpu.memory_space<vmem>>) semaphore(%arg13 : memref<!tpu.dma_semaphore, #tpu.memory_space<semaphore_mem>>) {add = true}
    %dma_start3A_113 = arith.constant 0 : i32
    %dma_start3A_114 = arith.constant 1 : i32
    %dma_start3A_115 = arith.constant 1 : i32
    %dma_start3A_116 = arith.constant 128 : i32
    %dma_start3A_117 = arith.constant 0 : i32
    %dma_start3A_118 = tpu.memref_slice %arg7[%dma_start3A_113, %dma_start3A_116, %dma_start3A_117] : memref<4x384x16xf32, #tpu.memory_space<vmem>> -> memref<1x128x16xf32, #tpu.memory_space<vmem>>
    %dma_start3A_119 = tpu.memref_squeeze %dma_start3A_118 : memref<1x128x16xf32, #tpu.memory_space<vmem>> -> memref<128x16xf32, #tpu.memory_space<vmem>>
    %dma_start3A_120 = arith.constant 0 : i32
    %dma_start3A_121 = tpu.memref_slice %arg6[%dma_start3A_114, %dma_start3A_115, %dma_start3A_120] : memref<79x2x128xi32, #tpu.memory_space<vmem>> -> memref<1x1x128xi32, #tpu.memory_space<vmem>>
    %dma_start3A_122 = tpu.memref_squeeze %dma_start3A_121 : memref<1x1x128xi32, #tpu.memory_space<vmem>> -> memref<128xi32, #tpu.memory_space<vmem>>
    %dma_start3A_123 = arith.constant 0 : i32
    %dma_start3A_124 = arith.constant 0 : i32
    %dma_start3A_125 = tpu.memref_slice %arg8[%dma_start3A_123, %dma_start3A_124] : memref<10112x16xf32, #tpu.memory_space<vmem_shared>> -> memref<10112x16xf32, #tpu.memory_space<vmem_shared>>
    tpu.enqueue_indirect_dma source(%dma_start3A_119 : memref<128x16xf32, #tpu.memory_space<vmem>>) target(%dma_start3A_125 : memref<10112x16xf32, #tpu.memory_space<vmem_shared>>) offsets(%dma_start3A_122 : memref<128xi32, #tpu.memory_space<vmem>>) semaphore(%arg13 : memref<!tpu.dma_semaphore, #tpu.memory_space<semaphore_mem>>) {add = true}
    %dma_start3A_126 = arith.constant 0 : i32
    %dma_start3A_127 = arith.constant 2 : i32
    %dma_start3A_128 = arith.constant 1 : i32
    %dma_start3A_129 = arith.constant 256 : i32
    %dma_start3A_130 = arith.constant 0 : i32
    %dma_start3A_131 = tpu.memref_slice %arg7[%dma_start3A_126, %dma_start3A_129, %dma_start3A_130] : memref<4x384x16xf32, #tpu.memory_space<vmem>> -> memref<1x128x16xf32, #tpu.memory_space<vmem>>
    %dma_start3A_132 = tpu.memref_squeeze %dma_start3A_131 : memref<1x128x16xf32, #tpu.memory_space<vmem>> -> memref<128x16xf32, #tpu.memory_space<vmem>>
    %dma_start3A_133 = arith.constant 0 : i32
    %dma_start3A_134 = tpu.memref_slice %arg6[%dma_start3A_127, %dma_start3A_128, %dma_start3A_133] : memref<79x2x128xi32, #tpu.memory_space<vmem>> -> memref<1x1x128xi32, #tpu.memory_space<vmem>>
    %dma_start3A_135 = tpu.memref_squeeze %dma_start3A_134 : memref<1x1x128xi32, #tpu.memory_space<vmem>> -> memref<128xi32, #tpu.memory_space<vmem>>
    %dma_start3A_136 = arith.constant 0 : i32
    %dma_start3A_137 = arith.constant 0 : i32
    %dma_start3A_138 = tpu.memref_slice %arg8[%dma_start3A_136, %dma_start3A_137] : memref<10112x16xf32, #tpu.memory_space<vmem_shared>> -> memref<10112x16xf32, #tpu.memory_space<vmem_shared>>
    tpu.enqueue_indirect_dma source(%dma_start3A_132 : memref<128x16xf32, #tpu.memory_space<vmem>>) target(%dma_start3A_138 : memref<10112x16xf32, #tpu.memory_space<vmem_shared>>) offsets(%dma_start3A_135 : memref<128xi32, #tpu.memory_space<vmem>>) semaphore(%arg13 : memref<!tpu.dma_semaphore, #tpu.memory_space<semaphore_mem>>) {add = true}
    %dma_start3A_139 = arith.constant 6 : i32
    %dma_start3A_140 = arith.constant 0 : i32
    %dma_start3A_141 = arith.constant 2 : i32
    %dma_start3A_142 = arith.constant 0 : i32
    %dma_start3A_143 = arith.constant 0 : i32
    %dma_start3A_144 = tpu.memref_slice %arg7[%dma_start3A_141, %dma_start3A_142, %dma_start3A_143] : memref<4x384x16xf32, #tpu.memory_space<vmem>> -> memref<1x128x16xf32, #tpu.memory_space<vmem>>
    %dma_start3A_145 = tpu.memref_squeeze %dma_start3A_144 : memref<1x128x16xf32, #tpu.memory_space<vmem>> -> memref<128x16xf32, #tpu.memory_space<vmem>>
    %dma_start3A_146 = arith.constant 0 : i32
    %dma_start3A_147 = tpu.memref_slice %arg6[%dma_start3A_139, %dma_start3A_140, %dma_start3A_146] : memref<79x2x128xi32, #tpu.memory_space<vmem>> -> memref<1x1x128xi32, #tpu.memory_space<vmem>>
    %dma_start3A_148 = tpu.memref_squeeze %dma_start3A_147 : memref<1x1x128xi32, #tpu.memory_space<vmem>> -> memref<128xi32, #tpu.memory_space<vmem>>
    %dma_start3A_149 = arith.constant 0 : i32
    %dma_start3A_150 = arith.constant 0 : i32
    %dma_start3A_151 = tpu.memref_slice %arg2[%dma_start3A_149, %dma_start3A_150] : memref<10000x16xf32, #tpu.memory_space<hbm>> -> memref<10000x16xf32, #tpu.memory_space<hbm>>
    tpu.enqueue_indirect_dma source(%dma_start3A_151 : memref<10000x16xf32, #tpu.memory_space<hbm>>) target(%dma_start3A_145 : memref<128x16xf32, #tpu.memory_space<vmem>>) offsets(%dma_start3A_148 : memref<128xi32, #tpu.memory_space<vmem>>) semaphore(%arg11 : memref<!tpu.dma_semaphore, #tpu.memory_space<semaphore_mem>>)
    %dma_start3A_152 = arith.constant 7 : i32
    %dma_start3A_153 = arith.constant 0 : i32
    %dma_start3A_154 = arith.constant 2 : i32
    %dma_start3A_155 = arith.constant 128 : i32
    %dma_start3A_156 = arith.constant 0 : i32
    %dma_start3A_157 = tpu.memref_slice %arg7[%dma_start3A_154, %dma_start3A_155, %dma_start3A_156] : memref<4x384x16xf32, #tpu.memory_space<vmem>> -> memref<1x128x16xf32, #tpu.memory_space<vmem>>
    %dma_start3A_158 = tpu.memref_squeeze %dma_start3A_157 : memref<1x128x16xf32, #tpu.memory_space<vmem>> -> memref<128x16xf32, #tpu.memory_space<vmem>>
    %dma_start3A_159 = arith.constant 0 : i32
    %dma_start3A_160 = tpu.memref_slice %arg6[%dma_start3A_152, %dma_start3A_153, %dma_start3A_159] : memref<79x2x128xi32, #tpu.memory_space<vmem>> -> memref<1x1x128xi32, #tpu.memory_space<vmem>>
    %dma_start3A_161 = tpu.memref_squeeze %dma_start3A_160 : memref<1x1x128xi32, #tpu.memory_space<vmem>> -> memref<128xi32, #tpu.memory_space<vmem>>
    %dma_start3A_162 = arith.constant 0 : i32
    %dma_start3A_163 = arith.constant 0 : i32
    %dma_start3A_164 = tpu.memref_slice %arg2[%dma_start3A_162, %dma_start3A_163] : memref<10000x16xf32, #tpu.memory_space<hbm>> -> memref<10000x16xf32, #tpu.memory_space<hbm>>
    tpu.enqueue_indirect_dma source(%dma_start3A_164 : memref<10000x16xf32, #tpu.memory_space<hbm>>) target(%dma_start3A_158 : memref<128x16xf32, #tpu.memory_space<vmem>>) offsets(%dma_start3A_161 : memref<128xi32, #tpu.memory_space<vmem>>) semaphore(%arg11 : memref<!tpu.dma_semaphore, #tpu.memory_space<semaphore_mem>>)
    %dma_start3A_165 = arith.constant 8 : i32
    %dma_start3A_166 = arith.constant 0 : i32
    %dma_start3A_167 = arith.constant 2 : i32
    %dma_start3A_168 = arith.constant 256 : i32
    %dma_start3A_169 = arith.constant 0 : i32
    %dma_start3A_170 = tpu.memref_slice %arg7[%dma_start3A_167, %dma_start3A_168, %dma_start3A_169] : memref<4x384x16xf32, #tpu.memory_space<vmem>> -> memref<1x128x16xf32, #tpu.memory_space<vmem>>
    %dma_start3A_171 = tpu.memref_squeeze %dma_start3A_170 : memref<1x128x16xf32, #tpu.memory_space<vmem>> -> memref<128x16xf32, #tpu.memory_space<vmem>>
    %dma_start3A_172 = arith.constant 0 : i32
    %dma_start3A_173 = tpu.memref_slice %arg6[%dma_start3A_165, %dma_start3A_166, %dma_start3A_172] : memref<79x2x128xi32, #tpu.memory_space<vmem>> -> memref<1x1x128xi32, #tpu.memory_space<vmem>>
    %dma_start3A_174 = tpu.memref_squeeze %dma_start3A_173 : memref<1x1x128xi32, #tpu.memory_space<vmem>> -> memref<128xi32, #tpu.memory_space<vmem>>
    %dma_start3A_175 = arith.constant 0 : i32
    %dma_start3A_176 = arith.constant 0 : i32
    %dma_start3A_177 = tpu.memref_slice %arg2[%dma_start3A_175, %dma_start3A_176] : memref<10000x16xf32, #tpu.memory_space<hbm>> -> memref<10000x16xf32, #tpu.memory_space<hbm>>
    tpu.enqueue_indirect_dma source(%dma_start3A_177 : memref<10000x16xf32, #tpu.memory_space<hbm>>) target(%dma_start3A_171 : memref<128x16xf32, #tpu.memory_space<vmem>>) offsets(%dma_start3A_174 : memref<128xi32, #tpu.memory_space<vmem>>) semaphore(%arg11 : memref<!tpu.dma_semaphore, #tpu.memory_space<semaphore_mem>>)
    %dma_wait3A_178 = arith.constant 1 : i32
    %dma_wait3A_179 = arith.constant 0 : i32
    %dma_wait3A_180 = arith.constant 0 : i32
    %dma_wait3A_181 = tpu.memref_slice %arg7[%dma_wait3A_178, %dma_wait3A_179, %dma_wait3A_180] : memref<4x384x16xf32, #tpu.memory_space<vmem>> -> memref<1x384x16xf32, #tpu.memory_space<vmem>>
    %dma_wait3A_182 = tpu.memref_squeeze %dma_wait3A_181 : memref<1x384x16xf32, #tpu.memory_space<vmem>> -> memref<384x16xf32, #tpu.memory_space<vmem>>
    %dma_wait3A_183 = arith.constant 0 : i32
    %dma_wait3A_184 = arith.constant 0 : i32
    %dma_wait3A_185 = tpu.memref_slice %arg2[%dma_wait3A_183, %dma_wait3A_184] : memref<10000x16xf32, #tpu.memory_space<hbm>> -> memref<384x16xf32, #tpu.memory_space<hbm>>
    %dma_wait3A_186 = arith.constant 0 : i32
    %dma_wait3A_187 = arith.constant 0 : i32
    %dma_wait3A_188 = tpu.memref_slice %arg7[%dma_wait3A_178, %dma_wait3A_186, %dma_wait3A_187] : memref<4x384x16xf32, #tpu.memory_space<vmem>> -> memref<1x384x16xf32, #tpu.memory_space<vmem>>
    %dma_wait3A_189 = tpu.memref_squeeze %dma_wait3A_188 : memref<1x384x16xf32, #tpu.memory_space<vmem>> -> memref<384x16xf32, #tpu.memory_space<vmem>>
    %dma_wait3A_190 = arith.constant 0 : i32
    %dma_wait3A_191 = arith.constant 0 : i32
    %dma_wait3A_192 = tpu.memref_slice %arg2[%dma_wait3A_190, %dma_wait3A_191] : memref<10000x16xf32, #tpu.memory_space<hbm>> -> memref<384x16xf32, #tpu.memory_space<hbm>>
    tpu.wait_dma2 semaphore(%arg10 : memref<!tpu.dma_semaphore, #tpu.memory_space<semaphore_mem>>) src(%dma_wait3A_192 : memref<384x16xf32, #tpu.memory_space<hbm>>) dst(%dma_wait3A_189 : memref<384x16xf32, #tpu.memory_space<vmem>>)
    %dma_start3A_193 = arith.constant 1 : i32
    %dma_start3A_194 = arith.constant 3 : i32
    %dma_start3A_195 = arith.constant 1 : i32
    %dma_start3A_196 = arith.constant 0 : i32
    %dma_start3A_197 = arith.constant 0 : i32
    %dma_start3A_198 = tpu.memref_slice %arg7[%dma_start3A_193, %dma_start3A_196, %dma_start3A_197] : memref<4x384x16xf32, #tpu.memory_space<vmem>> -> memref<1x128x16xf32, #tpu.memory_space<vmem>>
    %dma_start3A_199 = tpu.memref_squeeze %dma_start3A_198 : memref<1x128x16xf32, #tpu.memory_space<vmem>> -> memref<128x16xf32, #tpu.memory_space<vmem>>
    %dma_start3A_200 = arith.constant 0 : i32
    %dma_start3A_201 = tpu.memref_slice %arg6[%dma_start3A_194, %dma_start3A_195, %dma_start3A_200] : memref<79x2x128xi32, #tpu.memory_space<vmem>> -> memref<1x1x128xi32, #tpu.memory_space<vmem>>
    %dma_start3A_202 = tpu.memref_squeeze %dma_start3A_201 : memref<1x1x128xi32, #tpu.memory_space<vmem>> -> memref<128xi32, #tpu.memory_space<vmem>>
    %dma_start3A_203 = arith.constant 0 : i32
    %dma_start3A_204 = arith.constant 0 : i32
    %dma_start3A_205 = tpu.memref_slice %arg8[%dma_start3A_203, %dma_start3A_204] : memref<10112x16xf32, #tpu.memory_space<vmem_shared>> -> memref<10112x16xf32, #tpu.memory_space<vmem_shared>>
    tpu.enqueue_indirect_dma source(%dma_start3A_199 : memref<128x16xf32, #tpu.memory_space<vmem>>) target(%dma_start3A_205 : memref<10112x16xf32, #tpu.memory_space<vmem_shared>>) offsets(%dma_start3A_202 : memref<128xi32, #tpu.memory_space<vmem>>) semaphore(%arg14 : memref<!tpu.dma_semaphore, #tpu.memory_space<semaphore_mem>>) {add = true}
    %dma_start3A_206 = arith.constant 1 : i32
    %dma_start3A_207 = arith.constant 4 : i32
    %dma_start3A_208 = arith.constant 1 : i32
    %dma_start3A_209 = arith.constant 128 : i32
    %dma_start3A_210 = arith.constant 0 : i32
    %dma_start3A_211 = tpu.memref_slice %arg7[%dma_start3A_206, %dma_start3A_209, %dma_start3A_210] : memref<4x384x16xf32, #tpu.memory_space<vmem>> -> memref<1x128x16xf32, #tpu.memory_space<vmem>>
    %dma_start3A_212 = tpu.memref_squeeze %dma_start3A_211 : memref<1x128x16xf32, #tpu.memory_space<vmem>> -> memref<128x16xf32, #tpu.memory_space<vmem>>
    %dma_start3A_213 = arith.constant 0 : i32
    %dma_start3A_214 = tpu.memref_slice %arg6[%dma_start3A_207, %dma_start3A_208, %dma_start3A_213] : memref<79x2x128xi32, #tpu.memory_space<vmem>> -> memref<1x1x128xi32, #tpu.memory_space<vmem>>
    %dma_start3A_215 = tpu.memref_squeeze %dma_start3A_214 : memref<1x1x128xi32, #tpu.memory_space<vmem>> -> memref<128xi32, #tpu.memory_space<vmem>>
    %dma_start3A_216 = arith.constant 0 : i32
    %dma_start3A_217 = arith.constant 0 : i32
    %dma_start3A_218 = tpu.memref_slice %arg8[%dma_start3A_216, %dma_start3A_217] : memref<10112x16xf32, #tpu.memory_space<vmem_shared>> -> memref<10112x16xf32, #tpu.memory_space<vmem_shared>>
    tpu.enqueue_indirect_dma source(%dma_start3A_212 : memref<128x16xf32, #tpu.memory_space<vmem>>) target(%dma_start3A_218 : memref<10112x16xf32, #tpu.memory_space<vmem_shared>>) offsets(%dma_start3A_215 : memref<128xi32, #tpu.memory_space<vmem>>) semaphore(%arg14 : memref<!tpu.dma_semaphore, #tpu.memory_space<semaphore_mem>>) {add = true}
    %dma_start3A_219 = arith.constant 1 : i32
    %dma_start3A_220 = arith.constant 5 : i32
    %dma_start3A_221 = arith.constant 1 : i32
    %dma_start3A_222 = arith.constant 256 : i32
    %dma_start3A_223 = arith.constant 0 : i32
    %dma_start3A_224 = tpu.memref_slice %arg7[%dma_start3A_219, %dma_start3A_222, %dma_start3A_223] : memref<4x384x16xf32, #tpu.memory_space<vmem>> -> memref<1x128x16xf32, #tpu.memory_space<vmem>>
    %dma_start3A_225 = tpu.memref_squeeze %dma_start3A_224 : memref<1x128x16xf32, #tpu.memory_space<vmem>> -> memref<128x16xf32, #tpu.memory_space<vmem>>
    %dma_start3A_226 = arith.constant 0 : i32
    %dma_start3A_227 = tpu.memref_slice %arg6[%dma_start3A_220, %dma_start3A_221, %dma_start3A_226] : memref<79x2x128xi32, #tpu.memory_space<vmem>> -> memref<1x1x128xi32, #tpu.memory_space<vmem>>
    %dma_start3A_228 = tpu.memref_squeeze %dma_start3A_227 : memref<1x1x128xi32, #tpu.memory_space<vmem>> -> memref<128xi32, #tpu.memory_space<vmem>>
    %dma_start3A_229 = arith.constant 0 : i32
    %dma_start3A_230 = arith.constant 0 : i32
    %dma_start3A_231 = tpu.memref_slice %arg8[%dma_start3A_229, %dma_start3A_230] : memref<10112x16xf32, #tpu.memory_space<vmem_shared>> -> memref<10112x16xf32, #tpu.memory_space<vmem_shared>>
    tpu.enqueue_indirect_dma source(%dma_start3A_225 : memref<128x16xf32, #tpu.memory_space<vmem>>) target(%dma_start3A_231 : memref<10112x16xf32, #tpu.memory_space<vmem_shared>>) offsets(%dma_start3A_228 : memref<128xi32, #tpu.memory_space<vmem>>) semaphore(%arg14 : memref<!tpu.dma_semaphore, #tpu.memory_space<semaphore_mem>>) {add = true}
    %dma_start3A_232 = arith.constant 9 : i32
    %dma_start3A_233 = arith.constant 0 : i32
    %dma_start3A_234 = arith.constant 3 : i32
    %dma_start3A_235 = arith.constant 0 : i32
    %dma_start3A_236 = arith.constant 0 : i32
    %dma_start3A_237 = tpu.memref_slice %arg7[%dma_start3A_234, %dma_start3A_235, %dma_start3A_236] : memref<4x384x16xf32, #tpu.memory_space<vmem>> -> memref<1x128x16xf32, #tpu.memory_space<vmem>>
    %dma_start3A_238 = tpu.memref_squeeze %dma_start3A_237 : memref<1x128x16xf32, #tpu.memory_space<vmem>> -> memref<128x16xf32, #tpu.memory_space<vmem>>
    %dma_start3A_239 = arith.constant 0 : i32
    %dma_start3A_240 = tpu.memref_slice %arg6[%dma_start3A_232, %dma_start3A_233, %dma_start3A_239] : memref<79x2x128xi32, #tpu.memory_space<vmem>> -> memref<1x1x128xi32, #tpu.memory_space<vmem>>
    %dma_start3A_241 = tpu.memref_squeeze %dma_start3A_240 : memref<1x1x128xi32, #tpu.memory_space<vmem>> -> memref<128xi32, #tpu.memory_space<vmem>>
    %dma_start3A_242 = arith.constant 0 : i32
    %dma_start3A_243 = arith.constant 0 : i32
    %dma_start3A_244 = tpu.memref_slice %arg2[%dma_start3A_242, %dma_start3A_243] : memref<10000x16xf32, #tpu.memory_space<hbm>> -> memref<10000x16xf32, #tpu.memory_space<hbm>>
    tpu.enqueue_indirect_dma source(%dma_start3A_244 : memref<10000x16xf32, #tpu.memory_space<hbm>>) target(%dma_start3A_238 : memref<128x16xf32, #tpu.memory_space<vmem>>) offsets(%dma_start3A_241 : memref<128xi32, #tpu.memory_space<vmem>>) semaphore(%arg12 : memref<!tpu.dma_semaphore, #tpu.memory_space<semaphore_mem>>)
    %dma_start3A_245 = arith.constant 10 : i32
    %dma_start3A_246 = arith.constant 0 : i32
    %dma_start3A_247 = arith.constant 3 : i32
    %dma_start3A_248 = arith.constant 128 : i32
    %dma_start3A_249 = arith.constant 0 : i32
    %dma_start3A_250 = tpu.memref_slice %arg7[%dma_start3A_247, %dma_start3A_248, %dma_start3A_249] : memref<4x384x16xf32, #tpu.memory_space<vmem>> -> memref<1x128x16xf32, #tpu.memory_space<vmem>>
    %dma_start3A_251 = tpu.memref_squeeze %dma_start3A_250 : memref<1x128x16xf32, #tpu.memory_space<vmem>> -> memref<128x16xf32, #tpu.memory_space<vmem>>
    %dma_start3A_252 = arith.constant 0 : i32
    %dma_start3A_253 = tpu.memref_slice %arg6[%dma_start3A_245, %dma_start3A_246, %dma_start3A_252] : memref<79x2x128xi32, #tpu.memory_space<vmem>> -> memref<1x1x128xi32, #tpu.memory_space<vmem>>
    %dma_start3A_254 = tpu.memref_squeeze %dma_start3A_253 : memref<1x1x128xi32, #tpu.memory_space<vmem>> -> memref<128xi32, #tpu.memory_space<vmem>>
    %dma_start3A_255 = arith.constant 0 : i32
    %dma_start3A_256 = arith.constant 0 : i32
    %dma_start3A_257 = tpu.memref_slice %arg2[%dma_start3A_255, %dma_start3A_256] : memref<10000x16xf32, #tpu.memory_space<hbm>> -> memref<10000x16xf32, #tpu.memory_space<hbm>>
    tpu.enqueue_indirect_dma source(%dma_start3A_257 : memref<10000x16xf32, #tpu.memory_space<hbm>>) target(%dma_start3A_251 : memref<128x16xf32, #tpu.memory_space<vmem>>) offsets(%dma_start3A_254 : memref<128xi32, #tpu.memory_space<vmem>>) semaphore(%arg12 : memref<!tpu.dma_semaphore, #tpu.memory_space<semaphore_mem>>)
    %dma_start3A_258 = arith.constant 11 : i32
    %dma_start3A_259 = arith.constant 0 : i32
    %dma_start3A_260 = arith.constant 3 : i32
    %dma_start3A_261 = arith.constant 256 : i32
    %dma_start3A_262 = arith.constant 0 : i32
    %dma_start3A_263 = tpu.memref_slice %arg7[%dma_start3A_260, %dma_start3A_261, %dma_start3A_262] : memref<4x384x16xf32, #tpu.memory_space<vmem>> -> memref<1x128x16xf32, #tpu.memory_space<vmem>>
    %dma_start3A_264 = tpu.memref_squeeze %dma_start3A_263 : memref<1x128x16xf32, #tpu.memory_space<vmem>> -> memref<128x16xf32, #tpu.memory_space<vmem>>
    %dma_start3A_265 = arith.constant 0 : i32
    %dma_start3A_266 = tpu.memref_slice %arg6[%dma_start3A_258, %dma_start3A_259, %dma_start3A_265] : memref<79x2x128xi32, #tpu.memory_space<vmem>> -> memref<1x1x128xi32, #tpu.memory_space<vmem>>
    %dma_start3A_267 = tpu.memref_squeeze %dma_start3A_266 : memref<1x1x128xi32, #tpu.memory_space<vmem>> -> memref<128xi32, #tpu.memory_space<vmem>>
    %dma_start3A_268 = arith.constant 0 : i32
    %dma_start3A_269 = arith.constant 0 : i32
    %dma_start3A_270 = tpu.memref_slice %arg2[%dma_start3A_268, %dma_start3A_269] : memref<10000x16xf32, #tpu.memory_space<hbm>> -> memref<10000x16xf32, #tpu.memory_space<hbm>>
    tpu.enqueue_indirect_dma source(%dma_start3A_270 : memref<10000x16xf32, #tpu.memory_space<hbm>>) target(%dma_start3A_264 : memref<128x16xf32, #tpu.memory_space<vmem>>) offsets(%dma_start3A_267 : memref<128xi32, #tpu.memory_space<vmem>>) semaphore(%arg12 : memref<!tpu.dma_semaphore, #tpu.memory_space<semaphore_mem>>)
    %dma_wait3A_271 = arith.constant 2 : i32
    %dma_wait3A_272 = arith.constant 0 : i32
    %dma_wait3A_273 = arith.constant 0 : i32
    %dma_wait3A_274 = tpu.memref_slice %arg7[%dma_wait3A_271, %dma_wait3A_272, %dma_wait3A_273] : memref<4x384x16xf32, #tpu.memory_space<vmem>> -> memref<1x384x16xf32, #tpu.memory_space<vmem>>
    %dma_wait3A_275 = tpu.memref_squeeze %dma_wait3A_274 : memref<1x384x16xf32, #tpu.memory_space<vmem>> -> memref<384x16xf32, #tpu.memory_space<vmem>>
    %dma_wait3A_276 = arith.constant 0 : i32
    %dma_wait3A_277 = arith.constant 0 : i32
    %dma_wait3A_278 = tpu.memref_slice %arg2[%dma_wait3A_276, %dma_wait3A_277] : memref<10000x16xf32, #tpu.memory_space<hbm>> -> memref<384x16xf32, #tpu.memory_space<hbm>>
    %dma_wait3A_279 = arith.constant 0 : i32
    %dma_wait3A_280 = arith.constant 0 : i32
    %dma_wait3A_281 = tpu.memref_slice %arg7[%dma_wait3A_271, %dma_wait3A_279, %dma_wait3A_280] : memref<4x384x16xf32, #tpu.memory_space<vmem>> -> memref<1x384x16xf32, #tpu.memory_space<vmem>>
    %dma_wait3A_282 = tpu.memref_squeeze %dma_wait3A_281 : memref<1x384x16xf32, #tpu.memory_space<vmem>> -> memref<384x16xf32, #tpu.memory_space<vmem>>
    %dma_wait3A_283 = arith.constant 0 : i32
    %dma_wait3A_284 = arith.constant 0 : i32
    %dma_wait3A_285 = tpu.memref_slice %arg2[%dma_wait3A_283, %dma_wait3A_284] : memref<10000x16xf32, #tpu.memory_space<hbm>> -> memref<384x16xf32, #tpu.memory_space<hbm>>
    tpu.wait_dma2 semaphore(%arg11 : memref<!tpu.dma_semaphore, #tpu.memory_space<semaphore_mem>>) src(%dma_wait3A_285 : memref<384x16xf32, #tpu.memory_space<hbm>>) dst(%dma_wait3A_282 : memref<384x16xf32, #tpu.memory_space<vmem>>)
    %dma_start3A_286 = arith.constant 2 : i32
    %dma_start3A_287 = arith.constant 6 : i32
    %dma_start3A_288 = arith.constant 1 : i32
    %dma_start3A_289 = arith.constant 0 : i32
    %dma_start3A_290 = arith.constant 0 : i32
    %dma_start3A_291 = tpu.memref_slice %arg7[%dma_start3A_286, %dma_start3A_289, %dma_start3A_290] : memref<4x384x16xf32, #tpu.memory_space<vmem>> -> memref<1x128x16xf32, #tpu.memory_space<vmem>>
    %dma_start3A_292 = tpu.memref_squeeze %dma_start3A_291 : memref<1x128x16xf32, #tpu.memory_space<vmem>> -> memref<128x16xf32, #tpu.memory_space<vmem>>
    %dma_start3A_293 = arith.constant 0 : i32
    %dma_start3A_294 = tpu.memref_slice %arg6[%dma_start3A_287, %dma_start3A_288, %dma_start3A_293] : memref<79x2x128xi32, #tpu.memory_space<vmem>> -> memref<1x1x128xi32, #tpu.memory_space<vmem>>
    %dma_start3A_295 = tpu.memref_squeeze %dma_start3A_294 : memref<1x1x128xi32, #tpu.memory_space<vmem>> -> memref<128xi32, #tpu.memory_space<vmem>>
    %dma_start3A_296 = arith.constant 0 : i32
    %dma_start3A_297 = arith.constant 0 : i32
    %dma_start3A_298 = tpu.memref_slice %arg8[%dma_start3A_296, %dma_start3A_297] : memref<10112x16xf32, #tpu.memory_space<vmem_shared>> -> memref<10112x16xf32, #tpu.memory_space<vmem_shared>>
    tpu.enqueue_indirect_dma source(%dma_start3A_292 : memref<128x16xf32, #tpu.memory_space<vmem>>) target(%dma_start3A_298 : memref<10112x16xf32, #tpu.memory_space<vmem_shared>>) offsets(%dma_start3A_295 : memref<128xi32, #tpu.memory_space<vmem>>) semaphore(%arg15 : memref<!tpu.dma_semaphore, #tpu.memory_space<semaphore_mem>>) {add = true}
    %dma_start3A_299 = arith.constant 2 : i32
    %dma_start3A_300 = arith.constant 7 : i32
    %dma_start3A_301 = arith.constant 1 : i32
    %dma_start3A_302 = arith.constant 128 : i32
    %dma_start3A_303 = arith.constant 0 : i32
    %dma_start3A_304 = tpu.memref_slice %arg7[%dma_start3A_299, %dma_start3A_302, %dma_start3A_303] : memref<4x384x16xf32, #tpu.memory_space<vmem>> -> memref<1x128x16xf32, #tpu.memory_space<vmem>>
    %dma_start3A_305 = tpu.memref_squeeze %dma_start3A_304 : memref<1x128x16xf32, #tpu.memory_space<vmem>> -> memref<128x16xf32, #tpu.memory_space<vmem>>
    %dma_start3A_306 = arith.constant 0 : i32
    %dma_start3A_307 = tpu.memref_slice %arg6[%dma_start3A_300, %dma_start3A_301, %dma_start3A_306] : memref<79x2x128xi32, #tpu.memory_space<vmem>> -> memref<1x1x128xi32, #tpu.memory_space<vmem>>
    %dma_start3A_308 = tpu.memref_squeeze %dma_start3A_307 : memref<1x1x128xi32, #tpu.memory_space<vmem>> -> memref<128xi32, #tpu.memory_space<vmem>>
    %dma_start3A_309 = arith.constant 0 : i32
    %dma_start3A_310 = arith.constant 0 : i32
    %dma_start3A_311 = tpu.memref_slice %arg8[%dma_start3A_309, %dma_start3A_310] : memref<10112x16xf32, #tpu.memory_space<vmem_shared>> -> memref<10112x16xf32, #tpu.memory_space<vmem_shared>>
    tpu.enqueue_indirect_dma source(%dma_start3A_305 : memref<128x16xf32, #tpu.memory_space<vmem>>) target(%dma_start3A_311 : memref<10112x16xf32, #tpu.memory_space<vmem_shared>>) offsets(%dma_start3A_308 : memref<128xi32, #tpu.memory_space<vmem>>) semaphore(%arg15 : memref<!tpu.dma_semaphore, #tpu.memory_space<semaphore_mem>>) {add = true}
    %dma_start3A_312 = arith.constant 2 : i32
    %dma_start3A_313 = arith.constant 8 : i32
    %dma_start3A_314 = arith.constant 1 : i32
    %dma_start3A_315 = arith.constant 256 : i32
    %dma_start3A_316 = arith.constant 0 : i32
    %dma_start3A_317 = tpu.memref_slice %arg7[%dma_start3A_312, %dma_start3A_315, %dma_start3A_316] : memref<4x384x16xf32, #tpu.memory_space<vmem>> -> memref<1x128x16xf32, #tpu.memory_space<vmem>>
    %dma_start3A_318 = tpu.memref_squeeze %dma_start3A_317 : memref<1x128x16xf32, #tpu.memory_space<vmem>> -> memref<128x16xf32, #tpu.memory_space<vmem>>
    %dma_start3A_319 = arith.constant 0 : i32
    %dma_start3A_320 = tpu.memref_slice %arg6[%dma_start3A_313, %dma_start3A_314, %dma_start3A_319] : memref<79x2x128xi32, #tpu.memory_space<vmem>> -> memref<1x1x128xi32, #tpu.memory_space<vmem>>
    %dma_start3A_321 = tpu.memref_squeeze %dma_start3A_320 : memref<1x1x128xi32, #tpu.memory_space<vmem>> -> memref<128xi32, #tpu.memory_space<vmem>>
    %dma_start3A_322 = arith.constant 0 : i32
    %dma_start3A_323 = arith.constant 0 : i32
    %dma_start3A_324 = tpu.memref_slice %arg8[%dma_start3A_322, %dma_start3A_323] : memref<10112x16xf32, #tpu.memory_space<vmem_shared>> -> memref<10112x16xf32, #tpu.memory_space<vmem_shared>>
    tpu.enqueue_indirect_dma source(%dma_start3A_318 : memref<128x16xf32, #tpu.memory_space<vmem>>) target(%dma_start3A_324 : memref<10112x16xf32, #tpu.memory_space<vmem_shared>>) offsets(%dma_start3A_321 : memref<128xi32, #tpu.memory_space<vmem>>) semaphore(%arg15 : memref<!tpu.dma_semaphore, #tpu.memory_space<semaphore_mem>>) {add = true}
    %dma_wait3A_325 = arith.constant 0 : i32
    %dma_wait3A_326 = arith.constant 0 : i32
    %dma_wait3A_327 = arith.constant 0 : i32
    %dma_wait3A_328 = tpu.memref_slice %arg7[%dma_wait3A_325, %dma_wait3A_326, %dma_wait3A_327] : memref<4x384x16xf32, #tpu.memory_space<vmem>> -> memref<1x384x16xf32, #tpu.memory_space<vmem>>
    %dma_wait3A_329 = tpu.memref_squeeze %dma_wait3A_328 : memref<1x384x16xf32, #tpu.memory_space<vmem>> -> memref<384x16xf32, #tpu.memory_space<vmem>>
    %dma_wait3A_330 = arith.constant 0 : i32
    %dma_wait3A_331 = arith.constant 0 : i32
    %dma_wait3A_332 = tpu.memref_slice %arg2[%dma_wait3A_330, %dma_wait3A_331] : memref<10000x16xf32, #tpu.memory_space<hbm>> -> memref<384x16xf32, #tpu.memory_space<hbm>>
    %dma_wait3A_333 = arith.constant 0 : i32
    %dma_wait3A_334 = arith.constant 0 : i32
    %dma_wait3A_335 = tpu.memref_slice %arg7[%dma_wait3A_325, %dma_wait3A_333, %dma_wait3A_334] : memref<4x384x16xf32, #tpu.memory_space<vmem>> -> memref<1x384x16xf32, #tpu.memory_space<vmem>>
    %dma_wait3A_336 = tpu.memref_squeeze %dma_wait3A_335 : memref<1x384x16xf32, #tpu.memory_space<vmem>> -> memref<384x16xf32, #tpu.memory_space<vmem>>
    %dma_wait3A_337 = arith.constant 0 : i32
    %dma_wait3A_338 = arith.constant 0 : i32
    %dma_wait3A_339 = tpu.memref_slice %arg2[%dma_wait3A_337, %dma_wait3A_338] : memref<10000x16xf32, #tpu.memory_space<hbm>> -> memref<384x16xf32, #tpu.memory_space<hbm>>
    tpu.wait_dma2 semaphore(%arg13 : memref<!tpu.dma_semaphore, #tpu.memory_space<semaphore_mem>>) src(%dma_wait3A_339 : memref<384x16xf32, #tpu.memory_space<hbm>>) dst(%dma_wait3A_336 : memref<384x16xf32, #tpu.memory_space<vmem>>)
    %dma_start3A_340 = arith.constant 12 : i32
    %dma_start3A_341 = arith.constant 0 : i32
    %dma_start3A_342 = arith.constant 0 : i32
    %dma_start3A_343 = arith.constant 0 : i32
    %dma_start3A_344 = arith.constant 0 : i32
    %dma_start3A_345 = tpu.memref_slice %arg7[%dma_start3A_342, %dma_start3A_343, %dma_start3A_344] : memref<4x384x16xf32, #tpu.memory_space<vmem>> -> memref<1x128x16xf32, #tpu.memory_space<vmem>>
    %dma_start3A_346 = tpu.memref_squeeze %dma_start3A_345 : memref<1x128x16xf32, #tpu.memory_space<vmem>> -> memref<128x16xf32, #tpu.memory_space<vmem>>
    %dma_start3A_347 = arith.constant 0 : i32
    %dma_start3A_348 = tpu.memref_slice %arg6[%dma_start3A_340, %dma_start3A_341, %dma_start3A_347] : memref<79x2x128xi32, #tpu.memory_space<vmem>> -> memref<1x1x128xi32, #tpu.memory_space<vmem>>
    %dma_start3A_349 = tpu.memref_squeeze %dma_start3A_348 : memref<1x1x128xi32, #tpu.memory_space<vmem>> -> memref<128xi32, #tpu.memory_space<vmem>>
    %dma_start3A_350 = arith.constant 0 : i32
    %dma_start3A_351 = arith.constant 0 : i32
    %dma_start3A_352 = tpu.memref_slice %arg2[%dma_start3A_350, %dma_start3A_351] : memref<10000x16xf32, #tpu.memory_space<hbm>> -> memref<10000x16xf32, #tpu.memory_space<hbm>>
    tpu.enqueue_indirect_dma source(%dma_start3A_352 : memref<10000x16xf32, #tpu.memory_space<hbm>>) target(%dma_start3A_346 : memref<128x16xf32, #tpu.memory_space<vmem>>) offsets(%dma_start3A_349 : memref<128xi32, #tpu.memory_space<vmem>>) semaphore(%arg9 : memref<!tpu.dma_semaphore, #tpu.memory_space<semaphore_mem>>)
    %dma_start3A_353 = arith.constant 13 : i32
    %dma_start3A_354 = arith.constant 0 : i32
    %dma_start3A_355 = arith.constant 0 : i32
    %dma_start3A_356 = arith.constant 128 : i32
    %dma_start3A_357 = arith.constant 0 : i32
    %dma_start3A_358 = tpu.memref_slice %arg7[%dma_start3A_355, %dma_start3A_356, %dma_start3A_357] : memref<4x384x16xf32, #tpu.memory_space<vmem>> -> memref<1x128x16xf32, #tpu.memory_space<vmem>>
    %dma_start3A_359 = tpu.memref_squeeze %dma_start3A_358 : memref<1x128x16xf32, #tpu.memory_space<vmem>> -> memref<128x16xf32, #tpu.memory_space<vmem>>
    %dma_start3A_360 = arith.constant 0 : i32
    %dma_start3A_361 = tpu.memref_slice %arg6[%dma_start3A_353, %dma_start3A_354, %dma_start3A_360] : memref<79x2x128xi32, #tpu.memory_space<vmem>> -> memref<1x1x128xi32, #tpu.memory_space<vmem>>
    %dma_start3A_362 = tpu.memref_squeeze %dma_start3A_361 : memref<1x1x128xi32, #tpu.memory_space<vmem>> -> memref<128xi32, #tpu.memory_space<vmem>>
    %dma_start3A_363 = arith.constant 0 : i32
    %dma_start3A_364 = arith.constant 0 : i32
    %dma_start3A_365 = tpu.memref_slice %arg2[%dma_start3A_363, %dma_start3A_364] : memref<10000x16xf32, #tpu.memory_space<hbm>> -> memref<10000x16xf32, #tpu.memory_space<hbm>>
    tpu.enqueue_indirect_dma source(%dma_start3A_365 : memref<10000x16xf32, #tpu.memory_space<hbm>>) target(%dma_start3A_359 : memref<128x16xf32, #tpu.memory_space<vmem>>) offsets(%dma_start3A_362 : memref<128xi32, #tpu.memory_space<vmem>>) semaphore(%arg9 : memref<!tpu.dma_semaphore, #tpu.memory_space<semaphore_mem>>)
    %dma_start3A_366 = arith.constant 14 : i32
    %dma_start3A_367 = arith.constant 0 : i32
    %dma_start3A_368 = arith.constant 0 : i32
    %dma_start3A_369 = arith.constant 256 : i32
    %dma_start3A_370 = arith.constant 0 : i32
    %dma_start3A_371 = tpu.memref_slice %arg7[%dma_start3A_368, %dma_start3A_369, %dma_start3A_370] : memref<4x384x16xf32, #tpu.memory_space<vmem>> -> memref<1x128x16xf32, #tpu.memory_space<vmem>>
    %dma_start3A_372 = tpu.memref_squeeze %dma_start3A_371 : memref<1x128x16xf32, #tpu.memory_space<vmem>> -> memref<128x16xf32, #tpu.memory_space<vmem>>
    %dma_start3A_373 = arith.constant 0 : i32
    %dma_start3A_374 = tpu.memref_slice %arg6[%dma_start3A_366, %dma_start3A_367, %dma_start3A_373] : memref<79x2x128xi32, #tpu.memory_space<vmem>> -> memref<1x1x128xi32, #tpu.memory_space<vmem>>
    %dma_start3A_375 = tpu.memref_squeeze %dma_start3A_374 : memref<1x1x128xi32, #tpu.memory_space<vmem>> -> memref<128xi32, #tpu.memory_space<vmem>>
    %dma_start3A_376 = arith.constant 0 : i32
    %dma_start3A_377 = arith.constant 0 : i32
    %dma_start3A_378 = tpu.memref_slice %arg2[%dma_start3A_376, %dma_start3A_377] : memref<10000x16xf32, #tpu.memory_space<hbm>> -> memref<10000x16xf32, #tpu.memory_space<hbm>>
    tpu.enqueue_indirect_dma source(%dma_start3A_378 : memref<10000x16xf32, #tpu.memory_space<hbm>>) target(%dma_start3A_372 : memref<128x16xf32, #tpu.memory_space<vmem>>) offsets(%dma_start3A_375 : memref<128xi32, #tpu.memory_space<vmem>>) semaphore(%arg9 : memref<!tpu.dma_semaphore, #tpu.memory_space<semaphore_mem>>)
    %dma_wait3A_379 = arith.constant 3 : i32
    %dma_wait3A_380 = arith.constant 0 : i32
    %dma_wait3A_381 = arith.constant 0 : i32
    %dma_wait3A_382 = tpu.memref_slice %arg7[%dma_wait3A_379, %dma_wait3A_380, %dma_wait3A_381] : memref<4x384x16xf32, #tpu.memory_space<vmem>> -> memref<1x384x16xf32, #tpu.memory_space<vmem>>
    %dma_wait3A_383 = tpu.memref_squeeze %dma_wait3A_382 : memref<1x384x16xf32, #tpu.memory_space<vmem>> -> memref<384x16xf32, #tpu.memory_space<vmem>>
    %dma_wait3A_384 = arith.constant 0 : i32
    %dma_wait3A_385 = arith.constant 0 : i32
    %dma_wait3A_386 = tpu.memref_slice %arg2[%dma_wait3A_384, %dma_wait3A_385] : memref<10000x16xf32, #tpu.memory_space<hbm>> -> memref<384x16xf32, #tpu.memory_space<hbm>>
    %dma_wait3A_387 = arith.constant 0 : i32
    %dma_wait3A_388 = arith.constant 0 : i32
    %dma_wait3A_389 = tpu.memref_slice %arg7[%dma_wait3A_379, %dma_wait3A_387, %dma_wait3A_388] : memref<4x384x16xf32, #tpu.memory_space<vmem>> -> memref<1x384x16xf32, #tpu.memory_space<vmem>>
    %dma_wait3A_390 = tpu.memref_squeeze %dma_wait3A_389 : memref<1x384x16xf32, #tpu.memory_space<vmem>> -> memref<384x16xf32, #tpu.memory_space<vmem>>
    %dma_wait3A_391 = arith.constant 0 : i32
    %dma_wait3A_392 = arith.constant 0 : i32
    %dma_wait3A_393 = tpu.memref_slice %arg2[%dma_wait3A_391, %dma_wait3A_392] : memref<10000x16xf32, #tpu.memory_space<hbm>> -> memref<384x16xf32, #tpu.memory_space<hbm>>
    tpu.wait_dma2 semaphore(%arg12 : memref<!tpu.dma_semaphore, #tpu.memory_space<semaphore_mem>>) src(%dma_wait3A_393 : memref<384x16xf32, #tpu.memory_space<hbm>>) dst(%dma_wait3A_390 : memref<384x16xf32, #tpu.memory_space<vmem>>)
    %dma_start3A_394 = arith.constant 3 : i32
    %dma_start3A_395 = arith.constant 9 : i32
    %dma_start3A_396 = arith.constant 1 : i32
    %dma_start3A_397 = arith.constant 0 : i32
    %dma_start3A_398 = arith.constant 0 : i32
    %dma_start3A_399 = tpu.memref_slice %arg7[%dma_start3A_394, %dma_start3A_397, %dma_start3A_398] : memref<4x384x16xf32, #tpu.memory_space<vmem>> -> memref<1x128x16xf32, #tpu.memory_space<vmem>>
    %dma_start3A_400 = tpu.memref_squeeze %dma_start3A_399 : memref<1x128x16xf32, #tpu.memory_space<vmem>> -> memref<128x16xf32, #tpu.memory_space<vmem>>
    %dma_start3A_401 = arith.constant 0 : i32
    %dma_start3A_402 = tpu.memref_slice %arg6[%dma_start3A_395, %dma_start3A_396, %dma_start3A_401] : memref<79x2x128xi32, #tpu.memory_space<vmem>> -> memref<1x1x128xi32, #tpu.memory_space<vmem>>
    %dma_start3A_403 = tpu.memref_squeeze %dma_start3A_402 : memref<1x1x128xi32, #tpu.memory_space<vmem>> -> memref<128xi32, #tpu.memory_space<vmem>>
    %dma_start3A_404 = arith.constant 0 : i32
    %dma_start3A_405 = arith.constant 0 : i32
    %dma_start3A_406 = tpu.memref_slice %arg8[%dma_start3A_404, %dma_start3A_405] : memref<10112x16xf32, #tpu.memory_space<vmem_shared>> -> memref<10112x16xf32, #tpu.memory_space<vmem_shared>>
    tpu.enqueue_indirect_dma source(%dma_start3A_400 : memref<128x16xf32, #tpu.memory_space<vmem>>) target(%dma_start3A_406 : memref<10112x16xf32, #tpu.memory_space<vmem_shared>>) offsets(%dma_start3A_403 : memref<128xi32, #tpu.memory_space<vmem>>) semaphore(%arg16 : memref<!tpu.dma_semaphore, #tpu.memory_space<semaphore_mem>>) {add = true}
    %dma_start3A_407 = arith.constant 3 : i32
    %dma_start3A_408 = arith.constant 10 : i32
    %dma_start3A_409 = arith.constant 1 : i32
    %dma_start3A_410 = arith.constant 128 : i32
    %dma_start3A_411 = arith.constant 0 : i32
    %dma_start3A_412 = tpu.memref_slice %arg7[%dma_start3A_407, %dma_start3A_410, %dma_start3A_411] : memref<4x384x16xf32, #tpu.memory_space<vmem>> -> memref<1x128x16xf32, #tpu.memory_space<vmem>>
    %dma_start3A_413 = tpu.memref_squeeze %dma_start3A_412 : memref<1x128x16xf32, #tpu.memory_space<vmem>> -> memref<128x16xf32, #tpu.memory_space<vmem>>
    %dma_start3A_414 = arith.constant 0 : i32
    %dma_start3A_415 = tpu.memref_slice %arg6[%dma_start3A_408, %dma_start3A_409, %dma_start3A_414] : memref<79x2x128xi32, #tpu.memory_space<vmem>> -> memref<1x1x128xi32, #tpu.memory_space<vmem>>
    %dma_start3A_416 = tpu.memref_squeeze %dma_start3A_415 : memref<1x1x128xi32, #tpu.memory_space<vmem>> -> memref<128xi32, #tpu.memory_space<vmem>>
    %dma_start3A_417 = arith.constant 0 : i32
    %dma_start3A_418 = arith.constant 0 : i32
    %dma_start3A_419 = tpu.memref_slice %arg8[%dma_start3A_417, %dma_start3A_418] : memref<10112x16xf32, #tpu.memory_space<vmem_shared>> -> memref<10112x16xf32, #tpu.memory_space<vmem_shared>>
    tpu.enqueue_indirect_dma source(%dma_start3A_413 : memref<128x16xf32, #tpu.memory_space<vmem>>) target(%dma_start3A_419 : memref<10112x16xf32, #tpu.memory_space<vmem_shared>>) offsets(%dma_start3A_416 : memref<128xi32, #tpu.memory_space<vmem>>) semaphore(%arg16 : memref<!tpu.dma_semaphore, #tpu.memory_space<semaphore_mem>>) {add = true}
    %dma_start3A_420 = arith.constant 3 : i32
    %dma_start3A_421 = arith.constant 11 : i32
    %dma_start3A_422 = arith.constant 1 : i32
    %dma_start3A_423 = arith.constant 256 : i32
    %dma_start3A_424 = arith.constant 0 : i32
    %dma_start3A_425 = tpu.memref_slice %arg7[%dma_start3A_420, %dma_start3A_423, %dma_start3A_424] : memref<4x384x16xf32, #tpu.memory_space<vmem>> -> memref<1x128x16xf32, #tpu.memory_space<vmem>>
    %dma_start3A_426 = tpu.memref_squeeze %dma_start3A_425 : memref<1x128x16xf32, #tpu.memory_space<vmem>> -> memref<128x16xf32, #tpu.memory_space<vmem>>
    %dma_start3A_427 = arith.constant 0 : i32
    %dma_start3A_428 = tpu.memref_slice %arg6[%dma_start3A_421, %dma_start3A_422, %dma_start3A_427] : memref<79x2x128xi32, #tpu.memory_space<vmem>> -> memref<1x1x128xi32, #tpu.memory_space<vmem>>
    %dma_start3A_429 = tpu.memref_squeeze %dma_start3A_428 : memref<1x1x128xi32, #tpu.memory_space<vmem>> -> memref<128xi32, #tpu.memory_space<vmem>>
    %dma_start3A_430 = arith.constant 0 : i32
    %dma_start3A_431 = arith.constant 0 : i32
    %dma_start3A_432 = tpu.memref_slice %arg8[%dma_start3A_430, %dma_start3A_431] : memref<10112x16xf32, #tpu.memory_space<vmem_shared>> -> memref<10112x16xf32, #tpu.memory_space<vmem_shared>>
    tpu.enqueue_indirect_dma source(%dma_start3A_426 : memref<128x16xf32, #tpu.memory_space<vmem>>) target(%dma_start3A_432 : memref<10112x16xf32, #tpu.memory_space<vmem_shared>>) offsets(%dma_start3A_429 : memref<128xi32, #tpu.memory_space<vmem>>) semaphore(%arg16 : memref<!tpu.dma_semaphore, #tpu.memory_space<semaphore_mem>>) {add = true}
    %dma_wait3A_433 = arith.constant 1 : i32
    %dma_wait3A_434 = arith.constant 0 : i32
    %dma_wait3A_435 = arith.constant 0 : i32
    %dma_wait3A_436 = tpu.memref_slice %arg7[%dma_wait3A_433, %dma_wait3A_434, %dma_wait3A_435] : memref<4x384x16xf32, #tpu.memory_space<vmem>> -> memref<1x384x16xf32, #tpu.memory_space<vmem>>
    %dma_wait3A_437 = tpu.memref_squeeze %dma_wait3A_436 : memref<1x384x16xf32, #tpu.memory_space<vmem>> -> memref<384x16xf32, #tpu.memory_space<vmem>>
    %dma_wait3A_438 = arith.constant 0 : i32
    %dma_wait3A_439 = arith.constant 0 : i32
    %dma_wait3A_440 = tpu.memref_slice %arg2[%dma_wait3A_438, %dma_wait3A_439] : memref<10000x16xf32, #tpu.memory_space<hbm>> -> memref<384x16xf32, #tpu.memory_space<hbm>>
    %dma_wait3A_441 = arith.constant 0 : i32
    %dma_wait3A_442 = arith.constant 0 : i32
    %dma_wait3A_443 = tpu.memref_slice %arg7[%dma_wait3A_433, %dma_wait3A_441, %dma_wait3A_442] : memref<4x384x16xf32, #tpu.memory_space<vmem>> -> memref<1x384x16xf32, #tpu.memory_space<vmem>>
    %dma_wait3A_444 = tpu.memref_squeeze %dma_wait3A_443 : memref<1x384x16xf32, #tpu.memory_space<vmem>> -> memref<384x16xf32, #tpu.memory_space<vmem>>
    %dma_wait3A_445 = arith.constant 0 : i32
    %dma_wait3A_446 = arith.constant 0 : i32
    %dma_wait3A_447 = tpu.memref_slice %arg2[%dma_wait3A_445, %dma_wait3A_446] : memref<10000x16xf32, #tpu.memory_space<hbm>> -> memref<384x16xf32, #tpu.memory_space<hbm>>
    tpu.wait_dma2 semaphore(%arg14 : memref<!tpu.dma_semaphore, #tpu.memory_space<semaphore_mem>>) src(%dma_wait3A_447 : memref<384x16xf32, #tpu.memory_space<hbm>>) dst(%dma_wait3A_444 : memref<384x16xf32, #tpu.memory_space<vmem>>)
    %dma_start3A_448 = arith.constant 15 : i32
    %dma_start3A_449 = arith.constant 0 : i32
    %dma_start3A_450 = arith.constant 1 : i32
    %dma_start3A_451 = arith.constant 0 : i32
    %dma_start3A_452 = arith.constant 0 : i32
    %dma_start3A_453 = tpu.memref_slice %arg7[%dma_start3A_450, %dma_start3A_451, %dma_start3A_452] : memref<4x384x16xf32, #tpu.memory_space<vmem>> -> memref<1x128x16xf32, #tpu.memory_space<vmem>>
    %dma_start3A_454 = tpu.memref_squeeze %dma_start3A_453 : memref<1x128x16xf32, #tpu.memory_space<vmem>> -> memref<128x16xf32, #tpu.memory_space<vmem>>
    %dma_start3A_455 = arith.constant 0 : i32
    %dma_start3A_456 = tpu.memref_slice %arg6[%dma_start3A_448, %dma_start3A_449, %dma_start3A_455] : memref<79x2x128xi32, #tpu.memory_space<vmem>> -> memref<1x1x128xi32, #tpu.memory_space<vmem>>
    %dma_start3A_457 = tpu.memref_squeeze %dma_start3A_456 : memref<1x1x128xi32, #tpu.memory_space<vmem>> -> memref<128xi32, #tpu.memory_space<vmem>>
    %dma_start3A_458 = arith.constant 0 : i32
    %dma_start3A_459 = arith.constant 0 : i32
    %dma_start3A_460 = tpu.memref_slice %arg2[%dma_start3A_458, %dma_start3A_459] : memref<10000x16xf32, #tpu.memory_space<hbm>> -> memref<10000x16xf32, #tpu.memory_space<hbm>>
    tpu.enqueue_indirect_dma source(%dma_start3A_460 : memref<10000x16xf32, #tpu.memory_space<hbm>>) target(%dma_start3A_454 : memref<128x16xf32, #tpu.memory_space<vmem>>) offsets(%dma_start3A_457 : memref<128xi32, #tpu.memory_space<vmem>>) semaphore(%arg10 : memref<!tpu.dma_semaphore, #tpu.memory_space<semaphore_mem>>)
    %dma_start3A_461 = arith.constant 16 : i32
    %dma_start3A_462 = arith.constant 0 : i32
    %dma_start3A_463 = arith.constant 1 : i32
    %dma_start3A_464 = arith.constant 128 : i32
    %dma_start3A_465 = arith.constant 0 : i32
    %dma_start3A_466 = tpu.memref_slice %arg7[%dma_start3A_463, %dma_start3A_464, %dma_start3A_465] : memref<4x384x16xf32, #tpu.memory_space<vmem>> -> memref<1x128x16xf32, #tpu.memory_space<vmem>>
    %dma_start3A_467 = tpu.memref_squeeze %dma_start3A_466 : memref<1x128x16xf32, #tpu.memory_space<vmem>> -> memref<128x16xf32, #tpu.memory_space<vmem>>
    %dma_start3A_468 = arith.constant 0 : i32
    %dma_start3A_469 = tpu.memref_slice %arg6[%dma_start3A_461, %dma_start3A_462, %dma_start3A_468] : memref<79x2x128xi32, #tpu.memory_space<vmem>> -> memref<1x1x128xi32, #tpu.memory_space<vmem>>
    %dma_start3A_470 = tpu.memref_squeeze %dma_start3A_469 : memref<1x1x128xi32, #tpu.memory_space<vmem>> -> memref<128xi32, #tpu.memory_space<vmem>>
    %dma_start3A_471 = arith.constant 0 : i32
    %dma_start3A_472 = arith.constant 0 : i32
    %dma_start3A_473 = tpu.memref_slice %arg2[%dma_start3A_471, %dma_start3A_472] : memref<10000x16xf32, #tpu.memory_space<hbm>> -> memref<10000x16xf32, #tpu.memory_space<hbm>>
    tpu.enqueue_indirect_dma source(%dma_start3A_473 : memref<10000x16xf32, #tpu.memory_space<hbm>>) target(%dma_start3A_467 : memref<128x16xf32, #tpu.memory_space<vmem>>) offsets(%dma_start3A_470 : memref<128xi32, #tpu.memory_space<vmem>>) semaphore(%arg10 : memref<!tpu.dma_semaphore, #tpu.memory_space<semaphore_mem>>)
    %dma_start3A_474 = arith.constant 17 : i32
    %dma_start3A_475 = arith.constant 0 : i32
    %dma_start3A_476 = arith.constant 1 : i32
    %dma_start3A_477 = arith.constant 256 : i32
    %dma_start3A_478 = arith.constant 0 : i32
    %dma_start3A_479 = tpu.memref_slice %arg7[%dma_start3A_476, %dma_start3A_477, %dma_start3A_478] : memref<4x384x16xf32, #tpu.memory_space<vmem>> -> memref<1x128x16xf32, #tpu.memory_space<vmem>>
    %dma_start3A_480 = tpu.memref_squeeze %dma_start3A_479 : memref<1x128x16xf32, #tpu.memory_space<vmem>> -> memref<128x16xf32, #tpu.memory_space<vmem>>
    %dma_start3A_481 = arith.constant 0 : i32
    %dma_start3A_482 = tpu.memref_slice %arg6[%dma_start3A_474, %dma_start3A_475, %dma_start3A_481] : memref<79x2x128xi32, #tpu.memory_space<vmem>> -> memref<1x1x128xi32, #tpu.memory_space<vmem>>
    %dma_start3A_483 = tpu.memref_squeeze %dma_start3A_482 : memref<1x1x128xi32, #tpu.memory_space<vmem>> -> memref<128xi32, #tpu.memory_space<vmem>>
    %dma_start3A_484 = arith.constant 0 : i32
    %dma_start3A_485 = arith.constant 0 : i32
    %dma_start3A_486 = tpu.memref_slice %arg2[%dma_start3A_484, %dma_start3A_485] : memref<10000x16xf32, #tpu.memory_space<hbm>> -> memref<10000x16xf32, #tpu.memory_space<hbm>>
    tpu.enqueue_indirect_dma source(%dma_start3A_486 : memref<10000x16xf32, #tpu.memory_space<hbm>>) target(%dma_start3A_480 : memref<128x16xf32, #tpu.memory_space<vmem>>) offsets(%dma_start3A_483 : memref<128xi32, #tpu.memory_space<vmem>>) semaphore(%arg10 : memref<!tpu.dma_semaphore, #tpu.memory_space<semaphore_mem>>)
    %scan3A = arith.constant 0 : i32
    %scan3A_487 = arith.constant 1 : i32
    %scan3A_488 = arith.constant 5 : i32
    %scan3A_489 = arith.addi %scan3A_487, %scan3A_488 : i32
    %scan3A_490 = arith.constant 1 : i32
    scf.for %scan3A_668 = %scan3A_487 to %scan3A_489 step %scan3A_490  : i32 {
      %mul3A_669 = arith.constant 4 : i32
      %mul3A_670 = arith.muli %mul3A_669, %scan3A_668 : i32
      %dma_wait3A_671 = arith.constant 0 : i32
      %dma_wait3A_672 = arith.constant 0 : i32
      %dma_wait3A_673 = arith.constant 0 : i32
      %dma_wait3A_674 = tpu.memref_slice %arg7[%dma_wait3A_671, %dma_wait3A_672, %dma_wait3A_673] : memref<4x384x16xf32, #tpu.memory_space<vmem>> -> memref<1x384x16xf32, #tpu.memory_space<vmem>>
      %dma_wait3A_675 = tpu.memref_squeeze %dma_wait3A_674 : memref<1x384x16xf32, #tpu.memory_space<vmem>> -> memref<384x16xf32, #tpu.memory_space<vmem>>
      %dma_wait3A_676 = arith.constant 0 : i32
      %dma_wait3A_677 = arith.constant 0 : i32
      %dma_wait3A_678 = tpu.memref_slice %arg2[%dma_wait3A_676, %dma_wait3A_677] : memref<10000x16xf32, #tpu.memory_space<hbm>> -> memref<384x16xf32, #tpu.memory_space<hbm>>
      %dma_wait3A_679 = arith.constant 0 : i32
      %dma_wait3A_680 = arith.constant 0 : i32
      %dma_wait3A_681 = tpu.memref_slice %arg7[%dma_wait3A_671, %dma_wait3A_679, %dma_wait3A_680] : memref<4x384x16xf32, #tpu.memory_space<vmem>> -> memref<1x384x16xf32, #tpu.memory_space<vmem>>
      %dma_wait3A_682 = tpu.memref_squeeze %dma_wait3A_681 : memref<1x384x16xf32, #tpu.memory_space<vmem>> -> memref<384x16xf32, #tpu.memory_space<vmem>>
      %dma_wait3A_683 = arith.constant 0 : i32
      %dma_wait3A_684 = arith.constant 0 : i32
      %dma_wait3A_685 = tpu.memref_slice %arg2[%dma_wait3A_683, %dma_wait3A_684] : memref<10000x16xf32, #tpu.memory_space<hbm>> -> memref<384x16xf32, #tpu.memory_space<hbm>>
      tpu.wait_dma2 semaphore(%arg9 : memref<!tpu.dma_semaphore, #tpu.memory_space<semaphore_mem>>) src(%dma_wait3A_685 : memref<384x16xf32, #tpu.memory_space<hbm>>) dst(%dma_wait3A_682 : memref<384x16xf32, #tpu.memory_space<vmem>>)
      %add3A_686 = arith.constant 0 : i32
      %add3A_687 = arith.addi %mul3A_670, %add3A_686 : i32
      %mul3A_688 = arith.constant 3 : i32
      %mul3A_689 = arith.muli %add3A_687, %mul3A_688 : i32
      %add3A_690 = arith.constant 0 : i32
      %add3A_691 = arith.addi %mul3A_689, %add3A_690 : i32
      %dma_start3A_692 = arith.constant 0 : i32
      %dma_start3A_693 = arith.constant 1 : i32
      %dma_start3A_694 = arith.constant 0 : i32
      %dma_start3A_695 = arith.constant 0 : i32
      %dma_start3A_696 = tpu.memref_slice %arg7[%dma_start3A_692, %dma_start3A_694, %dma_start3A_695] : memref<4x384x16xf32, #tpu.memory_space<vmem>> -> memref<1x128x16xf32, #tpu.memory_space<vmem>>
      %dma_start3A_697 = tpu.memref_squeeze %dma_start3A_696 : memref<1x128x16xf32, #tpu.memory_space<vmem>> -> memref<128x16xf32, #tpu.memory_space<vmem>>
      %dma_start3A_698 = arith.constant 0 : i32
      %dma_start3A_699 = tpu.memref_slice %arg6[%add3A_691, %dma_start3A_693, %dma_start3A_698] : memref<79x2x128xi32, #tpu.memory_space<vmem>> -> memref<1x1x128xi32, #tpu.memory_space<vmem>>
      %dma_start3A_700 = tpu.memref_squeeze %dma_start3A_699 : memref<1x1x128xi32, #tpu.memory_space<vmem>> -> memref<128xi32, #tpu.memory_space<vmem>>
      %dma_start3A_701 = arith.constant 0 : i32
      %dma_start3A_702 = arith.constant 0 : i32
      %dma_start3A_703 = tpu.memref_slice %arg8[%dma_start3A_701, %dma_start3A_702] : memref<10112x16xf32, #tpu.memory_space<vmem_shared>> -> memref<10112x16xf32, #tpu.memory_space<vmem_shared>>
      tpu.enqueue_indirect_dma source(%dma_start3A_697 : memref<128x16xf32, #tpu.memory_space<vmem>>) target(%dma_start3A_703 : memref<10112x16xf32, #tpu.memory_space<vmem_shared>>) offsets(%dma_start3A_700 : memref<128xi32, #tpu.memory_space<vmem>>) semaphore(%arg13 : memref<!tpu.dma_semaphore, #tpu.memory_space<semaphore_mem>>) {add = true}
      %mul3A_704 = arith.constant 3 : i32
      %mul3A_705 = arith.muli %add3A_687, %mul3A_704 : i32
      %add3A_706 = arith.constant 1 : i32
      %add3A_707 = arith.addi %mul3A_705, %add3A_706 : i32
      %dma_start3A_708 = arith.constant 0 : i32
      %dma_start3A_709 = arith.constant 1 : i32
      %dma_start3A_710 = arith.constant 128 : i32
      %dma_start3A_711 = arith.constant 0 : i32
      %dma_start3A_712 = tpu.memref_slice %arg7[%dma_start3A_708, %dma_start3A_710, %dma_start3A_711] : memref<4x384x16xf32, #tpu.memory_space<vmem>> -> memref<1x128x16xf32, #tpu.memory_space<vmem>>
      %dma_start3A_713 = tpu.memref_squeeze %dma_start3A_712 : memref<1x128x16xf32, #tpu.memory_space<vmem>> -> memref<128x16xf32, #tpu.memory_space<vmem>>
      %dma_start3A_714 = arith.constant 0 : i32
      %dma_start3A_715 = tpu.memref_slice %arg6[%add3A_707, %dma_start3A_709, %dma_start3A_714] : memref<79x2x128xi32, #tpu.memory_space<vmem>> -> memref<1x1x128xi32, #tpu.memory_space<vmem>>
      %dma_start3A_716 = tpu.memref_squeeze %dma_start3A_715 : memref<1x1x128xi32, #tpu.memory_space<vmem>> -> memref<128xi32, #tpu.memory_space<vmem>>
      %dma_start3A_717 = arith.constant 0 : i32
      %dma_start3A_718 = arith.constant 0 : i32
      %dma_start3A_719 = tpu.memref_slice %arg8[%dma_start3A_717, %dma_start3A_718] : memref<10112x16xf32, #tpu.memory_space<vmem_shared>> -> memref<10112x16xf32, #tpu.memory_space<vmem_shared>>
      tpu.enqueue_indirect_dma source(%dma_start3A_713 : memref<128x16xf32, #tpu.memory_space<vmem>>) target(%dma_start3A_719 : memref<10112x16xf32, #tpu.memory_space<vmem_shared>>) offsets(%dma_start3A_716 : memref<128xi32, #tpu.memory_space<vmem>>) semaphore(%arg13 : memref<!tpu.dma_semaphore, #tpu.memory_space<semaphore_mem>>) {add = true}
      %mul3A_720 = arith.constant 3 : i32
      %mul3A_721 = arith.muli %add3A_687, %mul3A_720 : i32
      %add3A_722 = arith.constant 2 : i32
      %add3A_723 = arith.addi %mul3A_721, %add3A_722 : i32
      %dma_start3A_724 = arith.constant 0 : i32
      %dma_start3A_725 = arith.constant 1 : i32
      %dma_start3A_726 = arith.constant 256 : i32
      %dma_start3A_727 = arith.constant 0 : i32
      %dma_start3A_728 = tpu.memref_slice %arg7[%dma_start3A_724, %dma_start3A_726, %dma_start3A_727] : memref<4x384x16xf32, #tpu.memory_space<vmem>> -> memref<1x128x16xf32, #tpu.memory_space<vmem>>
      %dma_start3A_729 = tpu.memref_squeeze %dma_start3A_728 : memref<1x128x16xf32, #tpu.memory_space<vmem>> -> memref<128x16xf32, #tpu.memory_space<vmem>>
      %dma_start3A_730 = arith.constant 0 : i32
      %dma_start3A_731 = tpu.memref_slice %arg6[%add3A_723, %dma_start3A_725, %dma_start3A_730] : memref<79x2x128xi32, #tpu.memory_space<vmem>> -> memref<1x1x128xi32, #tpu.memory_space<vmem>>
      %dma_start3A_732 = tpu.memref_squeeze %dma_start3A_731 : memref<1x1x128xi32, #tpu.memory_space<vmem>> -> memref<128xi32, #tpu.memory_space<vmem>>
      %dma_start3A_733 = arith.constant 0 : i32
      %dma_start3A_734 = arith.constant 0 : i32
      %dma_start3A_735 = tpu.memref_slice %arg8[%dma_start3A_733, %dma_start3A_734] : memref<10112x16xf32, #tpu.memory_space<vmem_shared>> -> memref<10112x16xf32, #tpu.memory_space<vmem_shared>>
      tpu.enqueue_indirect_dma source(%dma_start3A_729 : memref<128x16xf32, #tpu.memory_space<vmem>>) target(%dma_start3A_735 : memref<10112x16xf32, #tpu.memory_space<vmem_shared>>) offsets(%dma_start3A_732 : memref<128xi32, #tpu.memory_space<vmem>>) semaphore(%arg13 : memref<!tpu.dma_semaphore, #tpu.memory_space<semaphore_mem>>) {add = true}
      %dma_wait3A_736 = arith.constant 2 : i32
      %dma_wait3A_737 = arith.constant 0 : i32
      %dma_wait3A_738 = arith.constant 0 : i32
      %dma_wait3A_739 = tpu.memref_slice %arg7[%dma_wait3A_736, %dma_wait3A_737, %dma_wait3A_738] : memref<4x384x16xf32, #tpu.memory_space<vmem>> -> memref<1x384x16xf32, #tpu.memory_space<vmem>>
      %dma_wait3A_740 = tpu.memref_squeeze %dma_wait3A_739 : memref<1x384x16xf32, #tpu.memory_space<vmem>> -> memref<384x16xf32, #tpu.memory_space<vmem>>
      %dma_wait3A_741 = arith.constant 0 : i32
      %dma_wait3A_742 = arith.constant 0 : i32
      %dma_wait3A_743 = tpu.memref_slice %arg2[%dma_wait3A_741, %dma_wait3A_742] : memref<10000x16xf32, #tpu.memory_space<hbm>> -> memref<384x16xf32, #tpu.memory_space<hbm>>
      %dma_wait3A_744 = arith.constant 0 : i32
      %dma_wait3A_745 = arith.constant 0 : i32
      %dma_wait3A_746 = tpu.memref_slice %arg7[%dma_wait3A_736, %dma_wait3A_744, %dma_wait3A_745] : memref<4x384x16xf32, #tpu.memory_space<vmem>> -> memref<1x384x16xf32, #tpu.memory_space<vmem>>
      %dma_wait3A_747 = tpu.memref_squeeze %dma_wait3A_746 : memref<1x384x16xf32, #tpu.memory_space<vmem>> -> memref<384x16xf32, #tpu.memory_space<vmem>>
      %dma_wait3A_748 = arith.constant 0 : i32
      %dma_wait3A_749 = arith.constant 0 : i32
      %dma_wait3A_750 = tpu.memref_slice %arg2[%dma_wait3A_748, %dma_wait3A_749] : memref<10000x16xf32, #tpu.memory_space<hbm>> -> memref<384x16xf32, #tpu.memory_space<hbm>>
      tpu.wait_dma2 semaphore(%arg15 : memref<!tpu.dma_semaphore, #tpu.memory_space<semaphore_mem>>) src(%dma_wait3A_750 : memref<384x16xf32, #tpu.memory_space<hbm>>) dst(%dma_wait3A_747 : memref<384x16xf32, #tpu.memory_space<vmem>>)
      %add3A_751 = arith.constant 0 : i32
      %add3A_752 = arith.addi %mul3A_670, %add3A_751 : i32
      %add3A_753 = arith.constant 2 : i32
      %add3A_754 = arith.addi %add3A_752, %add3A_753 : i32
      %mul3A_755 = arith.constant 3 : i32
      %mul3A_756 = arith.muli %add3A_754, %mul3A_755 : i32
      %add3A_757 = arith.constant 0 : i32
      %add3A_758 = arith.addi %mul3A_756, %add3A_757 : i32
      %dma_start3A_759 = arith.constant 0 : i32
      %dma_start3A_760 = arith.constant 2 : i32
      %dma_start3A_761 = arith.constant 0 : i32
      %dma_start3A_762 = arith.constant 0 : i32
      %dma_start3A_763 = tpu.memref_slice %arg7[%dma_start3A_760, %dma_start3A_761, %dma_start3A_762] : memref<4x384x16xf32, #tpu.memory_space<vmem>> -> memref<1x128x16xf32, #tpu.memory_space<vmem>>
      %dma_start3A_764 = tpu.memref_squeeze %dma_start3A_763 : memref<1x128x16xf32, #tpu.memory_space<vmem>> -> memref<128x16xf32, #tpu.memory_space<vmem>>
      %dma_start3A_765 = arith.constant 0 : i32
      %dma_start3A_766 = tpu.memref_slice %arg6[%add3A_758, %dma_start3A_759, %dma_start3A_765] : memref<79x2x128xi32, #tpu.memory_space<vmem>> -> memref<1x1x128xi32, #tpu.memory_space<vmem>>
      %dma_start3A_767 = tpu.memref_squeeze %dma_start3A_766 : memref<1x1x128xi32, #tpu.memory_space<vmem>> -> memref<128xi32, #tpu.memory_space<vmem>>
      %dma_start3A_768 = arith.constant 0 : i32
      %dma_start3A_769 = arith.constant 0 : i32
      %dma_start3A_770 = tpu.memref_slice %arg2[%dma_start3A_768, %dma_start3A_769] : memref<10000x16xf32, #tpu.memory_space<hbm>> -> memref<10000x16xf32, #tpu.memory_space<hbm>>
      tpu.enqueue_indirect_dma source(%dma_start3A_770 : memref<10000x16xf32, #tpu.memory_space<hbm>>) target(%dma_start3A_764 : memref<128x16xf32, #tpu.memory_space<vmem>>) offsets(%dma_start3A_767 : memref<128xi32, #tpu.memory_space<vmem>>) semaphore(%arg11 : memref<!tpu.dma_semaphore, #tpu.memory_space<semaphore_mem>>)
      %mul3A_771 = arith.constant 3 : i32
      %mul3A_772 = arith.muli %add3A_754, %mul3A_771 : i32
      %add3A_773 = arith.constant 1 : i32
      %add3A_774 = arith.addi %mul3A_772, %add3A_773 : i32
      %dma_start3A_775 = arith.constant 0 : i32
      %dma_start3A_776 = arith.constant 2 : i32
      %dma_start3A_777 = arith.constant 128 : i32
      %dma_start3A_778 = arith.constant 0 : i32
      %dma_start3A_779 = tpu.memref_slice %arg7[%dma_start3A_776, %dma_start3A_777, %dma_start3A_778] : memref<4x384x16xf32, #tpu.memory_space<vmem>> -> memref<1x128x16xf32, #tpu.memory_space<vmem>>
      %dma_start3A_780 = tpu.memref_squeeze %dma_start3A_779 : memref<1x128x16xf32, #tpu.memory_space<vmem>> -> memref<128x16xf32, #tpu.memory_space<vmem>>
      %dma_start3A_781 = arith.constant 0 : i32
      %dma_start3A_782 = tpu.memref_slice %arg6[%add3A_774, %dma_start3A_775, %dma_start3A_781] : memref<79x2x128xi32, #tpu.memory_space<vmem>> -> memref<1x1x128xi32, #tpu.memory_space<vmem>>
      %dma_start3A_783 = tpu.memref_squeeze %dma_start3A_782 : memref<1x1x128xi32, #tpu.memory_space<vmem>> -> memref<128xi32, #tpu.memory_space<vmem>>
      %dma_start3A_784 = arith.constant 0 : i32
      %dma_start3A_785 = arith.constant 0 : i32
      %dma_start3A_786 = tpu.memref_slice %arg2[%dma_start3A_784, %dma_start3A_785] : memref<10000x16xf32, #tpu.memory_space<hbm>> -> memref<10000x16xf32, #tpu.memory_space<hbm>>
      tpu.enqueue_indirect_dma source(%dma_start3A_786 : memref<10000x16xf32, #tpu.memory_space<hbm>>) target(%dma_start3A_780 : memref<128x16xf32, #tpu.memory_space<vmem>>) offsets(%dma_start3A_783 : memref<128xi32, #tpu.memory_space<vmem>>) semaphore(%arg11 : memref<!tpu.dma_semaphore, #tpu.memory_space<semaphore_mem>>)
      %mul3A_787 = arith.constant 3 : i32
      %mul3A_788 = arith.muli %add3A_754, %mul3A_787 : i32
      %add3A_789 = arith.constant 2 : i32
      %add3A_790 = arith.addi %mul3A_788, %add3A_789 : i32
      %dma_start3A_791 = arith.constant 0 : i32
      %dma_start3A_792 = arith.constant 2 : i32
      %dma_start3A_793 = arith.constant 256 : i32
      %dma_start3A_794 = arith.constant 0 : i32
      %dma_start3A_795 = tpu.memref_slice %arg7[%dma_start3A_792, %dma_start3A_793, %dma_start3A_794] : memref<4x384x16xf32, #tpu.memory_space<vmem>> -> memref<1x128x16xf32, #tpu.memory_space<vmem>>
      %dma_start3A_796 = tpu.memref_squeeze %dma_start3A_795 : memref<1x128x16xf32, #tpu.memory_space<vmem>> -> memref<128x16xf32, #tpu.memory_space<vmem>>
      %dma_start3A_797 = arith.constant 0 : i32
      %dma_start3A_798 = tpu.memref_slice %arg6[%add3A_790, %dma_start3A_791, %dma_start3A_797] : memref<79x2x128xi32, #tpu.memory_space<vmem>> -> memref<1x1x128xi32, #tpu.memory_space<vmem>>
      %dma_start3A_799 = tpu.memref_squeeze %dma_start3A_798 : memref<1x1x128xi32, #tpu.memory_space<vmem>> -> memref<128xi32, #tpu.memory_space<vmem>>
      %dma_start3A_800 = arith.constant 0 : i32
      %dma_start3A_801 = arith.constant 0 : i32
      %dma_start3A_802 = tpu.memref_slice %arg2[%dma_start3A_800, %dma_start3A_801] : memref<10000x16xf32, #tpu.memory_space<hbm>> -> memref<10000x16xf32, #tpu.memory_space<hbm>>
      tpu.enqueue_indirect_dma source(%dma_start3A_802 : memref<10000x16xf32, #tpu.memory_space<hbm>>) target(%dma_start3A_796 : memref<128x16xf32, #tpu.memory_space<vmem>>) offsets(%dma_start3A_799 : memref<128xi32, #tpu.memory_space<vmem>>) semaphore(%arg11 : memref<!tpu.dma_semaphore, #tpu.memory_space<semaphore_mem>>)
      %dma_wait3A_803 = arith.constant 1 : i32
      %dma_wait3A_804 = arith.constant 0 : i32
      %dma_wait3A_805 = arith.constant 0 : i32
      %dma_wait3A_806 = tpu.memref_slice %arg7[%dma_wait3A_803, %dma_wait3A_804, %dma_wait3A_805] : memref<4x384x16xf32, #tpu.memory_space<vmem>> -> memref<1x384x16xf32, #tpu.memory_space<vmem>>
      %dma_wait3A_807 = tpu.memref_squeeze %dma_wait3A_806 : memref<1x384x16xf32, #tpu.memory_space<vmem>> -> memref<384x16xf32, #tpu.memory_space<vmem>>
      %dma_wait3A_808 = arith.constant 0 : i32
      %dma_wait3A_809 = arith.constant 0 : i32
      %dma_wait3A_810 = tpu.memref_slice %arg2[%dma_wait3A_808, %dma_wait3A_809] : memref<10000x16xf32, #tpu.memory_space<hbm>> -> memref<384x16xf32, #tpu.memory_space<hbm>>
      %dma_wait3A_811 = arith.constant 0 : i32
      %dma_wait3A_812 = arith.constant 0 : i32
      %dma_wait3A_813 = tpu.memref_slice %arg7[%dma_wait3A_803, %dma_wait3A_811, %dma_wait3A_812] : memref<4x384x16xf32, #tpu.memory_space<vmem>> -> memref<1x384x16xf32, #tpu.memory_space<vmem>>
      %dma_wait3A_814 = tpu.memref_squeeze %dma_wait3A_813 : memref<1x384x16xf32, #tpu.memory_space<vmem>> -> memref<384x16xf32, #tpu.memory_space<vmem>>
      %dma_wait3A_815 = arith.constant 0 : i32
      %dma_wait3A_816 = arith.constant 0 : i32
      %dma_wait3A_817 = tpu.memref_slice %arg2[%dma_wait3A_815, %dma_wait3A_816] : memref<10000x16xf32, #tpu.memory_space<hbm>> -> memref<384x16xf32, #tpu.memory_space<hbm>>
      tpu.wait_dma2 semaphore(%arg10 : memref<!tpu.dma_semaphore, #tpu.memory_space<semaphore_mem>>) src(%dma_wait3A_817 : memref<384x16xf32, #tpu.memory_space<hbm>>) dst(%dma_wait3A_814 : memref<384x16xf32, #tpu.memory_space<vmem>>)
      %add3A_818 = arith.constant 1 : i32
      %add3A_819 = arith.addi %mul3A_670, %add3A_818 : i32
      %mul3A_820 = arith.constant 3 : i32
      %mul3A_821 = arith.muli %add3A_819, %mul3A_820 : i32
      %add3A_822 = arith.constant 0 : i32
      %add3A_823 = arith.addi %mul3A_821, %add3A_822 : i32
      %dma_start3A_824 = arith.constant 1 : i32
      %dma_start3A_825 = arith.constant 1 : i32
      %dma_start3A_826 = arith.constant 0 : i32
      %dma_start3A_827 = arith.constant 0 : i32
      %dma_start3A_828 = tpu.memref_slice %arg7[%dma_start3A_824, %dma_start3A_826, %dma_start3A_827] : memref<4x384x16xf32, #tpu.memory_space<vmem>> -> memref<1x128x16xf32, #tpu.memory_space<vmem>>
      %dma_start3A_829 = tpu.memref_squeeze %dma_start3A_828 : memref<1x128x16xf32, #tpu.memory_space<vmem>> -> memref<128x16xf32, #tpu.memory_space<vmem>>
      %dma_start3A_830 = arith.constant 0 : i32
      %dma_start3A_831 = tpu.memref_slice %arg6[%add3A_823, %dma_start3A_825, %dma_start3A_830] : memref<79x2x128xi32, #tpu.memory_space<vmem>> -> memref<1x1x128xi32, #tpu.memory_space<vmem>>
      %dma_start3A_832 = tpu.memref_squeeze %dma_start3A_831 : memref<1x1x128xi32, #tpu.memory_space<vmem>> -> memref<128xi32, #tpu.memory_space<vmem>>
      %dma_start3A_833 = arith.constant 0 : i32
      %dma_start3A_834 = arith.constant 0 : i32
      %dma_start3A_835 = tpu.memref_slice %arg8[%dma_start3A_833, %dma_start3A_834] : memref<10112x16xf32, #tpu.memory_space<vmem_shared>> -> memref<10112x16xf32, #tpu.memory_space<vmem_shared>>
      tpu.enqueue_indirect_dma source(%dma_start3A_829 : memref<128x16xf32, #tpu.memory_space<vmem>>) target(%dma_start3A_835 : memref<10112x16xf32, #tpu.memory_space<vmem_shared>>) offsets(%dma_start3A_832 : memref<128xi32, #tpu.memory_space<vmem>>) semaphore(%arg14 : memref<!tpu.dma_semaphore, #tpu.memory_space<semaphore_mem>>) {add = true}
      %mul3A_836 = arith.constant 3 : i32
      %mul3A_837 = arith.muli %add3A_819, %mul3A_836 : i32
      %add3A_838 = arith.constant 1 : i32
      %add3A_839 = arith.addi %mul3A_837, %add3A_838 : i32
      %dma_start3A_840 = arith.constant 1 : i32
      %dma_start3A_841 = arith.constant 1 : i32
      %dma_start3A_842 = arith.constant 128 : i32
      %dma_start3A_843 = arith.constant 0 : i32
      %dma_start3A_844 = tpu.memref_slice %arg7[%dma_start3A_840, %dma_start3A_842, %dma_start3A_843] : memref<4x384x16xf32, #tpu.memory_space<vmem>> -> memref<1x128x16xf32, #tpu.memory_space<vmem>>
      %dma_start3A_845 = tpu.memref_squeeze %dma_start3A_844 : memref<1x128x16xf32, #tpu.memory_space<vmem>> -> memref<128x16xf32, #tpu.memory_space<vmem>>
      %dma_start3A_846 = arith.constant 0 : i32
      %dma_start3A_847 = tpu.memref_slice %arg6[%add3A_839, %dma_start3A_841, %dma_start3A_846] : memref<79x2x128xi32, #tpu.memory_space<vmem>> -> memref<1x1x128xi32, #tpu.memory_space<vmem>>
      %dma_start3A_848 = tpu.memref_squeeze %dma_start3A_847 : memref<1x1x128xi32, #tpu.memory_space<vmem>> -> memref<128xi32, #tpu.memory_space<vmem>>
      %dma_start3A_849 = arith.constant 0 : i32
      %dma_start3A_850 = arith.constant 0 : i32
      %dma_start3A_851 = tpu.memref_slice %arg8[%dma_start3A_849, %dma_start3A_850] : memref<10112x16xf32, #tpu.memory_space<vmem_shared>> -> memref<10112x16xf32, #tpu.memory_space<vmem_shared>>
      tpu.enqueue_indirect_dma source(%dma_start3A_845 : memref<128x16xf32, #tpu.memory_space<vmem>>) target(%dma_start3A_851 : memref<10112x16xf32, #tpu.memory_space<vmem_shared>>) offsets(%dma_start3A_848 : memref<128xi32, #tpu.memory_space<vmem>>) semaphore(%arg14 : memref<!tpu.dma_semaphore, #tpu.memory_space<semaphore_mem>>) {add = true}
      %mul3A_852 = arith.constant 3 : i32
      %mul3A_853 = arith.muli %add3A_819, %mul3A_852 : i32
      %add3A_854 = arith.constant 2 : i32
      %add3A_855 = arith.addi %mul3A_853, %add3A_854 : i32
      %dma_start3A_856 = arith.constant 1 : i32
      %dma_start3A_857 = arith.constant 1 : i32
      %dma_start3A_858 = arith.constant 256 : i32
      %dma_start3A_859 = arith.constant 0 : i32
      %dma_start3A_860 = tpu.memref_slice %arg7[%dma_start3A_856, %dma_start3A_858, %dma_start3A_859] : memref<4x384x16xf32, #tpu.memory_space<vmem>> -> memref<1x128x16xf32, #tpu.memory_space<vmem>>
      %dma_start3A_861 = tpu.memref_squeeze %dma_start3A_860 : memref<1x128x16xf32, #tpu.memory_space<vmem>> -> memref<128x16xf32, #tpu.memory_space<vmem>>
      %dma_start3A_862 = arith.constant 0 : i32
      %dma_start3A_863 = tpu.memref_slice %arg6[%add3A_855, %dma_start3A_857, %dma_start3A_862] : memref<79x2x128xi32, #tpu.memory_space<vmem>> -> memref<1x1x128xi32, #tpu.memory_space<vmem>>
      %dma_start3A_864 = tpu.memref_squeeze %dma_start3A_863 : memref<1x1x128xi32, #tpu.memory_space<vmem>> -> memref<128xi32, #tpu.memory_space<vmem>>
      %dma_start3A_865 = arith.constant 0 : i32
      %dma_start3A_866 = arith.constant 0 : i32
      %dma_start3A_867 = tpu.memref_slice %arg8[%dma_start3A_865, %dma_start3A_866] : memref<10112x16xf32, #tpu.memory_space<vmem_shared>> -> memref<10112x16xf32, #tpu.memory_space<vmem_shared>>
      tpu.enqueue_indirect_dma source(%dma_start3A_861 : memref<128x16xf32, #tpu.memory_space<vmem>>) target(%dma_start3A_867 : memref<10112x16xf32, #tpu.memory_space<vmem_shared>>) offsets(%dma_start3A_864 : memref<128xi32, #tpu.memory_space<vmem>>) semaphore(%arg14 : memref<!tpu.dma_semaphore, #tpu.memory_space<semaphore_mem>>) {add = true}
      %dma_wait3A_868 = arith.constant 3 : i32
      %dma_wait3A_869 = arith.constant 0 : i32
      %dma_wait3A_870 = arith.constant 0 : i32
      %dma_wait3A_871 = tpu.memref_slice %arg7[%dma_wait3A_868, %dma_wait3A_869, %dma_wait3A_870] : memref<4x384x16xf32, #tpu.memory_space<vmem>> -> memref<1x384x16xf32, #tpu.memory_space<vmem>>
      %dma_wait3A_872 = tpu.memref_squeeze %dma_wait3A_871 : memref<1x384x16xf32, #tpu.memory_space<vmem>> -> memref<384x16xf32, #tpu.memory_space<vmem>>
      %dma_wait3A_873 = arith.constant 0 : i32
      %dma_wait3A_874 = arith.constant 0 : i32
      %dma_wait3A_875 = tpu.memref_slice %arg2[%dma_wait3A_873, %dma_wait3A_874] : memref<10000x16xf32, #tpu.memory_space<hbm>> -> memref<384x16xf32, #tpu.memory_space<hbm>>
      %dma_wait3A_876 = arith.constant 0 : i32
      %dma_wait3A_877 = arith.constant 0 : i32
      %dma_wait3A_878 = tpu.memref_slice %arg7[%dma_wait3A_868, %dma_wait3A_876, %dma_wait3A_877] : memref<4x384x16xf32, #tpu.memory_space<vmem>> -> memref<1x384x16xf32, #tpu.memory_space<vmem>>
      %dma_wait3A_879 = tpu.memref_squeeze %dma_wait3A_878 : memref<1x384x16xf32, #tpu.memory_space<vmem>> -> memref<384x16xf32, #tpu.memory_space<vmem>>
      %dma_wait3A_880 = arith.constant 0 : i32
      %dma_wait3A_881 = arith.constant 0 : i32
      %dma_wait3A_882 = tpu.memref_slice %arg2[%dma_wait3A_880, %dma_wait3A_881] : memref<10000x16xf32, #tpu.memory_space<hbm>> -> memref<384x16xf32, #tpu.memory_space<hbm>>
      tpu.wait_dma2 semaphore(%arg16 : memref<!tpu.dma_semaphore, #tpu.memory_space<semaphore_mem>>) src(%dma_wait3A_882 : memref<384x16xf32, #tpu.memory_space<hbm>>) dst(%dma_wait3A_879 : memref<384x16xf32, #tpu.memory_space<vmem>>)
      %add3A_883 = arith.constant 1 : i32
      %add3A_884 = arith.addi %mul3A_670, %add3A_883 : i32
      %add3A_885 = arith.constant 2 : i32
      %add3A_886 = arith.addi %add3A_884, %add3A_885 : i32
      %mul3A_887 = arith.constant 3 : i32
      %mul3A_888 = arith.muli %add3A_886, %mul3A_887 : i32
      %add3A_889 = arith.constant 0 : i32
      %add3A_890 = arith.addi %mul3A_888, %add3A_889 : i32
      %dma_start3A_891 = arith.constant 0 : i32
      %dma_start3A_892 = arith.constant 3 : i32
      %dma_start3A_893 = arith.constant 0 : i32
      %dma_start3A_894 = arith.constant 0 : i32
      %dma_start3A_895 = tpu.memref_slice %arg7[%dma_start3A_892, %dma_start3A_893, %dma_start3A_894] : memref<4x384x16xf32, #tpu.memory_space<vmem>> -> memref<1x128x16xf32, #tpu.memory_space<vmem>>
      %dma_start3A_896 = tpu.memref_squeeze %dma_start3A_895 : memref<1x128x16xf32, #tpu.memory_space<vmem>> -> memref<128x16xf32, #tpu.memory_space<vmem>>
      %dma_start3A_897 = arith.constant 0 : i32
      %dma_start3A_898 = tpu.memref_slice %arg6[%add3A_890, %dma_start3A_891, %dma_start3A_897] : memref<79x2x128xi32, #tpu.memory_space<vmem>> -> memref<1x1x128xi32, #tpu.memory_space<vmem>>
      %dma_start3A_899 = tpu.memref_squeeze %dma_start3A_898 : memref<1x1x128xi32, #tpu.memory_space<vmem>> -> memref<128xi32, #tpu.memory_space<vmem>>
      %dma_start3A_900 = arith.constant 0 : i32
      %dma_start3A_901 = arith.constant 0 : i32
      %dma_start3A_902 = tpu.memref_slice %arg2[%dma_start3A_900, %dma_start3A_901] : memref<10000x16xf32, #tpu.memory_space<hbm>> -> memref<10000x16xf32, #tpu.memory_space<hbm>>
      tpu.enqueue_indirect_dma source(%dma_start3A_902 : memref<10000x16xf32, #tpu.memory_space<hbm>>) target(%dma_start3A_896 : memref<128x16xf32, #tpu.memory_space<vmem>>) offsets(%dma_start3A_899 : memref<128xi32, #tpu.memory_space<vmem>>) semaphore(%arg12 : memref<!tpu.dma_semaphore, #tpu.memory_space<semaphore_mem>>)
      %mul3A_903 = arith.constant 3 : i32
      %mul3A_904 = arith.muli %add3A_886, %mul3A_903 : i32
      %add3A_905 = arith.constant 1 : i32
      %add3A_906 = arith.addi %mul3A_904, %add3A_905 : i32
      %dma_start3A_907 = arith.constant 0 : i32
      %dma_start3A_908 = arith.constant 3 : i32
      %dma_start3A_909 = arith.constant 128 : i32
      %dma_start3A_910 = arith.constant 0 : i32
      %dma_start3A_911 = tpu.memref_slice %arg7[%dma_start3A_908, %dma_start3A_909, %dma_start3A_910] : memref<4x384x16xf32, #tpu.memory_space<vmem>> -> memref<1x128x16xf32, #tpu.memory_space<vmem>>
      %dma_start3A_912 = tpu.memref_squeeze %dma_start3A_911 : memref<1x128x16xf32, #tpu.memory_space<vmem>> -> memref<128x16xf32, #tpu.memory_space<vmem>>
      %dma_start3A_913 = arith.constant 0 : i32
      %dma_start3A_914 = tpu.memref_slice %arg6[%add3A_906, %dma_start3A_907, %dma_start3A_913] : memref<79x2x128xi32, #tpu.memory_space<vmem>> -> memref<1x1x128xi32, #tpu.memory_space<vmem>>
      %dma_start3A_915 = tpu.memref_squeeze %dma_start3A_914 : memref<1x1x128xi32, #tpu.memory_space<vmem>> -> memref<128xi32, #tpu.memory_space<vmem>>
      %dma_start3A_916 = arith.constant 0 : i32
      %dma_start3A_917 = arith.constant 0 : i32
      %dma_start3A_918 = tpu.memref_slice %arg2[%dma_start3A_916, %dma_start3A_917] : memref<10000x16xf32, #tpu.memory_space<hbm>> -> memref<10000x16xf32, #tpu.memory_space<hbm>>
      tpu.enqueue_indirect_dma source(%dma_start3A_918 : memref<10000x16xf32, #tpu.memory_space<hbm>>) target(%dma_start3A_912 : memref<128x16xf32, #tpu.memory_space<vmem>>) offsets(%dma_start3A_915 : memref<128xi32, #tpu.memory_space<vmem>>) semaphore(%arg12 : memref<!tpu.dma_semaphore, #tpu.memory_space<semaphore_mem>>)
      %mul3A_919 = arith.constant 3 : i32
      %mul3A_920 = arith.muli %add3A_886, %mul3A_919 : i32
      %add3A_921 = arith.constant 2 : i32
      %add3A_922 = arith.addi %mul3A_920, %add3A_921 : i32
      %dma_start3A_923 = arith.constant 0 : i32
      %dma_start3A_924 = arith.constant 3 : i32
      %dma_start3A_925 = arith.constant 256 : i32
      %dma_start3A_926 = arith.constant 0 : i32
      %dma_start3A_927 = tpu.memref_slice %arg7[%dma_start3A_924, %dma_start3A_925, %dma_start3A_926] : memref<4x384x16xf32, #tpu.memory_space<vmem>> -> memref<1x128x16xf32, #tpu.memory_space<vmem>>
      %dma_start3A_928 = tpu.memref_squeeze %dma_start3A_927 : memref<1x128x16xf32, #tpu.memory_space<vmem>> -> memref<128x16xf32, #tpu.memory_space<vmem>>
      %dma_start3A_929 = arith.constant 0 : i32
      %dma_start3A_930 = tpu.memref_slice %arg6[%add3A_922, %dma_start3A_923, %dma_start3A_929] : memref<79x2x128xi32, #tpu.memory_space<vmem>> -> memref<1x1x128xi32, #tpu.memory_space<vmem>>
      %dma_start3A_931 = tpu.memref_squeeze %dma_start3A_930 : memref<1x1x128xi32, #tpu.memory_space<vmem>> -> memref<128xi32, #tpu.memory_space<vmem>>
      %dma_start3A_932 = arith.constant 0 : i32
      %dma_start3A_933 = arith.constant 0 : i32
      %dma_start3A_934 = tpu.memref_slice %arg2[%dma_start3A_932, %dma_start3A_933] : memref<10000x16xf32, #tpu.memory_space<hbm>> -> memref<10000x16xf32, #tpu.memory_space<hbm>>
      tpu.enqueue_indirect_dma source(%dma_start3A_934 : memref<10000x16xf32, #tpu.memory_space<hbm>>) target(%dma_start3A_928 : memref<128x16xf32, #tpu.memory_space<vmem>>) offsets(%dma_start3A_931 : memref<128xi32, #tpu.memory_space<vmem>>) semaphore(%arg12 : memref<!tpu.dma_semaphore, #tpu.memory_space<semaphore_mem>>)
      %dma_wait3A_935 = arith.constant 2 : i32
      %dma_wait3A_936 = arith.constant 0 : i32
      %dma_wait3A_937 = arith.constant 0 : i32
      %dma_wait3A_938 = tpu.memref_slice %arg7[%dma_wait3A_935, %dma_wait3A_936, %dma_wait3A_937] : memref<4x384x16xf32, #tpu.memory_space<vmem>> -> memref<1x384x16xf32, #tpu.memory_space<vmem>>
      %dma_wait3A_939 = tpu.memref_squeeze %dma_wait3A_938 : memref<1x384x16xf32, #tpu.memory_space<vmem>> -> memref<384x16xf32, #tpu.memory_space<vmem>>
      %dma_wait3A_940 = arith.constant 0 : i32
      %dma_wait3A_941 = arith.constant 0 : i32
      %dma_wait3A_942 = tpu.memref_slice %arg2[%dma_wait3A_940, %dma_wait3A_941] : memref<10000x16xf32, #tpu.memory_space<hbm>> -> memref<384x16xf32, #tpu.memory_space<hbm>>
      %dma_wait3A_943 = arith.constant 0 : i32
      %dma_wait3A_944 = arith.constant 0 : i32
      %dma_wait3A_945 = tpu.memref_slice %arg7[%dma_wait3A_935, %dma_wait3A_943, %dma_wait3A_944] : memref<4x384x16xf32, #tpu.memory_space<vmem>> -> memref<1x384x16xf32, #tpu.memory_space<vmem>>
      %dma_wait3A_946 = tpu.memref_squeeze %dma_wait3A_945 : memref<1x384x16xf32, #tpu.memory_space<vmem>> -> memref<384x16xf32, #tpu.memory_space<vmem>>
      %dma_wait3A_947 = arith.constant 0 : i32
      %dma_wait3A_948 = arith.constant 0 : i32
      %dma_wait3A_949 = tpu.memref_slice %arg2[%dma_wait3A_947, %dma_wait3A_948] : memref<10000x16xf32, #tpu.memory_space<hbm>> -> memref<384x16xf32, #tpu.memory_space<hbm>>
      tpu.wait_dma2 semaphore(%arg11 : memref<!tpu.dma_semaphore, #tpu.memory_space<semaphore_mem>>) src(%dma_wait3A_949 : memref<384x16xf32, #tpu.memory_space<hbm>>) dst(%dma_wait3A_946 : memref<384x16xf32, #tpu.memory_space<vmem>>)
      %add3A_950 = arith.constant 2 : i32
      %add3A_951 = arith.addi %mul3A_670, %add3A_950 : i32
      %mul3A_952 = arith.constant 3 : i32
      %mul3A_953 = arith.muli %add3A_951, %mul3A_952 : i32
      %add3A_954 = arith.constant 0 : i32
      %add3A_955 = arith.addi %mul3A_953, %add3A_954 : i32
      %dma_start3A_956 = arith.constant 2 : i32
      %dma_start3A_957 = arith.constant 1 : i32
      %dma_start3A_958 = arith.constant 0 : i32
      %dma_start3A_959 = arith.constant 0 : i32
      %dma_start3A_960 = tpu.memref_slice %arg7[%dma_start3A_956, %dma_start3A_958, %dma_start3A_959] : memref<4x384x16xf32, #tpu.memory_space<vmem>> -> memref<1x128x16xf32, #tpu.memory_space<vmem>>
      %dma_start3A_961 = tpu.memref_squeeze %dma_start3A_960 : memref<1x128x16xf32, #tpu.memory_space<vmem>> -> memref<128x16xf32, #tpu.memory_space<vmem>>
      %dma_start3A_962 = arith.constant 0 : i32
      %dma_start3A_963 = tpu.memref_slice %arg6[%add3A_955, %dma_start3A_957, %dma_start3A_962] : memref<79x2x128xi32, #tpu.memory_space<vmem>> -> memref<1x1x128xi32, #tpu.memory_space<vmem>>
      %dma_start3A_964 = tpu.memref_squeeze %dma_start3A_963 : memref<1x1x128xi32, #tpu.memory_space<vmem>> -> memref<128xi32, #tpu.memory_space<vmem>>
      %dma_start3A_965 = arith.constant 0 : i32
      %dma_start3A_966 = arith.constant 0 : i32
      %dma_start3A_967 = tpu.memref_slice %arg8[%dma_start3A_965, %dma_start3A_966] : memref<10112x16xf32, #tpu.memory_space<vmem_shared>> -> memref<10112x16xf32, #tpu.memory_space<vmem_shared>>
      tpu.enqueue_indirect_dma source(%dma_start3A_961 : memref<128x16xf32, #tpu.memory_space<vmem>>) target(%dma_start3A_967 : memref<10112x16xf32, #tpu.memory_space<vmem_shared>>) offsets(%dma_start3A_964 : memref<128xi32, #tpu.memory_space<vmem>>) semaphore(%arg15 : memref<!tpu.dma_semaphore, #tpu.memory_space<semaphore_mem>>) {add = true}
      %mul3A_968 = arith.constant 3 : i32
      %mul3A_969 = arith.muli %add3A_951, %mul3A_968 : i32
      %add3A_970 = arith.constant 1 : i32
      %add3A_971 = arith.addi %mul3A_969, %add3A_970 : i32
      %dma_start3A_972 = arith.constant 2 : i32
      %dma_start3A_973 = arith.constant 1 : i32
      %dma_start3A_974 = arith.constant 128 : i32
      %dma_start3A_975 = arith.constant 0 : i32
      %dma_start3A_976 = tpu.memref_slice %arg7[%dma_start3A_972, %dma_start3A_974, %dma_start3A_975] : memref<4x384x16xf32, #tpu.memory_space<vmem>> -> memref<1x128x16xf32, #tpu.memory_space<vmem>>
      %dma_start3A_977 = tpu.memref_squeeze %dma_start3A_976 : memref<1x128x16xf32, #tpu.memory_space<vmem>> -> memref<128x16xf32, #tpu.memory_space<vmem>>
      %dma_start3A_978 = arith.constant 0 : i32
      %dma_start3A_979 = tpu.memref_slice %arg6[%add3A_971, %dma_start3A_973, %dma_start3A_978] : memref<79x2x128xi32, #tpu.memory_space<vmem>> -> memref<1x1x128xi32, #tpu.memory_space<vmem>>
      %dma_start3A_980 = tpu.memref_squeeze %dma_start3A_979 : memref<1x1x128xi32, #tpu.memory_space<vmem>> -> memref<128xi32, #tpu.memory_space<vmem>>
      %dma_start3A_981 = arith.constant 0 : i32
      %dma_start3A_982 = arith.constant 0 : i32
      %dma_start3A_983 = tpu.memref_slice %arg8[%dma_start3A_981, %dma_start3A_982] : memref<10112x16xf32, #tpu.memory_space<vmem_shared>> -> memref<10112x16xf32, #tpu.memory_space<vmem_shared>>
      tpu.enqueue_indirect_dma source(%dma_start3A_977 : memref<128x16xf32, #tpu.memory_space<vmem>>) target(%dma_start3A_983 : memref<10112x16xf32, #tpu.memory_space<vmem_shared>>) offsets(%dma_start3A_980 : memref<128xi32, #tpu.memory_space<vmem>>) semaphore(%arg15 : memref<!tpu.dma_semaphore, #tpu.memory_space<semaphore_mem>>) {add = true}
      %mul3A_984 = arith.constant 3 : i32
      %mul3A_985 = arith.muli %add3A_951, %mul3A_984 : i32
      %add3A_986 = arith.constant 2 : i32
      %add3A_987 = arith.addi %mul3A_985, %add3A_986 : i32
      %dma_start3A_988 = arith.constant 2 : i32
      %dma_start3A_989 = arith.constant 1 : i32
      %dma_start3A_990 = arith.constant 256 : i32
      %dma_start3A_991 = arith.constant 0 : i32
      %dma_start3A_992 = tpu.memref_slice %arg7[%dma_start3A_988, %dma_start3A_990, %dma_start3A_991] : memref<4x384x16xf32, #tpu.memory_space<vmem>> -> memref<1x128x16xf32, #tpu.memory_space<vmem>>
      %dma_start3A_993 = tpu.memref_squeeze %dma_start3A_992 : memref<1x128x16xf32, #tpu.memory_space<vmem>> -> memref<128x16xf32, #tpu.memory_space<vmem>>
      %dma_start3A_994 = arith.constant 0 : i32
      %dma_start3A_995 = tpu.memref_slice %arg6[%add3A_987, %dma_start3A_989, %dma_start3A_994] : memref<79x2x128xi32, #tpu.memory_space<vmem>> -> memref<1x1x128xi32, #tpu.memory_space<vmem>>
      %dma_start3A_996 = tpu.memref_squeeze %dma_start3A_995 : memref<1x1x128xi32, #tpu.memory_space<vmem>> -> memref<128xi32, #tpu.memory_space<vmem>>
      %dma_start3A_997 = arith.constant 0 : i32
      %dma_start3A_998 = arith.constant 0 : i32
      %dma_start3A_999 = tpu.memref_slice %arg8[%dma_start3A_997, %dma_start3A_998] : memref<10112x16xf32, #tpu.memory_space<vmem_shared>> -> memref<10112x16xf32, #tpu.memory_space<vmem_shared>>
      tpu.enqueue_indirect_dma source(%dma_start3A_993 : memref<128x16xf32, #tpu.memory_space<vmem>>) target(%dma_start3A_999 : memref<10112x16xf32, #tpu.memory_space<vmem_shared>>) offsets(%dma_start3A_996 : memref<128xi32, #tpu.memory_space<vmem>>) semaphore(%arg15 : memref<!tpu.dma_semaphore, #tpu.memory_space<semaphore_mem>>) {add = true}
      %dma_wait3A_1000 = arith.constant 0 : i32
      %dma_wait3A_1001 = arith.constant 0 : i32
      %dma_wait3A_1002 = arith.constant 0 : i32
      %dma_wait3A_1003 = tpu.memref_slice %arg7[%dma_wait3A_1000, %dma_wait3A_1001, %dma_wait3A_1002] : memref<4x384x16xf32, #tpu.memory_space<vmem>> -> memref<1x384x16xf32, #tpu.memory_space<vmem>>
      %dma_wait3A_1004 = tpu.memref_squeeze %dma_wait3A_1003 : memref<1x384x16xf32, #tpu.memory_space<vmem>> -> memref<384x16xf32, #tpu.memory_space<vmem>>
      %dma_wait3A_1005 = arith.constant 0 : i32
      %dma_wait3A_1006 = arith.constant 0 : i32
      %dma_wait3A_1007 = tpu.memref_slice %arg2[%dma_wait3A_1005, %dma_wait3A_1006] : memref<10000x16xf32, #tpu.memory_space<hbm>> -> memref<384x16xf32, #tpu.memory_space<hbm>>
      %dma_wait3A_1008 = arith.constant 0 : i32
      %dma_wait3A_1009 = arith.constant 0 : i32
      %dma_wait3A_1010 = tpu.memref_slice %arg7[%dma_wait3A_1000, %dma_wait3A_1008, %dma_wait3A_1009] : memref<4x384x16xf32, #tpu.memory_space<vmem>> -> memref<1x384x16xf32, #tpu.memory_space<vmem>>
      %dma_wait3A_1011 = tpu.memref_squeeze %dma_wait3A_1010 : memref<1x384x16xf32, #tpu.memory_space<vmem>> -> memref<384x16xf32, #tpu.memory_space<vmem>>
      %dma_wait3A_1012 = arith.constant 0 : i32
      %dma_wait3A_1013 = arith.constant 0 : i32
      %dma_wait3A_1014 = tpu.memref_slice %arg2[%dma_wait3A_1012, %dma_wait3A_1013] : memref<10000x16xf32, #tpu.memory_space<hbm>> -> memref<384x16xf32, #tpu.memory_space<hbm>>
      tpu.wait_dma2 semaphore(%arg13 : memref<!tpu.dma_semaphore, #tpu.memory_space<semaphore_mem>>) src(%dma_wait3A_1014 : memref<384x16xf32, #tpu.memory_space<hbm>>) dst(%dma_wait3A_1011 : memref<384x16xf32, #tpu.memory_space<vmem>>)
      %add3A_1015 = arith.constant 2 : i32
      %add3A_1016 = arith.addi %mul3A_670, %add3A_1015 : i32
      %add3A_1017 = arith.constant 2 : i32
      %add3A_1018 = arith.addi %add3A_1016, %add3A_1017 : i32
      %mul3A_1019 = arith.constant 3 : i32
      %mul3A_1020 = arith.muli %add3A_1018, %mul3A_1019 : i32
      %add3A_1021 = arith.constant 0 : i32
      %add3A_1022 = arith.addi %mul3A_1020, %add3A_1021 : i32
      %dma_start3A_1023 = arith.constant 0 : i32
      %dma_start3A_1024 = arith.constant 0 : i32
      %dma_start3A_1025 = arith.constant 0 : i32
      %dma_start3A_1026 = arith.constant 0 : i32
      %dma_start3A_1027 = tpu.memref_slice %arg7[%dma_start3A_1024, %dma_start3A_1025, %dma_start3A_1026] : memref<4x384x16xf32, #tpu.memory_space<vmem>> -> memref<1x128x16xf32, #tpu.memory_space<vmem>>
      %dma_start3A_1028 = tpu.memref_squeeze %dma_start3A_1027 : memref<1x128x16xf32, #tpu.memory_space<vmem>> -> memref<128x16xf32, #tpu.memory_space<vmem>>
      %dma_start3A_1029 = arith.constant 0 : i32
      %dma_start3A_1030 = tpu.memref_slice %arg6[%add3A_1022, %dma_start3A_1023, %dma_start3A_1029] : memref<79x2x128xi32, #tpu.memory_space<vmem>> -> memref<1x1x128xi32, #tpu.memory_space<vmem>>
      %dma_start3A_1031 = tpu.memref_squeeze %dma_start3A_1030 : memref<1x1x128xi32, #tpu.memory_space<vmem>> -> memref<128xi32, #tpu.memory_space<vmem>>
      %dma_start3A_1032 = arith.constant 0 : i32
      %dma_start3A_1033 = arith.constant 0 : i32
      %dma_start3A_1034 = tpu.memref_slice %arg2[%dma_start3A_1032, %dma_start3A_1033] : memref<10000x16xf32, #tpu.memory_space<hbm>> -> memref<10000x16xf32, #tpu.memory_space<hbm>>
      tpu.enqueue_indirect_dma source(%dma_start3A_1034 : memref<10000x16xf32, #tpu.memory_space<hbm>>) target(%dma_start3A_1028 : memref<128x16xf32, #tpu.memory_space<vmem>>) offsets(%dma_start3A_1031 : memref<128xi32, #tpu.memory_space<vmem>>) semaphore(%arg9 : memref<!tpu.dma_semaphore, #tpu.memory_space<semaphore_mem>>)
      %mul3A_1035 = arith.constant 3 : i32
      %mul3A_1036 = arith.muli %add3A_1018, %mul3A_1035 : i32
      %add3A_1037 = arith.constant 1 : i32
      %add3A_1038 = arith.addi %mul3A_1036, %add3A_1037 : i32
      %dma_start3A_1039 = arith.constant 0 : i32
      %dma_start3A_1040 = arith.constant 0 : i32
      %dma_start3A_1041 = arith.constant 128 : i32
      %dma_start3A_1042 = arith.constant 0 : i32
      %dma_start3A_1043 = tpu.memref_slice %arg7[%dma_start3A_1040, %dma_start3A_1041, %dma_start3A_1042] : memref<4x384x16xf32, #tpu.memory_space<vmem>> -> memref<1x128x16xf32, #tpu.memory_space<vmem>>
      %dma_start3A_1044 = tpu.memref_squeeze %dma_start3A_1043 : memref<1x128x16xf32, #tpu.memory_space<vmem>> -> memref<128x16xf32, #tpu.memory_space<vmem>>
      %dma_start3A_1045 = arith.constant 0 : i32
      %dma_start3A_1046 = tpu.memref_slice %arg6[%add3A_1038, %dma_start3A_1039, %dma_start3A_1045] : memref<79x2x128xi32, #tpu.memory_space<vmem>> -> memref<1x1x128xi32, #tpu.memory_space<vmem>>
      %dma_start3A_1047 = tpu.memref_squeeze %dma_start3A_1046 : memref<1x1x128xi32, #tpu.memory_space<vmem>> -> memref<128xi32, #tpu.memory_space<vmem>>
      %dma_start3A_1048 = arith.constant 0 : i32
      %dma_start3A_1049 = arith.constant 0 : i32
      %dma_start3A_1050 = tpu.memref_slice %arg2[%dma_start3A_1048, %dma_start3A_1049] : memref<10000x16xf32, #tpu.memory_space<hbm>> -> memref<10000x16xf32, #tpu.memory_space<hbm>>
      tpu.enqueue_indirect_dma source(%dma_start3A_1050 : memref<10000x16xf32, #tpu.memory_space<hbm>>) target(%dma_start3A_1044 : memref<128x16xf32, #tpu.memory_space<vmem>>) offsets(%dma_start3A_1047 : memref<128xi32, #tpu.memory_space<vmem>>) semaphore(%arg9 : memref<!tpu.dma_semaphore, #tpu.memory_space<semaphore_mem>>)
      %mul3A_1051 = arith.constant 3 : i32
      %mul3A_1052 = arith.muli %add3A_1018, %mul3A_1051 : i32
      %add3A_1053 = arith.constant 2 : i32
      %add3A_1054 = arith.addi %mul3A_1052, %add3A_1053 : i32
      %dma_start3A_1055 = arith.constant 0 : i32
      %dma_start3A_1056 = arith.constant 0 : i32
      %dma_start3A_1057 = arith.constant 256 : i32
      %dma_start3A_1058 = arith.constant 0 : i32
      %dma_start3A_1059 = tpu.memref_slice %arg7[%dma_start3A_1056, %dma_start3A_1057, %dma_start3A_1058] : memref<4x384x16xf32, #tpu.memory_space<vmem>> -> memref<1x128x16xf32, #tpu.memory_space<vmem>>
      %dma_start3A_1060 = tpu.memref_squeeze %dma_start3A_1059 : memref<1x128x16xf32, #tpu.memory_space<vmem>> -> memref<128x16xf32, #tpu.memory_space<vmem>>
      %dma_start3A_1061 = arith.constant 0 : i32
      %dma_start3A_1062 = tpu.memref_slice %arg6[%add3A_1054, %dma_start3A_1055, %dma_start3A_1061] : memref<79x2x128xi32, #tpu.memory_space<vmem>> -> memref<1x1x128xi32, #tpu.memory_space<vmem>>
      %dma_start3A_1063 = tpu.memref_squeeze %dma_start3A_1062 : memref<1x1x128xi32, #tpu.memory_space<vmem>> -> memref<128xi32, #tpu.memory_space<vmem>>
      %dma_start3A_1064 = arith.constant 0 : i32
      %dma_start3A_1065 = arith.constant 0 : i32
      %dma_start3A_1066 = tpu.memref_slice %arg2[%dma_start3A_1064, %dma_start3A_1065] : memref<10000x16xf32, #tpu.memory_space<hbm>> -> memref<10000x16xf32, #tpu.memory_space<hbm>>
      tpu.enqueue_indirect_dma source(%dma_start3A_1066 : memref<10000x16xf32, #tpu.memory_space<hbm>>) target(%dma_start3A_1060 : memref<128x16xf32, #tpu.memory_space<vmem>>) offsets(%dma_start3A_1063 : memref<128xi32, #tpu.memory_space<vmem>>) semaphore(%arg9 : memref<!tpu.dma_semaphore, #tpu.memory_space<semaphore_mem>>)
      %dma_wait3A_1067 = arith.constant 3 : i32
      %dma_wait3A_1068 = arith.constant 0 : i32
      %dma_wait3A_1069 = arith.constant 0 : i32
      %dma_wait3A_1070 = tpu.memref_slice %arg7[%dma_wait3A_1067, %dma_wait3A_1068, %dma_wait3A_1069] : memref<4x384x16xf32, #tpu.memory_space<vmem>> -> memref<1x384x16xf32, #tpu.memory_space<vmem>>
      %dma_wait3A_1071 = tpu.memref_squeeze %dma_wait3A_1070 : memref<1x384x16xf32, #tpu.memory_space<vmem>> -> memref<384x16xf32, #tpu.memory_space<vmem>>
      %dma_wait3A_1072 = arith.constant 0 : i32
      %dma_wait3A_1073 = arith.constant 0 : i32
      %dma_wait3A_1074 = tpu.memref_slice %arg2[%dma_wait3A_1072, %dma_wait3A_1073] : memref<10000x16xf32, #tpu.memory_space<hbm>> -> memref<384x16xf32, #tpu.memory_space<hbm>>
      %dma_wait3A_1075 = arith.constant 0 : i32
      %dma_wait3A_1076 = arith.constant 0 : i32
      %dma_wait3A_1077 = tpu.memref_slice %arg7[%dma_wait3A_1067, %dma_wait3A_1075, %dma_wait3A_1076] : memref<4x384x16xf32, #tpu.memory_space<vmem>> -> memref<1x384x16xf32, #tpu.memory_space<vmem>>
      %dma_wait3A_1078 = tpu.memref_squeeze %dma_wait3A_1077 : memref<1x384x16xf32, #tpu.memory_space<vmem>> -> memref<384x16xf32, #tpu.memory_space<vmem>>
      %dma_wait3A_1079 = arith.constant 0 : i32
      %dma_wait3A_1080 = arith.constant 0 : i32
      %dma_wait3A_1081 = tpu.memref_slice %arg2[%dma_wait3A_1079, %dma_wait3A_1080] : memref<10000x16xf32, #tpu.memory_space<hbm>> -> memref<384x16xf32, #tpu.memory_space<hbm>>
      tpu.wait_dma2 semaphore(%arg12 : memref<!tpu.dma_semaphore, #tpu.memory_space<semaphore_mem>>) src(%dma_wait3A_1081 : memref<384x16xf32, #tpu.memory_space<hbm>>) dst(%dma_wait3A_1078 : memref<384x16xf32, #tpu.memory_space<vmem>>)
      %add3A_1082 = arith.constant 3 : i32
      %add3A_1083 = arith.addi %mul3A_670, %add3A_1082 : i32
      %mul3A_1084 = arith.constant 3 : i32
      %mul3A_1085 = arith.muli %add3A_1083, %mul3A_1084 : i32
      %add3A_1086 = arith.constant 0 : i32
      %add3A_1087 = arith.addi %mul3A_1085, %add3A_1086 : i32
      %dma_start3A_1088 = arith.constant 3 : i32
      %dma_start3A_1089 = arith.constant 1 : i32
      %dma_start3A_1090 = arith.constant 0 : i32
      %dma_start3A_1091 = arith.constant 0 : i32
      %dma_start3A_1092 = tpu.memref_slice %arg7[%dma_start3A_1088, %dma_start3A_1090, %dma_start3A_1091] : memref<4x384x16xf32, #tpu.memory_space<vmem>> -> memref<1x128x16xf32, #tpu.memory_space<vmem>>
      %dma_start3A_1093 = tpu.memref_squeeze %dma_start3A_1092 : memref<1x128x16xf32, #tpu.memory_space<vmem>> -> memref<128x16xf32, #tpu.memory_space<vmem>>
      %dma_start3A_1094 = arith.constant 0 : i32
      %dma_start3A_1095 = tpu.memref_slice %arg6[%add3A_1087, %dma_start3A_1089, %dma_start3A_1094] : memref<79x2x128xi32, #tpu.memory_space<vmem>> -> memref<1x1x128xi32, #tpu.memory_space<vmem>>
      %dma_start3A_1096 = tpu.memref_squeeze %dma_start3A_1095 : memref<1x1x128xi32, #tpu.memory_space<vmem>> -> memref<128xi32, #tpu.memory_space<vmem>>
      %dma_start3A_1097 = arith.constant 0 : i32
      %dma_start3A_1098 = arith.constant 0 : i32
      %dma_start3A_1099 = tpu.memref_slice %arg8[%dma_start3A_1097, %dma_start3A_1098] : memref<10112x16xf32, #tpu.memory_space<vmem_shared>> -> memref<10112x16xf32, #tpu.memory_space<vmem_shared>>
      tpu.enqueue_indirect_dma source(%dma_start3A_1093 : memref<128x16xf32, #tpu.memory_space<vmem>>) target(%dma_start3A_1099 : memref<10112x16xf32, #tpu.memory_space<vmem_shared>>) offsets(%dma_start3A_1096 : memref<128xi32, #tpu.memory_space<vmem>>) semaphore(%arg16 : memref<!tpu.dma_semaphore, #tpu.memory_space<semaphore_mem>>) {add = true}
      %mul3A_1100 = arith.constant 3 : i32
      %mul3A_1101 = arith.muli %add3A_1083, %mul3A_1100 : i32
      %add3A_1102 = arith.constant 1 : i32
      %add3A_1103 = arith.addi %mul3A_1101, %add3A_1102 : i32
      %dma_start3A_1104 = arith.constant 3 : i32
      %dma_start3A_1105 = arith.constant 1 : i32
      %dma_start3A_1106 = arith.constant 128 : i32
      %dma_start3A_1107 = arith.constant 0 : i32
      %dma_start3A_1108 = tpu.memref_slice %arg7[%dma_start3A_1104, %dma_start3A_1106, %dma_start3A_1107] : memref<4x384x16xf32, #tpu.memory_space<vmem>> -> memref<1x128x16xf32, #tpu.memory_space<vmem>>
      %dma_start3A_1109 = tpu.memref_squeeze %dma_start3A_1108 : memref<1x128x16xf32, #tpu.memory_space<vmem>> -> memref<128x16xf32, #tpu.memory_space<vmem>>
      %dma_start3A_1110 = arith.constant 0 : i32
      %dma_start3A_1111 = tpu.memref_slice %arg6[%add3A_1103, %dma_start3A_1105, %dma_start3A_1110] : memref<79x2x128xi32, #tpu.memory_space<vmem>> -> memref<1x1x128xi32, #tpu.memory_space<vmem>>
      %dma_start3A_1112 = tpu.memref_squeeze %dma_start3A_1111 : memref<1x1x128xi32, #tpu.memory_space<vmem>> -> memref<128xi32, #tpu.memory_space<vmem>>
      %dma_start3A_1113 = arith.constant 0 : i32
      %dma_start3A_1114 = arith.constant 0 : i32
      %dma_start3A_1115 = tpu.memref_slice %arg8[%dma_start3A_1113, %dma_start3A_1114] : memref<10112x16xf32, #tpu.memory_space<vmem_shared>> -> memref<10112x16xf32, #tpu.memory_space<vmem_shared>>
      tpu.enqueue_indirect_dma source(%dma_start3A_1109 : memref<128x16xf32, #tpu.memory_space<vmem>>) target(%dma_start3A_1115 : memref<10112x16xf32, #tpu.memory_space<vmem_shared>>) offsets(%dma_start3A_1112 : memref<128xi32, #tpu.memory_space<vmem>>) semaphore(%arg16 : memref<!tpu.dma_semaphore, #tpu.memory_space<semaphore_mem>>) {add = true}
      %mul3A_1116 = arith.constant 3 : i32
      %mul3A_1117 = arith.muli %add3A_1083, %mul3A_1116 : i32
      %add3A_1118 = arith.constant 2 : i32
      %add3A_1119 = arith.addi %mul3A_1117, %add3A_1118 : i32
      %dma_start3A_1120 = arith.constant 3 : i32
      %dma_start3A_1121 = arith.constant 1 : i32
      %dma_start3A_1122 = arith.constant 256 : i32
      %dma_start3A_1123 = arith.constant 0 : i32
      %dma_start3A_1124 = tpu.memref_slice %arg7[%dma_start3A_1120, %dma_start3A_1122, %dma_start3A_1123] : memref<4x384x16xf32, #tpu.memory_space<vmem>> -> memref<1x128x16xf32, #tpu.memory_space<vmem>>
      %dma_start3A_1125 = tpu.memref_squeeze %dma_start3A_1124 : memref<1x128x16xf32, #tpu.memory_space<vmem>> -> memref<128x16xf32, #tpu.memory_space<vmem>>
      %dma_start3A_1126 = arith.constant 0 : i32
      %dma_start3A_1127 = tpu.memref_slice %arg6[%add3A_1119, %dma_start3A_1121, %dma_start3A_1126] : memref<79x2x128xi32, #tpu.memory_space<vmem>> -> memref<1x1x128xi32, #tpu.memory_space<vmem>>
      %dma_start3A_1128 = tpu.memref_squeeze %dma_start3A_1127 : memref<1x1x128xi32, #tpu.memory_space<vmem>> -> memref<128xi32, #tpu.memory_space<vmem>>
      %dma_start3A_1129 = arith.constant 0 : i32
      %dma_start3A_1130 = arith.constant 0 : i32
      %dma_start3A_1131 = tpu.memref_slice %arg8[%dma_start3A_1129, %dma_start3A_1130] : memref<10112x16xf32, #tpu.memory_space<vmem_shared>> -> memref<10112x16xf32, #tpu.memory_space<vmem_shared>>
      tpu.enqueue_indirect_dma source(%dma_start3A_1125 : memref<128x16xf32, #tpu.memory_space<vmem>>) target(%dma_start3A_1131 : memref<10112x16xf32, #tpu.memory_space<vmem_shared>>) offsets(%dma_start3A_1128 : memref<128xi32, #tpu.memory_space<vmem>>) semaphore(%arg16 : memref<!tpu.dma_semaphore, #tpu.memory_space<semaphore_mem>>) {add = true}
      %dma_wait3A_1132 = arith.constant 1 : i32
      %dma_wait3A_1133 = arith.constant 0 : i32
      %dma_wait3A_1134 = arith.constant 0 : i32
      %dma_wait3A_1135 = tpu.memref_slice %arg7[%dma_wait3A_1132, %dma_wait3A_1133, %dma_wait3A_1134] : memref<4x384x16xf32, #tpu.memory_space<vmem>> -> memref<1x384x16xf32, #tpu.memory_space<vmem>>
      %dma_wait3A_1136 = tpu.memref_squeeze %dma_wait3A_1135 : memref<1x384x16xf32, #tpu.memory_space<vmem>> -> memref<384x16xf32, #tpu.memory_space<vmem>>
      %dma_wait3A_1137 = arith.constant 0 : i32
      %dma_wait3A_1138 = arith.constant 0 : i32
      %dma_wait3A_1139 = tpu.memref_slice %arg2[%dma_wait3A_1137, %dma_wait3A_1138] : memref<10000x16xf32, #tpu.memory_space<hbm>> -> memref<384x16xf32, #tpu.memory_space<hbm>>
      %dma_wait3A_1140 = arith.constant 0 : i32
      %dma_wait3A_1141 = arith.constant 0 : i32
      %dma_wait3A_1142 = tpu.memref_slice %arg7[%dma_wait3A_1132, %dma_wait3A_1140, %dma_wait3A_1141] : memref<4x384x16xf32, #tpu.memory_space<vmem>> -> memref<1x384x16xf32, #tpu.memory_space<vmem>>
      %dma_wait3A_1143 = tpu.memref_squeeze %dma_wait3A_1142 : memref<1x384x16xf32, #tpu.memory_space<vmem>> -> memref<384x16xf32, #tpu.memory_space<vmem>>
      %dma_wait3A_1144 = arith.constant 0 : i32
      %dma_wait3A_1145 = arith.constant 0 : i32
      %dma_wait3A_1146 = tpu.memref_slice %arg2[%dma_wait3A_1144, %dma_wait3A_1145] : memref<10000x16xf32, #tpu.memory_space<hbm>> -> memref<384x16xf32, #tpu.memory_space<hbm>>
      tpu.wait_dma2 semaphore(%arg14 : memref<!tpu.dma_semaphore, #tpu.memory_space<semaphore_mem>>) src(%dma_wait3A_1146 : memref<384x16xf32, #tpu.memory_space<hbm>>) dst(%dma_wait3A_1143 : memref<384x16xf32, #tpu.memory_space<vmem>>)
      %add3A_1147 = arith.constant 3 : i32
      %add3A_1148 = arith.addi %mul3A_670, %add3A_1147 : i32
      %add3A_1149 = arith.constant 2 : i32
      %add3A_1150 = arith.addi %add3A_1148, %add3A_1149 : i32
      %mul3A_1151 = arith.constant 3 : i32
      %mul3A_1152 = arith.muli %add3A_1150, %mul3A_1151 : i32
      %add3A_1153 = arith.constant 0 : i32
      %add3A_1154 = arith.addi %mul3A_1152, %add3A_1153 : i32
      %dma_start3A_1155 = arith.constant 0 : i32
      %dma_start3A_1156 = arith.constant 1 : i32
      %dma_start3A_1157 = arith.constant 0 : i32
      %dma_start3A_1158 = arith.constant 0 : i32
      %dma_start3A_1159 = tpu.memref_slice %arg7[%dma_start3A_1156, %dma_start3A_1157, %dma_start3A_1158] : memref<4x384x16xf32, #tpu.memory_space<vmem>> -> memref<1x128x16xf32, #tpu.memory_space<vmem>>
      %dma_start3A_1160 = tpu.memref_squeeze %dma_start3A_1159 : memref<1x128x16xf32, #tpu.memory_space<vmem>> -> memref<128x16xf32, #tpu.memory_space<vmem>>
      %dma_start3A_1161 = arith.constant 0 : i32
      %dma_start3A_1162 = tpu.memref_slice %arg6[%add3A_1154, %dma_start3A_1155, %dma_start3A_1161] : memref<79x2x128xi32, #tpu.memory_space<vmem>> -> memref<1x1x128xi32, #tpu.memory_space<vmem>>
      %dma_start3A_1163 = tpu.memref_squeeze %dma_start3A_1162 : memref<1x1x128xi32, #tpu.memory_space<vmem>> -> memref<128xi32, #tpu.memory_space<vmem>>
      %dma_start3A_1164 = arith.constant 0 : i32
      %dma_start3A_1165 = arith.constant 0 : i32
      %dma_start3A_1166 = tpu.memref_slice %arg2[%dma_start3A_1164, %dma_start3A_1165] : memref<10000x16xf32, #tpu.memory_space<hbm>> -> memref<10000x16xf32, #tpu.memory_space<hbm>>
      tpu.enqueue_indirect_dma source(%dma_start3A_1166 : memref<10000x16xf32, #tpu.memory_space<hbm>>) target(%dma_start3A_1160 : memref<128x16xf32, #tpu.memory_space<vmem>>) offsets(%dma_start3A_1163 : memref<128xi32, #tpu.memory_space<vmem>>) semaphore(%arg10 : memref<!tpu.dma_semaphore, #tpu.memory_space<semaphore_mem>>)
      %mul3A_1167 = arith.constant 3 : i32
      %mul3A_1168 = arith.muli %add3A_1150, %mul3A_1167 : i32
      %add3A_1169 = arith.constant 1 : i32
      %add3A_1170 = arith.addi %mul3A_1168, %add3A_1169 : i32
      %dma_start3A_1171 = arith.constant 0 : i32
      %dma_start3A_1172 = arith.constant 1 : i32
      %dma_start3A_1173 = arith.constant 128 : i32
      %dma_start3A_1174 = arith.constant 0 : i32
      %dma_start3A_1175 = tpu.memref_slice %arg7[%dma_start3A_1172, %dma_start3A_1173, %dma_start3A_1174] : memref<4x384x16xf32, #tpu.memory_space<vmem>> -> memref<1x128x16xf32, #tpu.memory_space<vmem>>
      %dma_start3A_1176 = tpu.memref_squeeze %dma_start3A_1175 : memref<1x128x16xf32, #tpu.memory_space<vmem>> -> memref<128x16xf32, #tpu.memory_space<vmem>>
      %dma_start3A_1177 = arith.constant 0 : i32
      %dma_start3A_1178 = tpu.memref_slice %arg6[%add3A_1170, %dma_start3A_1171, %dma_start3A_1177] : memref<79x2x128xi32, #tpu.memory_space<vmem>> -> memref<1x1x128xi32, #tpu.memory_space<vmem>>
      %dma_start3A_1179 = tpu.memref_squeeze %dma_start3A_1178 : memref<1x1x128xi32, #tpu.memory_space<vmem>> -> memref<128xi32, #tpu.memory_space<vmem>>
      %dma_start3A_1180 = arith.constant 0 : i32
      %dma_start3A_1181 = arith.constant 0 : i32
      %dma_start3A_1182 = tpu.memref_slice %arg2[%dma_start3A_1180, %dma_start3A_1181] : memref<10000x16xf32, #tpu.memory_space<hbm>> -> memref<10000x16xf32, #tpu.memory_space<hbm>>
      tpu.enqueue_indirect_dma source(%dma_start3A_1182 : memref<10000x16xf32, #tpu.memory_space<hbm>>) target(%dma_start3A_1176 : memref<128x16xf32, #tpu.memory_space<vmem>>) offsets(%dma_start3A_1179 : memref<128xi32, #tpu.memory_space<vmem>>) semaphore(%arg10 : memref<!tpu.dma_semaphore, #tpu.memory_space<semaphore_mem>>)
      %mul3A_1183 = arith.constant 3 : i32
      %mul3A_1184 = arith.muli %add3A_1150, %mul3A_1183 : i32
      %add3A_1185 = arith.constant 2 : i32
      %add3A_1186 = arith.addi %mul3A_1184, %add3A_1185 : i32
      %dma_start3A_1187 = arith.constant 0 : i32
      %dma_start3A_1188 = arith.constant 1 : i32
      %dma_start3A_1189 = arith.constant 256 : i32
      %dma_start3A_1190 = arith.constant 0 : i32
      %dma_start3A_1191 = tpu.memref_slice %arg7[%dma_start3A_1188, %dma_start3A_1189, %dma_start3A_1190] : memref<4x384x16xf32, #tpu.memory_space<vmem>> -> memref<1x128x16xf32, #tpu.memory_space<vmem>>
      %dma_start3A_1192 = tpu.memref_squeeze %dma_start3A_1191 : memref<1x128x16xf32, #tpu.memory_space<vmem>> -> memref<128x16xf32, #tpu.memory_space<vmem>>
      %dma_start3A_1193 = arith.constant 0 : i32
      %dma_start3A_1194 = tpu.memref_slice %arg6[%add3A_1186, %dma_start3A_1187, %dma_start3A_1193] : memref<79x2x128xi32, #tpu.memory_space<vmem>> -> memref<1x1x128xi32, #tpu.memory_space<vmem>>
      %dma_start3A_1195 = tpu.memref_squeeze %dma_start3A_1194 : memref<1x1x128xi32, #tpu.memory_space<vmem>> -> memref<128xi32, #tpu.memory_space<vmem>>
      %dma_start3A_1196 = arith.constant 0 : i32
      %dma_start3A_1197 = arith.constant 0 : i32
      %dma_start3A_1198 = tpu.memref_slice %arg2[%dma_start3A_1196, %dma_start3A_1197] : memref<10000x16xf32, #tpu.memory_space<hbm>> -> memref<10000x16xf32, #tpu.memory_space<hbm>>
      tpu.enqueue_indirect_dma source(%dma_start3A_1198 : memref<10000x16xf32, #tpu.memory_space<hbm>>) target(%dma_start3A_1192 : memref<128x16xf32, #tpu.memory_space<vmem>>) offsets(%dma_start3A_1195 : memref<128xi32, #tpu.memory_space<vmem>>) semaphore(%arg10 : memref<!tpu.dma_semaphore, #tpu.memory_space<semaphore_mem>>)
    }
    %scan3A_491 = arith.constant 5 : i32
    %dma_wait3A_492 = arith.constant 0 : i32
    %dma_wait3A_493 = arith.constant 0 : i32
    %dma_wait3A_494 = arith.constant 0 : i32
    %dma_wait3A_495 = tpu.memref_slice %arg7[%dma_wait3A_492, %dma_wait3A_493, %dma_wait3A_494] : memref<4x384x16xf32, #tpu.memory_space<vmem>> -> memref<1x384x16xf32, #tpu.memory_space<vmem>>
    %dma_wait3A_496 = tpu.memref_squeeze %dma_wait3A_495 : memref<1x384x16xf32, #tpu.memory_space<vmem>> -> memref<384x16xf32, #tpu.memory_space<vmem>>
    %dma_wait3A_497 = arith.constant 0 : i32
    %dma_wait3A_498 = arith.constant 0 : i32
    %dma_wait3A_499 = tpu.memref_slice %arg2[%dma_wait3A_497, %dma_wait3A_498] : memref<10000x16xf32, #tpu.memory_space<hbm>> -> memref<384x16xf32, #tpu.memory_space<hbm>>
    %dma_wait3A_500 = arith.constant 0 : i32
    %dma_wait3A_501 = arith.constant 0 : i32
    %dma_wait3A_502 = tpu.memref_slice %arg7[%dma_wait3A_492, %dma_wait3A_500, %dma_wait3A_501] : memref<4x384x16xf32, #tpu.memory_space<vmem>> -> memref<1x384x16xf32, #tpu.memory_space<vmem>>
    %dma_wait3A_503 = tpu.memref_squeeze %dma_wait3A_502 : memref<1x384x16xf32, #tpu.memory_space<vmem>> -> memref<384x16xf32, #tpu.memory_space<vmem>>
    %dma_wait3A_504 = arith.constant 0 : i32
    %dma_wait3A_505 = arith.constant 0 : i32
    %dma_wait3A_506 = tpu.memref_slice %arg2[%dma_wait3A_504, %dma_wait3A_505] : memref<10000x16xf32, #tpu.memory_space<hbm>> -> memref<384x16xf32, #tpu.memory_space<hbm>>
    tpu.wait_dma2 semaphore(%arg9 : memref<!tpu.dma_semaphore, #tpu.memory_space<semaphore_mem>>) src(%dma_wait3A_506 : memref<384x16xf32, #tpu.memory_space<hbm>>) dst(%dma_wait3A_503 : memref<384x16xf32, #tpu.memory_space<vmem>>)
    %dma_start3A_507 = arith.constant 0 : i32
    %dma_start3A_508 = arith.constant 72 : i32
    %dma_start3A_509 = arith.constant 1 : i32
    %dma_start3A_510 = arith.constant 0 : i32
    %dma_start3A_511 = arith.constant 0 : i32
    %dma_start3A_512 = tpu.memref_slice %arg7[%dma_start3A_507, %dma_start3A_510, %dma_start3A_511] : memref<4x384x16xf32, #tpu.memory_space<vmem>> -> memref<1x128x16xf32, #tpu.memory_space<vmem>>
    %dma_start3A_513 = tpu.memref_squeeze %dma_start3A_512 : memref<1x128x16xf32, #tpu.memory_space<vmem>> -> memref<128x16xf32, #tpu.memory_space<vmem>>
    %dma_start3A_514 = arith.constant 0 : i32
    %dma_start3A_515 = tpu.memref_slice %arg6[%dma_start3A_508, %dma_start3A_509, %dma_start3A_514] : memref<79x2x128xi32, #tpu.memory_space<vmem>> -> memref<1x1x128xi32, #tpu.memory_space<vmem>>
    %dma_start3A_516 = tpu.memref_squeeze %dma_start3A_515 : memref<1x1x128xi32, #tpu.memory_space<vmem>> -> memref<128xi32, #tpu.memory_space<vmem>>
    %dma_start3A_517 = arith.constant 0 : i32
    %dma_start3A_518 = arith.constant 0 : i32
    %dma_start3A_519 = tpu.memref_slice %arg8[%dma_start3A_517, %dma_start3A_518] : memref<10112x16xf32, #tpu.memory_space<vmem_shared>> -> memref<10112x16xf32, #tpu.memory_space<vmem_shared>>
    tpu.enqueue_indirect_dma source(%dma_start3A_513 : memref<128x16xf32, #tpu.memory_space<vmem>>) target(%dma_start3A_519 : memref<10112x16xf32, #tpu.memory_space<vmem_shared>>) offsets(%dma_start3A_516 : memref<128xi32, #tpu.memory_space<vmem>>) semaphore(%arg13 : memref<!tpu.dma_semaphore, #tpu.memory_space<semaphore_mem>>) {add = true}
    %dma_start3A_520 = arith.constant 0 : i32
    %dma_start3A_521 = arith.constant 73 : i32
    %dma_start3A_522 = arith.constant 1 : i32
    %dma_start3A_523 = arith.constant 128 : i32
    %dma_start3A_524 = arith.constant 0 : i32
    %dma_start3A_525 = tpu.memref_slice %arg7[%dma_start3A_520, %dma_start3A_523, %dma_start3A_524] : memref<4x384x16xf32, #tpu.memory_space<vmem>> -> memref<1x128x16xf32, #tpu.memory_space<vmem>>
    %dma_start3A_526 = tpu.memref_squeeze %dma_start3A_525 : memref<1x128x16xf32, #tpu.memory_space<vmem>> -> memref<128x16xf32, #tpu.memory_space<vmem>>
    %dma_start3A_527 = arith.constant 0 : i32
    %dma_start3A_528 = tpu.memref_slice %arg6[%dma_start3A_521, %dma_start3A_522, %dma_start3A_527] : memref<79x2x128xi32, #tpu.memory_space<vmem>> -> memref<1x1x128xi32, #tpu.memory_space<vmem>>
    %dma_start3A_529 = tpu.memref_squeeze %dma_start3A_528 : memref<1x1x128xi32, #tpu.memory_space<vmem>> -> memref<128xi32, #tpu.memory_space<vmem>>
    %dma_start3A_530 = arith.constant 0 : i32
    %dma_start3A_531 = arith.constant 0 : i32
    %dma_start3A_532 = tpu.memref_slice %arg8[%dma_start3A_530, %dma_start3A_531] : memref<10112x16xf32, #tpu.memory_space<vmem_shared>> -> memref<10112x16xf32, #tpu.memory_space<vmem_shared>>
    tpu.enqueue_indirect_dma source(%dma_start3A_526 : memref<128x16xf32, #tpu.memory_space<vmem>>) target(%dma_start3A_532 : memref<10112x16xf32, #tpu.memory_space<vmem_shared>>) offsets(%dma_start3A_529 : memref<128xi32, #tpu.memory_space<vmem>>) semaphore(%arg13 : memref<!tpu.dma_semaphore, #tpu.memory_space<semaphore_mem>>) {add = true}
    %dma_start3A_533 = arith.constant 0 : i32
    %dma_start3A_534 = arith.constant 74 : i32
    %dma_start3A_535 = arith.constant 1 : i32
    %dma_start3A_536 = arith.constant 256 : i32
    %dma_start3A_537 = arith.constant 0 : i32
    %dma_start3A_538 = tpu.memref_slice %arg7[%dma_start3A_533, %dma_start3A_536, %dma_start3A_537] : memref<4x384x16xf32, #tpu.memory_space<vmem>> -> memref<1x128x16xf32, #tpu.memory_space<vmem>>
    %dma_start3A_539 = tpu.memref_squeeze %dma_start3A_538 : memref<1x128x16xf32, #tpu.memory_space<vmem>> -> memref<128x16xf32, #tpu.memory_space<vmem>>
    %dma_start3A_540 = arith.constant 0 : i32
    %dma_start3A_541 = tpu.memref_slice %arg6[%dma_start3A_534, %dma_start3A_535, %dma_start3A_540] : memref<79x2x128xi32, #tpu.memory_space<vmem>> -> memref<1x1x128xi32, #tpu.memory_space<vmem>>
    %dma_start3A_542 = tpu.memref_squeeze %dma_start3A_541 : memref<1x1x128xi32, #tpu.memory_space<vmem>> -> memref<128xi32, #tpu.memory_space<vmem>>
    %dma_start3A_543 = arith.constant 0 : i32
    %dma_start3A_544 = arith.constant 0 : i32
    %dma_start3A_545 = tpu.memref_slice %arg8[%dma_start3A_543, %dma_start3A_544] : memref<10112x16xf32, #tpu.memory_space<vmem_shared>> -> memref<10112x16xf32, #tpu.memory_space<vmem_shared>>
    tpu.enqueue_indirect_dma source(%dma_start3A_539 : memref<128x16xf32, #tpu.memory_space<vmem>>) target(%dma_start3A_545 : memref<10112x16xf32, #tpu.memory_space<vmem_shared>>) offsets(%dma_start3A_542 : memref<128xi32, #tpu.memory_space<vmem>>) semaphore(%arg13 : memref<!tpu.dma_semaphore, #tpu.memory_space<semaphore_mem>>) {add = true}
    %dma_wait3A_546 = arith.constant 1 : i32
    %dma_wait3A_547 = arith.constant 0 : i32
    %dma_wait3A_548 = arith.constant 0 : i32
    %dma_wait3A_549 = tpu.memref_slice %arg7[%dma_wait3A_546, %dma_wait3A_547, %dma_wait3A_548] : memref<4x384x16xf32, #tpu.memory_space<vmem>> -> memref<1x384x16xf32, #tpu.memory_space<vmem>>
    %dma_wait3A_550 = tpu.memref_squeeze %dma_wait3A_549 : memref<1x384x16xf32, #tpu.memory_space<vmem>> -> memref<384x16xf32, #tpu.memory_space<vmem>>
    %dma_wait3A_551 = arith.constant 0 : i32
    %dma_wait3A_552 = arith.constant 0 : i32
    %dma_wait3A_553 = tpu.memref_slice %arg2[%dma_wait3A_551, %dma_wait3A_552] : memref<10000x16xf32, #tpu.memory_space<hbm>> -> memref<384x16xf32, #tpu.memory_space<hbm>>
    %dma_wait3A_554 = arith.constant 0 : i32
    %dma_wait3A_555 = arith.constant 0 : i32
    %dma_wait3A_556 = tpu.memref_slice %arg7[%dma_wait3A_546, %dma_wait3A_554, %dma_wait3A_555] : memref<4x384x16xf32, #tpu.memory_space<vmem>> -> memref<1x384x16xf32, #tpu.memory_space<vmem>>
    %dma_wait3A_557 = tpu.memref_squeeze %dma_wait3A_556 : memref<1x384x16xf32, #tpu.memory_space<vmem>> -> memref<384x16xf32, #tpu.memory_space<vmem>>
    %dma_wait3A_558 = arith.constant 0 : i32
    %dma_wait3A_559 = arith.constant 0 : i32
    %dma_wait3A_560 = tpu.memref_slice %arg2[%dma_wait3A_558, %dma_wait3A_559] : memref<10000x16xf32, #tpu.memory_space<hbm>> -> memref<384x16xf32, #tpu.memory_space<hbm>>
    tpu.wait_dma2 semaphore(%arg10 : memref<!tpu.dma_semaphore, #tpu.memory_space<semaphore_mem>>) src(%dma_wait3A_560 : memref<384x16xf32, #tpu.memory_space<hbm>>) dst(%dma_wait3A_557 : memref<384x16xf32, #tpu.memory_space<vmem>>)
    %dma_start3A_561 = arith.constant 1 : i32
    %dma_start3A_562 = arith.constant 75 : i32
    %dma_start3A_563 = arith.constant 1 : i32
    %dma_start3A_564 = arith.constant 0 : i32
    %dma_start3A_565 = arith.constant 0 : i32
    %dma_start3A_566 = tpu.memref_slice %arg7[%dma_start3A_561, %dma_start3A_564, %dma_start3A_565] : memref<4x384x16xf32, #tpu.memory_space<vmem>> -> memref<1x128x16xf32, #tpu.memory_space<vmem>>
    %dma_start3A_567 = tpu.memref_squeeze %dma_start3A_566 : memref<1x128x16xf32, #tpu.memory_space<vmem>> -> memref<128x16xf32, #tpu.memory_space<vmem>>
    %dma_start3A_568 = arith.constant 0 : i32
    %dma_start3A_569 = tpu.memref_slice %arg6[%dma_start3A_562, %dma_start3A_563, %dma_start3A_568] : memref<79x2x128xi32, #tpu.memory_space<vmem>> -> memref<1x1x128xi32, #tpu.memory_space<vmem>>
    %dma_start3A_570 = tpu.memref_squeeze %dma_start3A_569 : memref<1x1x128xi32, #tpu.memory_space<vmem>> -> memref<128xi32, #tpu.memory_space<vmem>>
    %dma_start3A_571 = arith.constant 0 : i32
    %dma_start3A_572 = arith.constant 0 : i32
    %dma_start3A_573 = tpu.memref_slice %arg8[%dma_start3A_571, %dma_start3A_572] : memref<10112x16xf32, #tpu.memory_space<vmem_shared>> -> memref<10112x16xf32, #tpu.memory_space<vmem_shared>>
    tpu.enqueue_indirect_dma source(%dma_start3A_567 : memref<128x16xf32, #tpu.memory_space<vmem>>) target(%dma_start3A_573 : memref<10112x16xf32, #tpu.memory_space<vmem_shared>>) offsets(%dma_start3A_570 : memref<128xi32, #tpu.memory_space<vmem>>) semaphore(%arg14 : memref<!tpu.dma_semaphore, #tpu.memory_space<semaphore_mem>>) {add = true}
    %dma_start3A_574 = arith.constant 1 : i32
    %dma_start3A_575 = arith.constant 76 : i32
    %dma_start3A_576 = arith.constant 1 : i32
    %dma_start3A_577 = arith.constant 128 : i32
    %dma_start3A_578 = arith.constant 0 : i32
    %dma_start3A_579 = tpu.memref_slice %arg7[%dma_start3A_574, %dma_start3A_577, %dma_start3A_578] : memref<4x384x16xf32, #tpu.memory_space<vmem>> -> memref<1x128x16xf32, #tpu.memory_space<vmem>>
    %dma_start3A_580 = tpu.memref_squeeze %dma_start3A_579 : memref<1x128x16xf32, #tpu.memory_space<vmem>> -> memref<128x16xf32, #tpu.memory_space<vmem>>
    %dma_start3A_581 = arith.constant 0 : i32
    %dma_start3A_582 = tpu.memref_slice %arg6[%dma_start3A_575, %dma_start3A_576, %dma_start3A_581] : memref<79x2x128xi32, #tpu.memory_space<vmem>> -> memref<1x1x128xi32, #tpu.memory_space<vmem>>
    %dma_start3A_583 = tpu.memref_squeeze %dma_start3A_582 : memref<1x1x128xi32, #tpu.memory_space<vmem>> -> memref<128xi32, #tpu.memory_space<vmem>>
    %dma_start3A_584 = arith.constant 0 : i32
    %dma_start3A_585 = arith.constant 0 : i32
    %dma_start3A_586 = tpu.memref_slice %arg8[%dma_start3A_584, %dma_start3A_585] : memref<10112x16xf32, #tpu.memory_space<vmem_shared>> -> memref<10112x16xf32, #tpu.memory_space<vmem_shared>>
    tpu.enqueue_indirect_dma source(%dma_start3A_580 : memref<128x16xf32, #tpu.memory_space<vmem>>) target(%dma_start3A_586 : memref<10112x16xf32, #tpu.memory_space<vmem_shared>>) offsets(%dma_start3A_583 : memref<128xi32, #tpu.memory_space<vmem>>) semaphore(%arg14 : memref<!tpu.dma_semaphore, #tpu.memory_space<semaphore_mem>>) {add = true}
    %dma_start3A_587 = arith.constant 1 : i32
    %dma_start3A_588 = arith.constant 77 : i32
    %dma_start3A_589 = arith.constant 1 : i32
    %dma_start3A_590 = arith.constant 256 : i32
    %dma_start3A_591 = arith.constant 0 : i32
    %dma_start3A_592 = tpu.memref_slice %arg7[%dma_start3A_587, %dma_start3A_590, %dma_start3A_591] : memref<4x384x16xf32, #tpu.memory_space<vmem>> -> memref<1x128x16xf32, #tpu.memory_space<vmem>>
    %dma_start3A_593 = tpu.memref_squeeze %dma_start3A_592 : memref<1x128x16xf32, #tpu.memory_space<vmem>> -> memref<128x16xf32, #tpu.memory_space<vmem>>
    %dma_start3A_594 = arith.constant 0 : i32
    %dma_start3A_595 = tpu.memref_slice %arg6[%dma_start3A_588, %dma_start3A_589, %dma_start3A_594] : memref<79x2x128xi32, #tpu.memory_space<vmem>> -> memref<1x1x128xi32, #tpu.memory_space<vmem>>
    %dma_start3A_596 = tpu.memref_squeeze %dma_start3A_595 : memref<1x1x128xi32, #tpu.memory_space<vmem>> -> memref<128xi32, #tpu.memory_space<vmem>>
    %dma_start3A_597 = arith.constant 0 : i32
    %dma_start3A_598 = arith.constant 0 : i32
    %dma_start3A_599 = tpu.memref_slice %arg8[%dma_start3A_597, %dma_start3A_598] : memref<10112x16xf32, #tpu.memory_space<vmem_shared>> -> memref<10112x16xf32, #tpu.memory_space<vmem_shared>>
    tpu.enqueue_indirect_dma source(%dma_start3A_593 : memref<128x16xf32, #tpu.memory_space<vmem>>) target(%dma_start3A_599 : memref<10112x16xf32, #tpu.memory_space<vmem_shared>>) offsets(%dma_start3A_596 : memref<128xi32, #tpu.memory_space<vmem>>) semaphore(%arg14 : memref<!tpu.dma_semaphore, #tpu.memory_space<semaphore_mem>>) {add = true}
    %dma_wait3A_600 = arith.constant 2 : i32
    %dma_wait3A_601 = arith.constant 0 : i32
    %dma_wait3A_602 = arith.constant 0 : i32
    %dma_wait3A_603 = tpu.memref_slice %arg7[%dma_wait3A_600, %dma_wait3A_601, %dma_wait3A_602] : memref<4x384x16xf32, #tpu.memory_space<vmem>> -> memref<1x384x16xf32, #tpu.memory_space<vmem>>
    %dma_wait3A_604 = tpu.memref_squeeze %dma_wait3A_603 : memref<1x384x16xf32, #tpu.memory_space<vmem>> -> memref<384x16xf32, #tpu.memory_space<vmem>>
    %dma_wait3A_605 = arith.constant 0 : i32
    %dma_wait3A_606 = arith.constant 0 : i32
    %dma_wait3A_607 = tpu.memref_slice %arg2[%dma_wait3A_605, %dma_wait3A_606] : memref<10000x16xf32, #tpu.memory_space<hbm>> -> memref<384x16xf32, #tpu.memory_space<hbm>>
    %dma_wait3A_608 = arith.constant 0 : i32
    %dma_wait3A_609 = arith.constant 0 : i32
    %dma_wait3A_610 = tpu.memref_slice %arg7[%dma_wait3A_600, %dma_wait3A_608, %dma_wait3A_609] : memref<4x384x16xf32, #tpu.memory_space<vmem>> -> memref<1x384x16xf32, #tpu.memory_space<vmem>>
    %dma_wait3A_611 = tpu.memref_squeeze %dma_wait3A_610 : memref<1x384x16xf32, #tpu.memory_space<vmem>> -> memref<384x16xf32, #tpu.memory_space<vmem>>
    %dma_wait3A_612 = arith.constant 0 : i32
    %dma_wait3A_613 = arith.constant 0 : i32
    %dma_wait3A_614 = tpu.memref_slice %arg2[%dma_wait3A_612, %dma_wait3A_613] : memref<10000x16xf32, #tpu.memory_space<hbm>> -> memref<384x16xf32, #tpu.memory_space<hbm>>
    tpu.wait_dma2 semaphore(%arg15 : memref<!tpu.dma_semaphore, #tpu.memory_space<semaphore_mem>>) src(%dma_wait3A_614 : memref<384x16xf32, #tpu.memory_space<hbm>>) dst(%dma_wait3A_611 : memref<384x16xf32, #tpu.memory_space<vmem>>)
    %dma_wait3A_615 = arith.constant 3 : i32
    %dma_wait3A_616 = arith.constant 0 : i32
    %dma_wait3A_617 = arith.constant 0 : i32
    %dma_wait3A_618 = tpu.memref_slice %arg7[%dma_wait3A_615, %dma_wait3A_616, %dma_wait3A_617] : memref<4x384x16xf32, #tpu.memory_space<vmem>> -> memref<1x384x16xf32, #tpu.memory_space<vmem>>
    %dma_wait3A_619 = tpu.memref_squeeze %dma_wait3A_618 : memref<1x384x16xf32, #tpu.memory_space<vmem>> -> memref<384x16xf32, #tpu.memory_space<vmem>>
    %dma_wait3A_620 = arith.constant 0 : i32
    %dma_wait3A_621 = arith.constant 0 : i32
    %dma_wait3A_622 = tpu.memref_slice %arg2[%dma_wait3A_620, %dma_wait3A_621] : memref<10000x16xf32, #tpu.memory_space<hbm>> -> memref<384x16xf32, #tpu.memory_space<hbm>>
    %dma_wait3A_623 = arith.constant 0 : i32
    %dma_wait3A_624 = arith.constant 0 : i32
    %dma_wait3A_625 = tpu.memref_slice %arg7[%dma_wait3A_615, %dma_wait3A_623, %dma_wait3A_624] : memref<4x384x16xf32, #tpu.memory_space<vmem>> -> memref<1x384x16xf32, #tpu.memory_space<vmem>>
    %dma_wait3A_626 = tpu.memref_squeeze %dma_wait3A_625 : memref<1x384x16xf32, #tpu.memory_space<vmem>> -> memref<384x16xf32, #tpu.memory_space<vmem>>
    %dma_wait3A_627 = arith.constant 0 : i32
    %dma_wait3A_628 = arith.constant 0 : i32
    %dma_wait3A_629 = tpu.memref_slice %arg2[%dma_wait3A_627, %dma_wait3A_628] : memref<10000x16xf32, #tpu.memory_space<hbm>> -> memref<384x16xf32, #tpu.memory_space<hbm>>
    tpu.wait_dma2 semaphore(%arg16 : memref<!tpu.dma_semaphore, #tpu.memory_space<semaphore_mem>>) src(%dma_wait3A_629 : memref<384x16xf32, #tpu.memory_space<hbm>>) dst(%dma_wait3A_626 : memref<384x16xf32, #tpu.memory_space<vmem>>)
    %dma_wait3A_630 = arith.constant 0 : i32
    %dma_wait3A_631 = arith.constant 0 : i32
    %dma_wait3A_632 = arith.constant 0 : i32
    %dma_wait3A_633 = tpu.memref_slice %arg7[%dma_wait3A_630, %dma_wait3A_631, %dma_wait3A_632] : memref<4x384x16xf32, #tpu.memory_space<vmem>> -> memref<1x384x16xf32, #tpu.memory_space<vmem>>
    %dma_wait3A_634 = tpu.memref_squeeze %dma_wait3A_633 : memref<1x384x16xf32, #tpu.memory_space<vmem>> -> memref<384x16xf32, #tpu.memory_space<vmem>>
    %dma_wait3A_635 = arith.constant 0 : i32
    %dma_wait3A_636 = arith.constant 0 : i32
    %dma_wait3A_637 = tpu.memref_slice %arg2[%dma_wait3A_635, %dma_wait3A_636] : memref<10000x16xf32, #tpu.memory_space<hbm>> -> memref<384x16xf32, #tpu.memory_space<hbm>>
    %dma_wait3A_638 = arith.constant 0 : i32
    %dma_wait3A_639 = arith.constant 0 : i32
    %dma_wait3A_640 = tpu.memref_slice %arg7[%dma_wait3A_630, %dma_wait3A_638, %dma_wait3A_639] : memref<4x384x16xf32, #tpu.memory_space<vmem>> -> memref<1x384x16xf32, #tpu.memory_space<vmem>>
    %dma_wait3A_641 = tpu.memref_squeeze %dma_wait3A_640 : memref<1x384x16xf32, #tpu.memory_space<vmem>> -> memref<384x16xf32, #tpu.memory_space<vmem>>
    %dma_wait3A_642 = arith.constant 0 : i32
    %dma_wait3A_643 = arith.constant 0 : i32
    %dma_wait3A_644 = tpu.memref_slice %arg2[%dma_wait3A_642, %dma_wait3A_643] : memref<10000x16xf32, #tpu.memory_space<hbm>> -> memref<384x16xf32, #tpu.memory_space<hbm>>
    tpu.wait_dma2 semaphore(%arg13 : memref<!tpu.dma_semaphore, #tpu.memory_space<semaphore_mem>>) src(%dma_wait3A_644 : memref<384x16xf32, #tpu.memory_space<hbm>>) dst(%dma_wait3A_641 : memref<384x16xf32, #tpu.memory_space<vmem>>)
    %dma_wait3A_645 = arith.constant 1 : i32
    %dma_wait3A_646 = arith.constant 0 : i32
    %dma_wait3A_647 = arith.constant 0 : i32
    %dma_wait3A_648 = tpu.memref_slice %arg7[%dma_wait3A_645, %dma_wait3A_646, %dma_wait3A_647] : memref<4x384x16xf32, #tpu.memory_space<vmem>> -> memref<1x384x16xf32, #tpu.memory_space<vmem>>
    %dma_wait3A_649 = tpu.memref_squeeze %dma_wait3A_648 : memref<1x384x16xf32, #tpu.memory_space<vmem>> -> memref<384x16xf32, #tpu.memory_space<vmem>>
    %dma_wait3A_650 = arith.constant 0 : i32
    %dma_wait3A_651 = arith.constant 0 : i32
    %dma_wait3A_652 = tpu.memref_slice %arg2[%dma_wait3A_650, %dma_wait3A_651] : memref<10000x16xf32, #tpu.memory_space<hbm>> -> memref<384x16xf32, #tpu.memory_space<hbm>>
    %dma_wait3A_653 = arith.constant 0 : i32
    %dma_wait3A_654 = arith.constant 0 : i32
    %dma_wait3A_655 = tpu.memref_slice %arg7[%dma_wait3A_645, %dma_wait3A_653, %dma_wait3A_654] : memref<4x384x16xf32, #tpu.memory_space<vmem>> -> memref<1x384x16xf32, #tpu.memory_space<vmem>>
    %dma_wait3A_656 = tpu.memref_squeeze %dma_wait3A_655 : memref<1x384x16xf32, #tpu.memory_space<vmem>> -> memref<384x16xf32, #tpu.memory_space<vmem>>
    %dma_wait3A_657 = arith.constant 0 : i32
    %dma_wait3A_658 = arith.constant 0 : i32
    %dma_wait3A_659 = tpu.memref_slice %arg2[%dma_wait3A_657, %dma_wait3A_658] : memref<10000x16xf32, #tpu.memory_space<hbm>> -> memref<384x16xf32, #tpu.memory_space<hbm>>
    tpu.wait_dma2 semaphore(%arg14 : memref<!tpu.dma_semaphore, #tpu.memory_space<semaphore_mem>>) src(%dma_wait3A_659 : memref<384x16xf32, #tpu.memory_space<hbm>>) dst(%dma_wait3A_656 : memref<384x16xf32, #tpu.memory_space<vmem>>)
    %convert_element_type3A_660 = arith.extui %lt3A_7 : i1 to i32
    %cond3A_661 = arith.constant 0 : i32
    %cond3A_662 = arith.cmpi ne, %convert_element_type3A_660, %cond3A_661 : i32
    scf.if %cond3A_662 {
      %dma_start3A_668 = arith.constant 78 : i32
      %dma_start3A_669 = arith.constant 0 : i32
      %dma_start3A_670 = arith.constant 0 : i32
      %dma_start3A_671 = arith.constant 0 : i32
      %dma_start3A_672 = arith.constant 0 : i32
      %dma_start3A_673 = tpu.memref_slice %arg7[%dma_start3A_670, %dma_start3A_671, %dma_start3A_672] : memref<4x384x16xf32, #tpu.memory_space<vmem>> -> memref<1x128x16xf32, #tpu.memory_space<vmem>>
      %dma_start3A_674 = tpu.memref_squeeze %dma_start3A_673 : memref<1x128x16xf32, #tpu.memory_space<vmem>> -> memref<128x16xf32, #tpu.memory_space<vmem>>
      %dma_start3A_675 = arith.constant 0 : i32
      %dma_start3A_676 = tpu.memref_slice %arg6[%dma_start3A_668, %dma_start3A_669, %dma_start3A_675] : memref<79x2x128xi32, #tpu.memory_space<vmem>> -> memref<1x1x128xi32, #tpu.memory_space<vmem>>
      %dma_start3A_677 = tpu.memref_squeeze %dma_start3A_676 : memref<1x1x128xi32, #tpu.memory_space<vmem>> -> memref<128xi32, #tpu.memory_space<vmem>>
      %dma_start3A_678 = arith.constant 0 : i32
      %dma_start3A_679 = arith.constant 0 : i32
      %dma_start3A_680 = tpu.memref_slice %arg2[%dma_start3A_678, %dma_start3A_679] : memref<10000x16xf32, #tpu.memory_space<hbm>> -> memref<10000x16xf32, #tpu.memory_space<hbm>>
      tpu.enqueue_indirect_dma source(%dma_start3A_680 : memref<10000x16xf32, #tpu.memory_space<hbm>>) target(%dma_start3A_674 : memref<128x16xf32, #tpu.memory_space<vmem>>) offsets(%dma_start3A_677 : memref<128xi32, #tpu.memory_space<vmem>>) semaphore(%arg9 : memref<!tpu.dma_semaphore, #tpu.memory_space<semaphore_mem>>)
      %dma_wait3A_681 = arith.constant 0 : i32
      %dma_wait3A_682 = arith.constant 0 : i32
      %dma_wait3A_683 = arith.constant 0 : i32
      %dma_wait3A_684 = tpu.memref_slice %arg7[%dma_wait3A_681, %dma_wait3A_682, %dma_wait3A_683] : memref<4x384x16xf32, #tpu.memory_space<vmem>> -> memref<1x128x16xf32, #tpu.memory_space<vmem>>
      %dma_wait3A_685 = tpu.memref_squeeze %dma_wait3A_684 : memref<1x128x16xf32, #tpu.memory_space<vmem>> -> memref<128x16xf32, #tpu.memory_space<vmem>>
      %dma_wait3A_686 = arith.constant 0 : i32
      %dma_wait3A_687 = arith.constant 0 : i32
      %dma_wait3A_688 = tpu.memref_slice %arg2[%dma_wait3A_686, %dma_wait3A_687] : memref<10000x16xf32, #tpu.memory_space<hbm>> -> memref<128x16xf32, #tpu.memory_space<hbm>>
      %dma_wait3A_689 = arith.constant 0 : i32
      %dma_wait3A_690 = arith.constant 0 : i32
      %dma_wait3A_691 = tpu.memref_slice %arg7[%dma_wait3A_681, %dma_wait3A_689, %dma_wait3A_690] : memref<4x384x16xf32, #tpu.memory_space<vmem>> -> memref<1x128x16xf32, #tpu.memory_space<vmem>>
      %dma_wait3A_692 = tpu.memref_squeeze %dma_wait3A_691 : memref<1x128x16xf32, #tpu.memory_space<vmem>> -> memref<128x16xf32, #tpu.memory_space<vmem>>
      %dma_wait3A_693 = arith.constant 0 : i32
      %dma_wait3A_694 = arith.constant 0 : i32
      %dma_wait3A_695 = tpu.memref_slice %arg2[%dma_wait3A_693, %dma_wait3A_694] : memref<10000x16xf32, #tpu.memory_space<hbm>> -> memref<128x16xf32, #tpu.memory_space<hbm>>
      tpu.wait_dma2 semaphore(%arg9 : memref<!tpu.dma_semaphore, #tpu.memory_space<semaphore_mem>>) src(%dma_wait3A_695 : memref<128x16xf32, #tpu.memory_space<hbm>>) dst(%dma_wait3A_692 : memref<128x16xf32, #tpu.memory_space<vmem>>)
      %run_scoped3A = arith.constant 0 : i32
      %run_scoped3A_696 = arith.constant 78 : i32
      %run_scoped3A_697 = arith.constant 1 : i32
      "tpu.region"() ({
        %run_scoped3A_698 = tpu.sem_alloc : memref<!tpu.dma_semaphore, #tpu.memory_space<semaphore_mem>>
        %dma_start3A_699 = arith.constant 0 : i32
        %dma_start3A_700 = arith.constant 0 : i32
        %dma_start3A_701 = tpu.memref_slice %arg7[%run_scoped3A, %dma_start3A_699, %dma_start3A_700] : memref<4x384x16xf32, #tpu.memory_space<vmem>> -> memref<1x128x16xf32, #tpu.memory_space<vmem>>
        %dma_start3A_702 = tpu.memref_squeeze %dma_start3A_701 : memref<1x128x16xf32, #tpu.memory_space<vmem>> -> memref<128x16xf32, #tpu.memory_space<vmem>>
        %dma_start3A_703 = arith.constant 0 : i32
        %dma_start3A_704 = tpu.memref_slice %arg6[%run_scoped3A_696, %run_scoped3A_697, %dma_start3A_703] : memref<79x2x128xi32, #tpu.memory_space<vmem>> -> memref<1x1x128xi32, #tpu.memory_space<vmem>>
        %dma_start3A_705 = tpu.memref_squeeze %dma_start3A_704 : memref<1x1x128xi32, #tpu.memory_space<vmem>> -> memref<128xi32, #tpu.memory_space<vmem>>
        %dma_start3A_706 = arith.constant 0 : i32
        %dma_start3A_707 = arith.constant 0 : i32
        %dma_start3A_708 = tpu.memref_slice %arg8[%dma_start3A_706, %dma_start3A_707] : memref<10112x16xf32, #tpu.memory_space<vmem_shared>> -> memref<10112x16xf32, #tpu.memory_space<vmem_shared>>
        tpu.enqueue_indirect_dma source(%dma_start3A_702 : memref<128x16xf32, #tpu.memory_space<vmem>>) target(%dma_start3A_708 : memref<10112x16xf32, #tpu.memory_space<vmem_shared>>) offsets(%dma_start3A_705 : memref<128xi32, #tpu.memory_space<vmem>>) semaphore(%run_scoped3A_698 : memref<!tpu.dma_semaphore, #tpu.memory_space<semaphore_mem>>) {add = true}
        %dma_wait3A_709 = arith.constant 0 : i32
        %dma_wait3A_710 = arith.constant 0 : i32
        %dma_wait3A_711 = tpu.memref_slice %arg7[%run_scoped3A, %dma_wait3A_709, %dma_wait3A_710] : memref<4x384x16xf32, #tpu.memory_space<vmem>> -> memref<1x128x16xf32, #tpu.memory_space<vmem>>
        %dma_wait3A_712 = tpu.memref_squeeze %dma_wait3A_711 : memref<1x128x16xf32, #tpu.memory_space<vmem>> -> memref<128x16xf32, #tpu.memory_space<vmem>>
        %dma_wait3A_713 = arith.constant 0 : i32
        %dma_wait3A_714 = tpu.memref_slice %arg6[%run_scoped3A_696, %run_scoped3A_697, %dma_wait3A_713] : memref<79x2x128xi32, #tpu.memory_space<vmem>> -> memref<1x1x128xi32, #tpu.memory_space<vmem>>
        %dma_wait3A_715 = tpu.memref_squeeze %dma_wait3A_714 : memref<1x1x128xi32, #tpu.memory_space<vmem>> -> memref<128xi32, #tpu.memory_space<vmem>>
        %dma_wait3A_716 = arith.constant 0 : i32
        %dma_wait3A_717 = arith.constant 0 : i32
        %dma_wait3A_718 = tpu.memref_slice %arg8[%dma_wait3A_716, %dma_wait3A_717] : memref<10112x16xf32, #tpu.memory_space<vmem_shared>> -> memref<10112x16xf32, #tpu.memory_space<vmem_shared>>
        tpu.wait_indirect_dma semaphore(%run_scoped3A_698 : memref<!tpu.dma_semaphore, #tpu.memory_space<semaphore_mem>>) src(%dma_wait3A_712 : memref<128x16xf32, #tpu.memory_space<vmem>>) dst(%dma_wait3A_718 : memref<10112x16xf32, #tpu.memory_space<vmem_shared>>)
        tpu.yield
      }) : () -> ()
    } else {
    }
    %barrier3A_663 = arith.constant 0 : index
    tpu.barrier barrier_id(%barrier3A_663)
    %mul3A_664 = arith.constant 632 : i32
    %mul3A_665 = arith.muli %arg1, %mul3A_664 : i32
    %mul3A_666 = arith.constant 632 : i32
    %mul3A_667 = arith.muli %arg1, %mul3A_666 : i32
    "tpu.region"() ({
      %run_scoped3A = tpu.sem_alloc : memref<!tpu.dma_semaphore, #tpu.memory_space<semaphore_mem>>
      %dma_start3A_668 = arith.constant 0 : i32
      %dma_start3A_669 = tpu.memref_slice %arg5[%arg0, %mul3A_667, %dma_start3A_668] : memref<2x10112x16xf32, #tpu.memory_space<hbm>> -> memref<1x632x16xf32, #tpu.memory_space<hbm>>
      %dma_start3A_670 = tpu.memref_squeeze %dma_start3A_669 : memref<1x632x16xf32, #tpu.memory_space<hbm>> -> memref<632x16xf32, #tpu.memory_space<hbm>>
      %dma_start3A_671 = arith.constant 0 : i32
      %dma_start3A_672 = tpu.memref_slice %arg8[%mul3A_665, %dma_start3A_671] : memref<10112x16xf32, #tpu.memory_space<vmem_shared>> -> memref<632x16xf32, #tpu.memory_space<vmem_shared>>
      tpu.enqueue_dma source(%dma_start3A_672 : memref<632x16xf32, #tpu.memory_space<vmem_shared>>) target(%dma_start3A_670 : memref<632x16xf32, #tpu.memory_space<hbm>>) target_semaphore(%run_scoped3A : memref<!tpu.dma_semaphore, #tpu.memory_space<semaphore_mem>>)
      %dma_wait3A_673 = arith.constant 0 : i32
      %dma_wait3A_674 = tpu.memref_slice %arg5[%arg0, %mul3A_667, %dma_wait3A_673] : memref<2x10112x16xf32, #tpu.memory_space<hbm>> -> memref<1x632x16xf32, #tpu.memory_space<hbm>>
      %dma_wait3A_675 = tpu.memref_squeeze %dma_wait3A_674 : memref<1x632x16xf32, #tpu.memory_space<hbm>> -> memref<632x16xf32, #tpu.memory_space<hbm>>
      %dma_wait3A_676 = arith.constant 0 : i32
      %dma_wait3A_677 = tpu.memref_slice %arg8[%mul3A_665, %dma_wait3A_676] : memref<10112x16xf32, #tpu.memory_space<vmem_shared>> -> memref<632x16xf32, #tpu.memory_space<vmem_shared>>
      tpu.wait_dma2 semaphore(%run_scoped3A : memref<!tpu.dma_semaphore, #tpu.memory_space<semaphore_mem>>) src(%dma_wait3A_677 : memref<632x16xf32, #tpu.memory_space<vmem_shared>>) dst(%dma_wait3A_675 : memref<632x16xf32, #tpu.memory_space<hbm>>)
      tpu.yield
    }) : () -> ()
    return
  }
}

module attributes {stable_mosaic.version = 14 : i64} {
  func.func @_proj_body(%arg0: memref<10000x128xf32, #tpu.memory_space<vmem>>, %arg1: memref<1024x128xf32, #tpu.memory_space<vmem>>, %arg2: memref<1024x128xf32, #tpu.memory_space<vmem>>, %arg3: memref<1250x128xf32, #tpu.memory_space<vmem>>, %arg4: memref<1250x128xf32, #tpu.memory_space<vmem>>) attributes {dimension_semantics = [], scalar_prefetch = 0 : i64, scratch_operands = 0 : i64, tpu.core_type = #tpu.core_type<tc>} {
    %get3A = arith.constant 0 : index
    %get3A_0 = arith.constant 0 : index
    %get3A_1 = vector.load %arg0[%get3A, %get3A_0] : memref<10000x128xf32, #tpu.memory_space<vmem>>, vector<10000x128xf32>
    %reshape3A = vector.shape_cast %get3A_1 : vector<10000x128xf32> to vector<1250x1024xf32>
    %get3A_2 = arith.constant 0 : index
    %get3A_3 = arith.constant 0 : index
    %get3A_4 = vector.load %arg1[%get3A_2, %get3A_3] : memref<1024x128xf32, #tpu.memory_space<vmem>>, vector<1024x128xf32>
    %dot_general3A = arith.constant dense<0.000000e+00> : vector<1250x128xf32>
    %dot_general3A_5 = tpu.matmul %reshape3A, %get3A_4, %dot_general3A {dimension_numbers = #tpu.dot_dimension_numbers<[1], [0], [0], [1], [0, 0, 1, 1], [], []>, transpose_lhs_hint = false} : vector<1250x1024xf32>, vector<1024x128xf32>, vector<1250x128xf32> -> vector<1250x128xf32>
    %iota3A = tpu.iota {dimensions = array<i32: 1>} : vector<1x128xi32>
    %jit3A = arith.constant 16 : i32
    %eq3A = arith.constant 0 : i32
    %eq3A_6 = arith.cmpi eq, %jit3A, %eq3A : i32
    %jit3A_7 = arith.constant 1 : i32
    %select_n3A = arith.select %eq3A_6, %jit3A_7, %jit3A : i32
    %rem3A = vector.broadcast %select_n3A : i32 to vector<1x128xi32>
    %rem3A_8 = arith.remsi %iota3A, %rem3A : vector<1x128xi32>
    %ne3A = arith.constant 0 : i32
    %ne3A_9 = vector.broadcast %ne3A : i32 to vector<1x128xi32>
    %ne3A_10 = arith.cmpi ne, %rem3A_8, %ne3A_9 : vector<1x128xi32>
    %lt3A = arith.constant 0 : i32
    %lt3A_11 = vector.broadcast %lt3A : i32 to vector<1x128xi32>
    %lt3A_12 = arith.cmpi slt, %rem3A_8, %lt3A_11 : vector<1x128xi32>
    %lt3A_13 = arith.constant 0 : i32
    %lt3A_14 = arith.cmpi slt, %select_n3A, %lt3A_13 : i32
    %ne3A_15 = vector.broadcast %lt3A_14 : i1 to vector<1x128xi1>
    %ne3A_16 = vector.broadcast %ne3A_15 : vector<1x128xi1> to vector<1x128xi1>
    %ne3A_17 = arith.xori %lt3A_12, %ne3A_16 : vector<1x128xi1>
    %and3A = arith.andi %ne3A_17, %ne3A_10 : vector<1x128xi1>
    %add3A = vector.broadcast %select_n3A : i32 to vector<1x128xi32>
    %add3A_18 = arith.addi %rem3A_8, %add3A : vector<1x128xi32>
    %select_n3A_19 = arith.select %and3A, %add3A_18, %rem3A_8 : vector<1x128xi1>, vector<1x128xi32>
    %eq3A_20 = arith.constant 8 : i32
    %eq3A_21 = vector.broadcast %eq3A_20 : i32 to vector<1x128xi32>
    %eq3A_22 = arith.cmpi eq, %select_n3A_19, %eq3A_21 : vector<1x128xi32>
    %convert_element_type3A = arith.extui %eq3A_22 : vector<1x128xi1> to vector<1x128xi32>
    %convert_element_type3A_23 = arith.sitofp %convert_element_type3A : vector<1x128xi32> to vector<1x128xf32>
    %add3A_24 = vector.broadcast %convert_element_type3A_23 : vector<1x128xf32> to vector<1250x128xf32>
    %add3A_25 = arith.addf %dot_general3A_5, %add3A_24 : vector<1250x128xf32>
    %swap3A = arith.constant 0 : index
    %swap3A_26 = arith.constant 0 : index
    %swap3A_27 = vector.load %arg3[%swap3A, %swap3A_26] : memref<1250x128xf32, #tpu.memory_space<vmem>>, vector<1250x128xf32>
    tpu.vector_store %arg3[%swap3A, %swap3A_26], %add3A_25 {strides = array<i32>} : memref<1250x128xf32, #tpu.memory_space<vmem>>, vector<1250x128xf32>,
    %get3A_28 = arith.constant 0 : index
    %get3A_29 = arith.constant 0 : index
    %get3A_30 = vector.load %arg2[%get3A_28, %get3A_29] : memref<1024x128xf32, #tpu.memory_space<vmem>>, vector<1024x128xf32>
    %dot_general3A_31 = arith.constant dense<0.000000e+00> : vector<1250x128xf32>
    %dot_general3A_32 = tpu.matmul %reshape3A, %get3A_30, %dot_general3A_31 {dimension_numbers = #tpu.dot_dimension_numbers<[1], [0], [0], [1], [0, 0, 1, 1], [], []>, transpose_lhs_hint = false} : vector<1250x1024xf32>, vector<1024x128xf32>, vector<1250x128xf32> -> vector<1250x128xf32>
    %swap3A_33 = arith.constant 0 : index
    %swap3A_34 = arith.constant 0 : index
    %swap3A_35 = vector.load %arg4[%swap3A_33, %swap3A_34] : memref<1250x128xf32, #tpu.memory_space<vmem>>, vector<1250x128xf32>
    tpu.vector_store %arg4[%swap3A_33, %swap3A_34], %dot_general3A_32 {strides = array<i32>} : memref<1250x128xf32, #tpu.memory_space<vmem>>, vector<1250x128xf32>,
    return
  }
}

module attributes {stable_mosaic.version = 14 : i64} {
  func.func @_hidden_body(%arg0: memref<2x1264x128xf32, #tpu.memory_space<vmem>>, %arg1: memref<1250x128xf32, #tpu.memory_space<vmem>>, %arg2: memref<1x128xf32, #tpu.memory_space<vmem>>, %arg3: memref<1250x128xf32, #tpu.memory_space<vmem>>) attributes {dimension_semantics = [], scalar_prefetch = 0 : i64, scratch_operands = 0 : i64, tpu.core_type = #tpu.core_type<tc>} {
    %get3A = arith.constant 0 : index
    %get3A_0 = arith.constant 0 : index
    %get3A_1 = arith.constant 0 : index
    %get3A_2 = vector.load %arg0[%get3A, %get3A_0, %get3A_1] : memref<2x1264x128xf32, #tpu.memory_space<vmem>>, vector<1x1264x128xf32>
    %get3A_3 = vector.shape_cast %get3A_2 : vector<1x1264x128xf32> to vector<1264x128xf32>
    %get3A_4 = arith.constant 1 : index
    %get3A_5 = arith.constant 0 : index
    %get3A_6 = arith.constant 0 : index
    %get3A_7 = vector.load %arg0[%get3A_4, %get3A_5, %get3A_6] : memref<2x1264x128xf32, #tpu.memory_space<vmem>>, vector<1x1264x128xf32>
    %get3A_8 = vector.shape_cast %get3A_7 : vector<1x1264x128xf32> to vector<1264x128xf32>
    %add3A = arith.addf %get3A_3, %get3A_8 : vector<1264x128xf32>
    %slice3A = vector.extract_strided_slice %add3A {offsets = [0, 0], sizes = [1250, 128], strides = [1, 1]} : vector<1264x128xf32> to vector<1250x128xf32>
    %iota3A = tpu.iota {dimensions = array<i32: 0>} : vector<128x128xi32>
    %iota3A_9 = tpu.iota {dimensions = array<i32: 1>} : vector<128x128xi32>
    %jit3A = arith.constant 16 : i32
    %div3A = vector.broadcast %jit3A : i32 to vector<128x128xi32>
    %div3A_10 = arith.divsi %iota3A_9, %div3A : vector<128x128xi32>
    %sign3A = arith.constant 0 : i32
    %sign3A_11 = vector.broadcast %sign3A : i32 to vector<128x128xi32>
    %sign3A_12 = arith.cmpi sgt, %iota3A_9, %sign3A_11 : vector<128x128xi32>
    %sign3A_13 = arith.extui %sign3A_12 : vector<128x128xi1> to vector<128x128xi32>
    %sign3A_14 = arith.constant 0 : i32
    %sign3A_15 = vector.broadcast %sign3A_14 : i32 to vector<128x128xi32>
    %sign3A_16 = arith.cmpi slt, %iota3A_9, %sign3A_15 : vector<128x128xi32>
    %sign3A_17 = arith.extui %sign3A_16 : vector<128x128xi1> to vector<128x128xi32>
    %sign3A_18 = arith.subi %sign3A_13, %sign3A_17 : vector<128x128xi32>
    %sign3A_19 = arith.constant 0 : i32
    %sign3A_20 = arith.cmpi sgt, %jit3A, %sign3A_19 : i32
    %sign3A_21 = arith.extui %sign3A_20 : i1 to i32
    %sign3A_22 = arith.constant 0 : i32
    %sign3A_23 = arith.cmpi slt, %jit3A, %sign3A_22 : i32
    %sign3A_24 = arith.extui %sign3A_23 : i1 to i32
    %sign3A_25 = arith.subi %sign3A_21, %sign3A_24 : i32
    %ne3A = vector.broadcast %sign3A_25 : i32 to vector<128x128xi32>
    %ne3A_26 = arith.cmpi ne, %sign3A_18, %ne3A : vector<128x128xi32>
    %rem3A = vector.broadcast %jit3A : i32 to vector<128x128xi32>
    %rem3A_27 = arith.remsi %iota3A_9, %rem3A : vector<128x128xi32>
    %ne3A_28 = arith.constant 0 : i32
    %ne3A_29 = vector.broadcast %ne3A_28 : i32 to vector<128x128xi32>
    %ne3A_30 = arith.cmpi ne, %rem3A_27, %ne3A_29 : vector<128x128xi32>
    %and3A = arith.andi %ne3A_26, %ne3A_30 : vector<128x128xi1>
    %sub3A = arith.constant 1 : i32
    %sub3A_31 = vector.broadcast %sub3A : i32 to vector<128x128xi32>
    %sub3A_32 = arith.subi %div3A_10, %sub3A_31 : vector<128x128xi32>
    %select_n3A = arith.select %and3A, %sub3A_32, %div3A_10 : vector<128x128xi1>, vector<128x128xi32>
    %mul3A = arith.constant 16 : i32
    %mul3A_33 = vector.broadcast %mul3A : i32 to vector<128x128xi32>
    %mul3A_34 = arith.muli %select_n3A, %mul3A_33 : vector<128x128xi32>
    %add3A_35 = arith.constant 8 : i32
    %add3A_36 = vector.broadcast %add3A_35 : i32 to vector<128x128xi32>
    %add3A_37 = arith.addi %mul3A_34, %add3A_36 : vector<128x128xi32>
    %eq3A = arith.cmpi eq, %iota3A, %add3A_37 : vector<128x128xi32>
    %convert_element_type3A = arith.extui %eq3A : vector<128x128xi1> to vector<128x128xi32>
    %convert_element_type3A_38 = arith.sitofp %convert_element_type3A : vector<128x128xi32> to vector<128x128xf32>
    %dot_general3A = arith.constant dense<0.000000e+00> : vector<1250x128xf32>
    %dot_general3A_39 = tpu.matmul %slice3A, %convert_element_type3A_38, %dot_general3A {dimension_numbers = #tpu.dot_dimension_numbers<[1], [0], [0], [1], [0, 0, 1, 1], [], []>, transpose_lhs_hint = false} : vector<1250x128xf32>, vector<128x128xf32>, vector<1250x128xf32> -> vector<1250x128xf32>
    %max3A = arith.constant 1.000000e+00 : f32
    %max3A_40 = vector.broadcast %max3A : f32 to vector<1250x128xf32>
    %max3A_41 = arith.maximumf %dot_general3A_39, %max3A_40 : vector<1250x128xf32>
    %div3A_42 = arith.divf %slice3A, %max3A_41 : vector<1250x128xf32>
    %iota3A_43 = tpu.iota {dimensions = array<i32: 1>} : vector<1x128xi32>
    %jit3A_44 = arith.constant 16 : i32
    %eq3A_45 = arith.constant 0 : i32
    %eq3A_46 = arith.cmpi eq, %jit3A_44, %eq3A_45 : i32
    %jit3A_47 = arith.constant 1 : i32
    %select_n3A_48 = arith.select %eq3A_46, %jit3A_47, %jit3A_44 : i32
    %rem3A_49 = vector.broadcast %select_n3A_48 : i32 to vector<1x128xi32>
    %rem3A_50 = arith.remsi %iota3A_43, %rem3A_49 : vector<1x128xi32>
    %ne3A_51 = arith.constant 0 : i32
    %ne3A_52 = vector.broadcast %ne3A_51 : i32 to vector<1x128xi32>
    %ne3A_53 = arith.cmpi ne, %rem3A_50, %ne3A_52 : vector<1x128xi32>
    %lt3A = arith.constant 0 : i32
    %lt3A_54 = vector.broadcast %lt3A : i32 to vector<1x128xi32>
    %lt3A_55 = arith.cmpi slt, %rem3A_50, %lt3A_54 : vector<1x128xi32>
    %lt3A_56 = arith.constant 0 : i32
    %lt3A_57 = arith.cmpi slt, %select_n3A_48, %lt3A_56 : i32
    %ne3A_58 = vector.broadcast %lt3A_57 : i1 to vector<1x128xi1>
    %ne3A_59 = vector.broadcast %ne3A_58 : vector<1x128xi1> to vector<1x128xi1>
    %ne3A_60 = arith.xori %lt3A_55, %ne3A_59 : vector<1x128xi1>
    %and3A_61 = arith.andi %ne3A_60, %ne3A_53 : vector<1x128xi1>
    %add3A_62 = vector.broadcast %select_n3A_48 : i32 to vector<1x128xi32>
    %add3A_63 = arith.addi %rem3A_50, %add3A_62 : vector<1x128xi32>
    %select_n3A_64 = arith.select %and3A_61, %add3A_63, %rem3A_50 : vector<1x128xi1>, vector<1x128xi32>
    %lt3A_65 = arith.constant 8 : i32
    %lt3A_66 = vector.broadcast %lt3A_65 : i32 to vector<1x128xi32>
    %lt3A_67 = arith.cmpi slt, %select_n3A_64, %lt3A_66 : vector<1x128xi32>
    %convert_element_type3A_68 = arith.extui %lt3A_67 : vector<1x128xi1> to vector<1x128xi32>
    %convert_element_type3A_69 = arith.sitofp %convert_element_type3A_68 : vector<1x128xi32> to vector<1x128xf32>
    %mul3A_70 = vector.broadcast %convert_element_type3A_69 : vector<1x128xf32> to vector<1250x128xf32>
    %mul3A_71 = arith.mulf %div3A_42, %mul3A_70 : vector<1250x128xf32>
    %get3A_72 = arith.constant 0 : index
    %get3A_73 = arith.constant 0 : index
    %get3A_74 = vector.load %arg1[%get3A_72, %get3A_73] : memref<1250x128xf32, #tpu.memory_space<vmem>>, vector<1250x128xf32>
    %add3A_75 = arith.addf %mul3A_71, %get3A_74 : vector<1250x128xf32>
    %get3A_76 = arith.constant 0 : index
    %get3A_77 = arith.constant 0 : index
    %get3A_78 = vector.load %arg2[%get3A_76, %get3A_77] : memref<1x128xf32, #tpu.memory_space<vmem>>, vector<1x128xf32>
    %add3A_79 = vector.broadcast %get3A_78 : vector<1x128xf32> to vector<1250x128xf32>
    %add3A_80 = arith.addf %add3A_75, %add3A_79 : vector<1250x128xf32>
    %max3A_81 = arith.constant 0.000000e+00 : f32
    %max3A_82 = vector.broadcast %max3A_81 : f32 to vector<1250x128xf32>
    %max3A_83 = arith.maximumf %add3A_80, %max3A_82 : vector<1250x128xf32>
    %iota3A_84 = tpu.iota {dimensions = array<i32: 1>} : vector<1x128xi32>
    %jit3A_85 = arith.constant 16 : i32
    %eq3A_86 = arith.constant 0 : i32
    %eq3A_87 = arith.cmpi eq, %jit3A_85, %eq3A_86 : i32
    %jit3A_88 = arith.constant 1 : i32
    %select_n3A_89 = arith.select %eq3A_87, %jit3A_88, %jit3A_85 : i32
    %rem3A_90 = vector.broadcast %select_n3A_89 : i32 to vector<1x128xi32>
    %rem3A_91 = arith.remsi %iota3A_84, %rem3A_90 : vector<1x128xi32>
    %ne3A_92 = arith.constant 0 : i32
    %ne3A_93 = vector.broadcast %ne3A_92 : i32 to vector<1x128xi32>
    %ne3A_94 = arith.cmpi ne, %rem3A_91, %ne3A_93 : vector<1x128xi32>
    %lt3A_95 = arith.constant 0 : i32
    %lt3A_96 = vector.broadcast %lt3A_95 : i32 to vector<1x128xi32>
    %lt3A_97 = arith.cmpi slt, %rem3A_91, %lt3A_96 : vector<1x128xi32>
    %lt3A_98 = arith.constant 0 : i32
    %lt3A_99 = arith.cmpi slt, %select_n3A_89, %lt3A_98 : i32
    %ne3A_100 = vector.broadcast %lt3A_99 : i1 to vector<1x128xi1>
    %ne3A_101 = vector.broadcast %ne3A_100 : vector<1x128xi1> to vector<1x128xi1>
    %ne3A_102 = arith.xori %lt3A_97, %ne3A_101 : vector<1x128xi1>
    %and3A_103 = arith.andi %ne3A_102, %ne3A_94 : vector<1x128xi1>
    %add3A_104 = vector.broadcast %select_n3A_89 : i32 to vector<1x128xi32>
    %add3A_105 = arith.addi %rem3A_91, %add3A_104 : vector<1x128xi32>
    %select_n3A_106 = arith.select %and3A_103, %add3A_105, %rem3A_91 : vector<1x128xi1>, vector<1x128xi32>
    %eq3A_107 = arith.constant 8 : i32
    %eq3A_108 = vector.broadcast %eq3A_107 : i32 to vector<1x128xi32>
    %eq3A_109 = arith.cmpi eq, %select_n3A_106, %eq3A_108 : vector<1x128xi32>
    %convert_element_type3A_110 = arith.extui %eq3A_109 : vector<1x128xi1> to vector<1x128xi32>
    %convert_element_type3A_111 = arith.sitofp %convert_element_type3A_110 : vector<1x128xi32> to vector<1x128xf32>
    %add3A_112 = vector.broadcast %convert_element_type3A_111 : vector<1x128xf32> to vector<1250x128xf32>
    %add3A_113 = arith.addf %max3A_83, %add3A_112 : vector<1250x128xf32>
    %swap3A = arith.constant 0 : index
    %swap3A_114 = arith.constant 0 : index
    %swap3A_115 = vector.load %arg3[%swap3A, %swap3A_114] : memref<1250x128xf32, #tpu.memory_space<vmem>>, vector<1250x128xf32>
    tpu.vector_store %arg3[%swap3A, %swap3A_114], %add3A_113 {strides = array<i32>} : memref<1250x128xf32, #tpu.memory_space<vmem>>, vector<1250x128xf32>,
    return
  }
}

module attributes {stable_mosaic.version = 14 : i64} {
  func.func @_out_body(%arg0: memref<2x1264x128xf32, #tpu.memory_space<vmem>>, %arg1: memref<1250x128xf32, #tpu.memory_space<vmem>>, %arg2: memref<128x1024xf32, #tpu.memory_space<vmem>>, %arg3: memref<128x1024xf32, #tpu.memory_space<vmem>>, %arg4: memref<1x128xf32, #tpu.memory_space<vmem>>, %arg5: memref<10000x128xf32, #tpu.memory_space<vmem>>, %arg6: memref<10000x128xf32, #tpu.memory_space<vmem>>) attributes {dimension_semantics = [], scalar_prefetch = 0 : i64, scratch_operands = 0 : i64, tpu.core_type = #tpu.core_type<tc>} {
    %get3A = arith.constant 0 : index
    %get3A_0 = arith.constant 0 : index
    %get3A_1 = arith.constant 0 : index
    %get3A_2 = vector.load %arg0[%get3A, %get3A_0, %get3A_1] : memref<2x1264x128xf32, #tpu.memory_space<vmem>>, vector<1x1264x128xf32>
    %get3A_3 = vector.shape_cast %get3A_2 : vector<1x1264x128xf32> to vector<1264x128xf32>
    %get3A_4 = arith.constant 1 : index
    %get3A_5 = arith.constant 0 : index
    %get3A_6 = arith.constant 0 : index
    %get3A_7 = vector.load %arg0[%get3A_4, %get3A_5, %get3A_6] : memref<2x1264x128xf32, #tpu.memory_space<vmem>>, vector<1x1264x128xf32>
    %get3A_8 = vector.shape_cast %get3A_7 : vector<1x1264x128xf32> to vector<1264x128xf32>
    %add3A = arith.addf %get3A_3, %get3A_8 : vector<1264x128xf32>
    %slice3A = vector.extract_strided_slice %add3A {offsets = [0, 0], sizes = [1250, 128], strides = [1, 1]} : vector<1264x128xf32> to vector<1250x128xf32>
    %iota3A = tpu.iota {dimensions = array<i32: 0>} : vector<128x128xi32>
    %iota3A_9 = tpu.iota {dimensions = array<i32: 1>} : vector<128x128xi32>
    %jit3A = arith.constant 16 : i32
    %div3A = vector.broadcast %jit3A : i32 to vector<128x128xi32>
    %div3A_10 = arith.divsi %iota3A_9, %div3A : vector<128x128xi32>
    %sign3A = arith.constant 0 : i32
    %sign3A_11 = vector.broadcast %sign3A : i32 to vector<128x128xi32>
    %sign3A_12 = arith.cmpi sgt, %iota3A_9, %sign3A_11 : vector<128x128xi32>
    %sign3A_13 = arith.extui %sign3A_12 : vector<128x128xi1> to vector<128x128xi32>
    %sign3A_14 = arith.constant 0 : i32
    %sign3A_15 = vector.broadcast %sign3A_14 : i32 to vector<128x128xi32>
    %sign3A_16 = arith.cmpi slt, %iota3A_9, %sign3A_15 : vector<128x128xi32>
    %sign3A_17 = arith.extui %sign3A_16 : vector<128x128xi1> to vector<128x128xi32>
    %sign3A_18 = arith.subi %sign3A_13, %sign3A_17 : vector<128x128xi32>
    %sign3A_19 = arith.constant 0 : i32
    %sign3A_20 = arith.cmpi sgt, %jit3A, %sign3A_19 : i32
    %sign3A_21 = arith.extui %sign3A_20 : i1 to i32
    %sign3A_22 = arith.constant 0 : i32
    %sign3A_23 = arith.cmpi slt, %jit3A, %sign3A_22 : i32
    %sign3A_24 = arith.extui %sign3A_23 : i1 to i32
    %sign3A_25 = arith.subi %sign3A_21, %sign3A_24 : i32
    %ne3A = vector.broadcast %sign3A_25 : i32 to vector<128x128xi32>
    %ne3A_26 = arith.cmpi ne, %sign3A_18, %ne3A : vector<128x128xi32>
    %rem3A = vector.broadcast %jit3A : i32 to vector<128x128xi32>
    %rem3A_27 = arith.remsi %iota3A_9, %rem3A : vector<128x128xi32>
    %ne3A_28 = arith.constant 0 : i32
    %ne3A_29 = vector.broadcast %ne3A_28 : i32 to vector<128x128xi32>
    %ne3A_30 = arith.cmpi ne, %rem3A_27, %ne3A_29 : vector<128x128xi32>
    %and3A = arith.andi %ne3A_26, %ne3A_30 : vector<128x128xi1>
    %sub3A = arith.constant 1 : i32
    %sub3A_31 = vector.broadcast %sub3A : i32 to vector<128x128xi32>
    %sub3A_32 = arith.subi %div3A_10, %sub3A_31 : vector<128x128xi32>
    %select_n3A = arith.select %and3A, %sub3A_32, %div3A_10 : vector<128x128xi1>, vector<128x128xi32>
    %mul3A = arith.constant 16 : i32
    %mul3A_33 = vector.broadcast %mul3A : i32 to vector<128x128xi32>
    %mul3A_34 = arith.muli %select_n3A, %mul3A_33 : vector<128x128xi32>
    %add3A_35 = arith.constant 8 : i32
    %add3A_36 = vector.broadcast %add3A_35 : i32 to vector<128x128xi32>
    %add3A_37 = arith.addi %mul3A_34, %add3A_36 : vector<128x128xi32>
    %eq3A = arith.cmpi eq, %iota3A, %add3A_37 : vector<128x128xi32>
    %convert_element_type3A = arith.extui %eq3A : vector<128x128xi1> to vector<128x128xi32>
    %convert_element_type3A_38 = arith.sitofp %convert_element_type3A : vector<128x128xi32> to vector<128x128xf32>
    %dot_general3A = arith.constant dense<0.000000e+00> : vector<1250x128xf32>
    %dot_general3A_39 = tpu.matmul %slice3A, %convert_element_type3A_38, %dot_general3A {dimension_numbers = #tpu.dot_dimension_numbers<[1], [0], [0], [1], [0, 0, 1, 1], [], []>, transpose_lhs_hint = false} : vector<1250x128xf32>, vector<128x128xf32>, vector<1250x128xf32> -> vector<1250x128xf32>
    %max3A = arith.constant 1.000000e+00 : f32
    %max3A_40 = vector.broadcast %max3A : f32 to vector<1250x128xf32>
    %max3A_41 = arith.maximumf %dot_general3A_39, %max3A_40 : vector<1250x128xf32>
    %div3A_42 = arith.divf %slice3A, %max3A_41 : vector<1250x128xf32>
    %iota3A_43 = tpu.iota {dimensions = array<i32: 1>} : vector<1x128xi32>
    %jit3A_44 = arith.constant 16 : i32
    %eq3A_45 = arith.constant 0 : i32
    %eq3A_46 = arith.cmpi eq, %jit3A_44, %eq3A_45 : i32
    %jit3A_47 = arith.constant 1 : i32
    %select_n3A_48 = arith.select %eq3A_46, %jit3A_47, %jit3A_44 : i32
    %rem3A_49 = vector.broadcast %select_n3A_48 : i32 to vector<1x128xi32>
    %rem3A_50 = arith.remsi %iota3A_43, %rem3A_49 : vector<1x128xi32>
    %ne3A_51 = arith.constant 0 : i32
    %ne3A_52 = vector.broadcast %ne3A_51 : i32 to vector<1x128xi32>
    %ne3A_53 = arith.cmpi ne, %rem3A_50, %ne3A_52 : vector<1x128xi32>
    %lt3A = arith.constant 0 : i32
    %lt3A_54 = vector.broadcast %lt3A : i32 to vector<1x128xi32>
    %lt3A_55 = arith.cmpi slt, %rem3A_50, %lt3A_54 : vector<1x128xi32>
    %lt3A_56 = arith.constant 0 : i32
    %lt3A_57 = arith.cmpi slt, %select_n3A_48, %lt3A_56 : i32
    %ne3A_58 = vector.broadcast %lt3A_57 : i1 to vector<1x128xi1>
    %ne3A_59 = vector.broadcast %ne3A_58 : vector<1x128xi1> to vector<1x128xi1>
    %ne3A_60 = arith.xori %lt3A_55, %ne3A_59 : vector<1x128xi1>
    %and3A_61 = arith.andi %ne3A_60, %ne3A_53 : vector<1x128xi1>
    %add3A_62 = vector.broadcast %select_n3A_48 : i32 to vector<1x128xi32>
    %add3A_63 = arith.addi %rem3A_50, %add3A_62 : vector<1x128xi32>
    %select_n3A_64 = arith.select %and3A_61, %add3A_63, %rem3A_50 : vector<1x128xi1>, vector<1x128xi32>
    %lt3A_65 = arith.constant 8 : i32
    %lt3A_66 = vector.broadcast %lt3A_65 : i32 to vector<1x128xi32>
    %lt3A_67 = arith.cmpi slt, %select_n3A_64, %lt3A_66 : vector<1x128xi32>
    %convert_element_type3A_68 = arith.extui %lt3A_67 : vector<1x128xi1> to vector<1x128xi32>
    %convert_element_type3A_69 = arith.sitofp %convert_element_type3A_68 : vector<1x128xi32> to vector<1x128xf32>
    %mul3A_70 = vector.broadcast %convert_element_type3A_69 : vector<1x128xf32> to vector<1250x128xf32>
    %mul3A_71 = arith.mulf %div3A_42, %mul3A_70 : vector<1250x128xf32>
    %get3A_72 = arith.constant 0 : index
    %get3A_73 = arith.constant 0 : index
    %get3A_74 = vector.load %arg1[%get3A_72, %get3A_73] : memref<1250x128xf32, #tpu.memory_space<vmem>>, vector<1250x128xf32>
    %iota3A_75 = tpu.iota {dimensions = array<i32: 1>} : vector<1x128xi32>
    %jit3A_76 = arith.constant 16 : i32
    %eq3A_77 = arith.constant 0 : i32
    %eq3A_78 = arith.cmpi eq, %jit3A_76, %eq3A_77 : i32
    %jit3A_79 = arith.constant 1 : i32
    %select_n3A_80 = arith.select %eq3A_78, %jit3A_79, %jit3A_76 : i32
    %rem3A_81 = vector.broadcast %select_n3A_80 : i32 to vector<1x128xi32>
    %rem3A_82 = arith.remsi %iota3A_75, %rem3A_81 : vector<1x128xi32>
    %ne3A_83 = arith.constant 0 : i32
    %ne3A_84 = vector.broadcast %ne3A_83 : i32 to vector<1x128xi32>
    %ne3A_85 = arith.cmpi ne, %rem3A_82, %ne3A_84 : vector<1x128xi32>
    %lt3A_86 = arith.constant 0 : i32
    %lt3A_87 = vector.broadcast %lt3A_86 : i32 to vector<1x128xi32>
    %lt3A_88 = arith.cmpi slt, %rem3A_82, %lt3A_87 : vector<1x128xi32>
    %lt3A_89 = arith.constant 0 : i32
    %lt3A_90 = arith.cmpi slt, %select_n3A_80, %lt3A_89 : i32
    %ne3A_91 = vector.broadcast %lt3A_90 : i1 to vector<1x128xi1>
    %ne3A_92 = vector.broadcast %ne3A_91 : vector<1x128xi1> to vector<1x128xi1>
    %ne3A_93 = arith.xori %lt3A_88, %ne3A_92 : vector<1x128xi1>
    %and3A_94 = arith.andi %ne3A_93, %ne3A_85 : vector<1x128xi1>
    %add3A_95 = vector.broadcast %select_n3A_80 : i32 to vector<1x128xi32>
    %add3A_96 = arith.addi %rem3A_82, %add3A_95 : vector<1x128xi32>
    %select_n3A_97 = arith.select %and3A_94, %add3A_96, %rem3A_82 : vector<1x128xi1>, vector<1x128xi32>
    %lt3A_98 = arith.constant 8 : i32
    %lt3A_99 = vector.broadcast %lt3A_98 : i32 to vector<1x128xi32>
    %lt3A_100 = arith.cmpi slt, %select_n3A_97, %lt3A_99 : vector<1x128xi32>
    %convert_element_type3A_101 = arith.extui %lt3A_100 : vector<1x128xi1> to vector<1x128xi32>
    %convert_element_type3A_102 = arith.sitofp %convert_element_type3A_101 : vector<1x128xi32> to vector<1x128xf32>
    %mul3A_103 = vector.broadcast %convert_element_type3A_102 : vector<1x128xf32> to vector<1250x128xf32>
    %mul3A_104 = arith.mulf %get3A_74, %mul3A_103 : vector<1250x128xf32>
    %get3A_105 = arith.constant 0 : index
    %get3A_106 = arith.constant 0 : index
    %get3A_107 = vector.load %arg2[%get3A_105, %get3A_106] : memref<128x1024xf32, #tpu.memory_space<vmem>>, vector<128x1024xf32>
    %dot_general3A_108 = arith.constant dense<0.000000e+00> : vector<1250x1024xf32>
    %dot_general3A_109 = tpu.matmul %mul3A_71, %get3A_107, %dot_general3A_108 {dimension_numbers = #tpu.dot_dimension_numbers<[1], [0], [0], [1], [0, 0, 1, 1], [], []>, transpose_lhs_hint = false} : vector<1250x128xf32>, vector<128x1024xf32>, vector<1250x1024xf32> -> vector<1250x1024xf32>
    %get3A_110 = arith.constant 0 : index
    %get3A_111 = arith.constant 0 : index
    %get3A_112 = vector.load %arg3[%get3A_110, %get3A_111] : memref<128x1024xf32, #tpu.memory_space<vmem>>, vector<128x1024xf32>
    %dot_general3A_113 = arith.constant dense<0.000000e+00> : vector<1250x1024xf32>
    %dot_general3A_114 = tpu.matmul %mul3A_104, %get3A_112, %dot_general3A_113 {dimension_numbers = #tpu.dot_dimension_numbers<[1], [0], [0], [1], [0, 0, 1, 1], [], []>, transpose_lhs_hint = false} : vector<1250x128xf32>, vector<128x1024xf32>, vector<1250x1024xf32> -> vector<1250x1024xf32>
    %add3A_115 = arith.addf %dot_general3A_109, %dot_general3A_114 : vector<1250x1024xf32>
    %reshape3A = vector.shape_cast %add3A_115 : vector<1250x1024xf32> to vector<10000x128xf32>
    %get3A_116 = arith.constant 0 : index
    %get3A_117 = arith.constant 0 : index
    %get3A_118 = vector.load %arg4[%get3A_116, %get3A_117] : memref<1x128xf32, #tpu.memory_space<vmem>>, vector<1x128xf32>
    %add3A_119 = vector.broadcast %get3A_118 : vector<1x128xf32> to vector<10000x128xf32>
    %add3A_120 = arith.addf %reshape3A, %add3A_119 : vector<10000x128xf32>
    %swap3A = arith.constant 0 : index
    %swap3A_121 = arith.constant 0 : index
    %swap3A_122 = vector.load %arg6[%swap3A, %swap3A_121] : memref<10000x128xf32, #tpu.memory_space<vmem>>, vector<10000x128xf32>
    tpu.vector_store %arg6[%swap3A, %swap3A_121], %add3A_120 {strides = array<i32>} : memref<10000x128xf32, #tpu.memory_space<vmem>>, vector<10000x128xf32>,
    %reduce_max3A = arith.constant dense<0xFF800000> : vector<10000xf32>
    %reduce_max3A_123 = vector.multi_reduction <maximumf>, %add3A_120, %reduce_max3A [1] : vector<10000x128xf32> to vector<10000xf32>
    %broadcast_in_dim3A = vector.shape_cast %reduce_max3A_123 : vector<10000xf32> to vector<10000x1xf32>
    %sub3A_124 = vector.broadcast %broadcast_in_dim3A : vector<10000x1xf32> to vector<10000x128xf32>
    %sub3A_125 = arith.subf %add3A_120, %sub3A_124 : vector<10000x128xf32>
    %exp3A = math.exp %sub3A_125 : vector<10000x128xf32>
    %reduce_sum3A = arith.constant dense<0.000000e+00> : vector<10000xf32>
    %reduce_sum3A_126 = vector.multi_reduction <add>, %exp3A, %reduce_sum3A [1] : vector<10000x128xf32> to vector<10000xf32>
    %broadcast_in_dim3A_127 = vector.shape_cast %reduce_sum3A_126 : vector<10000xf32> to vector<10000x1xf32>
    %log3A = math.log %broadcast_in_dim3A_127 : vector<10000x1xf32>
    %add3A_128 = arith.addf %log3A, %broadcast_in_dim3A : vector<10000x1xf32>
    %sub3A_129 = vector.broadcast %add3A_128 : vector<10000x1xf32> to vector<10000x128xf32>
    %sub3A_130 = arith.subf %add3A_120, %sub3A_129 : vector<10000x128xf32>
    %swap3A_131 = arith.constant 0 : index
    %swap3A_132 = arith.constant 0 : index
    %swap3A_133 = vector.load %arg5[%swap3A_131, %swap3A_132] : memref<10000x128xf32, #tpu.memory_space<vmem>>, vector<10000x128xf32>
    tpu.vector_store %arg5[%swap3A_131, %swap3A_132], %sub3A_130 {strides = array<i32>} : memref<10000x128xf32, #tpu.memory_space<vmem>>, vector<10000x128xf32>,
    return
  }
}

</mosaic_0001>

<sc_bundles>
// kernel: kernel.10.cloned.1.call-start
scs
__scs_entry_jumppad:
0x0: {  	(pc) =	sbr.rel $0x88, $3  }
0x1: {  	(tag) =	ssettag $0x0;
	lr =	simm.s32 $0x1  }
0x2: {  	[smem:$0x3F99] =	sst lr;
	_ =	strace $0xD0000000  }
0x3: {  	_ = 	snop  }
0x4: {  	_ = 	snop  }
0x5: {  	_ = 	snop  }
0x6: {  	_ = 	snop  }
0x7: {  	_ = 	snop  }
__scs_overlays_trampoline_lowered:
0x8: {  	[smem:$0x3FA8] =	sst s0  }
0x9: {  	[smem:$0x3FA9] =	sst s1  }
0xa: {  	[smem:$0x3FAA] =	sst s2  }
0xb: {  	[smem:$0x3FAB] =	sst s3  }
0xc: {  	[smem:$0x3FAC] =	sst s4  }
0xd: {  	[smem:$0x3FAD] =	sst s5  }
0xe: {  	[smem:$0x3FAE] =	sst s6  }
0xf: {  	[smem:$0x3FAF] =	sst s7  }
0x10: {  	[smem:$0x3FB0] =	sst s8  }
0x11: {  	[smem:$0x3FB1] =	sst s9;
	s0 =	simm.s32 @!p0 $0x0  }
0x12: {  	s1 =	sld [smem:$0x3F97];
	s0 =	simm.s32 @p0 $0x1  }
0x13: {  	[smem:$0x3FB2] =	sst s0;
	s0 =	simm.s32 @!p1 $0x0  }
0x14: {  	s2 =	sld [smem:$0x3F96];
	s0 =	simm.s32 @p1 $0x1  }
0x15: {  	[smem:$0x3FB3] =	sst s0;
	s0 =	simm.s32 @!p2 $0x0  }
0x16: {  	s3 =	sld [smem:$0x3FDB];
	s0 =	simm.s32 @p2 $0x1  }
0x17: {  	s4 =	simm.s32 $0x1BF5;
	[smem:$0x3FB5] =	sst s0  }
0x18: {  	s0 =	sld [smem:$0x3F98];
	_ =	swait.ge [sflag:s4], $0x0  }
0x19: {  	s7 =	sld [smem:$0x3F99]  }
0x1a: {  	s8 =	sadd.s32 $0xFFFFE003, lr  }
0x1b: {  	s9 =	sadd.s32 $0xFFFFFEF7, lr;
	s5 =	simm.s32 $0xFFFFFFFF;
	p2 =	slt.u32 s8, $0xFFFFF086  }
0x1c: {  	p1 =	slt.u32 s9, $0xF7A;
	s5 =	simm.s32 @!p2 $0x0  }
0x1d: {  	s5 =	simm.s32 @p1 $0x1;
	p0 =	seq.s32 s7, s2  }
0x1e: {  	s7 =	smul.u32 @!p0 $0xF7A, s2;
	p2 =	seq.s32 @!p0 s5, $0x0  }
0x1f: {  	s9 =	smul.u32 $0xF7A, s1;
	s8 =	simm.s32 @!p0 $0x1BF5;
	p2 =	por !p2, p0  }
0x20: {  	[sflag:s8] =	ssyncset.s32 @!p0 $0xFFFFF086;
	s6 =	sadd.s32 @!p0 s3, s7;
	s7 =	simm.s32 @!p0 $0x108  }
0x21: {  	s3 =	sadd.s32 s3, s9;
	s6 =	sadd.s32 @!p0 $0x88, s6;
	s7 =	simm.s32 @p2 $0x1082  }
0x22: {  	[simem:s7], [sflag:s8] =	dma.local @!p0 [hbm:s6], $0xF7A  }
0x23: {  	s9 =	sor.u32 $0xD0000000, s2;
	s6 =	simm.s32 $0x108;
	_ =	swait.ge @!p0 [sflag:s8], $0x0  }
0x24: {  	s3 =	sadd.s32 $0x88, s3;
	s6 =	simm.s32 @!p1 $0x1082;
	[sflag:s4] =	ssyncset.s32 $0xFFFFF086  }
0x25: {  	[simem:s6], [sflag:s4] =	dma.local [hbm:s3], $0xF7A  }
0x26: {  	[smem:$0x3F99] =	sst s1;
	(tag) =	ssettag s2;
	_ =	strace s9  }
0x27: {  	s1 =	sld [smem:$0x3FA9]  }
0x28: {  	s2 =	sld [smem:$0x3FAA]  }
0x29: {  	s4 =	sld [smem:$0x3FAC]  }
0x2a: {  	p0 =	seq.s32 s5, $0x0;
	s5 =	sld [smem:$0x3FAD]  }
0x2b: {  	s6 =	sld [smem:$0x3FAE]  }
0x2c: {  	s7 =	sld [smem:$0x3FAF]  }
0x2d: {  	s3 =	simm.s32 $0x108;
	s8 =	sld [smem:$0x3FB0]  }
0x2e: {  	s3 =	simm.s32 @!p0 $0x1082;
	s9 =	sld [smem:$0x3FB1]  }
0x2f: {  	lr =	sadd.s32 s0, s3;
	s0 =	sld [smem:$0x3FA8]  }
0x30: {  	s3 =	sld [smem:$0x3FAB]  }
0x31: {  	[smem:$0x3FB4] =	sst s10  }
0x32: {  	s10 =	sld [smem:$0x3FB2];
	_ =	sdelay $0x3  }
0x33: {  	p0 =	seq.s32 s10, $0x1;
	s10 =	sld [smem:$0x3FB4];
	_ =	sdelay $0x3  }
0x34: {  	[smem:$0x3FB4] =	sst s10  }
0x35: {  	s10 =	sld [smem:$0x3FB3];
	_ =	sdelay $0x3  }
0x36: {  	p1 =	seq.s32 s10, $0x1;
	s10 =	sld [smem:$0x3FB4];
	_ =	sdelay $0x3  }
0x37: {  	[smem:$0x3FB4] =	sst s10  }
0x38: {  	s10 =	sld [smem:$0x3FB5]  }
0x39: {  	_ = 	snop;
	(pc) =	sbr.ind lr, $3  }
0x3a: {  	_ = 	snop  }
0x3b: {  	_ = 	snop  }
0x3c: {  	p2 =	seq.s32 s10, $0x1;
	s10 =	sld [smem:$0x3FB4]  }
0x3d: {  	_ =	shalt  }
0x3e: {  	_ =	shalt  }
0x3f: {  	_ =	shalt  }
0x40: {  	_ =	shalt  }
0x41: {  	_ =	shalt  }
0x42: {  	_ =	shalt  }
0x43: {  	_ =	shalt  }
0x44: {  	_ =	shalt  }
0x45: {  	_ =	shalt  }
0x46: {  	_ =	shalt  }
0x47: {  	_ =	shalt  }
0x48: {  	_ =	shalt  }
0x49: {  	_ =	shalt  }
0x4a: {  	_ =	shalt  }
0x4b: {  	_ =	shalt  }
0x4c: {  	_ =	shalt  }
0x4d: {  	_ =	shalt  }
0x4e: {  	_ =	shalt  }
0x4f: {  	_ =	shalt  }
0x50: {  	_ =	shalt  }
0x51: {  	_ =	shalt  }
0x52: {  	_ =	shalt  }
0x53: {  	_ =	shalt  }
0x54: {  	_ =	shalt  }
0x55: {  	_ =	shalt  }
0x56: {  	_ =	shalt  }
0x57: {  	_ =	shalt  }
0x58: {  	_ =	shalt  }
0x59: {  	_ =	shalt  }
0x5a: {  	_ =	shalt  }
0x5b: {  	_ =	shalt  }
0x5c: {  	_ =	shalt  }
0x5d: {  	_ =	shalt  }
0x5e: {  	_ =	shalt  }
0x5f: {  	_ =	shalt  }
0x60: {  	_ =	shalt  }
0x61: {  	_ =	shalt  }
0x62: {  	_ =	shalt  }
0x63: {  	_ =	shalt  }
0x64: {  	_ =	shalt  }
0x65: {  	_ =	shalt  }
0x66: {  	_ =	shalt  }
0x67: {  	_ =	shalt  }
0x68: {  	_ =	shalt  }
0x69: {  	_ =	shalt  }
0x6a: {  	_ =	shalt  }
0x6b: {  	_ =	shalt  }
0x6c: {  	_ =	shalt  }
0x6d: {  	_ =	shalt  }
0x6e: {  	_ =	shalt  }
0x6f: {  	_ =	shalt  }
0x70: {  	_ =	shalt  }
0x71: {  	_ =	shalt  }
0x72: {  	_ =	shalt  }
0x73: {  	_ =	shalt  }
0x74: {  	_ =	shalt  }
0x75: {  	_ =	shalt  }
0x76: {  	_ =	shalt  }
0x77: {  	_ =	shalt  }
0x78: {  	_ =	shalt  }
0x79: {  	_ =	shalt  }
0x7a: {  	_ =	shalt  }
0x7b: {  	_ =	shalt  }
0x7c: {  	_ =	shalt  }
0x7d: {  	_ =	shalt  }
0x7e: {  	_ =	shalt  }
0x7f: {  	_ =	shalt  }
0x80: {  	_ =	shalt  }
0x81: {  	_ =	shalt  }
0x82: {  	_ =	shalt  }
0x83: {  	_ =	shalt  }
0x84: {  	_ =	shalt  }
0x85: {  	_ =	shalt  }
0x86: {  	_ =	shalt  }
0x87: {  	_ =	shalt  }
.Lfunc_end0:
.L_simem_size_0:
called_computation.1_lowered:
.L_overlay_start_0:
0x88: {  	s2 =	sld [smem:$0x3FD9]  }
0x89: {  	s3 =	sld [smem:$0x3FFE];
	_ =	sdelay $0x1  }
0x8a: {  	s1 =	srdreg.scid  }
0x8b: {  	s0 =	sand.u32 $0x1, s1  }
0x8c: {  	s14 =	sshll.u32 s0, $0xA;
	s2 =	sadd.s32 s3, s2  }
0x8d: {  	s2 =	sadd.s32 s2, s14  }
0x8e: {  	[smem:$0x3FC0] =	sst s2  }
0x8f: {  	_ = 	snop  }
0x90: {  	s2 =	sld [smem:$0x3FD0];
	_ =	sdelay $0x2  }
0x91: {  	s4 =	simm.s32 $0xA;
	s5 =	simm.s32 $0x10;
	s15 =	sld [smem:$0x3FC8]  }
0x92: {  	[smem:s5], [sflag:s4] =	dma.local [hbm:s2], $0x1  }
0x93: {  	_ =	swait.eq [sflag:s4], $0x1  }
0x94: {  	[sflag:s4] =	ssyncset.done $0x0  }
0x95: {  	s16 =	sld [smem:$0x10];
	[sflag:s4] =	ssyncadd.s32 $0xFFFFFFFF  }
0x96: {  	s17 =	sld [smem:$0x11];
	(tm) =	ssettm $0x1  }
0x97: {  	s18 =	sld [smem:$0x3FFB];
	_ =	sdelay $0x3  }
0x98: {  	_ =	strace s18  }
0x99: {  	s5 =	sld [smem:$0x3FFC];
	_ =	sdelay $0x3  }
0x9a: {  	_ =	strace s5  }
0x9b: {  	s5 =	sld [smem:$0x3FFD];
	_ =	sdelay $0x3  }
0x9c: {  	_ =	strace s5  }
0x9d: {  	_ =	strace $0x8FFFFFFF  }
0x9e: {  	s19 =	sld [smem:$0x3FDB];
	_ =	sdelay $0x1  }
0x9f: {  	s6 =	simm.s32 $_scs_section_size  }
0xa0: {  	s7 =	simm.s32 $_size__tile_overlayer_lowered;
	s8 =	simm.s32 $_tile_overlayer_lowered  }
0xa1: {  	s22 =	simm.s32 $0x1BFF;
	s21 =	sshll.u32 s8, $0x1;
	s5 =	sadd.s32 s6, s19  }
0xa2: {  	s9 =	simm.s32 $0x0;
	s20 =	sshll.u32 s7, $0x1;
	s7 =	sadd.s32 s21, s5  }
0xa3: {  	[timem:s9], [sflag:s22] =	dma.local [hbm:s7], s20  }
0xa4: {  	_ =	swait.ge [sflag:s22], s20  }
0xa5: {  	s6 =	ssub.s32 $0x0, s20;
	[sflag:s22] =	ssyncset.done $0x0  }
0xa6: {  	[sflag:s22] =	ssyncadd.s32 s6;
	_ =	sdelay $0x1  }
0xa7: {  	s23 =	simm.s32 $0x1B8B  }
0xa8: {  	_ =	swait.ge [sflag:s23], $0x1  }
0xa9: {  	[sflag:s23] =	ssyncset.done $0x0  }
0xaa: {  	s25 =	simm.s32 $0x1B8E;
	s24 =	sld [smem:$0x3FFE];
	[sflag:s23] =	ssyncadd.s32 $0xFFFFFFFF  }
0xab: {  	s26 =	simm.s32 $execute0_lowered;
	[smem:$0x3FD2] =	sst s25  }
0xac: {  	s7 =	sshll.u32 s26, $0x1;
	_ =	strace $0x80000049;
	[dreg:$0x1] =	wrdreg $0xFFFFFFFF  }
0xad: {  	s28 =	simm.s32 $_size_execute0_lowered;
	s5 =	sadd.s32 s5, s7;
	[dreg:$0x0] =	wrdreg $0x0  }
0xae: {  	s7 =	sshll.u32 s28, $0x1;
	[dreg:$0x2] =	wrdreg s5  }
0xaf: {  	[dreg:$0x3] =	wrdreg s7  }
0xb0: {  	[dreg:$0x4] =	wrdreg $0xC0  }
0xb1: {  	_ =	task [dreg:s9], $0x5FFFF  }
0xb2: {  	[dreg:$0x1] =	wrdreg $0xFFFFFFFF  }
0xb3: {  	[dreg:$0x0] =	wrdreg $0x60  }
0xb4: {  	[dreg:$0x2] =	wrdreg s16  }
0xb5: {  	[dreg:$0x3] =	wrdreg s15  }
0xb6: {  	[dreg:$0x4] =	wrdreg s24  }
0xb7: {  	[dreg:$0x5] =	wrdreg s17  }
0xb8: {  	[dreg:$0x6] =	wrdreg $0xAF000  }
0xb9: {  	[dreg:$0x7] =	wrdreg $0x9  }
0xba: {  	_ =	task.clear_ibuf [dreg:s9], $0x8FFFF;
	_ =	strace $0x90000049  }
0xbb: {  	s29 =	simm.s32 $0x9;
	_ =	strace $0x8000004B  }
0xbc: {  	_ =	swait.ge [sflag:s29], $0x1  }
0xbd: {  	[sflag:s29] =	ssyncadd.s32 $0xFFFFFFFF  }
0xbe: {  	_ =	strace $0x9000004B  }
0xbf: {  	_ =	sfence  }
0xc0: {  	s30 =	sld [smem:$0x0];
	_ =	sdelay $0x2  }
0xc1: {  	s31 =	sshll.u32 s1, $0xD;
	s1 =	sshrl.u32 s1, $0x2  }
0xc2: {  	s3 =	sand.u32 $0x4000, s31;
	s1 =	sadd.s32 s1, s30  }
0xc3: {  	s0 =	sor.u32 s3, s0;
	s1 =	sshll.u32 s1, $0x11  }
0xc4: {  	s0 =	sor.u32 s1, s0  }
0xc5: {  	s0 =	sadd.s32 $0x8F2B, s0  }
0xc6: {  	[sflag:s0] =	ssyncadd.remote.s32 $0x1  }
0xc7: {  	_ =	sfence.sel $0xFFFF  }
0xc8: {  	[dreg:$0x0] =	wrdreg $0xFFFFFFFF;
	(pc) =	sbr.abs _section_cstart, $3  }
0xc9: {  	[dreg:$0x1] =	wrdreg $0xFFFFFFFF  }
0xca: {  	_ =	task.clear_ibuf [dreg:s9], $0x2FFFF;
	_ =	strace $0x9FFFFFFF  }
0xcb: {  	(tm) =	ssettm $0x7FFFFFFF  }
tec
execute0_lowered:
.L_overlay_start_1:
0x0: {  	(tag) =	ssettag $0x1  }
0x1: {  	s1 =	rddreg [dreg:$0x0]  }
0x2: {  	s0 =	rddreg [dreg:$0x1]  }
0x3: {  	s3 =	rddreg [dreg:$0x2]  }
0x4: {  	s4 =	rddreg [dreg:$0x3]  }
0x5: {  	s2 =	rddreg [dreg:$0x4]  }
0x6: {  	s5 =	srdreg.scid;
	s7 =	simm.s32 $0x0;
	s12 =	stileid.u32  }
0x7: {  	s13 =	simm.s32 $0x80;
	s14 =	simm.s32 $0x4F00;
	s16 =	simm.s32 $0x5700  }
0x8: {  	s30 =	simm.s32 $0x7F00;
	s15 =	simm.s32 $0x8F00;
	s28 =	simm.s32 $0x9700  }
0x9: {  	s31 =	simm.s32 $0x9F00;
	s29 =	simm.s32 $0x6;
	s5 =	sand.u32 $0x1, s5  }
0xa: {  	[smem:$0x7FF] =	sst s7;
	s17 =	smul.u32 $0x2780, s12;
	s3 =	sadd.s32 $0x2400, s3  }
0xb: {  	s22 =	sshll.u32 s12, $0x6;
	s6 =	sshll.u32 s5, $0x4;
	_ =	strace $0x8000004A  }
0xc: {  	s18 =	ssub.s32 $0x2, s5;
	s5 =	smul.u32 $0x27800, s5;
	[dreg:$0x6] =	wrdreg s3  }
0xd: {  	s3 =	simm.s32 $0x5;
	s8 =	sor.u32 s12, s6;
	s10 =	sshrl.u32 s18, $0x1  }
0xe: {  	s21 =	sadd.s32 s17, s2;
	s12 =	simm.s32 $0x9;
	s9 =	smul.u32 $0x4E, s8  }
0xf: {  	s11 =	smin.u32 s8, $0x4;
	s19 =	ssub.s32 s18, s10;
	s5 =	sadd.s32 s17, s5  }
0x10: {  	p0 =	sgt.u32 s8, $0x3;
	s18 =	simm.s32 $0x5F00;
	s17 =	simm.s32 $0x2  }
0x11: {  	s24 =	sshrl.u32 s5, $0x3;
	s26 =	smax.u32 s19, $0x1;
	s19 =	simm.s32 $0xA700  }
0x12: {  	s5 =	simm.s32 $0x0;
	s20 =	sadd.s32 s11, s9;
	[dreg:$0xa] =	wrdreg s26  }
0x13: {  	s11 =	sshrl.u32 s21, $0x3;
	s21 =	simm.s32 $0x3;
	s7 =	sshll.u32 s20, $0x5  }
0x14: {  	s26 =	simm.s32 $0x7;
	s20 =	simm.s32 $0x6700;
	s23 =	sadd.s32 s0, s7  }
0x15: {  	s7 =	sor.u32 $0x1C09, s22;
	s0 =	sadd.s32 s4, s24;
	s22 =	simm.s32 $0x6F00  }
0x16: {  	s24 =	simm.s32 $0x7700;
	s4 =	simm.s32 $0x8;
	[dreg:$0x8] =	wrdreg s23  }
0x17: {  	s25 =	sadd.s32 $0x9C0, s23;
	[dreg:$0x9] =	wrdreg s0;
	s0 =	simm.s32 $0x8700  }
0x18: {  	s23 =	simm.s32 $0x4;
	[dreg:$0x7] =	wrdreg s25;
	s25 =	simm.s32 $0x1  }
.LBB2_1:
0x19: {  	s8 =	rddreg [dreg:$0x6]  }
0x1a: {  	[spmem:s11], [sflag:s7] =	dma.local [hbm:s8], $0x4F0  }
0x1b: {  	_ =	swait.ge [sflag:s12], $0x4F0  }
0x1c: {  	[sflag:s12] =	ssyncset.done $0x0  }
0x1d: {  	s10 =	simm.s32 $0x0;
	s6 =	rddreg [dreg:$0x8];
	[sflag:s12] =	ssyncadd.s32 $0xFFFFFB10  }
0x1e: {  	[tilespmem:s10], [sflag:$0x9] =	stream.linear.gather [hbm4b:s6+s10], $0x4E00, $0x38;
	[tilespmem:$0xD680] =	vst v63  }
0x1f: {  	_ =	swait.ge [sflag:s12], $0x4E00  }
0x20: {  	s9 =	simm.s32 @!p0 $0x4E00;
	[sflag:s12] =	ssyncset.done $0x0  }
0x21: {  	s8 =	simm.s32 @!p0 $0x0;
	s6 =	rddreg [dreg:$0x7];
	[sflag:s12] =	ssyncadd.s32 $0xFFFFB200  }
0x22: {  	[tilespmem:s9], [sflag:$0x9] =	stream.linear.gather @!p0 [hbm4b:s6+s8], $0x100, $0x38;
	[tilespmem:$0xD680] =	vst v63  }
0x23: {  	s8 =	simm.s32 @!p0 $0x9  }
0x24: {  	_ =	swait.ge @!p0 [sflag:s8], $0x100  }
0x25: {  	[sflag:s8] =	ssyncset.done @!p0 $0x0  }
0x26: {  	[sflag:s8] =	ssyncadd.s32 @!p0 $0xFFFFFF00  }
0x27: {  	[tilespmem:s14], [sflag:$0x1] =	stream.indirect.gather [hbm4b:s1+s13], $0x10, s10, s13, $0xb8;
	[tilespmem:$0xD680] =	vst v63  }
0x28: {  	s8 =	simm.s32 $0x100  }
0x29: {  	[tilespmem:s16], [sflag:$0x1] =	stream.indirect.gather [hbm4b:s1+s13], $0x10, s8, s13, $0xb8;
	[tilespmem:$0xD680] =	vst v63  }
0x2a: {  	s9 =	simm.s32 $0x200  }
0x2b: {  	[tilespmem:s18], [sflag:$0x1] =	stream.indirect.gather [hbm4b:s1+s13], $0x10, s9, s13, $0xb8;
	[tilespmem:$0xD680] =	vst v63  }
0x2c: {  	s10 =	simm.s32 $0x300  }
0x2d: {  	[tilespmem:s20], [sflag:$0x2] =	stream.indirect.gather [hbm4b:s1+s13], $0x10, s10, s13, $0xb8;
	[tilespmem:$0xD680] =	vst v63  }
0x2e: {  	s8 =	simm.s32 $0x400  }
0x2f: {  	[tilespmem:s22], [sflag:$0x2] =	stream.indirect.gather [hbm4b:s1+s13], $0x10, s8, s13, $0xb8;
	[tilespmem:$0xD680] =	vst v63  }
0x30: {  	s9 =	simm.s32 $0x500  }
0x31: {  	[tilespmem:s24], [sflag:$0x2] =	stream.indirect.gather [hbm4b:s1+s13], $0x10, s9, s13, $0xb8;
	[tilespmem:$0xD680] =	vst v63  }
0x32: {  	[bflag:$0x0] =	sbarrier.arrive $0xFFFF  }
0x33: {  	_ =	swait.ge [sflag:s25], $0x1800  }
0x34: {  	[sflag:s25] =	ssyncset.done $0x0  }
0x35: {  	[sflag:s25] =	ssyncadd.s32 $0xFFFFE800  }
0x36: {  	[spmem:s2] =	stream.indirect.scatter.add.f32 [tilespmem:s14], [sflag:$0x5], $0x10, s13, s13, $0xb8;
	[tilespmem:$0xD680] =	vst v63  }
0x37: {  	s10 =	simm.s32 $0x180  }
0x38: {  	[spmem:s2] =	stream.indirect.scatter.add.f32 [tilespmem:s16], [sflag:$0x5], $0x10, s10, s13, $0xb8;
	[tilespmem:$0xD680] =	vst v63  }
0x39: {  	s8 =	simm.s32 $0x280  }
0x3a: {  	[spmem:s2] =	stream.indirect.scatter.add.f32 [tilespmem:s18], [sflag:$0x5], $0x10, s8, s13, $0xb8;
	[tilespmem:$0xD680] =	vst v63  }
0x3b: {  	s9 =	simm.s32 $0x600  }
0x3c: {  	[tilespmem:s30], [sflag:$0x3] =	stream.indirect.gather [hbm4b:s1+s13], $0x10, s9, s13, $0xb8;
	[tilespmem:$0xD680] =	vst v63  }
0x3d: {  	s10 =	simm.s32 $0x700  }
0x3e: {  	[tilespmem:s0], [sflag:$0x3] =	stream.indirect.gather [hbm4b:s1+s13], $0x10, s10, s13, $0xb8;
	[tilespmem:$0xD680] =	vst v63  }
0x3f: {  	s8 =	simm.s32 $0x800  }
0x40: {  	[tilespmem:s15], [sflag:$0x3] =	stream.indirect.gather [hbm4b:s1+s13], $0x10, s8, s13, $0xb8;
	[tilespmem:$0xD680] =	vst v63  }
0x41: {  	_ =	swait.ge [sflag:s17], $0x1800  }
0x42: {  	[sflag:s17] =	ssyncset.done $0x0  }
0x43: {  	s9 =	simm.s32 $0x380;
	[sflag:s17] =	ssyncadd.s32 $0xFFFFE800  }
0x44: {  	[spmem:s2] =	stream.indirect.scatter.add.f32 [tilespmem:s20], [sflag:$0x6], $0x10, s9, s13, $0xb8;
	[tilespmem:$0xD680] =	vst v63  }
0x45: {  	s10 =	simm.s32 $0x480  }
0x46: {  	[spmem:s2] =	stream.indirect.scatter.add.f32 [tilespmem:s22], [sflag:$0x6], $0x10, s10, s13, $0xb8;
	[tilespmem:$0xD680] =	vst v63  }
0x47: {  	s8 =	simm.s32 $0x580  }
0x48: {  	[spmem:s2] =	stream.indirect.scatter.add.f32 [tilespmem:s24], [sflag:$0x6], $0x10, s8, s13, $0xb8;
	[tilespmem:$0xD680] =	vst v63  }
0x49: {  	s9 =	simm.s32 $0x900  }
0x4a: {  	[tilespmem:s28], [sflag:$0x4] =	stream.indirect.gather [hbm4b:s1+s13], $0x10, s9, s13, $0xb8;
	[tilespmem:$0xD680] =	vst v63  }
0x4b: {  	s10 =	simm.s32 $0xA00  }
0x4c: {  	[tilespmem:s31], [sflag:$0x4] =	stream.indirect.gather [hbm4b:s1+s13], $0x10, s10, s13, $0xb8;
	[tilespmem:$0xD680] =	vst v63  }
0x4d: {  	s8 =	simm.s32 $0xB00  }
0x4e: {  	[tilespmem:s19], [sflag:$0x4] =	stream.indirect.gather [hbm4b:s1+s13], $0x10, s8, s13, $0xb8;
	[tilespmem:$0xD680] =	vst v63  }
0x4f: {  	_ =	swait.ge [sflag:s21], $0x1800  }
0x50: {  	[sflag:s21] =	ssyncset.done $0x0  }
0x51: {  	s9 =	simm.s32 $0x680;
	[sflag:s21] =	ssyncadd.s32 $0xFFFFE800  }
0x52: {  	[spmem:s2] =	stream.indirect.scatter.add.f32 [tilespmem:s30], [sflag:$0x7], $0x10, s9, s13, $0xb8;
	[tilespmem:$0xD680] =	vst v63  }
0x53: {  	s10 =	simm.s32 $0x780  }
0x54: {  	[spmem:s2] =	stream.indirect.scatter.add.f32 [tilespmem:s0], [sflag:$0x7], $0x10, s10, s13, $0xb8;
	[tilespmem:$0xD680] =	vst v63  }
0x55: {  	s8 =	simm.s32 $0x880  }
0x56: {  	[spmem:s2] =	stream.indirect.scatter.add.f32 [tilespmem:s15], [sflag:$0x7], $0x10, s8, s13, $0xb8;
	[tilespmem:$0xD680] =	vst v63  }
0x57: {  	_ =	swait.ge [sflag:s3], $0x1800  }
0x58: {  	[sflag:s3] =	ssyncset.done $0x0  }
0x59: {  	s9 =	simm.s32 $0xC00;
	[sflag:s3] =	ssyncadd.s32 $0xFFFFE800  }
0x5a: {  	[tilespmem:s14], [sflag:$0x1] =	stream.indirect.gather [hbm4b:s1+s13], $0x10, s9, s13, $0xb8;
	[tilespmem:$0xD680] =	vst v63  }
0x5b: {  	s10 =	simm.s32 $0xD00  }
0x5c: {  	[tilespmem:s16], [sflag:$0x1] =	stream.indirect.gather [hbm4b:s1+s13], $0x10, s10, s13, $0xb8;
	[tilespmem:$0xD680] =	vst v63  }
0x5d: {  	s8 =	simm.s32 $0xE00  }
0x5e: {  	[tilespmem:s18], [sflag:$0x1] =	stream.indirect.gather [hbm4b:s1+s13], $0x10, s8, s13, $0xb8;
	[tilespmem:$0xD680] =	vst v63  }
0x5f: {  	_ =	swait.ge [sflag:s23], $0x1800  }
0x60: {  	[sflag:s23] =	ssyncset.done $0x0  }
0x61: {  	s9 =	simm.s32 $0x980;
	[sflag:s23] =	ssyncadd.s32 $0xFFFFE800  }
0x62: {  	[spmem:s2] =	stream.indirect.scatter.add.f32 [tilespmem:s28], [sflag:$0x8], $0x10, s9, s13, $0xb8;
	[tilespmem:$0xD680] =	vst v63  }
0x63: {  	s10 =	simm.s32 $0xA80  }
0x64: {  	[spmem:s2] =	stream.indirect.scatter.add.f32 [tilespmem:s31], [sflag:$0x8], $0x10, s10, s13, $0xb8;
	[tilespmem:$0xD680] =	vst v63  }
0x65: {  	s8 =	simm.s32 $0xB80  }
0x66: {  	[spmem:s2] =	stream.indirect.scatter.add.f32 [tilespmem:s19], [sflag:$0x8], $0x10, s8, s13, $0xb8;
	[tilespmem:$0xD680] =	vst v63  }
0x67: {  	_ =	swait.ge [sflag:s29], $0x1800  }
0x68: {  	[sflag:s29] =	ssyncset.done $0x0  }
0x69: {  	s9 =	simm.s32 $0xF00;
	[sflag:s29] =	ssyncadd.s32 $0xFFFFE800  }
0x6a: {  	[tilespmem:s20], [sflag:$0x2] =	stream.indirect.gather [hbm4b:s1+s13], $0x10, s9, s13, $0xb8;
	[tilespmem:$0xD680] =	vst v63  }
0x6b: {  	s10 =	simm.s32 $0x1000  }
0x6c: {  	[tilespmem:s22], [sflag:$0x2] =	stream.indirect.gather [hbm4b:s1+s13], $0x10, s10, s13, $0xb8;
	[tilespmem:$0xD680] =	vst v63  }
0x6d: {  	s8 =	simm.s32 $0x1100  }
0x6e: {  	[tilespmem:s24], [sflag:$0x2] =	stream.indirect.gather [hbm4b:s1+s13], $0x10, s8, s13, $0xb8;
	[tilespmem:$0xD680] =	vst v63  }
0x6f: {  	_ =	swait.ge [sflag:s25], $0x1800  }
0x70: {  	[sflag:s25] =	ssyncset.done $0x0  }
0x71: {  	s9 =	simm.s32 $0xC80;
	[sflag:s25] =	ssyncadd.s32 $0xFFFFE800  }
0x72: {  	[spmem:s2] =	stream.indirect.scatter.add.f32 [tilespmem:s14], [sflag:$0x5], $0x10, s9, s13, $0xb8;
	[tilespmem:$0xD680] =	vst v63  }
0x73: {  	s10 =	simm.s32 $0xD80  }
0x74: {  	[spmem:s2] =	stream.indirect.scatter.add.f32 [tilespmem:s16], [sflag:$0x5], $0x10, s10, s13, $0xb8;
	[tilespmem:$0xD680] =	vst v63  }
0x75: {  	s6 =	simm.s32 $0xE80  }
0x76: {  	[spmem:s2] =	stream.indirect.scatter.add.f32 [tilespmem:s18], [sflag:$0x5], $0x10, s6, s13, $0xb8;
	[tilespmem:$0xD680] =	vst v63  }
0x77: {  	_ =	swait.ge [sflag:s26], $0x1800  }
0x78: {  	[sflag:s26] =	ssyncset.done $0x0  }
0x79: {  	s9 =	simm.s32 $0x1200;
	[sflag:s26] =	ssyncadd.s32 $0xFFFFE800  }
0x7a: {  	[tilespmem:s30], [sflag:$0x3] =	stream.indirect.gather [hbm4b:s1+s13], $0x10, s9, s13, $0xb8;
	[tilespmem:$0xD680] =	vst v63  }
0x7b: {  	s10 =	simm.s32 $0x1300  }
0x7c: {  	[tilespmem:s0], [sflag:$0x3] =	stream.indirect.gather [hbm4b:s1+s13], $0x10, s10, s13, $0xb8;
	[tilespmem:$0xD680] =	vst v63  }
0x7d: {  	s6 =	simm.s32 $0x1400  }
0x7e: {  	[tilespmem:s15], [sflag:$0x3] =	stream.indirect.gather [hbm4b:s1+s13], $0x10, s6, s13, $0xb8;
	[tilespmem:$0xD680] =	vst v63  }
0x7f: {  	_ =	swait.ge [sflag:s17], $0x1800  }
0x80: {  	[sflag:s17] =	ssyncset.done $0x0  }
0x81: {  	s9 =	simm.s32 $0xF80;
	[sflag:s17] =	ssyncadd.s32 $0xFFFFE800  }
0x82: {  	[spmem:s2] =	stream.indirect.scatter.add.f32 [tilespmem:s20], [sflag:$0x6], $0x10, s9, s13, $0xb8;
	[tilespmem:$0xD680] =	vst v63  }
0x83: {  	s10 =	simm.s32 $0x1080  }
0x84: {  	[spmem:s2] =	stream.indirect.scatter.add.f32 [tilespmem:s22], [sflag:$0x6], $0x10, s10, s13, $0xb8;
	[tilespmem:$0xD680] =	vst v63  }
0x85: {  	s6 =	simm.s32 $0x1180  }
0x86: {  	[spmem:s2] =	stream.indirect.scatter.add.f32 [tilespmem:s24], [sflag:$0x6], $0x10, s6, s13, $0xb8;
	[tilespmem:$0xD680] =	vst v63  }
0x87: {  	_ =	swait.ge [sflag:s4], $0x1800  }
0x88: {  	[sflag:s4] =	ssyncset.done $0x0  }
0x89: {  	s9 =	simm.s32 $0x1500;
	[sflag:s4] =	ssyncadd.s32 $0xFFFFE800  }
0x8a: {  	[tilespmem:s28], [sflag:$0x4] =	stream.indirect.gather [hbm4b:s1+s13], $0x10, s9, s13, $0xb8;
	[tilespmem:$0xD680] =	vst v63  }
0x8b: {  	s10 =	simm.s32 $0x1600  }
0x8c: {  	[tilespmem:s31], [sflag:$0x4] =	stream.indirect.gather [hbm4b:s1+s13], $0x10, s10, s13, $0xb8;
	[tilespmem:$0xD680] =	vst v63  }
0x8d: {  	s6 =	simm.s32 $0x1700  }
0x8e: {  	[tilespmem:s19], [sflag:$0x4] =	stream.indirect.gather [hbm4b:s1+s13], $0x10, s6, s13, $0xb8;
	[tilespmem:$0xD680] =	vst v63  }
0x8f: {  	_ =	swait.ge [sflag:s21], $0x1800  }
0x90: {  	[sflag:s21] =	ssyncset.done $0x0  }
0x91: {  	s9 =	simm.s32 $0x1280;
	[sflag:s21] =	ssyncadd.s32 $0xFFFFE800  }
0x92: {  	[spmem:s2] =	stream.indirect.scatter.add.f32 [tilespmem:s30], [sflag:$0x7], $0x10, s9, s13, $0xb8;
	[tilespmem:$0xD680] =	vst v63  }
0x93: {  	s10 =	simm.s32 $0x1380  }
0x94: {  	[spmem:s2] =	stream.indirect.scatter.add.f32 [tilespmem:s0], [sflag:$0x7], $0x10, s10, s13, $0xb8;
	[tilespmem:$0xD680] =	vst v63  }
0x95: {  	s6 =	simm.s32 $0x1480  }
0x96: {  	[spmem:s2] =	stream.indirect.scatter.add.f32 [tilespmem:s15], [sflag:$0x7], $0x10, s6, s13, $0xb8;
	[tilespmem:$0xD680] =	vst v63  }
0x97: {  	_ =	swait.ge [sflag:s3], $0x1800  }
0x98: {  	[sflag:s3] =	ssyncset.done $0x0  }
0x99: {  	s9 =	simm.s32 $0x1800;
	[sflag:s3] =	ssyncadd.s32 $0xFFFFE800  }
0x9a: {  	[tilespmem:s14], [sflag:$0x1] =	stream.indirect.gather [hbm4b:s1+s13], $0x10, s9, s13, $0xb8;
	[tilespmem:$0xD680] =	vst v63  }
0x9b: {  	s10 =	simm.s32 $0x1900  }
0x9c: {  	[tilespmem:s16], [sflag:$0x1] =	stream.indirect.gather [hbm4b:s1+s13], $0x10, s10, s13, $0xb8;
	[tilespmem:$0xD680] =	vst v63  }
0x9d: {  	s6 =	simm.s32 $0x1A00  }
0x9e: {  	[tilespmem:s18], [sflag:$0x1] =	stream.indirect.gather [hbm4b:s1+s13], $0x10, s6, s13, $0xb8;
	[tilespmem:$0xD680] =	vst v63  }
0x9f: {  	_ =	swait.ge [sflag:s23], $0x1800  }
0xa0: {  	[sflag:s23] =	ssyncset.done $0x0  }
0xa1: {  	s9 =	simm.s32 $0x1580;
	[sflag:s23] =	ssyncadd.s32 $0xFFFFE800  }
0xa2: {  	[spmem:s2] =	stream.indirect.scatter.add.f32 [tilespmem:s28], [sflag:$0x8], $0x10, s9, s13, $0xb8;
	[tilespmem:$0xD680] =	vst v63  }
0xa3: {  	s10 =	simm.s32 $0x1680  }
0xa4: {  	[spmem:s2] =	stream.indirect.scatter.add.f32 [tilespmem:s31], [sflag:$0x8], $0x10, s10, s13, $0xb8;
	[tilespmem:$0xD680] =	vst v63  }
0xa5: {  	s6 =	simm.s32 $0x1780  }
0xa6: {  	[spmem:s2] =	stream.indirect.scatter.add.f32 [tilespmem:s19], [sflag:$0x8], $0x10, s6, s13, $0xb8;
	[tilespmem:$0xD680] =	vst v63  }
0xa7: {  	_ =	swait.ge [sflag:s29], $0x1800  }
0xa8: {  	[sflag:s29] =	ssyncset.done $0x0  }
0xa9: {  	s9 =	simm.s32 $0x1B00;
	[sflag:s29] =	ssyncadd.s32 $0xFFFFE800  }
0xaa: {  	[tilespmem:s20], [sflag:$0x2] =	stream.indirect.gather [hbm4b:s1+s13], $0x10, s9, s13, $0xb8;
	[tilespmem:$0xD680] =	vst v63  }
0xab: {  	s8 =	simm.s32 $0x3000;
	s10 =	simm.s32 $0x1C00;
	s9 =	simm.s32 $0x1D00  }
0xac: {  	[tilespmem:s22], [sflag:$0x2] =	stream.indirect.gather [hbm4b:s1+s13], $0x10, s10, s13, $0xb8;
	[tilespmem:$0xD680] =	vst v63  }
.LBB2_2:
0xad: {  	[tilespmem:s24], [sflag:$0x2] =	stream.indirect.gather [hbm4b:s1+s13], $0x10, s9, s13, $0xb8;
	[tilespmem:$0xD680] =	vst v63  }
0xae: {  	s9 =	smov.u32 s8  }
0xaf: {  	p1 =	sne.s32 s8, $0xC000;
	s8 =	sadd.s32 $0x3000, s8;
	_ =	swait.ge [sflag:s25], $0x1800  }
0xb0: {  	s9 =	sshra.s32 s9, $0x2;
	[sflag:s25] =	ssyncset.done $0x0  }
0xb1: {  	s10 =	sadd.s32 $0xC80, s9;
	[sflag:s25] =	ssyncadd.s32 $0xFFFFE800  }
0xb2: {  	[spmem:s2] =	stream.indirect.scatter.add.f32 [tilespmem:s14], [sflag:$0x5], $0x10, s10, s13, $0xb8;
	[tilespmem:$0xD680] =	vst v63  }
0xb3: {  	s10 =	sadd.s32 $0xD80, s9  }
0xb4: {  	[spmem:s2] =	stream.indirect.scatter.add.f32 [tilespmem:s16], [sflag:$0x5], $0x10, s10, s13, $0xb8;
	[tilespmem:$0xD680] =	vst v63  }
0xb5: {  	s10 =	sadd.s32 $0xE80, s9  }
0xb6: {  	[spmem:s2] =	stream.indirect.scatter.add.f32 [tilespmem:s18], [sflag:$0x5], $0x10, s10, s13, $0xb8;
	[tilespmem:$0xD680] =	vst v63  }
0xb7: {  	_ =	swait.ge [sflag:s26], $0x1800  }
0xb8: {  	[sflag:s26] =	ssyncset.done $0x0  }
0xb9: {  	s10 =	sadd.s32 $0x1200, s9;
	[sflag:s26] =	ssyncadd.s32 $0xFFFFE800  }
0xba: {  	[tilespmem:s30], [sflag:$0x3] =	stream.indirect.gather [hbm4b:s1+s13], $0x10, s10, s13, $0xb8;
	[tilespmem:$0xD680] =	vst v63  }
0xbb: {  	s10 =	sadd.s32 $0x1300, s9  }
0xbc: {  	[tilespmem:s0], [sflag:$0x3] =	stream.indirect.gather [hbm4b:s1+s13], $0x10, s10, s13, $0xb8;
	[tilespmem:$0xD680] =	vst v63  }
0xbd: {  	s10 =	sadd.s32 $0x1400, s9  }
0xbe: {  	[tilespmem:s15], [sflag:$0x3] =	stream.indirect.gather [hbm4b:s1+s13], $0x10, s10, s13, $0xb8;
	[tilespmem:$0xD680] =	vst v63  }
0xbf: {  	_ =	swait.ge [sflag:s17], $0x1800  }
0xc0: {  	[sflag:s17] =	ssyncset.done $0x0  }
0xc1: {  	s10 =	sadd.s32 $0xF80, s9;
	[sflag:s17] =	ssyncadd.s32 $0xFFFFE800  }
0xc2: {  	[spmem:s2] =	stream.indirect.scatter.add.f32 [tilespmem:s20], [sflag:$0x6], $0x10, s10, s13, $0xb8;
	[tilespmem:$0xD680] =	vst v63  }
0xc3: {  	s10 =	sadd.s32 $0x1080, s9  }
0xc4: {  	[spmem:s2] =	stream.indirect.scatter.add.f32 [tilespmem:s22], [sflag:$0x6], $0x10, s10, s13, $0xb8;
	[tilespmem:$0xD680] =	vst v63  }
0xc5: {  	s10 =	sadd.s32 $0x1180, s9  }
0xc6: {  	[spmem:s2] =	stream.indirect.scatter.add.f32 [tilespmem:s24], [sflag:$0x6], $0x10, s10, s13, $0xb8;
	[tilespmem:$0xD680] =	vst v63  }
0xc7: {  	_ =	swait.ge [sflag:s4], $0x1800  }
0xc8: {  	[sflag:s4] =	ssyncset.done $0x0  }
0xc9: {  	s10 =	sadd.s32 $0x1500, s9;
	[sflag:s4] =	ssyncadd.s32 $0xFFFFE800  }
0xca: {  	[tilespmem:s28], [sflag:$0x4] =	stream.indirect.gather [hbm4b:s1+s13], $0x10, s10, s13, $0xb8;
	[tilespmem:$0xD680] =	vst v63  }
0xcb: {  	s10 =	sadd.s32 $0x1600, s9  }
0xcc: {  	[tilespmem:s31], [sflag:$0x4] =	stream.indirect.gather [hbm4b:s1+s13], $0x10, s10, s13, $0xb8;
	[tilespmem:$0xD680] =	vst v63  }
0xcd: {  	s10 =	sadd.s32 $0x1700, s9  }
0xce: {  	[tilespmem:s19], [sflag:$0x4] =	stream.indirect.gather [hbm4b:s1+s13], $0x10, s10, s13, $0xb8;
	[tilespmem:$0xD680] =	vst v63  }
0xcf: {  	_ =	swait.ge [sflag:s21], $0x1800  }
0xd0: {  	[sflag:s21] =	ssyncset.done $0x0  }
0xd1: {  	s10 =	sadd.s32 $0x1280, s9;
	[sflag:s21] =	ssyncadd.s32 $0xFFFFE800  }
0xd2: {  	[spmem:s2] =	stream.indirect.scatter.add.f32 [tilespmem:s30], [sflag:$0x7], $0x10, s10, s13, $0xb8;
	[tilespmem:$0xD680] =	vst v63  }
0xd3: {  	s10 =	sadd.s32 $0x1380, s9  }
0xd4: {  	[spmem:s2] =	stream.indirect.scatter.add.f32 [tilespmem:s0], [sflag:$0x7], $0x10, s10, s13, $0xb8;
	[tilespmem:$0xD680] =	vst v63  }
0xd5: {  	s10 =	sadd.s32 $0x1480, s9  }
0xd6: {  	[spmem:s2] =	stream.indirect.scatter.add.f32 [tilespmem:s15], [sflag:$0x7], $0x10, s10, s13, $0xb8;
	[tilespmem:$0xD680] =	vst v63  }
0xd7: {  	_ =	swait.ge [sflag:s3], $0x1800  }
0xd8: {  	[sflag:s3] =	ssyncset.done $0x0  }
0xd9: {  	s10 =	sadd.s32 $0x1800, s9;
	[sflag:s3] =	ssyncadd.s32 $0xFFFFE800  }
0xda: {  	[tilespmem:s14], [sflag:$0x1] =	stream.indirect.gather [hbm4b:s1+s13], $0x10, s10, s13, $0xb8;
	[tilespmem:$0xD680] =	vst v63  }
0xdb: {  	s10 =	sadd.s32 $0x1900, s9  }
0xdc: {  	[tilespmem:s16], [sflag:$0x1] =	stream.indirect.gather [hbm4b:s1+s13], $0x10, s10, s13, $0xb8;
	[tilespmem:$0xD680] =	vst v63  }
0xdd: {  	s10 =	sadd.s32 $0x1A00, s9  }
0xde: {  	[tilespmem:s18], [sflag:$0x1] =	stream.indirect.gather [hbm4b:s1+s13], $0x10, s10, s13, $0xb8;
	[tilespmem:$0xD680] =	vst v63  }
0xdf: {  	_ =	swait.ge [sflag:s23], $0x1800  }
0xe0: {  	[sflag:s23] =	ssyncset.done $0x0  }
0xe1: {  	s10 =	sadd.s32 $0x1580, s9;
	[sflag:s23] =	ssyncadd.s32 $0xFFFFE800  }
0xe2: {  	[spmem:s2] =	stream.indirect.scatter.add.f32 [tilespmem:s28], [sflag:$0x8], $0x10, s10, s13, $0xb8;
	[tilespmem:$0xD680] =	vst v63  }
0xe3: {  	s10 =	sadd.s32 $0x1680, s9  }
0xe4: {  	[spmem:s2] =	stream.indirect.scatter.add.f32 [tilespmem:s31], [sflag:$0x8], $0x10, s10, s13, $0xb8;
	[tilespmem:$0xD680] =	vst v63  }
0xe5: {  	s10 =	sadd.s32 $0x1780, s9  }
0xe6: {  	[spmem:s2] =	stream.indirect.scatter.add.f32 [tilespmem:s19], [sflag:$0x8], $0x10, s10, s13, $0xb8;
	[tilespmem:$0xD680] =	vst v63  }
0xe7: {  	_ =	swait.ge [sflag:s29], $0x1800  }
0xe8: {  	[sflag:s29] =	ssyncset.done $0x0  }
.Ltmp0:
0xe9: {  	s10 =	sadd.s32 $0x1B00, s9;
	[sflag:s29] =	ssyncadd.s32 $0xFFFFE800;
	(pc) =	sbr.rel @p1 .LBB2_2-.Ltmp0, $4  }
0xea: {  	[tilespmem:s20], [sflag:$0x2] =	stream.indirect.gather [hbm4b:s1+s13], $0x10, s10, s13, $0xb8;
	[tilespmem:$0xD680] =	vst v63  }
0xeb: {  	s10 =	sadd.s32 $0x1C00, s9  }
0xec: {  	[tilespmem:s22], [sflag:$0x2] =	stream.indirect.gather [hbm4b:s1+s13], $0x10, s10, s13, $0xb8;
	[tilespmem:$0xD680] =	vst v63  }
0xed: {  	s9 =	sadd.s32 $0x1D00, s9  }
0xee: {  	[tilespmem:s24], [sflag:$0x2] =	stream.indirect.gather [hbm4b:s1+s13], $0x10, s9, s13, $0xb8;
	[tilespmem:$0xD680] =	vst v63  }
0xef: {  	_ =	swait.ge [sflag:s25], $0x1800  }
0xf0: {  	[sflag:s25] =	ssyncset.done $0x0  }
0xf1: {  	s6 =	simm.s32 $0x4880;
	[sflag:s25] =	ssyncadd.s32 $0xFFFFE800  }
0xf2: {  	[spmem:s2] =	stream.indirect.scatter.add.f32 [tilespmem:s14], [sflag:$0x5], $0x10, s6, s13, $0xb8;
	[tilespmem:$0xD680] =	vst v63  }
0xf3: {  	s10 =	simm.s32 $0x4980  }
0xf4: {  	[spmem:s2] =	stream.indirect.scatter.add.f32 [tilespmem:s16], [sflag:$0x5], $0x10, s10, s13, $0xb8;
	[tilespmem:$0xD680] =	vst v63  }
0xf5: {  	s8 =	simm.s32 $0x4A80  }
0xf6: {  	[spmem:s2] =	stream.indirect.scatter.add.f32 [tilespmem:s18], [sflag:$0x5], $0x10, s8, s13, $0xb8;
	[tilespmem:$0xD680] =	vst v63  }
0xf7: {  	_ =	swait.ge [sflag:s17], $0x1800  }
0xf8: {  	[sflag:s17] =	ssyncset.done $0x0  }
0xf9: {  	s9 =	simm.s32 $0x4B80;
	[sflag:s17] =	ssyncadd.s32 $0xFFFFE800  }
0xfa: {  	[spmem:s2] =	stream.indirect.scatter.add.f32 [tilespmem:s20], [sflag:$0x6], $0x10, s9, s13, $0xb8;
	[tilespmem:$0xD680] =	vst v63  }
0xfb: {  	s10 =	simm.s32 $0x4C80  }
0xfc: {  	[spmem:s2] =	stream.indirect.scatter.add.f32 [tilespmem:s22], [sflag:$0x6], $0x10, s10, s13, $0xb8;
	[tilespmem:$0xD680] =	vst v63  }
0xfd: {  	s8 =	simm.s32 $0x4D80  }
0xfe: {  	[spmem:s2] =	stream.indirect.scatter.add.f32 [tilespmem:s24], [sflag:$0x6], $0x10, s8, s13, $0xb8;
	[tilespmem:$0xD680] =	vst v63  }
0xff: {  	_ =	swait.ge [sflag:s26], $0x1800  }
0x100: {  	[sflag:s26] =	ssyncset.done $0x0  }
0x101: {  	[sflag:s26] =	ssyncadd.s32 $0xFFFFE800  }
0x102: {  	_ =	swait.ge [sflag:s4], $0x1800  }
0x103: {  	[sflag:s4] =	ssyncset.done $0x0  }
0x104: {  	[sflag:s4] =	ssyncadd.s32 $0xFFFFE800  }
0x105: {  	_ =	swait.ge [sflag:s3], $0x1800  }
0x106: {  	[sflag:s3] =	ssyncset.done $0x0  }
0x107: {  	[sflag:s3] =	ssyncadd.s32 $0xFFFFE800  }
0x108: {  	_ =	swait.ge [sflag:s29], $0x1800  }
0x109: {  	s9 =	simm.s32 @!p0 $0x4E00;
	[sflag:s29] =	ssyncset.done $0x0  }
0x10a: {  	s10 =	simm.s32 @!p0 $0x4F00;
	s8 =	simm.s32 @!p0 $0x80;
	[sflag:s29] =	ssyncadd.s32 $0xFFFFE800  }
0x10b: {  	[tilespmem:s10], [sflag:$0x1] =	stream.indirect.gather @!p0 [hbm4b:s1+s8], $0x10, s9, s8, $0xb8;
	[tilespmem:$0xD680] =	vst v63  }
0x10c: {  	s9 =	simm.s32 @!p0 $0x1  }
0x10d: {  	_ =	swait.ge @!p0 [sflag:s9], $0x800  }
0x10e: {  	[sflag:s9] =	ssyncset.done @!p0 $0x0  }
0x10f: {  	[sflag:s9] =	ssyncadd.s32 @!p0 $0xFFFFF800;
	s9 =	simm.s32 @!p0 $0x4E80  }
0x110: {  	[spmem:s2] =	stream.indirect.scatter.add.f32 @!p0 [tilespmem:s10], [sflag:$0x9], $0x10, s9, s8, $0xb8;
	[tilespmem:$0xD680] =	vst v63  }
0x111: {  	s8 =	simm.s32 @!p0 $0x9  }
0x112: {  	_ =	swait.ge @!p0 [sflag:s8], $0x800  }
0x113: {  	[sflag:s8] =	ssyncset.done @!p0 $0x0  }
0x114: {  	[sflag:s8] =	ssyncadd.s32 @!p0 $0xFFFFF800  }
0x115: {  	[bflag:$0x0] =	sbarrier.arrive $0xFFFF  }
0x116: {  	s9 =	rddreg [dreg:$0x9]  }
0x117: {  	[hbm:s9], [sflag:s7] =	dma.local [spmem:s11], $0x4F0  }
0x118: {  	_ =	swait.ge [sflag:s12], $0x4F0  }
0x119: {  	s5 =	sadd.s32 $0x1, s5;
	s10 =	rddreg [dreg:$0xa]  }
0x11a: {  	p1 =	sne.s32 s5, s10  }
.Ltmp1:
0x11b: {  	_ = 	snop;
	(pc) =	sbr.rel @p1 .LBB2_1-.Ltmp1, $3  }
0x11c: {  	_ =	sdelay $0x1  }
0x11d: {  	[sflag:s12] =	ssyncset.done $0x0  }
0x11e: {  	[sflag:s12] =	ssyncadd.s32 $0xFFFFFB10  }
0x11f: {  	_ =	sfence.sel $0x180000  }
0x120: {  	[bflag:$0x0] =	sbarrier.arrive $0xFFFF  }
0x121: {  	_ =	strace $0x9000004A  }
0x122: {  	s0 =	stileid.u32;
	[bflag:$0x2] =	sbarrier.arrive $0xFFFF  }
0x123: {  	p0 =	sne.s32 s0, $0x0;
	s0 =	rddreg [dreg:$0x5]  }
0x124: {  	s0 =	sadd.s32 @!p0 $0x100000, s0  }
0x125: {  	[sflag:s0] =	ssyncadd.tile.s32 @!p0 $0x1;
	_ =	shalt  }
.Lfunc_end2:
_tile_overlayer_lowered:
.L_overlay_start_2:
0x126: {  	(tag) =	ssettag $0x2  }
0x127: {  	s0 =	rddreg [dreg:$0x0];
	s2 =	stileid.u32  }
0x128: {  	s1 =	rddreg [dreg:$0x1];
	p0 =	sne.s32 s2, $0x0  }
0x129: {  	s3 =	rddreg [dreg:$0x2];
	[bflag:$0x3] =	sbarrier.arrive $0xFFFF;
	s2 =	simm.s32 @!p0 $0x1C09  }
0x12a: {  	[timem:s3], [sflag:s2] =	dma.local @!p0 [hbm:s0], s1  }
0x12b: {  	s0 =	simm.s32 @!p0 $0x9  }
0x12c: {  	_ =	swait.ge @!p0 [sflag:s0], s1  }
0x12d: {  	s1 =	ssub.s32 @!p0 $0x0, s1;
	[sflag:s0] =	ssyncset.done @!p0 $0x0  }
0x12e: {  	[sflag:s0] =	ssyncadd.s32 @!p0 s1  }
0x12f: {  	[bflag:$0x3] =	sbarrier.arrive $0xFFFF  }
0x130: {  	_ =	shalt  }

// kernel: kernel.7.cloned.1.call-start
scs
__scs_entry_jumppad:
0x0: {  	(pc) =	sbr.rel $0x88, $3  }
0x1: {  	(tag) =	ssettag $0x0;
	lr =	simm.s32 $0x1  }
0x2: {  	[smem:$0x3F99] =	sst lr;
	_ =	strace $0xD0000000  }
0x3: {  	_ = 	snop  }
0x4: {  	_ = 	snop  }
0x5: {  	_ = 	snop  }
0x6: {  	_ = 	snop  }
0x7: {  	_ = 	snop  }
__scs_overlays_trampoline_lowered:
0x8: {  	[smem:$0x3FA8] =	sst s0  }
0x9: {  	[smem:$0x3FA9] =	sst s1  }
0xa: {  	[smem:$0x3FAA] =	sst s2  }
0xb: {  	[smem:$0x3FAB] =	sst s3  }
0xc: {  	[smem:$0x3FAC] =	sst s4  }
0xd: {  	[smem:$0x3FAD] =	sst s5  }
0xe: {  	[smem:$0x3FAE] =	sst s6  }
0xf: {  	[smem:$0x3FAF] =	sst s7  }
0x10: {  	[smem:$0x3FB0] =	sst s8  }
0x11: {  	[smem:$0x3FB1] =	sst s9;
	s0 =	simm.s32 @!p0 $0x0  }
0x12: {  	s1 =	sld [smem:$0x3F97];
	s0 =	simm.s32 @p0 $0x1  }
0x13: {  	[smem:$0x3FB2] =	sst s0;
	s0 =	simm.s32 @!p1 $0x0  }
0x14: {  	s2 =	sld [smem:$0x3F96];
	s0 =	simm.s32 @p1 $0x1  }
0x15: {  	[smem:$0x3FB3] =	sst s0;
	s0 =	simm.s32 @!p2 $0x0  }
0x16: {  	s3 =	sld [smem:$0x3FDB];
	s0 =	simm.s32 @p2 $0x1  }
0x17: {  	s4 =	simm.s32 $0x1BF5;
	[smem:$0x3FB5] =	sst s0  }
0x18: {  	s0 =	sld [smem:$0x3F98];
	_ =	swait.ge [sflag:s4], $0x0  }
0x19: {  	s7 =	sld [smem:$0x3F99]  }
0x1a: {  	s8 =	sadd.s32 $0xFFFFE003, lr  }
0x1b: {  	s9 =	sadd.s32 $0xFFFFFEF7, lr;
	s5 =	simm.s32 $0xFFFFFFFF;
	p2 =	slt.u32 s8, $0xFFFFF086  }
0x1c: {  	p1 =	slt.u32 s9, $0xF7A;
	s5 =	simm.s32 @!p2 $0x0  }
0x1d: {  	s5 =	simm.s32 @p1 $0x1;
	p0 =	seq.s32 s7, s2  }
0x1e: {  	s7 =	smul.u32 @!p0 $0xF7A, s2;
	p2 =	seq.s32 @!p0 s5, $0x0  }
0x1f: {  	s9 =	smul.u32 $0xF7A, s1;
	s8 =	simm.s32 @!p0 $0x1BF5;
	p2 =	por !p2, p0  }
0x20: {  	[sflag:s8] =	ssyncset.s32 @!p0 $0xFFFFF086;
	s6 =	sadd.s32 @!p0 s3, s7;
	s7 =	simm.s32 @!p0 $0x108  }
0x21: {  	s3 =	sadd.s32 s3, s9;
	s6 =	sadd.s32 @!p0 $0x88, s6;
	s7 =	simm.s32 @p2 $0x1082  }
0x22: {  	[simem:s7], [sflag:s8] =	dma.local @!p0 [hbm:s6], $0xF7A  }
0x23: {  	s9 =	sor.u32 $0xD0000000, s2;
	s6 =	simm.s32 $0x108;
	_ =	swait.ge @!p0 [sflag:s8], $0x0  }
0x24: {  	s3 =	sadd.s32 $0x88, s3;
	s6 =	simm.s32 @!p1 $0x1082;
	[sflag:s4] =	ssyncset.s32 $0xFFFFF086  }
0x25: {  	[simem:s6], [sflag:s4] =	dma.local [hbm:s3], $0xF7A  }
0x26: {  	[smem:$0x3F99] =	sst s1;
	(tag) =	ssettag s2;
	_ =	strace s9  }
0x27: {  	s1 =	sld [smem:$0x3FA9]  }
0x28: {  	s2 =	sld [smem:$0x3FAA]  }
0x29: {  	s4 =	sld [smem:$0x3FAC]  }
0x2a: {  	p0 =	seq.s32 s5, $0x0;
	s5 =	sld [smem:$0x3FAD]  }
0x2b: {  	s6 =	sld [smem:$0x3FAE]  }
0x2c: {  	s7 =	sld [smem:$0x3FAF]  }
0x2d: {  	s3 =	simm.s32 $0x108;
	s8 =	sld [smem:$0x3FB0]  }
0x2e: {  	s3 =	simm.s32 @!p0 $0x1082;
	s9 =	sld [smem:$0x3FB1]  }
0x2f: {  	lr =	sadd.s32 s0, s3;
	s0 =	sld [smem:$0x3FA8]  }
0x30: {  	s3 =	sld [smem:$0x3FAB]  }
0x31: {  	[smem:$0x3FB4] =	sst s10  }
0x32: {  	s10 =	sld [smem:$0x3FB2];
	_ =	sdelay $0x3  }
0x33: {  	p0 =	seq.s32 s10, $0x1;
	s10 =	sld [smem:$0x3FB4];
	_ =	sdelay $0x3  }
0x34: {  	[smem:$0x3FB4] =	sst s10  }
0x35: {  	s10 =	sld [smem:$0x3FB3];
	_ =	sdelay $0x3  }
0x36: {  	p1 =	seq.s32 s10, $0x1;
	s10 =	sld [smem:$0x3FB4];
	_ =	sdelay $0x3  }
0x37: {  	[smem:$0x3FB4] =	sst s10  }
0x38: {  	s10 =	sld [smem:$0x3FB5]  }
0x39: {  	_ = 	snop;
	(pc) =	sbr.ind lr, $3  }
0x3a: {  	_ = 	snop  }
0x3b: {  	_ = 	snop  }
0x3c: {  	p2 =	seq.s32 s10, $0x1;
	s10 =	sld [smem:$0x3FB4]  }
0x3d: {  	_ =	shalt  }
0x3e: {  	_ =	shalt  }
0x3f: {  	_ =	shalt  }
0x40: {  	_ =	shalt  }
0x41: {  	_ =	shalt  }
0x42: {  	_ =	shalt  }
0x43: {  	_ =	shalt  }
0x44: {  	_ =	shalt  }
0x45: {  	_ =	shalt  }
0x46: {  	_ =	shalt  }
0x47: {  	_ =	shalt  }
0x48: {  	_ =	shalt  }
0x49: {  	_ =	shalt  }
0x4a: {  	_ =	shalt  }
0x4b: {  	_ =	shalt  }
0x4c: {  	_ =	shalt  }
0x4d: {  	_ =	shalt  }
0x4e: {  	_ =	shalt  }
0x4f: {  	_ =	shalt  }
0x50: {  	_ =	shalt  }
0x51: {  	_ =	shalt  }
0x52: {  	_ =	shalt  }
0x53: {  	_ =	shalt  }
0x54: {  	_ =	shalt  }
0x55: {  	_ =	shalt  }
0x56: {  	_ =	shalt  }
0x57: {  	_ =	shalt  }
0x58: {  	_ =	shalt  }
0x59: {  	_ =	shalt  }
0x5a: {  	_ =	shalt  }
0x5b: {  	_ =	shalt  }
0x5c: {  	_ =	shalt  }
0x5d: {  	_ =	shalt  }
0x5e: {  	_ =	shalt  }
0x5f: {  	_ =	shalt  }
0x60: {  	_ =	shalt  }
0x61: {  	_ =	shalt  }
0x62: {  	_ =	shalt  }
0x63: {  	_ =	shalt  }
0x64: {  	_ =	shalt  }
0x65: {  	_ =	shalt  }
0x66: {  	_ =	shalt  }
0x67: {  	_ =	shalt  }
0x68: {  	_ =	shalt  }
0x69: {  	_ =	shalt  }
0x6a: {  	_ =	shalt  }
0x6b: {  	_ =	shalt  }
0x6c: {  	_ =	shalt  }
0x6d: {  	_ =	shalt  }
0x6e: {  	_ =	shalt  }
0x6f: {  	_ =	shalt  }
0x70: {  	_ =	shalt  }
0x71: {  	_ =	shalt  }
0x72: {  	_ =	shalt  }
0x73: {  	_ =	shalt  }
0x74: {  	_ =	shalt  }
0x75: {  	_ =	shalt  }
0x76: {  	_ =	shalt  }
0x77: {  	_ =	shalt  }
0x78: {  	_ =	shalt  }
0x79: {  	_ =	shalt  }
0x7a: {  	_ =	shalt  }
0x7b: {  	_ =	shalt  }
0x7c: {  	_ =	shalt  }
0x7d: {  	_ =	shalt  }
0x7e: {  	_ =	shalt  }
0x7f: {  	_ =	shalt  }
0x80: {  	_ =	shalt  }
0x81: {  	_ =	shalt  }
0x82: {  	_ =	shalt  }
0x83: {  	_ =	shalt  }
0x84: {  	_ =	shalt  }
0x85: {  	_ =	shalt  }
0x86: {  	_ =	shalt  }
0x87: {  	_ =	shalt  }
.Lfunc_end0:
.L_simem_size_0:
called_computation_lowered:
.L_overlay_start_0:
0x88: {  	s2 =	sld [smem:$0x3FD9]  }
0x89: {  	s3 =	sld [smem:$0x3FFE];
	_ =	sdelay $0x1  }
0x8a: {  	s1 =	srdreg.scid  }
0x8b: {  	s0 =	sand.u32 $0x1, s1  }
0x8c: {  	s14 =	sshll.u32 s0, $0xA;
	s2 =	sadd.s32 s3, s2  }
0x8d: {  	s2 =	sadd.s32 s2, s14  }
0x8e: {  	[smem:$0x3FC0] =	sst s2  }
0x8f: {  	_ = 	snop  }
0x90: {  	s2 =	sld [smem:$0x3FD0];
	_ =	sdelay $0x2  }
0x91: {  	s4 =	simm.s32 $0xA;
	s5 =	simm.s32 $0x10;
	s15 =	sld [smem:$0x3FC8]  }
0x92: {  	[smem:s5], [sflag:s4] =	dma.local [hbm:s2], $0x1  }
0x93: {  	_ =	swait.eq [sflag:s4], $0x1  }
0x94: {  	[sflag:s4] =	ssyncset.done $0x0  }
0x95: {  	s16 =	sld [smem:$0x10];
	[sflag:s4] =	ssyncadd.s32 $0xFFFFFFFF  }
0x96: {  	s17 =	sld [smem:$0x11];
	(tm) =	ssettm $0x1  }
0x97: {  	s18 =	sld [smem:$0x3FFB];
	_ =	sdelay $0x3  }
0x98: {  	_ =	strace s18  }
0x99: {  	s5 =	sld [smem:$0x3FFC];
	_ =	sdelay $0x3  }
0x9a: {  	_ =	strace s5  }
0x9b: {  	s5 =	sld [smem:$0x3FFD];
	_ =	sdelay $0x3  }
0x9c: {  	_ =	strace s5  }
0x9d: {  	_ =	strace $0x8FFFFFFF  }
0x9e: {  	s19 =	sld [smem:$0x3FDB];
	_ =	sdelay $0x1  }
0x9f: {  	s6 =	simm.s32 $_scs_section_size  }
0xa0: {  	s7 =	simm.s32 $_size__tile_overlayer_lowered;
	s8 =	simm.s32 $_tile_overlayer_lowered  }
0xa1: {  	s22 =	simm.s32 $0x1BFF;
	s21 =	sshll.u32 s8, $0x1;
	s5 =	sadd.s32 s6, s19  }
0xa2: {  	s9 =	simm.s32 $0x0;
	s20 =	sshll.u32 s7, $0x1;
	s7 =	sadd.s32 s21, s5  }
0xa3: {  	[timem:s9], [sflag:s22] =	dma.local [hbm:s7], s20  }
0xa4: {  	_ =	swait.ge [sflag:s22], s20  }
0xa5: {  	s6 =	ssub.s32 $0x0, s20;
	[sflag:s22] =	ssyncset.done $0x0  }
0xa6: {  	[sflag:s22] =	ssyncadd.s32 s6;
	_ =	sdelay $0x1  }
0xa7: {  	s23 =	simm.s32 $0x1B8B  }
0xa8: {  	_ =	swait.ge [sflag:s23], $0x1  }
0xa9: {  	[sflag:s23] =	ssyncset.done $0x0  }
0xaa: {  	s25 =	simm.s32 $0x1B8E;
	s24 =	sld [smem:$0x3FFE];
	[sflag:s23] =	ssyncadd.s32 $0xFFFFFFFF  }
0xab: {  	s26 =	simm.s32 $execute0_lowered;
	[smem:$0x3FD2] =	sst s25  }
0xac: {  	s7 =	sshll.u32 s26, $0x1;
	_ =	strace $0x80000046;
	[dreg:$0x1] =	wrdreg $0xFFFFFFFF  }
0xad: {  	s28 =	simm.s32 $_size_execute0_lowered;
	s5 =	sadd.s32 s5, s7;
	[dreg:$0x0] =	wrdreg $0x0  }
0xae: {  	s7 =	sshll.u32 s28, $0x1;
	[dreg:$0x2] =	wrdreg s5  }
0xaf: {  	[dreg:$0x3] =	wrdreg s7  }
0xb0: {  	[dreg:$0x4] =	wrdreg $0xC0  }
0xb1: {  	_ =	task [dreg:s9], $0x5FFFF  }
0xb2: {  	[dreg:$0x1] =	wrdreg $0xFFFFFFFF  }
0xb3: {  	[dreg:$0x0] =	wrdreg $0x60  }
0xb4: {  	[dreg:$0x2] =	wrdreg s16  }
0xb5: {  	[dreg:$0x3] =	wrdreg s15  }
0xb6: {  	[dreg:$0x4] =	wrdreg s24  }
0xb7: {  	[dreg:$0x5] =	wrdreg s17  }
0xb8: {  	[dreg:$0x6] =	wrdreg $0xAF000  }
0xb9: {  	[dreg:$0x7] =	wrdreg $0x9  }
0xba: {  	_ =	task.clear_ibuf [dreg:s9], $0x8FFFF;
	_ =	strace $0x90000046  }
0xbb: {  	s29 =	simm.s32 $0x9;
	_ =	strace $0x80000048  }
0xbc: {  	_ =	swait.ge [sflag:s29], $0x1  }
0xbd: {  	[sflag:s29] =	ssyncadd.s32 $0xFFFFFFFF  }
0xbe: {  	_ =	strace $0x90000048  }
0xbf: {  	_ =	sfence  }
0xc0: {  	s30 =	sld [smem:$0x0];
	_ =	sdelay $0x2  }
0xc1: {  	s31 =	sshll.u32 s1, $0xD;
	s1 =	sshrl.u32 s1, $0x2  }
0xc2: {  	s3 =	sand.u32 $0x4000, s31;
	s1 =	sadd.s32 s1, s30  }
0xc3: {  	s0 =	sor.u32 s3, s0;
	s1 =	sshll.u32 s1, $0x11  }
0xc4: {  	s0 =	sor.u32 s1, s0  }
0xc5: {  	s0 =	sadd.s32 $0x8F2B, s0  }
0xc6: {  	[sflag:s0] =	ssyncadd.remote.s32 $0x1  }
0xc7: {  	_ =	sfence.sel $0xFFFF  }
0xc8: {  	[dreg:$0x0] =	wrdreg $0xFFFFFFFF;
	(pc) =	sbr.abs _section_cstart, $3  }
0xc9: {  	[dreg:$0x1] =	wrdreg $0xFFFFFFFF  }
0xca: {  	_ =	task.clear_ibuf [dreg:s9], $0x2FFFF;
	_ =	strace $0x9FFFFFFF  }
0xcb: {  	(tm) =	ssettm $0x7FFFFFFF  }
tec
execute0_lowered:
.L_overlay_start_1:
0x0: {  	(tag) =	ssettag $0x1  }
0x1: {  	s1 =	rddreg [dreg:$0x0]  }
0x2: {  	s0 =	rddreg [dreg:$0x1]  }
0x3: {  	s3 =	rddreg [dreg:$0x2]  }
0x4: {  	s4 =	rddreg [dreg:$0x3]  }
0x5: {  	s2 =	rddreg [dreg:$0x4]  }
0x6: {  	s5 =	srdreg.scid;
	s7 =	simm.s32 $0x0;
	s12 =	stileid.u32  }
0x7: {  	s13 =	simm.s32 $0x80;
	s14 =	simm.s32 $0x4F00;
	s16 =	simm.s32 $0x5700  }
0x8: {  	s30 =	simm.s32 $0x7F00;
	s15 =	simm.s32 $0x8F00;
	s28 =	simm.s32 $0x9700  }
0x9: {  	s31 =	simm.s32 $0x9F00;
	s29 =	simm.s32 $0x6;
	s5 =	sand.u32 $0x1, s5  }
0xa: {  	[smem:$0x7FF] =	sst s7;
	s17 =	smul.u32 $0x2780, s12;
	s3 =	sadd.s32 $0x2400, s3  }
0xb: {  	s22 =	sshll.u32 s12, $0x6;
	s6 =	sshll.u32 s5, $0x4;
	_ =	strace $0x80000047  }
0xc: {  	s18 =	ssub.s32 $0x2, s5;
	s5 =	smul.u32 $0x27800, s5;
	[dreg:$0x6] =	wrdreg s3  }
0xd: {  	s3 =	simm.s32 $0x5;
	s8 =	sor.u32 s12, s6;
	s10 =	sshrl.u32 s18, $0x1  }
0xe: {  	s21 =	sadd.s32 s17, s2;
	s12 =	simm.s32 $0x9;
	s9 =	smul.u32 $0x4E, s8  }
0xf: {  	s11 =	smin.u32 s8, $0x4;
	s19 =	ssub.s32 s18, s10;
	s5 =	sadd.s32 s17, s5  }
0x10: {  	p0 =	sgt.u32 s8, $0x3;
	s18 =	simm.s32 $0x5F00;
	s17 =	simm.s32 $0x2  }
0x11: {  	s24 =	sshrl.u32 s5, $0x3;
	s26 =	smax.u32 s19, $0x1;
	s19 =	simm.s32 $0xA700  }
0x12: {  	s5 =	simm.s32 $0x0;
	s20 =	sadd.s32 s11, s9;
	[dreg:$0xa] =	wrdreg s26  }
0x13: {  	s11 =	sshrl.u32 s21, $0x3;
	s21 =	simm.s32 $0x3;
	s7 =	sshll.u32 s20, $0x5  }
0x14: {  	s26 =	simm.s32 $0x7;
	s20 =	simm.s32 $0x6700;
	s23 =	sadd.s32 s0, s7  }
0x15: {  	s7 =	sor.u32 $0x1C09, s22;
	s0 =	sadd.s32 s4, s24;
	s22 =	simm.s32 $0x6F00  }
0x16: {  	s24 =	simm.s32 $0x7700;
	s4 =	simm.s32 $0x8;
	[dreg:$0x8] =	wrdreg s23  }
0x17: {  	s25 =	sadd.s32 $0x9C0, s23;
	[dreg:$0x9] =	wrdreg s0;
	s0 =	simm.s32 $0x8700  }
0x18: {  	s23 =	simm.s32 $0x4;
	[dreg:$0x7] =	wrdreg s25;
	s25 =	simm.s32 $0x1  }
.LBB2_1:
0x19: {  	s8 =	rddreg [dreg:$0x6]  }
0x1a: {  	[spmem:s11], [sflag:s7] =	dma.local [hbm:s8], $0x4F0  }
0x1b: {  	_ =	swait.ge [sflag:s12], $0x4F0  }
0x1c: {  	[sflag:s12] =	ssyncset.done $0x0  }
0x1d: {  	s10 =	simm.s32 $0x0;
	s6 =	rddreg [dreg:$0x8];
	[sflag:s12] =	ssyncadd.s32 $0xFFFFFB10  }
0x1e: {  	[tilespmem:s10], [sflag:$0x9] =	stream.linear.gather [hbm4b:s6+s10], $0x4E00, $0x38;
	[tilespmem:$0xD680] =	vst v63  }
0x1f: {  	_ =	swait.ge [sflag:s12], $0x4E00  }
0x20: {  	s9 =	simm.s32 @!p0 $0x4E00;
	[sflag:s12] =	ssyncset.done $0x0  }
0x21: {  	s8 =	simm.s32 @!p0 $0x0;
	s6 =	rddreg [dreg:$0x7];
	[sflag:s12] =	ssyncadd.s32 $0xFFFFB200  }
0x22: {  	[tilespmem:s9], [sflag:$0x9] =	stream.linear.gather @!p0 [hbm4b:s6+s8], $0x100, $0x38;
	[tilespmem:$0xD680] =	vst v63  }
0x23: {  	s8 =	simm.s32 @!p0 $0x9  }
0x24: {  	_ =	swait.ge @!p0 [sflag:s8], $0x100  }
0x25: {  	[sflag:s8] =	ssyncset.done @!p0 $0x0  }
0x26: {  	[sflag:s8] =	ssyncadd.s32 @!p0 $0xFFFFFF00  }
0x27: {  	[tilespmem:s14], [sflag:$0x1] =	stream.indirect.gather [hbm4b:s1+s13], $0x10, s10, s13, $0xb8;
	[tilespmem:$0xD680] =	vst v63  }
0x28: {  	s8 =	simm.s32 $0x100  }
0x29: {  	[tilespmem:s16], [sflag:$0x1] =	stream.indirect.gather [hbm4b:s1+s13], $0x10, s8, s13, $0xb8;
	[tilespmem:$0xD680] =	vst v63  }
0x2a: {  	s9 =	simm.s32 $0x200  }
0x2b: {  	[tilespmem:s18], [sflag:$0x1] =	stream.indirect.gather [hbm4b:s1+s13], $0x10, s9, s13, $0xb8;
	[tilespmem:$0xD680] =	vst v63  }
0x2c: {  	s10 =	simm.s32 $0x300  }
0x2d: {  	[tilespmem:s20], [sflag:$0x2] =	stream.indirect.gather [hbm4b:s1+s13], $0x10, s10, s13, $0xb8;
	[tilespmem:$0xD680] =	vst v63  }
0x2e: {  	s8 =	simm.s32 $0x400  }
0x2f: {  	[tilespmem:s22], [sflag:$0x2] =	stream.indirect.gather [hbm4b:s1+s13], $0x10, s8, s13, $0xb8;
	[tilespmem:$0xD680] =	vst v63  }
0x30: {  	s9 =	simm.s32 $0x500  }
0x31: {  	[tilespmem:s24], [sflag:$0x2] =	stream.indirect.gather [hbm4b:s1+s13], $0x10, s9, s13, $0xb8;
	[tilespmem:$0xD680] =	vst v63  }
0x32: {  	[bflag:$0x0] =	sbarrier.arrive $0xFFFF  }
0x33: {  	_ =	swait.ge [sflag:s25], $0x1800  }
0x34: {  	[sflag:s25] =	ssyncset.done $0x0  }
0x35: {  	[sflag:s25] =	ssyncadd.s32 $0xFFFFE800  }
0x36: {  	[spmem:s2] =	stream.indirect.scatter.add.f32 [tilespmem:s14], [sflag:$0x5], $0x10, s13, s13, $0xb8;
	[tilespmem:$0xD680] =	vst v63  }
0x37: {  	s10 =	simm.s32 $0x180  }
0x38: {  	[spmem:s2] =	stream.indirect.scatter.add.f32 [tilespmem:s16], [sflag:$0x5], $0x10, s10, s13, $0xb8;
	[tilespmem:$0xD680] =	vst v63  }
0x39: {  	s8 =	simm.s32 $0x280  }
0x3a: {  	[spmem:s2] =	stream.indirect.scatter.add.f32 [tilespmem:s18], [sflag:$0x5], $0x10, s8, s13, $0xb8;
	[tilespmem:$0xD680] =	vst v63  }
0x3b: {  	s9 =	simm.s32 $0x600  }
0x3c: {  	[tilespmem:s30], [sflag:$0x3] =	stream.indirect.gather [hbm4b:s1+s13], $0x10, s9, s13, $0xb8;
	[tilespmem:$0xD680] =	vst v63  }
0x3d: {  	s10 =	simm.s32 $0x700  }
0x3e: {  	[tilespmem:s0], [sflag:$0x3] =	stream.indirect.gather [hbm4b:s1+s13], $0x10, s10, s13, $0xb8;
	[tilespmem:$0xD680] =	vst v63  }
0x3f: {  	s8 =	simm.s32 $0x800  }
0x40: {  	[tilespmem:s15], [sflag:$0x3] =	stream.indirect.gather [hbm4b:s1+s13], $0x10, s8, s13, $0xb8;
	[tilespmem:$0xD680] =	vst v63  }
0x41: {  	_ =	swait.ge [sflag:s17], $0x1800  }
0x42: {  	[sflag:s17] =	ssyncset.done $0x0  }
0x43: {  	s9 =	simm.s32 $0x380;
	[sflag:s17] =	ssyncadd.s32 $0xFFFFE800  }
0x44: {  	[spmem:s2] =	stream.indirect.scatter.add.f32 [tilespmem:s20], [sflag:$0x6], $0x10, s9, s13, $0xb8;
	[tilespmem:$0xD680] =	vst v63  }
0x45: {  	s10 =	simm.s32 $0x480  }
0x46: {  	[spmem:s2] =	stream.indirect.scatter.add.f32 [tilespmem:s22], [sflag:$0x6], $0x10, s10, s13, $0xb8;
	[tilespmem:$0xD680] =	vst v63  }
0x47: {  	s8 =	simm.s32 $0x580  }
0x48: {  	[spmem:s2] =	stream.indirect.scatter.add.f32 [tilespmem:s24], [sflag:$0x6], $0x10, s8, s13, $0xb8;
	[tilespmem:$0xD680] =	vst v63  }
0x49: {  	s9 =	simm.s32 $0x900  }
0x4a: {  	[tilespmem:s28], [sflag:$0x4] =	stream.indirect.gather [hbm4b:s1+s13], $0x10, s9, s13, $0xb8;
	[tilespmem:$0xD680] =	vst v63  }
0x4b: {  	s10 =	simm.s32 $0xA00  }
0x4c: {  	[tilespmem:s31], [sflag:$0x4] =	stream.indirect.gather [hbm4b:s1+s13], $0x10, s10, s13, $0xb8;
	[tilespmem:$0xD680] =	vst v63  }
0x4d: {  	s8 =	simm.s32 $0xB00  }
0x4e: {  	[tilespmem:s19], [sflag:$0x4] =	stream.indirect.gather [hbm4b:s1+s13], $0x10, s8, s13, $0xb8;
	[tilespmem:$0xD680] =	vst v63  }
0x4f: {  	_ =	swait.ge [sflag:s21], $0x1800  }
0x50: {  	[sflag:s21] =	ssyncset.done $0x0  }
0x51: {  	s9 =	simm.s32 $0x680;
	[sflag:s21] =	ssyncadd.s32 $0xFFFFE800  }
0x52: {  	[spmem:s2] =	stream.indirect.scatter.add.f32 [tilespmem:s30], [sflag:$0x7], $0x10, s9, s13, $0xb8;
	[tilespmem:$0xD680] =	vst v63  }
0x53: {  	s10 =	simm.s32 $0x780  }
0x54: {  	[spmem:s2] =	stream.indirect.scatter.add.f32 [tilespmem:s0], [sflag:$0x7], $0x10, s10, s13, $0xb8;
	[tilespmem:$0xD680] =	vst v63  }
0x55: {  	s8 =	simm.s32 $0x880  }
0x56: {  	[spmem:s2] =	stream.indirect.scatter.add.f32 [tilespmem:s15], [sflag:$0x7], $0x10, s8, s13, $0xb8;
	[tilespmem:$0xD680] =	vst v63  }
0x57: {  	_ =	swait.ge [sflag:s3], $0x1800  }
0x58: {  	[sflag:s3] =	ssyncset.done $0x0  }
0x59: {  	s9 =	simm.s32 $0xC00;
	[sflag:s3] =	ssyncadd.s32 $0xFFFFE800  }
0x5a: {  	[tilespmem:s14], [sflag:$0x1] =	stream.indirect.gather [hbm4b:s1+s13], $0x10, s9, s13, $0xb8;
	[tilespmem:$0xD680] =	vst v63  }
0x5b: {  	s10 =	simm.s32 $0xD00  }
0x5c: {  	[tilespmem:s16], [sflag:$0x1] =	stream.indirect.gather [hbm4b:s1+s13], $0x10, s10, s13, $0xb8;
	[tilespmem:$0xD680] =	vst v63  }
0x5d: {  	s8 =	simm.s32 $0xE00  }
0x5e: {  	[tilespmem:s18], [sflag:$0x1] =	stream.indirect.gather [hbm4b:s1+s13], $0x10, s8, s13, $0xb8;
	[tilespmem:$0xD680] =	vst v63  }
0x5f: {  	_ =	swait.ge [sflag:s23], $0x1800  }
0x60: {  	[sflag:s23] =	ssyncset.done $0x0  }
0x61: {  	s9 =	simm.s32 $0x980;
	[sflag:s23] =	ssyncadd.s32 $0xFFFFE800  }
0x62: {  	[spmem:s2] =	stream.indirect.scatter.add.f32 [tilespmem:s28], [sflag:$0x8], $0x10, s9, s13, $0xb8;
	[tilespmem:$0xD680] =	vst v63  }
0x63: {  	s10 =	simm.s32 $0xA80  }
0x64: {  	[spmem:s2] =	stream.indirect.scatter.add.f32 [tilespmem:s31], [sflag:$0x8], $0x10, s10, s13, $0xb8;
	[tilespmem:$0xD680] =	vst v63  }
0x65: {  	s8 =	simm.s32 $0xB80  }
0x66: {  	[spmem:s2] =	stream.indirect.scatter.add.f32 [tilespmem:s19], [sflag:$0x8], $0x10, s8, s13, $0xb8;
	[tilespmem:$0xD680] =	vst v63  }
0x67: {  	_ =	swait.ge [sflag:s29], $0x1800  }
0x68: {  	[sflag:s29] =	ssyncset.done $0x0  }
0x69: {  	s9 =	simm.s32 $0xF00;
	[sflag:s29] =	ssyncadd.s32 $0xFFFFE800  }
0x6a: {  	[tilespmem:s20], [sflag:$0x2] =	stream.indirect.gather [hbm4b:s1+s13], $0x10, s9, s13, $0xb8;
	[tilespmem:$0xD680] =	vst v63  }
0x6b: {  	s10 =	simm.s32 $0x1000  }
0x6c: {  	[tilespmem:s22], [sflag:$0x2] =	stream.indirect.gather [hbm4b:s1+s13], $0x10, s10, s13, $0xb8;
	[tilespmem:$0xD680] =	vst v63  }
0x6d: {  	s8 =	simm.s32 $0x1100  }
0x6e: {  	[tilespmem:s24], [sflag:$0x2] =	stream.indirect.gather [hbm4b:s1+s13], $0x10, s8, s13, $0xb8;
	[tilespmem:$0xD680] =	vst v63  }
0x6f: {  	_ =	swait.ge [sflag:s25], $0x1800  }
0x70: {  	[sflag:s25] =	ssyncset.done $0x0  }
0x71: {  	s9 =	simm.s32 $0xC80;
	[sflag:s25] =	ssyncadd.s32 $0xFFFFE800  }
0x72: {  	[spmem:s2] =	stream.indirect.scatter.add.f32 [tilespmem:s14], [sflag:$0x5], $0x10, s9, s13, $0xb8;
	[tilespmem:$0xD680] =	vst v63  }
0x73: {  	s10 =	simm.s32 $0xD80  }
0x74: {  	[spmem:s2] =	stream.indirect.scatter.add.f32 [tilespmem:s16], [sflag:$0x5], $0x10, s10, s13, $0xb8;
	[tilespmem:$0xD680] =	vst v63  }
0x75: {  	s6 =	simm.s32 $0xE80  }
0x76: {  	[spmem:s2] =	stream.indirect.scatter.add.f32 [tilespmem:s18], [sflag:$0x5], $0x10, s6, s13, $0xb8;
	[tilespmem:$0xD680] =	vst v63  }
0x77: {  	_ =	swait.ge [sflag:s26], $0x1800  }
0x78: {  	[sflag:s26] =	ssyncset.done $0x0  }
0x79: {  	s9 =	simm.s32 $0x1200;
	[sflag:s26] =	ssyncadd.s32 $0xFFFFE800  }
0x7a: {  	[tilespmem:s30], [sflag:$0x3] =	stream.indirect.gather [hbm4b:s1+s13], $0x10, s9, s13, $0xb8;
	[tilespmem:$0xD680] =	vst v63  }
0x7b: {  	s10 =	simm.s32 $0x1300  }
0x7c: {  	[tilespmem:s0], [sflag:$0x3] =	stream.indirect.gather [hbm4b:s1+s13], $0x10, s10, s13, $0xb8;
	[tilespmem:$0xD680] =	vst v63  }
0x7d: {  	s6 =	simm.s32 $0x1400  }
0x7e: {  	[tilespmem:s15], [sflag:$0x3] =	stream.indirect.gather [hbm4b:s1+s13], $0x10, s6, s13, $0xb8;
	[tilespmem:$0xD680] =	vst v63  }
0x7f: {  	_ =	swait.ge [sflag:s17], $0x1800  }
0x80: {  	[sflag:s17] =	ssyncset.done $0x0  }
0x81: {  	s9 =	simm.s32 $0xF80;
	[sflag:s17] =	ssyncadd.s32 $0xFFFFE800  }
0x82: {  	[spmem:s2] =	stream.indirect.scatter.add.f32 [tilespmem:s20], [sflag:$0x6], $0x10, s9, s13, $0xb8;
	[tilespmem:$0xD680] =	vst v63  }
0x83: {  	s10 =	simm.s32 $0x1080  }
0x84: {  	[spmem:s2] =	stream.indirect.scatter.add.f32 [tilespmem:s22], [sflag:$0x6], $0x10, s10, s13, $0xb8;
	[tilespmem:$0xD680] =	vst v63  }
0x85: {  	s6 =	simm.s32 $0x1180  }
0x86: {  	[spmem:s2] =	stream.indirect.scatter.add.f32 [tilespmem:s24], [sflag:$0x6], $0x10, s6, s13, $0xb8;
	[tilespmem:$0xD680] =	vst v63  }
0x87: {  	_ =	swait.ge [sflag:s4], $0x1800  }
0x88: {  	[sflag:s4] =	ssyncset.done $0x0  }
0x89: {  	s9 =	simm.s32 $0x1500;
	[sflag:s4] =	ssyncadd.s32 $0xFFFFE800  }
0x8a: {  	[tilespmem:s28], [sflag:$0x4] =	stream.indirect.gather [hbm4b:s1+s13], $0x10, s9, s13, $0xb8;
	[tilespmem:$0xD680] =	vst v63  }
0x8b: {  	s10 =	simm.s32 $0x1600  }
0x8c: {  	[tilespmem:s31], [sflag:$0x4] =	stream.indirect.gather [hbm4b:s1+s13], $0x10, s10, s13, $0xb8;
	[tilespmem:$0xD680] =	vst v63  }
0x8d: {  	s6 =	simm.s32 $0x1700  }
0x8e: {  	[tilespmem:s19], [sflag:$0x4] =	stream.indirect.gather [hbm4b:s1+s13], $0x10, s6, s13, $0xb8;
	[tilespmem:$0xD680] =	vst v63  }
0x8f: {  	_ =	swait.ge [sflag:s21], $0x1800  }
0x90: {  	[sflag:s21] =	ssyncset.done $0x0  }
0x91: {  	s9 =	simm.s32 $0x1280;
	[sflag:s21] =	ssyncadd.s32 $0xFFFFE800  }
0x92: {  	[spmem:s2] =	stream.indirect.scatter.add.f32 [tilespmem:s30], [sflag:$0x7], $0x10, s9, s13, $0xb8;
	[tilespmem:$0xD680] =	vst v63  }
0x93: {  	s10 =	simm.s32 $0x1380  }
0x94: {  	[spmem:s2] =	stream.indirect.scatter.add.f32 [tilespmem:s0], [sflag:$0x7], $0x10, s10, s13, $0xb8;
	[tilespmem:$0xD680] =	vst v63  }
0x95: {  	s6 =	simm.s32 $0x1480  }
0x96: {  	[spmem:s2] =	stream.indirect.scatter.add.f32 [tilespmem:s15], [sflag:$0x7], $0x10, s6, s13, $0xb8;
	[tilespmem:$0xD680] =	vst v63  }
0x97: {  	_ =	swait.ge [sflag:s3], $0x1800  }
0x98: {  	[sflag:s3] =	ssyncset.done $0x0  }
0x99: {  	s9 =	simm.s32 $0x1800;
	[sflag:s3] =	ssyncadd.s32 $0xFFFFE800  }
0x9a: {  	[tilespmem:s14], [sflag:$0x1] =	stream.indirect.gather [hbm4b:s1+s13], $0x10, s9, s13, $0xb8;
	[tilespmem:$0xD680] =	vst v63  }
0x9b: {  	s10 =	simm.s32 $0x1900  }
0x9c: {  	[tilespmem:s16], [sflag:$0x1] =	stream.indirect.gather [hbm4b:s1+s13], $0x10, s10, s13, $0xb8;
	[tilespmem:$0xD680] =	vst v63  }
0x9d: {  	s6 =	simm.s32 $0x1A00  }
0x9e: {  	[tilespmem:s18], [sflag:$0x1] =	stream.indirect.gather [hbm4b:s1+s13], $0x10, s6, s13, $0xb8;
	[tilespmem:$0xD680] =	vst v63  }
0x9f: {  	_ =	swait.ge [sflag:s23], $0x1800  }
0xa0: {  	[sflag:s23] =	ssyncset.done $0x0  }
0xa1: {  	s9 =	simm.s32 $0x1580;
	[sflag:s23] =	ssyncadd.s32 $0xFFFFE800  }
0xa2: {  	[spmem:s2] =	stream.indirect.scatter.add.f32 [tilespmem:s28], [sflag:$0x8], $0x10, s9, s13, $0xb8;
	[tilespmem:$0xD680] =	vst v63  }
0xa3: {  	s10 =	simm.s32 $0x1680  }
0xa4: {  	[spmem:s2] =	stream.indirect.scatter.add.f32 [tilespmem:s31], [sflag:$0x8], $0x10, s10, s13, $0xb8;
	[tilespmem:$0xD680] =	vst v63  }
0xa5: {  	s6 =	simm.s32 $0x1780  }
0xa6: {  	[spmem:s2] =	stream.indirect.scatter.add.f32 [tilespmem:s19], [sflag:$0x8], $0x10, s6, s13, $0xb8;
	[tilespmem:$0xD680] =	vst v63  }
0xa7: {  	_ =	swait.ge [sflag:s29], $0x1800  }
0xa8: {  	[sflag:s29] =	ssyncset.done $0x0  }
0xa9: {  	s9 =	simm.s32 $0x1B00;
	[sflag:s29] =	ssyncadd.s32 $0xFFFFE800  }
0xaa: {  	[tilespmem:s20], [sflag:$0x2] =	stream.indirect.gather [hbm4b:s1+s13], $0x10, s9, s13, $0xb8;
	[tilespmem:$0xD680] =	vst v63  }
0xab: {  	s8 =	simm.s32 $0x3000;
	s10 =	simm.s32 $0x1C00;
	s9 =	simm.s32 $0x1D00  }
0xac: {  	[tilespmem:s22], [sflag:$0x2] =	stream.indirect.gather [hbm4b:s1+s13], $0x10, s10, s13, $0xb8;
	[tilespmem:$0xD680] =	vst v63  }
.LBB2_2:
0xad: {  	[tilespmem:s24], [sflag:$0x2] =	stream.indirect.gather [hbm4b:s1+s13], $0x10, s9, s13, $0xb8;
	[tilespmem:$0xD680] =	vst v63  }
0xae: {  	s9 =	smov.u32 s8  }
0xaf: {  	p1 =	sne.s32 s8, $0xC000;
	s8 =	sadd.s32 $0x3000, s8;
	_ =	swait.ge [sflag:s25], $0x1800  }
0xb0: {  	s9 =	sshra.s32 s9, $0x2;
	[sflag:s25] =	ssyncset.done $0x0  }
0xb1: {  	s10 =	sadd.s32 $0xC80, s9;
	[sflag:s25] =	ssyncadd.s32 $0xFFFFE800  }
0xb2: {  	[spmem:s2] =	stream.indirect.scatter.add.f32 [tilespmem:s14], [sflag:$0x5], $0x10, s10, s13, $0xb8;
	[tilespmem:$0xD680] =	vst v63  }
0xb3: {  	s10 =	sadd.s32 $0xD80, s9  }
0xb4: {  	[spmem:s2] =	stream.indirect.scatter.add.f32 [tilespmem:s16], [sflag:$0x5], $0x10, s10, s13, $0xb8;
	[tilespmem:$0xD680] =	vst v63  }
0xb5: {  	s10 =	sadd.s32 $0xE80, s9  }
0xb6: {  	[spmem:s2] =	stream.indirect.scatter.add.f32 [tilespmem:s18], [sflag:$0x5], $0x10, s10, s13, $0xb8;
	[tilespmem:$0xD680] =	vst v63  }
0xb7: {  	_ =	swait.ge [sflag:s26], $0x1800  }
0xb8: {  	[sflag:s26] =	ssyncset.done $0x0  }
0xb9: {  	s10 =	sadd.s32 $0x1200, s9;
	[sflag:s26] =	ssyncadd.s32 $0xFFFFE800  }
0xba: {  	[tilespmem:s30], [sflag:$0x3] =	stream.indirect.gather [hbm4b:s1+s13], $0x10, s10, s13, $0xb8;
	[tilespmem:$0xD680] =	vst v63  }
0xbb: {  	s10 =	sadd.s32 $0x1300, s9  }
0xbc: {  	[tilespmem:s0], [sflag:$0x3] =	stream.indirect.gather [hbm4b:s1+s13], $0x10, s10, s13, $0xb8;
	[tilespmem:$0xD680] =	vst v63  }
0xbd: {  	s10 =	sadd.s32 $0x1400, s9  }
0xbe: {  	[tilespmem:s15], [sflag:$0x3] =	stream.indirect.gather [hbm4b:s1+s13], $0x10, s10, s13, $0xb8;
	[tilespmem:$0xD680] =	vst v63  }
0xbf: {  	_ =	swait.ge [sflag:s17], $0x1800  }
0xc0: {  	[sflag:s17] =	ssyncset.done $0x0  }
0xc1: {  	s10 =	sadd.s32 $0xF80, s9;
	[sflag:s17] =	ssyncadd.s32 $0xFFFFE800  }
0xc2: {  	[spmem:s2] =	stream.indirect.scatter.add.f32 [tilespmem:s20], [sflag:$0x6], $0x10, s10, s13, $0xb8;
	[tilespmem:$0xD680] =	vst v63  }
0xc3: {  	s10 =	sadd.s32 $0x1080, s9  }
0xc4: {  	[spmem:s2] =	stream.indirect.scatter.add.f32 [tilespmem:s22], [sflag:$0x6], $0x10, s10, s13, $0xb8;
	[tilespmem:$0xD680] =	vst v63  }
0xc5: {  	s10 =	sadd.s32 $0x1180, s9  }
0xc6: {  	[spmem:s2] =	stream.indirect.scatter.add.f32 [tilespmem:s24], [sflag:$0x6], $0x10, s10, s13, $0xb8;
	[tilespmem:$0xD680] =	vst v63  }
0xc7: {  	_ =	swait.ge [sflag:s4], $0x1800  }
0xc8: {  	[sflag:s4] =	ssyncset.done $0x0  }
0xc9: {  	s10 =	sadd.s32 $0x1500, s9;
	[sflag:s4] =	ssyncadd.s32 $0xFFFFE800  }
0xca: {  	[tilespmem:s28], [sflag:$0x4] =	stream.indirect.gather [hbm4b:s1+s13], $0x10, s10, s13, $0xb8;
	[tilespmem:$0xD680] =	vst v63  }
0xcb: {  	s10 =	sadd.s32 $0x1600, s9  }
0xcc: {  	[tilespmem:s31], [sflag:$0x4] =	stream.indirect.gather [hbm4b:s1+s13], $0x10, s10, s13, $0xb8;
	[tilespmem:$0xD680] =	vst v63  }
0xcd: {  	s10 =	sadd.s32 $0x1700, s9  }
0xce: {  	[tilespmem:s19], [sflag:$0x4] =	stream.indirect.gather [hbm4b:s1+s13], $0x10, s10, s13, $0xb8;
	[tilespmem:$0xD680] =	vst v63  }
0xcf: {  	_ =	swait.ge [sflag:s21], $0x1800  }
0xd0: {  	[sflag:s21] =	ssyncset.done $0x0  }
0xd1: {  	s10 =	sadd.s32 $0x1280, s9;
	[sflag:s21] =	ssyncadd.s32 $0xFFFFE800  }
0xd2: {  	[spmem:s2] =	stream.indirect.scatter.add.f32 [tilespmem:s30], [sflag:$0x7], $0x10, s10, s13, $0xb8;
	[tilespmem:$0xD680] =	vst v63  }
0xd3: {  	s10 =	sadd.s32 $0x1380, s9  }
0xd4: {  	[spmem:s2] =	stream.indirect.scatter.add.f32 [tilespmem:s0], [sflag:$0x7], $0x10, s10, s13, $0xb8;
	[tilespmem:$0xD680] =	vst v63  }
0xd5: {  	s10 =	sadd.s32 $0x1480, s9  }
0xd6: {  	[spmem:s2] =	stream.indirect.scatter.add.f32 [tilespmem:s15], [sflag:$0x7], $0x10, s10, s13, $0xb8;
	[tilespmem:$0xD680] =	vst v63  }
0xd7: {  	_ =	swait.ge [sflag:s3], $0x1800  }
0xd8: {  	[sflag:s3] =	ssyncset.done $0x0  }
0xd9: {  	s10 =	sadd.s32 $0x1800, s9;
	[sflag:s3] =	ssyncadd.s32 $0xFFFFE800  }
0xda: {  	[tilespmem:s14], [sflag:$0x1] =	stream.indirect.gather [hbm4b:s1+s13], $0x10, s10, s13, $0xb8;
	[tilespmem:$0xD680] =	vst v63  }
0xdb: {  	s10 =	sadd.s32 $0x1900, s9  }
0xdc: {  	[tilespmem:s16], [sflag:$0x1] =	stream.indirect.gather [hbm4b:s1+s13], $0x10, s10, s13, $0xb8;
	[tilespmem:$0xD680] =	vst v63  }
0xdd: {  	s10 =	sadd.s32 $0x1A00, s9  }
0xde: {  	[tilespmem:s18], [sflag:$0x1] =	stream.indirect.gather [hbm4b:s1+s13], $0x10, s10, s13, $0xb8;
	[tilespmem:$0xD680] =	vst v63  }
0xdf: {  	_ =	swait.ge [sflag:s23], $0x1800  }
0xe0: {  	[sflag:s23] =	ssyncset.done $0x0  }
0xe1: {  	s10 =	sadd.s32 $0x1580, s9;
	[sflag:s23] =	ssyncadd.s32 $0xFFFFE800  }
0xe2: {  	[spmem:s2] =	stream.indirect.scatter.add.f32 [tilespmem:s28], [sflag:$0x8], $0x10, s10, s13, $0xb8;
	[tilespmem:$0xD680] =	vst v63  }
0xe3: {  	s10 =	sadd.s32 $0x1680, s9  }
0xe4: {  	[spmem:s2] =	stream.indirect.scatter.add.f32 [tilespmem:s31], [sflag:$0x8], $0x10, s10, s13, $0xb8;
	[tilespmem:$0xD680] =	vst v63  }
0xe5: {  	s10 =	sadd.s32 $0x1780, s9  }
0xe6: {  	[spmem:s2] =	stream.indirect.scatter.add.f32 [tilespmem:s19], [sflag:$0x8], $0x10, s10, s13, $0xb8;
	[tilespmem:$0xD680] =	vst v63  }
0xe7: {  	_ =	swait.ge [sflag:s29], $0x1800  }
0xe8: {  	[sflag:s29] =	ssyncset.done $0x0  }
.Ltmp0:
0xe9: {  	s10 =	sadd.s32 $0x1B00, s9;
	[sflag:s29] =	ssyncadd.s32 $0xFFFFE800;
	(pc) =	sbr.rel @p1 .LBB2_2-.Ltmp0, $4  }
0xea: {  	[tilespmem:s20], [sflag:$0x2] =	stream.indirect.gather [hbm4b:s1+s13], $0x10, s10, s13, $0xb8;
	[tilespmem:$0xD680] =	vst v63  }
0xeb: {  	s10 =	sadd.s32 $0x1C00, s9  }
0xec: {  	[tilespmem:s22], [sflag:$0x2] =	stream.indirect.gather [hbm4b:s1+s13], $0x10, s10, s13, $0xb8;
	[tilespmem:$0xD680] =	vst v63  }
0xed: {  	s9 =	sadd.s32 $0x1D00, s9  }
0xee: {  	[tilespmem:s24], [sflag:$0x2] =	stream.indirect.gather [hbm4b:s1+s13], $0x10, s9, s13, $0xb8;
	[tilespmem:$0xD680] =	vst v63  }
0xef: {  	_ =	swait.ge [sflag:s25], $0x1800  }
0xf0: {  	[sflag:s25] =	ssyncset.done $0x0  }
0xf1: {  	s6 =	simm.s32 $0x4880;
	[sflag:s25] =	ssyncadd.s32 $0xFFFFE800  }
0xf2: {  	[spmem:s2] =	stream.indirect.scatter.add.f32 [tilespmem:s14], [sflag:$0x5], $0x10, s6, s13, $0xb8;
	[tilespmem:$0xD680] =	vst v63  }
0xf3: {  	s10 =	simm.s32 $0x4980  }
0xf4: {  	[spmem:s2] =	stream.indirect.scatter.add.f32 [tilespmem:s16], [sflag:$0x5], $0x10, s10, s13, $0xb8;
	[tilespmem:$0xD680] =	vst v63  }
0xf5: {  	s8 =	simm.s32 $0x4A80  }
0xf6: {  	[spmem:s2] =	stream.indirect.scatter.add.f32 [tilespmem:s18], [sflag:$0x5], $0x10, s8, s13, $0xb8;
	[tilespmem:$0xD680] =	vst v63  }
0xf7: {  	_ =	swait.ge [sflag:s17], $0x1800  }
0xf8: {  	[sflag:s17] =	ssyncset.done $0x0  }
0xf9: {  	s9 =	simm.s32 $0x4B80;
	[sflag:s17] =	ssyncadd.s32 $0xFFFFE800  }
0xfa: {  	[spmem:s2] =	stream.indirect.scatter.add.f32 [tilespmem:s20], [sflag:$0x6], $0x10, s9, s13, $0xb8;
	[tilespmem:$0xD680] =	vst v63  }
0xfb: {  	s10 =	simm.s32 $0x4C80  }
0xfc: {  	[spmem:s2] =	stream.indirect.scatter.add.f32 [tilespmem:s22], [sflag:$0x6], $0x10, s10, s13, $0xb8;
	[tilespmem:$0xD680] =	vst v63  }
0xfd: {  	s8 =	simm.s32 $0x4D80  }
0xfe: {  	[spmem:s2] =	stream.indirect.scatter.add.f32 [tilespmem:s24], [sflag:$0x6], $0x10, s8, s13, $0xb8;
	[tilespmem:$0xD680] =	vst v63  }
0xff: {  	_ =	swait.ge [sflag:s26], $0x1800  }
0x100: {  	[sflag:s26] =	ssyncset.done $0x0  }
0x101: {  	[sflag:s26] =	ssyncadd.s32 $0xFFFFE800  }
0x102: {  	_ =	swait.ge [sflag:s4], $0x1800  }
0x103: {  	[sflag:s4] =	ssyncset.done $0x0  }
0x104: {  	[sflag:s4] =	ssyncadd.s32 $0xFFFFE800  }
0x105: {  	_ =	swait.ge [sflag:s3], $0x1800  }
0x106: {  	[sflag:s3] =	ssyncset.done $0x0  }
0x107: {  	[sflag:s3] =	ssyncadd.s32 $0xFFFFE800  }
0x108: {  	_ =	swait.ge [sflag:s29], $0x1800  }
0x109: {  	s9 =	simm.s32 @!p0 $0x4E00;
	[sflag:s29] =	ssyncset.done $0x0  }
0x10a: {  	s10 =	simm.s32 @!p0 $0x4F00;
	s8 =	simm.s32 @!p0 $0x80;
	[sflag:s29] =	ssyncadd.s32 $0xFFFFE800  }
0x10b: {  	[tilespmem:s10], [sflag:$0x1] =	stream.indirect.gather @!p0 [hbm4b:s1+s8], $0x10, s9, s8, $0xb8;
	[tilespmem:$0xD680] =	vst v63  }
0x10c: {  	s9 =	simm.s32 @!p0 $0x1  }
0x10d: {  	_ =	swait.ge @!p0 [sflag:s9], $0x800  }
0x10e: {  	[sflag:s9] =	ssyncset.done @!p0 $0x0  }
0x10f: {  	[sflag:s9] =	ssyncadd.s32 @!p0 $0xFFFFF800;
	s9 =	simm.s32 @!p0 $0x4E80  }
0x110: {  	[spmem:s2] =	stream.indirect.scatter.add.f32 @!p0 [tilespmem:s10], [sflag:$0x9], $0x10, s9, s8, $0xb8;
	[tilespmem:$0xD680] =	vst v63  }
0x111: {  	s8 =	simm.s32 @!p0 $0x9  }
0x112: {  	_ =	swait.ge @!p0 [sflag:s8], $0x800  }
0x113: {  	[sflag:s8] =	ssyncset.done @!p0 $0x0  }
0x114: {  	[sflag:s8] =	ssyncadd.s32 @!p0 $0xFFFFF800  }
0x115: {  	[bflag:$0x0] =	sbarrier.arrive $0xFFFF  }
0x116: {  	s9 =	rddreg [dreg:$0x9]  }
0x117: {  	[hbm:s9], [sflag:s7] =	dma.local [spmem:s11], $0x4F0  }
0x118: {  	_ =	swait.ge [sflag:s12], $0x4F0  }
0x119: {  	s5 =	sadd.s32 $0x1, s5;
	s10 =	rddreg [dreg:$0xa]  }
0x11a: {  	p1 =	sne.s32 s5, s10  }
.Ltmp1:
0x11b: {  	_ = 	snop;
	(pc) =	sbr.rel @p1 .LBB2_1-.Ltmp1, $3  }
0x11c: {  	_ =	sdelay $0x1  }
0x11d: {  	[sflag:s12] =	ssyncset.done $0x0  }
0x11e: {  	[sflag:s12] =	ssyncadd.s32 $0xFFFFFB10  }
0x11f: {  	_ =	sfence.sel $0x180000  }
0x120: {  	[bflag:$0x0] =	sbarrier.arrive $0xFFFF  }
0x121: {  	_ =	strace $0x90000047  }
0x122: {  	s0 =	stileid.u32;
	[bflag:$0x2] =	sbarrier.arrive $0xFFFF  }
0x123: {  	p0 =	sne.s32 s0, $0x0;
	s0 =	rddreg [dreg:$0x5]  }
0x124: {  	s0 =	sadd.s32 @!p0 $0x100000, s0  }
0x125: {  	[sflag:s0] =	ssyncadd.tile.s32 @!p0 $0x1;
	_ =	shalt  }
.Lfunc_end2:
_tile_overlayer_lowered:
.L_overlay_start_2:
0x126: {  	(tag) =	ssettag $0x2  }
0x127: {  	s0 =	rddreg [dreg:$0x0];
	s2 =	stileid.u32  }
0x128: {  	s1 =	rddreg [dreg:$0x1];
	p0 =	sne.s32 s2, $0x0  }
0x129: {  	s3 =	rddreg [dreg:$0x2];
	[bflag:$0x3] =	sbarrier.arrive $0xFFFF;
	s2 =	simm.s32 @!p0 $0x1C09  }
0x12a: {  	[timem:s3], [sflag:s2] =	dma.local @!p0 [hbm:s0], s1  }
0x12b: {  	s0 =	simm.s32 @!p0 $0x9  }
0x12c: {  	_ =	swait.ge @!p0 [sflag:s0], s1  }
0x12d: {  	s1 =	ssub.s32 @!p0 $0x0, s1;
	[sflag:s0] =	ssyncset.done @!p0 $0x0  }
0x12e: {  	[sflag:s0] =	ssyncadd.s32 @!p0 s1  }
0x12f: {  	[bflag:$0x3] =	sbarrier.arrive $0xFFFF  }
0x130: {  	_ =	shalt  }

</sc_bundles>
